<compile_context>
chip_gen: v7x
topology: tpu7x:2x2x1
jax: 0.10.2.dev20260603
libtpu: 0.0.44.dev20260713+nightly
codegen_flags: <defaults>
</compile_context>

<pallas_src>
import functools

import jax
import jax.numpy as jnp
from jax import lax
from jax.experimental import pallas as pl
from jax.experimental.pallas import tpu as pltpu
from jax.experimental.pallas import tpu_sc as plsc

N_NODES = 10000
N_EDGES = 160000
FB = 128
NC, NS = 2, 16
EPT = N_EDGES // (NC * NS)
CH = 125
NCHUNK = EPT // CH
NB = 2
NGROUP = NCHUNK // NB
NPAD = 10240
RPT = NPAD // NS
ZR = 32
BN_EPS = 1e-5


def _sc_agg(h_blocks, src3d, dst3d):
    nph = len(h_blocks)

    @functools.partial(
        pl.kernel,
        mesh=plsc.VectorSubcoreMesh(core_axis_name="c", subcore_axis_name="s"),
        out_type=tuple(
            jax.ShapeDtypeStruct((NC, NPAD, FB), jnp.float32)
            for _ in range(nph)),
        scratch_types=[
            pltpu.VMEM((NCHUNK, CH), jnp.int32),
            pltpu.VMEM((NCHUNK, CH), jnp.int32),
            pltpu.VMEM((NB, CH, FB), jnp.float32),
            pltpu.VMEM((ZR, FB), jnp.float32),
            pltpu.VMEM_SHARED((NPAD, FB), jnp.float32),
        ] + [pltpu.SemaphoreType.DMA] * (2 * NB),
    )
    def agg_kernel(*refs):
        h_refs = refs[:nph]
        src_hbm, dst_hbm = refs[nph:nph + 2]
        out_refs = refs[nph + 2:nph + 2 + nph]
        src_v, dst_v, rows_v, zrows_v, acc_s = refs[nph + 2 + nph:
                                                    nph + 2 + nph + 5]
        gsem = refs[nph + 2 + nph + 5:nph + 2 + nph + 5 + NB]
        ssem = refs[nph + 2 + nph + 5 + NB:nph + 2 + nph + 5 + 2 * NB]

        c = lax.axis_index("c")
        s = lax.axis_index("s")
        tile = c * NS + s
        base = s * RPT

        pltpu.sync_copy(src_hbm.at[tile], src_v)
        pltpu.sync_copy(dst_hbm.at[tile], dst_v)

        def zero_row(i, carry):
            for jj in range(FB // 16):
                zrows_v[i, pl.ds(jj * 16, 16)] = jnp.zeros((16,), jnp.float32)
            return carry

        lax.fori_loop(0, ZR, zero_row, 0)

        for ph in range(nph):
            h_ref = h_refs[ph]
            for kk in range(RPT // ZR):
                pltpu.sync_copy(zrows_v, acc_s.at[pl.ds(base + kk * ZR, ZR)])
            plsc.subcore_barrier()

            pltpu.async_copy(h_ref.at[src_v.at[0]], rows_v.at[0], gsem[0])
            pltpu.async_copy(h_ref.at[src_v.at[1]], rows_v.at[1], gsem[1])

            def group(gi, carry):
                for b in range(NB):
                    j = gi * NB + b
                    ob = 1 - b
                    pltpu.make_async_copy(h_ref.at[src_v.at[j]],
                                          rows_v.at[b], gsem[b]).wait()

                    @pl.when(j >= 1)
                    def _drain_prev():
                        pltpu.make_async_copy(rows_v.at[ob],
                                              acc_s.at[dst_v.at[j - 1]],
                                              ssem[ob]).wait()

                    pltpu.async_copy(rows_v.at[b], acc_s.at[dst_v.at[j]],
                                     ssem[b], add=True)

                    @pl.when(jnp.logical_and(j >= 1, j + 1 < NCHUNK))
                    def _prefetch_next():
                        pltpu.async_copy(h_ref.at[src_v.at[j + 1]],
                                         rows_v.at[ob], gsem[ob])

                return carry

            lax.fori_loop(0, NGROUP, group, 0)

            jl = NCHUNK - 1
            pltpu.make_async_copy(rows_v.at[jl % 2], acc_s.at[dst_v.at[jl]],
                                  ssem[jl % 2]).wait()
            plsc.subcore_barrier()
            pltpu.sync_copy(acc_s.at[pl.ds(base, RPT)],
                            out_refs[ph].at[c, pl.ds(base, RPT)])

    return agg_kernel(*h_blocks, src3d, dst3d)


def _mm_split(x_parts, W, split_out):
    M = x_parts[0].shape[0]
    K = sum(p.shape[1] for p in x_parts)
    F = W.shape[1]
    BM = 1000

    def body(*refs):
        x_refs = refs[:len(x_parts)]
        w_ref = refs[len(x_parts)]
        o_refs = refs[len(x_parts) + 1:]
        k0 = 0
        acc = None
        for xr in x_refs:
            kc = xr.shape[1]
            part = jnp.dot(xr[...], w_ref[pl.ds(k0, kc), :],
                           preferred_element_type=jnp.float32)
            acc = part if acc is None else acc + part
            k0 += kc
        if len(o_refs) == 1:
            o_refs[0][...] = acc
        else:
            for i, o_ref in enumerate(o_refs):
                o_ref[...] = acc[:, i * FB:(i + 1) * FB]

    n_out = F // FB if split_out else 1
    fo = FB if split_out else F
    out = pl.pallas_call(
        body,
        grid=(M // BM,),
        in_specs=[pl.BlockSpec((BM, p.shape[1]), lambda i: (i, 0))
                  for p in x_parts]
                 + [pl.BlockSpec((K, F), lambda i: (0, 0))],
        out_specs=[pl.BlockSpec((BM, fo), lambda i: (i, 0))] * n_out,
        out_shape=[jax.ShapeDtypeStruct((M, fo), jnp.float32)] * n_out,
    )(*x_parts, W)
    return out


def _bn_relu(p_lo, p_hi, h_lo, h_hi, b, g, be):

    def half(p_ref, h_ref, b_ref, g_ref, be_ref, o_ref):
        agg = p_ref[0, :N_NODES, :] + p_ref[1, :N_NODES, :]
        z = agg + h_ref[...] + b_ref[...]
        mean = jnp.mean(z, axis=0, keepdims=True)
        zc = z - mean
        var = jnp.mean(zc * zc, axis=0, keepdims=True)
        zn = g_ref[...] * zc * lax.rsqrt(var + BN_EPS) + be_ref[...]
        o_ref[...] = jnp.maximum(zn, 0.0)

    def body(plo_ref, phi_ref, hlo_ref, hhi_ref, b_ref, g_ref, be_ref,
             olo_ref, ohi_ref):
        half(plo_ref, hlo_ref, b_ref.at[:, pl.ds(0, FB)],
             g_ref.at[:, pl.ds(0, FB)], be_ref.at[:, pl.ds(0, FB)], olo_ref)
        half(phi_ref, hhi_ref, b_ref.at[:, pl.ds(FB, FB)],
             g_ref.at[:, pl.ds(FB, FB)], be_ref.at[:, pl.ds(FB, FB)],
             ohi_ref)

    F2 = 2 * FB
    return pl.pallas_call(
        body,
        out_shape=[jax.ShapeDtypeStruct((N_NODES, FB), jnp.float32)] * 2,
    )(p_lo, p_hi, h_lo, h_hi, b.reshape(1, F2), g.reshape(1, F2),
      be.reshape(1, F2))


def _final(p3, h3, b3):
    def body(p_ref, h_ref, b_ref, o_ref):
        o_ref[...] = (p_ref[0, :N_NODES, :] + p_ref[1, :N_NODES, :]
                      + h_ref[...] + b_ref[...])

    N, F = h3.shape
    return pl.pallas_call(
        body,
        out_shape=jax.ShapeDtypeStruct((N, F), jnp.float32),
    )(p3, h3, b3.reshape(1, F))


def kernel(x, edge_idx, W1, b1, g1, be1, W2, b2, g2, be2, W3, b3):
    ei = edge_idx.astype(jnp.int32)
    src = ei[0].reshape(NC * NS, NCHUNK, CH)
    dst = ei[1].reshape(NC * NS, NCHUNK, CH)

    h1_lo, h1_hi = _mm_split([x], W1, split_out=True)
    p1_lo, p1_hi = _sc_agg([h1_lo, h1_hi], src, dst)
    r1_lo, r1_hi = _bn_relu(p1_lo, p1_hi, h1_lo, h1_hi, b1, g1, be1)

    h2_lo, h2_hi = _mm_split([r1_lo, r1_hi], W2, split_out=True)
    p2_lo, p2_hi = _sc_agg([h2_lo, h2_hi], src, dst)
    r2_lo, r2_hi = _bn_relu(p2_lo, p2_hi, h2_lo, h2_hi, b2, g2, be2)

    (h3,) = _mm_split([r2_lo, r2_hi], W3, split_out=False)
    (p3,) = _sc_agg([h3], src, dst)
    return _final(p3, h3, b3)

# --- scband reference (transcript-rebuilt; emitter-appended) ---
"""Pipeline reference for scband-gnnthr-9337258902177 (READ-ONLY COPY).

The authoritative reference and input builder live on the scoring server;
editing this copy changes nothing except your own understanding.
"""

import jax, jax.numpy as jnp
import numpy as np

N_NODES = 10000
N_EDGES = 160000
NFEAT = 256
NHID = 256
NCLASS = 128
DIAG = 1.0
BN_EPS = 1e-5


def setup_inputs(seed: int = 0) -> dict:
    key = jax.random.key(seed)
    ks = jax.random.split(key, 16)
    x = jax.random.normal(ks[0], (N_NODES, NFEAT), dtype=jnp.float32)
    edge_idx = jax.random.randint(ks[1], (2, N_EDGES), 0, N_NODES, dtype=jnp.int64)
    # GCN layer params (glorot-like scale)
    W1 = jax.random.normal(ks[2], (NFEAT, NHID), dtype=jnp.float32) * (1.0 / np.sqrt(NFEAT))
    b1 = jnp.zeros((NHID,), dtype=jnp.float32)
    g1 = jnp.ones((NHID,), dtype=jnp.float32)
    be1 = jnp.zeros((NHID,), dtype=jnp.float32)
    W2 = jax.random.normal(ks[3], (NHID, NHID), dtype=jnp.float32) * (1.0 / np.sqrt(NHID))
    b2 = jnp.zeros((NHID,), dtype=jnp.float32)
    g2 = jnp.ones((NHID,), dtype=jnp.float32)
    be2 = jnp.zeros((NHID,), dtype=jnp.float32)
    W3 = jax.random.normal(ks[4], (NHID, NCLASS), dtype=jnp.float32) * (1.0 / np.sqrt(NHID))
    b3 = jnp.zeros((NCLASS,), dtype=jnp.float32)
    return {"x": x, "edge_idx": edge_idx, "W1": W1, "b1": b1, "g1": g1, "be1": be1,
            "W2": W2, "b2": b2, "g2": g2, "be2": be2, "W3": W3, "b3": b3}


def _gcn_layer(x, W, b, edge_idx):
    # GCNConv with normalize=False, add_self_loops=False; diag=1.0 self weight.
    h = x @ W
    src = edge_idx[0]
    dst = edge_idx[1]
    msgs = jnp.take(h, src, axis=0)               # gather over source nodes
    agg = jax.ops.segment_sum(msgs, dst, num_segments=x.shape[0])  # scatter-add to dst
    return agg + DIAG * h + b


def _batchnorm(x, gamma, beta):
    # BatchNorm1d in training mode: batch statistics
    mean = jnp.mean(x, axis=0)
    var = jnp.var(x, axis=0)
    return gamma * (x - mean) / jnp.sqrt(var + BN_EPS) + beta


def reference(x, edge_idx, W1, b1, g1, be1, W2, b2, g2, be2, W3, b3):
    h = _gcn_layer(x, W1, b1, edge_idx)
    h = _batchnorm(h, g1, be1)
    h = jax.nn.relu(h)
    # dropout p=0.0 -> identity
    h = _gcn_layer(h, W2, b2, edge_idx)
    h = _batchnorm(h, g2, be2)
    h = jax.nn.relu(h)
    out = _gcn_layer(h, W3, b3, edge_idx)
    return out

if __name__ == "__main__":
    import jax
    _d = setup_inputs()
    print(jax.jit(kernel)(*tuple(_d.values())))

</pallas_src>

<mosaic_0001>
#map = affine_map<(d0, d1) -> (0, 0)>
#map1 = affine_map<(d0, d1) -> (0, 0, 0)>
module attributes {stable_mosaic.version = 14 : i64} {
  func.func @agg_kernel(%arg0: i32, %arg1: i32, %arg2: memref<10000x128xf32, #tpu.memory_space<hbm>>, %arg3: memref<10000x128xf32, #tpu.memory_space<hbm>>, %arg4: memref<32x40x125xi32, #tpu.memory_space<hbm>>, %arg5: memref<32x40x125xi32, #tpu.memory_space<hbm>>, %arg6: memref<2x10240x128xf32, #tpu.memory_space<hbm>>, %arg7: memref<2x10240x128xf32, #tpu.memory_space<hbm>>, %arg8: memref<40x125xi32, #tpu.memory_space<vmem>>, %arg9: memref<40x125xi32, #tpu.memory_space<vmem>>, %arg10: memref<2x125x128xf32, #tpu.memory_space<vmem>>, %arg11: memref<32x128xf32, #tpu.memory_space<vmem>>, %arg12: memref<10240x128xf32, #tpu.memory_space<vmem_shared>>, %arg13: memref<!tpu.dma_semaphore, #tpu.memory_space<semaphore_mem>>, %arg14: memref<!tpu.dma_semaphore, #tpu.memory_space<semaphore_mem>>, %arg15: memref<!tpu.dma_semaphore, #tpu.memory_space<semaphore_mem>>, %arg16: memref<!tpu.dma_semaphore, #tpu.memory_space<semaphore_mem>>) attributes {dimension_semantics = [#tpu.dimension_semantics<core_parallel>, #tpu.dimension_semantics<subcore_parallel>], iteration_bounds = array<i64: 2, 16>, scalar_prefetch = 0 : i64, scratch_operands = 9 : i64, tpu.core_type = #tpu.core_type<sc_vector_subcore>, window_params = [{transform_indices = #map}, {transform_indices = #map}, {transform_indices = #map1}, {transform_indices = #map1}, {transform_indices = #map1}, {transform_indices = #map1}]} {
    %mul3A = arith.constant 16 : i32
    %mul3A_0 = arith.muli %arg0, %mul3A : i32
    %add3A = arith.addi %mul3A_0, %arg1 : i32
    %mul3A_1 = arith.constant 640 : i32
    %mul3A_2 = arith.muli %arg1, %mul3A_1 : i32
    "tpu.region"() ({
      %run_scoped3A = tpu.sem_alloc : memref<!tpu.dma_semaphore, #tpu.memory_space<semaphore_mem>>
      %dma_start3A_173 = arith.constant 0 : i32
      %dma_start3A_174 = arith.constant 0 : i32
      %dma_start3A_175 = tpu.memref_slice %arg4[%add3A, %dma_start3A_173, %dma_start3A_174] : memref<32x40x125xi32, #tpu.memory_space<hbm>> -> memref<1x40x125xi32, #tpu.memory_space<hbm>>
      %dma_start3A_176 = tpu.memref_squeeze %dma_start3A_175 : memref<1x40x125xi32, #tpu.memory_space<hbm>> -> memref<40x125xi32, #tpu.memory_space<hbm>>
      %dma_start3A_177 = arith.constant 0 : i32
      %dma_start3A_178 = arith.constant 0 : i32
      %dma_start3A_179 = tpu.memref_slice %arg4[%add3A, %dma_start3A_177, %dma_start3A_178] : memref<32x40x125xi32, #tpu.memory_space<hbm>> -> memref<1x40x125xi32, #tpu.memory_space<hbm>>
      %dma_start3A_180 = tpu.memref_squeeze %dma_start3A_179 : memref<1x40x125xi32, #tpu.memory_space<hbm>> -> memref<40x125xi32, #tpu.memory_space<hbm>>
      tpu.enqueue_dma source(%dma_start3A_180 : memref<40x125xi32, #tpu.memory_space<hbm>>) target(%arg8 : memref<40x125xi32, #tpu.memory_space<vmem>>) target_semaphore(%run_scoped3A : memref<!tpu.dma_semaphore, #tpu.memory_space<semaphore_mem>>)
      %dma_wait3A_181 = arith.constant 0 : i32
      %dma_wait3A_182 = arith.constant 0 : i32
      %dma_wait3A_183 = tpu.memref_slice %arg4[%add3A, %dma_wait3A_181, %dma_wait3A_182] : memref<32x40x125xi32, #tpu.memory_space<hbm>> -> memref<1x40x125xi32, #tpu.memory_space<hbm>>
      %dma_wait3A_184 = tpu.memref_squeeze %dma_wait3A_183 : memref<1x40x125xi32, #tpu.memory_space<hbm>> -> memref<40x125xi32, #tpu.memory_space<hbm>>
      %dma_wait3A_185 = arith.constant 0 : i32
      %dma_wait3A_186 = arith.constant 0 : i32
      %dma_wait3A_187 = tpu.memref_slice %arg4[%add3A, %dma_wait3A_185, %dma_wait3A_186] : memref<32x40x125xi32, #tpu.memory_space<hbm>> -> memref<1x40x125xi32, #tpu.memory_space<hbm>>
      %dma_wait3A_188 = tpu.memref_squeeze %dma_wait3A_187 : memref<1x40x125xi32, #tpu.memory_space<hbm>> -> memref<40x125xi32, #tpu.memory_space<hbm>>
      tpu.wait_dma2 semaphore(%run_scoped3A : memref<!tpu.dma_semaphore, #tpu.memory_space<semaphore_mem>>) src(%dma_wait3A_188 : memref<40x125xi32, #tpu.memory_space<hbm>>) dst(%arg8 : memref<40x125xi32, #tpu.memory_space<vmem>>)
      tpu.yield
    }) : () -> ()
    "tpu.region"() ({
      %run_scoped3A = tpu.sem_alloc : memref<!tpu.dma_semaphore, #tpu.memory_space<semaphore_mem>>
      %dma_start3A_173 = arith.constant 0 : i32
      %dma_start3A_174 = arith.constant 0 : i32
      %dma_start3A_175 = tpu.memref_slice %arg5[%add3A, %dma_start3A_173, %dma_start3A_174] : memref<32x40x125xi32, #tpu.memory_space<hbm>> -> memref<1x40x125xi32, #tpu.memory_space<hbm>>
      %dma_start3A_176 = tpu.memref_squeeze %dma_start3A_175 : memref<1x40x125xi32, #tpu.memory_space<hbm>> -> memref<40x125xi32, #tpu.memory_space<hbm>>
      %dma_start3A_177 = arith.constant 0 : i32
      %dma_start3A_178 = arith.constant 0 : i32
      %dma_start3A_179 = tpu.memref_slice %arg5[%add3A, %dma_start3A_177, %dma_start3A_178] : memref<32x40x125xi32, #tpu.memory_space<hbm>> -> memref<1x40x125xi32, #tpu.memory_space<hbm>>
      %dma_start3A_180 = tpu.memref_squeeze %dma_start3A_179 : memref<1x40x125xi32, #tpu.memory_space<hbm>> -> memref<40x125xi32, #tpu.memory_space<hbm>>
      tpu.enqueue_dma source(%dma_start3A_180 : memref<40x125xi32, #tpu.memory_space<hbm>>) target(%arg9 : memref<40x125xi32, #tpu.memory_space<vmem>>) target_semaphore(%run_scoped3A : memref<!tpu.dma_semaphore, #tpu.memory_space<semaphore_mem>>)
      %dma_wait3A_181 = arith.constant 0 : i32
      %dma_wait3A_182 = arith.constant 0 : i32
      %dma_wait3A_183 = tpu.memref_slice %arg5[%add3A, %dma_wait3A_181, %dma_wait3A_182] : memref<32x40x125xi32, #tpu.memory_space<hbm>> -> memref<1x40x125xi32, #tpu.memory_space<hbm>>
      %dma_wait3A_184 = tpu.memref_squeeze %dma_wait3A_183 : memref<1x40x125xi32, #tpu.memory_space<hbm>> -> memref<40x125xi32, #tpu.memory_space<hbm>>
      %dma_wait3A_185 = arith.constant 0 : i32
      %dma_wait3A_186 = arith.constant 0 : i32
      %dma_wait3A_187 = tpu.memref_slice %arg5[%add3A, %dma_wait3A_185, %dma_wait3A_186] : memref<32x40x125xi32, #tpu.memory_space<hbm>> -> memref<1x40x125xi32, #tpu.memory_space<hbm>>
      %dma_wait3A_188 = tpu.memref_squeeze %dma_wait3A_187 : memref<1x40x125xi32, #tpu.memory_space<hbm>> -> memref<40x125xi32, #tpu.memory_space<hbm>>
      tpu.wait_dma2 semaphore(%run_scoped3A : memref<!tpu.dma_semaphore, #tpu.memory_space<semaphore_mem>>) src(%dma_wait3A_188 : memref<40x125xi32, #tpu.memory_space<hbm>>) dst(%arg9 : memref<40x125xi32, #tpu.memory_space<vmem>>)
      tpu.yield
    }) : () -> ()
    %scan3A = arith.constant 0 : i32
    %scan3A_3 = arith.constant 0 : i32
    %scan3A_4 = arith.constant 32 : i32
    %scan3A_5 = arith.addi %scan3A_3, %scan3A_4 : i32
    %scan3A_6 = arith.constant 1 : i32
    scf.for %scan3A_173 = %scan3A_3 to %scan3A_5 step %scan3A_6  : i32 {
      %broadcast_in_dim3A = arith.constant 0.000000e+00 : f32
      %broadcast_in_dim3A_174 = vector.broadcast %broadcast_in_dim3A : f32 to vector<16xf32>
      %swap3A = arith.index_cast %scan3A_173 : i32 to index
      %swap3A_175 = arith.constant 0 : index
      %swap3A_176 = tpu.vector_load %arg11[%swap3A, %swap3A_175] {strides = array<i32>} : memref<32x128xf32, #tpu.memory_space<vmem>>, vector<1x16xf32>,
      %swap3A_177 = vector.shape_cast %swap3A_176 : vector<1x16xf32> to vector<16xf32>
      %swap3A_178 = vector.shape_cast %broadcast_in_dim3A_174 : vector<16xf32> to vector<1x16xf32>
      tpu.vector_store %arg11[%swap3A, %swap3A_175], %swap3A_178 {strides = array<i32>} : memref<32x128xf32, #tpu.memory_space<vmem>>, vector<1x16xf32>,
      %broadcast_in_dim3A_179 = arith.constant 0.000000e+00 : f32
      %broadcast_in_dim3A_180 = vector.broadcast %broadcast_in_dim3A_179 : f32 to vector<16xf32>
      %swap3A_181 = arith.index_cast %scan3A_173 : i32 to index
      %swap3A_182 = arith.constant 16 : index
      %swap3A_183 = tpu.vector_load %arg11[%swap3A_181, %swap3A_182] {strides = array<i32>} : memref<32x128xf32, #tpu.memory_space<vmem>>, vector<1x16xf32>,
      %swap3A_184 = vector.shape_cast %swap3A_183 : vector<1x16xf32> to vector<16xf32>
      %swap3A_185 = vector.shape_cast %broadcast_in_dim3A_180 : vector<16xf32> to vector<1x16xf32>
      tpu.vector_store %arg11[%swap3A_181, %swap3A_182], %swap3A_185 {strides = array<i32>} : memref<32x128xf32, #tpu.memory_space<vmem>>, vector<1x16xf32>,
      %broadcast_in_dim3A_186 = arith.constant 0.000000e+00 : f32
      %broadcast_in_dim3A_187 = vector.broadcast %broadcast_in_dim3A_186 : f32 to vector<16xf32>
      %swap3A_188 = arith.index_cast %scan3A_173 : i32 to index
      %swap3A_189 = arith.constant 32 : index
      %swap3A_190 = tpu.vector_load %arg11[%swap3A_188, %swap3A_189] {strides = array<i32>} : memref<32x128xf32, #tpu.memory_space<vmem>>, vector<1x16xf32>,
      %swap3A_191 = vector.shape_cast %swap3A_190 : vector<1x16xf32> to vector<16xf32>
      %swap3A_192 = vector.shape_cast %broadcast_in_dim3A_187 : vector<16xf32> to vector<1x16xf32>
      tpu.vector_store %arg11[%swap3A_188, %swap3A_189], %swap3A_192 {strides = array<i32>} : memref<32x128xf32, #tpu.memory_space<vmem>>, vector<1x16xf32>,
      %broadcast_in_dim3A_193 = arith.constant 0.000000e+00 : f32
      %broadcast_in_dim3A_194 = vector.broadcast %broadcast_in_dim3A_193 : f32 to vector<16xf32>
      %swap3A_195 = arith.index_cast %scan3A_173 : i32 to index
      %swap3A_196 = arith.constant 48 : index
      %swap3A_197 = tpu.vector_load %arg11[%swap3A_195, %swap3A_196] {strides = array<i32>} : memref<32x128xf32, #tpu.memory_space<vmem>>, vector<1x16xf32>,
      %swap3A_198 = vector.shape_cast %swap3A_197 : vector<1x16xf32> to vector<16xf32>
      %swap3A_199 = vector.shape_cast %broadcast_in_dim3A_194 : vector<16xf32> to vector<1x16xf32>
      tpu.vector_store %arg11[%swap3A_195, %swap3A_196], %swap3A_199 {strides = array<i32>} : memref<32x128xf32, #tpu.memory_space<vmem>>, vector<1x16xf32>,
      %broadcast_in_dim3A_200 = arith.constant 0.000000e+00 : f32
      %broadcast_in_dim3A_201 = vector.broadcast %broadcast_in_dim3A_200 : f32 to vector<16xf32>
      %swap3A_202 = arith.index_cast %scan3A_173 : i32 to index
      %swap3A_203 = arith.constant 64 : index
      %swap3A_204 = tpu.vector_load %arg11[%swap3A_202, %swap3A_203] {strides = array<i32>} : memref<32x128xf32, #tpu.memory_space<vmem>>, vector<1x16xf32>,
      %swap3A_205 = vector.shape_cast %swap3A_204 : vector<1x16xf32> to vector<16xf32>
      %swap3A_206 = vector.shape_cast %broadcast_in_dim3A_201 : vector<16xf32> to vector<1x16xf32>
      tpu.vector_store %arg11[%swap3A_202, %swap3A_203], %swap3A_206 {strides = array<i32>} : memref<32x128xf32, #tpu.memory_space<vmem>>, vector<1x16xf32>,
      %broadcast_in_dim3A_207 = arith.constant 0.000000e+00 : f32
      %broadcast_in_dim3A_208 = vector.broadcast %broadcast_in_dim3A_207 : f32 to vector<16xf32>
      %swap3A_209 = arith.index_cast %scan3A_173 : i32 to index
      %swap3A_210 = arith.constant 80 : index
      %swap3A_211 = tpu.vector_load %arg11[%swap3A_209, %swap3A_210] {strides = array<i32>} : memref<32x128xf32, #tpu.memory_space<vmem>>, vector<1x16xf32>,
      %swap3A_212 = vector.shape_cast %swap3A_211 : vector<1x16xf32> to vector<16xf32>
      %swap3A_213 = vector.shape_cast %broadcast_in_dim3A_208 : vector<16xf32> to vector<1x16xf32>
      tpu.vector_store %arg11[%swap3A_209, %swap3A_210], %swap3A_213 {strides = array<i32>} : memref<32x128xf32, #tpu.memory_space<vmem>>, vector<1x16xf32>,
      %broadcast_in_dim3A_214 = arith.constant 0.000000e+00 : f32
      %broadcast_in_dim3A_215 = vector.broadcast %broadcast_in_dim3A_214 : f32 to vector<16xf32>
      %swap3A_216 = arith.index_cast %scan3A_173 : i32 to index
      %swap3A_217 = arith.constant 96 : index
      %swap3A_218 = tpu.vector_load %arg11[%swap3A_216, %swap3A_217] {strides = array<i32>} : memref<32x128xf32, #tpu.memory_space<vmem>>, vector<1x16xf32>,
      %swap3A_219 = vector.shape_cast %swap3A_218 : vector<1x16xf32> to vector<16xf32>
      %swap3A_220 = vector.shape_cast %broadcast_in_dim3A_215 : vector<16xf32> to vector<1x16xf32>
      tpu.vector_store %arg11[%swap3A_216, %swap3A_217], %swap3A_220 {strides = array<i32>} : memref<32x128xf32, #tpu.memory_space<vmem>>, vector<1x16xf32>,
      %broadcast_in_dim3A_221 = arith.constant 0.000000e+00 : f32
      %broadcast_in_dim3A_222 = vector.broadcast %broadcast_in_dim3A_221 : f32 to vector<16xf32>
      %swap3A_223 = arith.index_cast %scan3A_173 : i32 to index
      %swap3A_224 = arith.constant 112 : index
      %swap3A_225 = tpu.vector_load %arg11[%swap3A_223, %swap3A_224] {strides = array<i32>} : memref<32x128xf32, #tpu.memory_space<vmem>>, vector<1x16xf32>,
      %swap3A_226 = vector.shape_cast %swap3A_225 : vector<1x16xf32> to vector<16xf32>
      %swap3A_227 = vector.shape_cast %broadcast_in_dim3A_222 : vector<16xf32> to vector<1x16xf32>
      tpu.vector_store %arg11[%swap3A_223, %swap3A_224], %swap3A_227 {strides = array<i32>} : memref<32x128xf32, #tpu.memory_space<vmem>>, vector<1x16xf32>,
    }
    %scan3A_7 = arith.constant 32 : i32
    %add3A_8 = arith.constant 0 : i32
    %add3A_9 = arith.addi %mul3A_2, %add3A_8 : i32
    "tpu.region"() ({
      %run_scoped3A = tpu.sem_alloc : memref<!tpu.dma_semaphore, #tpu.memory_space<semaphore_mem>>
      %dma_start3A_173 = arith.constant 0 : i32
      %dma_start3A_174 = tpu.memref_slice %arg12[%add3A_9, %dma_start3A_173] : memref<10240x128xf32, #tpu.memory_space<vmem_shared>> -> memref<32x128xf32, #tpu.memory_space<vmem_shared>>
      %dma_start3A_175 = arith.constant 0 : i32
      %dma_start3A_176 = tpu.memref_slice %arg12[%add3A_9, %dma_start3A_175] : memref<10240x128xf32, #tpu.memory_space<vmem_shared>> -> memref<32x128xf32, #tpu.memory_space<vmem_shared>>
      tpu.enqueue_dma source(%arg11 : memref<32x128xf32, #tpu.memory_space<vmem>>) target(%dma_start3A_176 : memref<32x128xf32, #tpu.memory_space<vmem_shared>>) target_semaphore(%run_scoped3A : memref<!tpu.dma_semaphore, #tpu.memory_space<semaphore_mem>>)
      %dma_wait3A_177 = arith.constant 0 : i32
      %dma_wait3A_178 = tpu.memref_slice %arg12[%add3A_9, %dma_wait3A_177] : memref<10240x128xf32, #tpu.memory_space<vmem_shared>> -> memref<32x128xf32, #tpu.memory_space<vmem_shared>>
      %dma_wait3A_179 = arith.constant 0 : i32
      %dma_wait3A_180 = tpu.memref_slice %arg12[%add3A_9, %dma_wait3A_179] : memref<10240x128xf32, #tpu.memory_space<vmem_shared>> -> memref<32x128xf32, #tpu.memory_space<vmem_shared>>
      tpu.wait_dma2 semaphore(%run_scoped3A : memref<!tpu.dma_semaphore, #tpu.memory_space<semaphore_mem>>) src(%arg11 : memref<32x128xf32, #tpu.memory_space<vmem>>) dst(%dma_wait3A_180 : memref<32x128xf32, #tpu.memory_space<vmem_shared>>)
      tpu.yield
    }) : () -> ()
    %add3A_10 = arith.constant 32 : i32
    %add3A_11 = arith.addi %mul3A_2, %add3A_10 : i32
    "tpu.region"() ({
      %run_scoped3A = tpu.sem_alloc : memref<!tpu.dma_semaphore, #tpu.memory_space<semaphore_mem>>
      %dma_start3A_173 = arith.constant 0 : i32
      %dma_start3A_174 = tpu.memref_slice %arg12[%add3A_11, %dma_start3A_173] : memref<10240x128xf32, #tpu.memory_space<vmem_shared>> -> memref<32x128xf32, #tpu.memory_space<vmem_shared>>
      %dma_start3A_175 = arith.constant 0 : i32
      %dma_start3A_176 = tpu.memref_slice %arg12[%add3A_11, %dma_start3A_175] : memref<10240x128xf32, #tpu.memory_space<vmem_shared>> -> memref<32x128xf32, #tpu.memory_space<vmem_shared>>
      tpu.enqueue_dma source(%arg11 : memref<32x128xf32, #tpu.memory_space<vmem>>) target(%dma_start3A_176 : memref<32x128xf32, #tpu.memory_space<vmem_shared>>) target_semaphore(%run_scoped3A : memref<!tpu.dma_semaphore, #tpu.memory_space<semaphore_mem>>)
      %dma_wait3A_177 = arith.constant 0 : i32
      %dma_wait3A_178 = tpu.memref_slice %arg12[%add3A_11, %dma_wait3A_177] : memref<10240x128xf32, #tpu.memory_space<vmem_shared>> -> memref<32x128xf32, #tpu.memory_space<vmem_shared>>
      %dma_wait3A_179 = arith.constant 0 : i32
      %dma_wait3A_180 = tpu.memref_slice %arg12[%add3A_11, %dma_wait3A_179] : memref<10240x128xf32, #tpu.memory_space<vmem_shared>> -> memref<32x128xf32, #tpu.memory_space<vmem_shared>>
      tpu.wait_dma2 semaphore(%run_scoped3A : memref<!tpu.dma_semaphore, #tpu.memory_space<semaphore_mem>>) src(%arg11 : memref<32x128xf32, #tpu.memory_space<vmem>>) dst(%dma_wait3A_180 : memref<32x128xf32, #tpu.memory_space<vmem_shared>>)
      tpu.yield
    }) : () -> ()
    %add3A_12 = arith.constant 64 : i32
    %add3A_13 = arith.addi %mul3A_2, %add3A_12 : i32
    "tpu.region"() ({
      %run_scoped3A = tpu.sem_alloc : memref<!tpu.dma_semaphore, #tpu.memory_space<semaphore_mem>>
      %dma_start3A_173 = arith.constant 0 : i32
      %dma_start3A_174 = tpu.memref_slice %arg12[%add3A_13, %dma_start3A_173] : memref<10240x128xf32, #tpu.memory_space<vmem_shared>> -> memref<32x128xf32, #tpu.memory_space<vmem_shared>>
      %dma_start3A_175 = arith.constant 0 : i32
      %dma_start3A_176 = tpu.memref_slice %arg12[%add3A_13, %dma_start3A_175] : memref<10240x128xf32, #tpu.memory_space<vmem_shared>> -> memref<32x128xf32, #tpu.memory_space<vmem_shared>>
      tpu.enqueue_dma source(%arg11 : memref<32x128xf32, #tpu.memory_space<vmem>>) target(%dma_start3A_176 : memref<32x128xf32, #tpu.memory_space<vmem_shared>>) target_semaphore(%run_scoped3A : memref<!tpu.dma_semaphore, #tpu.memory_space<semaphore_mem>>)
      %dma_wait3A_177 = arith.constant 0 : i32
      %dma_wait3A_178 = tpu.memref_slice %arg12[%add3A_13, %dma_wait3A_177] : memref<10240x128xf32, #tpu.memory_space<vmem_shared>> -> memref<32x128xf32, #tpu.memory_space<vmem_shared>>
      %dma_wait3A_179 = arith.constant 0 : i32
      %dma_wait3A_180 = tpu.memref_slice %arg12[%add3A_13, %dma_wait3A_179] : memref<10240x128xf32, #tpu.memory_space<vmem_shared>> -> memref<32x128xf32, #tpu.memory_space<vmem_shared>>
      tpu.wait_dma2 semaphore(%run_scoped3A : memref<!tpu.dma_semaphore, #tpu.memory_space<semaphore_mem>>) src(%arg11 : memref<32x128xf32, #tpu.memory_space<vmem>>) dst(%dma_wait3A_180 : memref<32x128xf32, #tpu.memory_space<vmem_shared>>)
      tpu.yield
    }) : () -> ()
    %add3A_14 = arith.constant 96 : i32
    %add3A_15 = arith.addi %mul3A_2, %add3A_14 : i32
    "tpu.region"() ({
      %run_scoped3A = tpu.sem_alloc : memref<!tpu.dma_semaphore, #tpu.memory_space<semaphore_mem>>
      %dma_start3A_173 = arith.constant 0 : i32
      %dma_start3A_174 = tpu.memref_slice %arg12[%add3A_15, %dma_start3A_173] : memref<10240x128xf32, #tpu.memory_space<vmem_shared>> -> memref<32x128xf32, #tpu.memory_space<vmem_shared>>
      %dma_start3A_175 = arith.constant 0 : i32
      %dma_start3A_176 = tpu.memref_slice %arg12[%add3A_15, %dma_start3A_175] : memref<10240x128xf32, #tpu.memory_space<vmem_shared>> -> memref<32x128xf32, #tpu.memory_space<vmem_shared>>
      tpu.enqueue_dma source(%arg11 : memref<32x128xf32, #tpu.memory_space<vmem>>) target(%dma_start3A_176 : memref<32x128xf32, #tpu.memory_space<vmem_shared>>) target_semaphore(%run_scoped3A : memref<!tpu.dma_semaphore, #tpu.memory_space<semaphore_mem>>)
      %dma_wait3A_177 = arith.constant 0 : i32
      %dma_wait3A_178 = tpu.memref_slice %arg12[%add3A_15, %dma_wait3A_177] : memref<10240x128xf32, #tpu.memory_space<vmem_shared>> -> memref<32x128xf32, #tpu.memory_space<vmem_shared>>
      %dma_wait3A_179 = arith.constant 0 : i32
      %dma_wait3A_180 = tpu.memref_slice %arg12[%add3A_15, %dma_wait3A_179] : memref<10240x128xf32, #tpu.memory_space<vmem_shared>> -> memref<32x128xf32, #tpu.memory_space<vmem_shared>>
      tpu.wait_dma2 semaphore(%run_scoped3A : memref<!tpu.dma_semaphore, #tpu.memory_space<semaphore_mem>>) src(%arg11 : memref<32x128xf32, #tpu.memory_space<vmem>>) dst(%dma_wait3A_180 : memref<32x128xf32, #tpu.memory_space<vmem_shared>>)
      tpu.yield
    }) : () -> ()
    %add3A_16 = arith.constant 128 : i32
    %add3A_17 = arith.addi %mul3A_2, %add3A_16 : i32
    "tpu.region"() ({
      %run_scoped3A = tpu.sem_alloc : memref<!tpu.dma_semaphore, #tpu.memory_space<semaphore_mem>>
      %dma_start3A_173 = arith.constant 0 : i32
      %dma_start3A_174 = tpu.memref_slice %arg12[%add3A_17, %dma_start3A_173] : memref<10240x128xf32, #tpu.memory_space<vmem_shared>> -> memref<32x128xf32, #tpu.memory_space<vmem_shared>>
      %dma_start3A_175 = arith.constant 0 : i32
      %dma_start3A_176 = tpu.memref_slice %arg12[%add3A_17, %dma_start3A_175] : memref<10240x128xf32, #tpu.memory_space<vmem_shared>> -> memref<32x128xf32, #tpu.memory_space<vmem_shared>>
      tpu.enqueue_dma source(%arg11 : memref<32x128xf32, #tpu.memory_space<vmem>>) target(%dma_start3A_176 : memref<32x128xf32, #tpu.memory_space<vmem_shared>>) target_semaphore(%run_scoped3A : memref<!tpu.dma_semaphore, #tpu.memory_space<semaphore_mem>>)
      %dma_wait3A_177 = arith.constant 0 : i32
      %dma_wait3A_178 = tpu.memref_slice %arg12[%add3A_17, %dma_wait3A_177] : memref<10240x128xf32, #tpu.memory_space<vmem_shared>> -> memref<32x128xf32, #tpu.memory_space<vmem_shared>>
      %dma_wait3A_179 = arith.constant 0 : i32
      %dma_wait3A_180 = tpu.memref_slice %arg12[%add3A_17, %dma_wait3A_179] : memref<10240x128xf32, #tpu.memory_space<vmem_shared>> -> memref<32x128xf32, #tpu.memory_space<vmem_shared>>
      tpu.wait_dma2 semaphore(%run_scoped3A : memref<!tpu.dma_semaphore, #tpu.memory_space<semaphore_mem>>) src(%arg11 : memref<32x128xf32, #tpu.memory_space<vmem>>) dst(%dma_wait3A_180 : memref<32x128xf32, #tpu.memory_space<vmem_shared>>)
      tpu.yield
    }) : () -> ()
    %add3A_18 = arith.constant 160 : i32
    %add3A_19 = arith.addi %mul3A_2, %add3A_18 : i32
    "tpu.region"() ({
      %run_scoped3A = tpu.sem_alloc : memref<!tpu.dma_semaphore, #tpu.memory_space<semaphore_mem>>
      %dma_start3A_173 = arith.constant 0 : i32
      %dma_start3A_174 = tpu.memref_slice %arg12[%add3A_19, %dma_start3A_173] : memref<10240x128xf32, #tpu.memory_space<vmem_shared>> -> memref<32x128xf32, #tpu.memory_space<vmem_shared>>
      %dma_start3A_175 = arith.constant 0 : i32
      %dma_start3A_176 = tpu.memref_slice %arg12[%add3A_19, %dma_start3A_175] : memref<10240x128xf32, #tpu.memory_space<vmem_shared>> -> memref<32x128xf32, #tpu.memory_space<vmem_shared>>
      tpu.enqueue_dma source(%arg11 : memref<32x128xf32, #tpu.memory_space<vmem>>) target(%dma_start3A_176 : memref<32x128xf32, #tpu.memory_space<vmem_shared>>) target_semaphore(%run_scoped3A : memref<!tpu.dma_semaphore, #tpu.memory_space<semaphore_mem>>)
      %dma_wait3A_177 = arith.constant 0 : i32
      %dma_wait3A_178 = tpu.memref_slice %arg12[%add3A_19, %dma_wait3A_177] : memref<10240x128xf32, #tpu.memory_space<vmem_shared>> -> memref<32x128xf32, #tpu.memory_space<vmem_shared>>
      %dma_wait3A_179 = arith.constant 0 : i32
      %dma_wait3A_180 = tpu.memref_slice %arg12[%add3A_19, %dma_wait3A_179] : memref<10240x128xf32, #tpu.memory_space<vmem_shared>> -> memref<32x128xf32, #tpu.memory_space<vmem_shared>>
      tpu.wait_dma2 semaphore(%run_scoped3A : memref<!tpu.dma_semaphore, #tpu.memory_space<semaphore_mem>>) src(%arg11 : memref<32x128xf32, #tpu.memory_space<vmem>>) dst(%dma_wait3A_180 : memref<32x128xf32, #tpu.memory_space<vmem_shared>>)
      tpu.yield
    }) : () -> ()
    %add3A_20 = arith.constant 192 : i32
    %add3A_21 = arith.addi %mul3A_2, %add3A_20 : i32
    "tpu.region"() ({
      %run_scoped3A = tpu.sem_alloc : memref<!tpu.dma_semaphore, #tpu.memory_space<semaphore_mem>>
      %dma_start3A_173 = arith.constant 0 : i32
      %dma_start3A_174 = tpu.memref_slice %arg12[%add3A_21, %dma_start3A_173] : memref<10240x128xf32, #tpu.memory_space<vmem_shared>> -> memref<32x128xf32, #tpu.memory_space<vmem_shared>>
      %dma_start3A_175 = arith.constant 0 : i32
      %dma_start3A_176 = tpu.memref_slice %arg12[%add3A_21, %dma_start3A_175] : memref<10240x128xf32, #tpu.memory_space<vmem_shared>> -> memref<32x128xf32, #tpu.memory_space<vmem_shared>>
      tpu.enqueue_dma source(%arg11 : memref<32x128xf32, #tpu.memory_space<vmem>>) target(%dma_start3A_176 : memref<32x128xf32, #tpu.memory_space<vmem_shared>>) target_semaphore(%run_scoped3A : memref<!tpu.dma_semaphore, #tpu.memory_space<semaphore_mem>>)
      %dma_wait3A_177 = arith.constant 0 : i32
      %dma_wait3A_178 = tpu.memref_slice %arg12[%add3A_21, %dma_wait3A_177] : memref<10240x128xf32, #tpu.memory_space<vmem_shared>> -> memref<32x128xf32, #tpu.memory_space<vmem_shared>>
      %dma_wait3A_179 = arith.constant 0 : i32
      %dma_wait3A_180 = tpu.memref_slice %arg12[%add3A_21, %dma_wait3A_179] : memref<10240x128xf32, #tpu.memory_space<vmem_shared>> -> memref<32x128xf32, #tpu.memory_space<vmem_shared>>
      tpu.wait_dma2 semaphore(%run_scoped3A : memref<!tpu.dma_semaphore, #tpu.memory_space<semaphore_mem>>) src(%arg11 : memref<32x128xf32, #tpu.memory_space<vmem>>) dst(%dma_wait3A_180 : memref<32x128xf32, #tpu.memory_space<vmem_shared>>)
      tpu.yield
    }) : () -> ()
    %add3A_22 = arith.constant 224 : i32
    %add3A_23 = arith.addi %mul3A_2, %add3A_22 : i32
    "tpu.region"() ({
      %run_scoped3A = tpu.sem_alloc : memref<!tpu.dma_semaphore, #tpu.memory_space<semaphore_mem>>
      %dma_start3A_173 = arith.constant 0 : i32
      %dma_start3A_174 = tpu.memref_slice %arg12[%add3A_23, %dma_start3A_173] : memref<10240x128xf32, #tpu.memory_space<vmem_shared>> -> memref<32x128xf32, #tpu.memory_space<vmem_shared>>
      %dma_start3A_175 = arith.constant 0 : i32
      %dma_start3A_176 = tpu.memref_slice %arg12[%add3A_23, %dma_start3A_175] : memref<10240x128xf32, #tpu.memory_space<vmem_shared>> -> memref<32x128xf32, #tpu.memory_space<vmem_shared>>
      tpu.enqueue_dma source(%arg11 : memref<32x128xf32, #tpu.memory_space<vmem>>) target(%dma_start3A_176 : memref<32x128xf32, #tpu.memory_space<vmem_shared>>) target_semaphore(%run_scoped3A : memref<!tpu.dma_semaphore, #tpu.memory_space<semaphore_mem>>)
      %dma_wait3A_177 = arith.constant 0 : i32
      %dma_wait3A_178 = tpu.memref_slice %arg12[%add3A_23, %dma_wait3A_177] : memref<10240x128xf32, #tpu.memory_space<vmem_shared>> -> memref<32x128xf32, #tpu.memory_space<vmem_shared>>
      %dma_wait3A_179 = arith.constant 0 : i32
      %dma_wait3A_180 = tpu.memref_slice %arg12[%add3A_23, %dma_wait3A_179] : memref<10240x128xf32, #tpu.memory_space<vmem_shared>> -> memref<32x128xf32, #tpu.memory_space<vmem_shared>>
      tpu.wait_dma2 semaphore(%run_scoped3A : memref<!tpu.dma_semaphore, #tpu.memory_space<semaphore_mem>>) src(%arg11 : memref<32x128xf32, #tpu.memory_space<vmem>>) dst(%dma_wait3A_180 : memref<32x128xf32, #tpu.memory_space<vmem_shared>>)
      tpu.yield
    }) : () -> ()
    %add3A_24 = arith.constant 256 : i32
    %add3A_25 = arith.addi %mul3A_2, %add3A_24 : i32
    "tpu.region"() ({
      %run_scoped3A = tpu.sem_alloc : memref<!tpu.dma_semaphore, #tpu.memory_space<semaphore_mem>>
      %dma_start3A_173 = arith.constant 0 : i32
      %dma_start3A_174 = tpu.memref_slice %arg12[%add3A_25, %dma_start3A_173] : memref<10240x128xf32, #tpu.memory_space<vmem_shared>> -> memref<32x128xf32, #tpu.memory_space<vmem_shared>>
      %dma_start3A_175 = arith.constant 0 : i32
      %dma_start3A_176 = tpu.memref_slice %arg12[%add3A_25, %dma_start3A_175] : memref<10240x128xf32, #tpu.memory_space<vmem_shared>> -> memref<32x128xf32, #tpu.memory_space<vmem_shared>>
      tpu.enqueue_dma source(%arg11 : memref<32x128xf32, #tpu.memory_space<vmem>>) target(%dma_start3A_176 : memref<32x128xf32, #tpu.memory_space<vmem_shared>>) target_semaphore(%run_scoped3A : memref<!tpu.dma_semaphore, #tpu.memory_space<semaphore_mem>>)
      %dma_wait3A_177 = arith.constant 0 : i32
      %dma_wait3A_178 = tpu.memref_slice %arg12[%add3A_25, %dma_wait3A_177] : memref<10240x128xf32, #tpu.memory_space<vmem_shared>> -> memref<32x128xf32, #tpu.memory_space<vmem_shared>>
      %dma_wait3A_179 = arith.constant 0 : i32
      %dma_wait3A_180 = tpu.memref_slice %arg12[%add3A_25, %dma_wait3A_179] : memref<10240x128xf32, #tpu.memory_space<vmem_shared>> -> memref<32x128xf32, #tpu.memory_space<vmem_shared>>
      tpu.wait_dma2 semaphore(%run_scoped3A : memref<!tpu.dma_semaphore, #tpu.memory_space<semaphore_mem>>) src(%arg11 : memref<32x128xf32, #tpu.memory_space<vmem>>) dst(%dma_wait3A_180 : memref<32x128xf32, #tpu.memory_space<vmem_shared>>)
      tpu.yield
    }) : () -> ()
    %add3A_26 = arith.constant 288 : i32
    %add3A_27 = arith.addi %mul3A_2, %add3A_26 : i32
    "tpu.region"() ({
      %run_scoped3A = tpu.sem_alloc : memref<!tpu.dma_semaphore, #tpu.memory_space<semaphore_mem>>
      %dma_start3A_173 = arith.constant 0 : i32
      %dma_start3A_174 = tpu.memref_slice %arg12[%add3A_27, %dma_start3A_173] : memref<10240x128xf32, #tpu.memory_space<vmem_shared>> -> memref<32x128xf32, #tpu.memory_space<vmem_shared>>
      %dma_start3A_175 = arith.constant 0 : i32
      %dma_start3A_176 = tpu.memref_slice %arg12[%add3A_27, %dma_start3A_175] : memref<10240x128xf32, #tpu.memory_space<vmem_shared>> -> memref<32x128xf32, #tpu.memory_space<vmem_shared>>
      tpu.enqueue_dma source(%arg11 : memref<32x128xf32, #tpu.memory_space<vmem>>) target(%dma_start3A_176 : memref<32x128xf32, #tpu.memory_space<vmem_shared>>) target_semaphore(%run_scoped3A : memref<!tpu.dma_semaphore, #tpu.memory_space<semaphore_mem>>)
      %dma_wait3A_177 = arith.constant 0 : i32
      %dma_wait3A_178 = tpu.memref_slice %arg12[%add3A_27, %dma_wait3A_177] : memref<10240x128xf32, #tpu.memory_space<vmem_shared>> -> memref<32x128xf32, #tpu.memory_space<vmem_shared>>
      %dma_wait3A_179 = arith.constant 0 : i32
      %dma_wait3A_180 = tpu.memref_slice %arg12[%add3A_27, %dma_wait3A_179] : memref<10240x128xf32, #tpu.memory_space<vmem_shared>> -> memref<32x128xf32, #tpu.memory_space<vmem_shared>>
      tpu.wait_dma2 semaphore(%run_scoped3A : memref<!tpu.dma_semaphore, #tpu.memory_space<semaphore_mem>>) src(%arg11 : memref<32x128xf32, #tpu.memory_space<vmem>>) dst(%dma_wait3A_180 : memref<32x128xf32, #tpu.memory_space<vmem_shared>>)
      tpu.yield
    }) : () -> ()
    %add3A_28 = arith.constant 320 : i32
    %add3A_29 = arith.addi %mul3A_2, %add3A_28 : i32
    "tpu.region"() ({
      %run_scoped3A = tpu.sem_alloc : memref<!tpu.dma_semaphore, #tpu.memory_space<semaphore_mem>>
      %dma_start3A_173 = arith.constant 0 : i32
      %dma_start3A_174 = tpu.memref_slice %arg12[%add3A_29, %dma_start3A_173] : memref<10240x128xf32, #tpu.memory_space<vmem_shared>> -> memref<32x128xf32, #tpu.memory_space<vmem_shared>>
      %dma_start3A_175 = arith.constant 0 : i32
      %dma_start3A_176 = tpu.memref_slice %arg12[%add3A_29, %dma_start3A_175] : memref<10240x128xf32, #tpu.memory_space<vmem_shared>> -> memref<32x128xf32, #tpu.memory_space<vmem_shared>>
      tpu.enqueue_dma source(%arg11 : memref<32x128xf32, #tpu.memory_space<vmem>>) target(%dma_start3A_176 : memref<32x128xf32, #tpu.memory_space<vmem_shared>>) target_semaphore(%run_scoped3A : memref<!tpu.dma_semaphore, #tpu.memory_space<semaphore_mem>>)
      %dma_wait3A_177 = arith.constant 0 : i32
      %dma_wait3A_178 = tpu.memref_slice %arg12[%add3A_29, %dma_wait3A_177] : memref<10240x128xf32, #tpu.memory_space<vmem_shared>> -> memref<32x128xf32, #tpu.memory_space<vmem_shared>>
      %dma_wait3A_179 = arith.constant 0 : i32
      %dma_wait3A_180 = tpu.memref_slice %arg12[%add3A_29, %dma_wait3A_179] : memref<10240x128xf32, #tpu.memory_space<vmem_shared>> -> memref<32x128xf32, #tpu.memory_space<vmem_shared>>
      tpu.wait_dma2 semaphore(%run_scoped3A : memref<!tpu.dma_semaphore, #tpu.memory_space<semaphore_mem>>) src(%arg11 : memref<32x128xf32, #tpu.memory_space<vmem>>) dst(%dma_wait3A_180 : memref<32x128xf32, #tpu.memory_space<vmem_shared>>)
      tpu.yield
    }) : () -> ()
    %add3A_30 = arith.constant 352 : i32
    %add3A_31 = arith.addi %mul3A_2, %add3A_30 : i32
    "tpu.region"() ({
      %run_scoped3A = tpu.sem_alloc : memref<!tpu.dma_semaphore, #tpu.memory_space<semaphore_mem>>
      %dma_start3A_173 = arith.constant 0 : i32
      %dma_start3A_174 = tpu.memref_slice %arg12[%add3A_31, %dma_start3A_173] : memref<10240x128xf32, #tpu.memory_space<vmem_shared>> -> memref<32x128xf32, #tpu.memory_space<vmem_shared>>
      %dma_start3A_175 = arith.constant 0 : i32
      %dma_start3A_176 = tpu.memref_slice %arg12[%add3A_31, %dma_start3A_175] : memref<10240x128xf32, #tpu.memory_space<vmem_shared>> -> memref<32x128xf32, #tpu.memory_space<vmem_shared>>
      tpu.enqueue_dma source(%arg11 : memref<32x128xf32, #tpu.memory_space<vmem>>) target(%dma_start3A_176 : memref<32x128xf32, #tpu.memory_space<vmem_shared>>) target_semaphore(%run_scoped3A : memref<!tpu.dma_semaphore, #tpu.memory_space<semaphore_mem>>)
      %dma_wait3A_177 = arith.constant 0 : i32
      %dma_wait3A_178 = tpu.memref_slice %arg12[%add3A_31, %dma_wait3A_177] : memref<10240x128xf32, #tpu.memory_space<vmem_shared>> -> memref<32x128xf32, #tpu.memory_space<vmem_shared>>
      %dma_wait3A_179 = arith.constant 0 : i32
      %dma_wait3A_180 = tpu.memref_slice %arg12[%add3A_31, %dma_wait3A_179] : memref<10240x128xf32, #tpu.memory_space<vmem_shared>> -> memref<32x128xf32, #tpu.memory_space<vmem_shared>>
      tpu.wait_dma2 semaphore(%run_scoped3A : memref<!tpu.dma_semaphore, #tpu.memory_space<semaphore_mem>>) src(%arg11 : memref<32x128xf32, #tpu.memory_space<vmem>>) dst(%dma_wait3A_180 : memref<32x128xf32, #tpu.memory_space<vmem_shared>>)
      tpu.yield
    }) : () -> ()
    %add3A_32 = arith.constant 384 : i32
    %add3A_33 = arith.addi %mul3A_2, %add3A_32 : i32
    "tpu.region"() ({
      %run_scoped3A = tpu.sem_alloc : memref<!tpu.dma_semaphore, #tpu.memory_space<semaphore_mem>>
      %dma_start3A_173 = arith.constant 0 : i32
      %dma_start3A_174 = tpu.memref_slice %arg12[%add3A_33, %dma_start3A_173] : memref<10240x128xf32, #tpu.memory_space<vmem_shared>> -> memref<32x128xf32, #tpu.memory_space<vmem_shared>>
      %dma_start3A_175 = arith.constant 0 : i32
      %dma_start3A_176 = tpu.memref_slice %arg12[%add3A_33, %dma_start3A_175] : memref<10240x128xf32, #tpu.memory_space<vmem_shared>> -> memref<32x128xf32, #tpu.memory_space<vmem_shared>>
      tpu.enqueue_dma source(%arg11 : memref<32x128xf32, #tpu.memory_space<vmem>>) target(%dma_start3A_176 : memref<32x128xf32, #tpu.memory_space<vmem_shared>>) target_semaphore(%run_scoped3A : memref<!tpu.dma_semaphore, #tpu.memory_space<semaphore_mem>>)
      %dma_wait3A_177 = arith.constant 0 : i32
      %dma_wait3A_178 = tpu.memref_slice %arg12[%add3A_33, %dma_wait3A_177] : memref<10240x128xf32, #tpu.memory_space<vmem_shared>> -> memref<32x128xf32, #tpu.memory_space<vmem_shared>>
      %dma_wait3A_179 = arith.constant 0 : i32
      %dma_wait3A_180 = tpu.memref_slice %arg12[%add3A_33, %dma_wait3A_179] : memref<10240x128xf32, #tpu.memory_space<vmem_shared>> -> memref<32x128xf32, #tpu.memory_space<vmem_shared>>
      tpu.wait_dma2 semaphore(%run_scoped3A : memref<!tpu.dma_semaphore, #tpu.memory_space<semaphore_mem>>) src(%arg11 : memref<32x128xf32, #tpu.memory_space<vmem>>) dst(%dma_wait3A_180 : memref<32x128xf32, #tpu.memory_space<vmem_shared>>)
      tpu.yield
    }) : () -> ()
    %add3A_34 = arith.constant 416 : i32
    %add3A_35 = arith.addi %mul3A_2, %add3A_34 : i32
    "tpu.region"() ({
      %run_scoped3A = tpu.sem_alloc : memref<!tpu.dma_semaphore, #tpu.memory_space<semaphore_mem>>
      %dma_start3A_173 = arith.constant 0 : i32
      %dma_start3A_174 = tpu.memref_slice %arg12[%add3A_35, %dma_start3A_173] : memref<10240x128xf32, #tpu.memory_space<vmem_shared>> -> memref<32x128xf32, #tpu.memory_space<vmem_shared>>
      %dma_start3A_175 = arith.constant 0 : i32
      %dma_start3A_176 = tpu.memref_slice %arg12[%add3A_35, %dma_start3A_175] : memref<10240x128xf32, #tpu.memory_space<vmem_shared>> -> memref<32x128xf32, #tpu.memory_space<vmem_shared>>
      tpu.enqueue_dma source(%arg11 : memref<32x128xf32, #tpu.memory_space<vmem>>) target(%dma_start3A_176 : memref<32x128xf32, #tpu.memory_space<vmem_shared>>) target_semaphore(%run_scoped3A : memref<!tpu.dma_semaphore, #tpu.memory_space<semaphore_mem>>)
      %dma_wait3A_177 = arith.constant 0 : i32
      %dma_wait3A_178 = tpu.memref_slice %arg12[%add3A_35, %dma_wait3A_177] : memref<10240x128xf32, #tpu.memory_space<vmem_shared>> -> memref<32x128xf32, #tpu.memory_space<vmem_shared>>
      %dma_wait3A_179 = arith.constant 0 : i32
      %dma_wait3A_180 = tpu.memref_slice %arg12[%add3A_35, %dma_wait3A_179] : memref<10240x128xf32, #tpu.memory_space<vmem_shared>> -> memref<32x128xf32, #tpu.memory_space<vmem_shared>>
      tpu.wait_dma2 semaphore(%run_scoped3A : memref<!tpu.dma_semaphore, #tpu.memory_space<semaphore_mem>>) src(%arg11 : memref<32x128xf32, #tpu.memory_space<vmem>>) dst(%dma_wait3A_180 : memref<32x128xf32, #tpu.memory_space<vmem_shared>>)
      tpu.yield
    }) : () -> ()
    %add3A_36 = arith.constant 448 : i32
    %add3A_37 = arith.addi %mul3A_2, %add3A_36 : i32
    "tpu.region"() ({
      %run_scoped3A = tpu.sem_alloc : memref<!tpu.dma_semaphore, #tpu.memory_space<semaphore_mem>>
      %dma_start3A_173 = arith.constant 0 : i32
      %dma_start3A_174 = tpu.memref_slice %arg12[%add3A_37, %dma_start3A_173] : memref<10240x128xf32, #tpu.memory_space<vmem_shared>> -> memref<32x128xf32, #tpu.memory_space<vmem_shared>>
      %dma_start3A_175 = arith.constant 0 : i32
      %dma_start3A_176 = tpu.memref_slice %arg12[%add3A_37, %dma_start3A_175] : memref<10240x128xf32, #tpu.memory_space<vmem_shared>> -> memref<32x128xf32, #tpu.memory_space<vmem_shared>>
      tpu.enqueue_dma source(%arg11 : memref<32x128xf32, #tpu.memory_space<vmem>>) target(%dma_start3A_176 : memref<32x128xf32, #tpu.memory_space<vmem_shared>>) target_semaphore(%run_scoped3A : memref<!tpu.dma_semaphore, #tpu.memory_space<semaphore_mem>>)
      %dma_wait3A_177 = arith.constant 0 : i32
      %dma_wait3A_178 = tpu.memref_slice %arg12[%add3A_37, %dma_wait3A_177] : memref<10240x128xf32, #tpu.memory_space<vmem_shared>> -> memref<32x128xf32, #tpu.memory_space<vmem_shared>>
      %dma_wait3A_179 = arith.constant 0 : i32
      %dma_wait3A_180 = tpu.memref_slice %arg12[%add3A_37, %dma_wait3A_179] : memref<10240x128xf32, #tpu.memory_space<vmem_shared>> -> memref<32x128xf32, #tpu.memory_space<vmem_shared>>
      tpu.wait_dma2 semaphore(%run_scoped3A : memref<!tpu.dma_semaphore, #tpu.memory_space<semaphore_mem>>) src(%arg11 : memref<32x128xf32, #tpu.memory_space<vmem>>) dst(%dma_wait3A_180 : memref<32x128xf32, #tpu.memory_space<vmem_shared>>)
      tpu.yield
    }) : () -> ()
    %add3A_38 = arith.constant 480 : i32
    %add3A_39 = arith.addi %mul3A_2, %add3A_38 : i32
    "tpu.region"() ({
      %run_scoped3A = tpu.sem_alloc : memref<!tpu.dma_semaphore, #tpu.memory_space<semaphore_mem>>
      %dma_start3A_173 = arith.constant 0 : i32
      %dma_start3A_174 = tpu.memref_slice %arg12[%add3A_39, %dma_start3A_173] : memref<10240x128xf32, #tpu.memory_space<vmem_shared>> -> memref<32x128xf32, #tpu.memory_space<vmem_shared>>
      %dma_start3A_175 = arith.constant 0 : i32
      %dma_start3A_176 = tpu.memref_slice %arg12[%add3A_39, %dma_start3A_175] : memref<10240x128xf32, #tpu.memory_space<vmem_shared>> -> memref<32x128xf32, #tpu.memory_space<vmem_shared>>
      tpu.enqueue_dma source(%arg11 : memref<32x128xf32, #tpu.memory_space<vmem>>) target(%dma_start3A_176 : memref<32x128xf32, #tpu.memory_space<vmem_shared>>) target_semaphore(%run_scoped3A : memref<!tpu.dma_semaphore, #tpu.memory_space<semaphore_mem>>)
      %dma_wait3A_177 = arith.constant 0 : i32
      %dma_wait3A_178 = tpu.memref_slice %arg12[%add3A_39, %dma_wait3A_177] : memref<10240x128xf32, #tpu.memory_space<vmem_shared>> -> memref<32x128xf32, #tpu.memory_space<vmem_shared>>
      %dma_wait3A_179 = arith.constant 0 : i32
      %dma_wait3A_180 = tpu.memref_slice %arg12[%add3A_39, %dma_wait3A_179] : memref<10240x128xf32, #tpu.memory_space<vmem_shared>> -> memref<32x128xf32, #tpu.memory_space<vmem_shared>>
      tpu.wait_dma2 semaphore(%run_scoped3A : memref<!tpu.dma_semaphore, #tpu.memory_space<semaphore_mem>>) src(%arg11 : memref<32x128xf32, #tpu.memory_space<vmem>>) dst(%dma_wait3A_180 : memref<32x128xf32, #tpu.memory_space<vmem_shared>>)
      tpu.yield
    }) : () -> ()
    %add3A_40 = arith.constant 512 : i32
    %add3A_41 = arith.addi %mul3A_2, %add3A_40 : i32
    "tpu.region"() ({
      %run_scoped3A = tpu.sem_alloc : memref<!tpu.dma_semaphore, #tpu.memory_space<semaphore_mem>>
      %dma_start3A_173 = arith.constant 0 : i32
      %dma_start3A_174 = tpu.memref_slice %arg12[%add3A_41, %dma_start3A_173] : memref<10240x128xf32, #tpu.memory_space<vmem_shared>> -> memref<32x128xf32, #tpu.memory_space<vmem_shared>>
      %dma_start3A_175 = arith.constant 0 : i32
      %dma_start3A_176 = tpu.memref_slice %arg12[%add3A_41, %dma_start3A_175] : memref<10240x128xf32, #tpu.memory_space<vmem_shared>> -> memref<32x128xf32, #tpu.memory_space<vmem_shared>>
      tpu.enqueue_dma source(%arg11 : memref<32x128xf32, #tpu.memory_space<vmem>>) target(%dma_start3A_176 : memref<32x128xf32, #tpu.memory_space<vmem_shared>>) target_semaphore(%run_scoped3A : memref<!tpu.dma_semaphore, #tpu.memory_space<semaphore_mem>>)
      %dma_wait3A_177 = arith.constant 0 : i32
      %dma_wait3A_178 = tpu.memref_slice %arg12[%add3A_41, %dma_wait3A_177] : memref<10240x128xf32, #tpu.memory_space<vmem_shared>> -> memref<32x128xf32, #tpu.memory_space<vmem_shared>>
      %dma_wait3A_179 = arith.constant 0 : i32
      %dma_wait3A_180 = tpu.memref_slice %arg12[%add3A_41, %dma_wait3A_179] : memref<10240x128xf32, #tpu.memory_space<vmem_shared>> -> memref<32x128xf32, #tpu.memory_space<vmem_shared>>
      tpu.wait_dma2 semaphore(%run_scoped3A : memref<!tpu.dma_semaphore, #tpu.memory_space<semaphore_mem>>) src(%arg11 : memref<32x128xf32, #tpu.memory_space<vmem>>) dst(%dma_wait3A_180 : memref<32x128xf32, #tpu.memory_space<vmem_shared>>)
      tpu.yield
    }) : () -> ()
    %add3A_42 = arith.constant 544 : i32
    %add3A_43 = arith.addi %mul3A_2, %add3A_42 : i32
    "tpu.region"() ({
      %run_scoped3A = tpu.sem_alloc : memref<!tpu.dma_semaphore, #tpu.memory_space<semaphore_mem>>
      %dma_start3A_173 = arith.constant 0 : i32
      %dma_start3A_174 = tpu.memref_slice %arg12[%add3A_43, %dma_start3A_173] : memref<10240x128xf32, #tpu.memory_space<vmem_shared>> -> memref<32x128xf32, #tpu.memory_space<vmem_shared>>
      %dma_start3A_175 = arith.constant 0 : i32
      %dma_start3A_176 = tpu.memref_slice %arg12[%add3A_43, %dma_start3A_175] : memref<10240x128xf32, #tpu.memory_space<vmem_shared>> -> memref<32x128xf32, #tpu.memory_space<vmem_shared>>
      tpu.enqueue_dma source(%arg11 : memref<32x128xf32, #tpu.memory_space<vmem>>) target(%dma_start3A_176 : memref<32x128xf32, #tpu.memory_space<vmem_shared>>) target_semaphore(%run_scoped3A : memref<!tpu.dma_semaphore, #tpu.memory_space<semaphore_mem>>)
      %dma_wait3A_177 = arith.constant 0 : i32
      %dma_wait3A_178 = tpu.memref_slice %arg12[%add3A_43, %dma_wait3A_177] : memref<10240x128xf32, #tpu.memory_space<vmem_shared>> -> memref<32x128xf32, #tpu.memory_space<vmem_shared>>
      %dma_wait3A_179 = arith.constant 0 : i32
      %dma_wait3A_180 = tpu.memref_slice %arg12[%add3A_43, %dma_wait3A_179] : memref<10240x128xf32, #tpu.memory_space<vmem_shared>> -> memref<32x128xf32, #tpu.memory_space<vmem_shared>>
      tpu.wait_dma2 semaphore(%run_scoped3A : memref<!tpu.dma_semaphore, #tpu.memory_space<semaphore_mem>>) src(%arg11 : memref<32x128xf32, #tpu.memory_space<vmem>>) dst(%dma_wait3A_180 : memref<32x128xf32, #tpu.memory_space<vmem_shared>>)
      tpu.yield
    }) : () -> ()
    %add3A_44 = arith.constant 576 : i32
    %add3A_45 = arith.addi %mul3A_2, %add3A_44 : i32
    "tpu.region"() ({
      %run_scoped3A = tpu.sem_alloc : memref<!tpu.dma_semaphore, #tpu.memory_space<semaphore_mem>>
      %dma_start3A_173 = arith.constant 0 : i32
      %dma_start3A_174 = tpu.memref_slice %arg12[%add3A_45, %dma_start3A_173] : memref<10240x128xf32, #tpu.memory_space<vmem_shared>> -> memref<32x128xf32, #tpu.memory_space<vmem_shared>>
      %dma_start3A_175 = arith.constant 0 : i32
      %dma_start3A_176 = tpu.memref_slice %arg12[%add3A_45, %dma_start3A_175] : memref<10240x128xf32, #tpu.memory_space<vmem_shared>> -> memref<32x128xf32, #tpu.memory_space<vmem_shared>>
      tpu.enqueue_dma source(%arg11 : memref<32x128xf32, #tpu.memory_space<vmem>>) target(%dma_start3A_176 : memref<32x128xf32, #tpu.memory_space<vmem_shared>>) target_semaphore(%run_scoped3A : memref<!tpu.dma_semaphore, #tpu.memory_space<semaphore_mem>>)
      %dma_wait3A_177 = arith.constant 0 : i32
      %dma_wait3A_178 = tpu.memref_slice %arg12[%add3A_45, %dma_wait3A_177] : memref<10240x128xf32, #tpu.memory_space<vmem_shared>> -> memref<32x128xf32, #tpu.memory_space<vmem_shared>>
      %dma_wait3A_179 = arith.constant 0 : i32
      %dma_wait3A_180 = tpu.memref_slice %arg12[%add3A_45, %dma_wait3A_179] : memref<10240x128xf32, #tpu.memory_space<vmem_shared>> -> memref<32x128xf32, #tpu.memory_space<vmem_shared>>
      tpu.wait_dma2 semaphore(%run_scoped3A : memref<!tpu.dma_semaphore, #tpu.memory_space<semaphore_mem>>) src(%arg11 : memref<32x128xf32, #tpu.memory_space<vmem>>) dst(%dma_wait3A_180 : memref<32x128xf32, #tpu.memory_space<vmem_shared>>)
      tpu.yield
    }) : () -> ()
    %add3A_46 = arith.constant 608 : i32
    %add3A_47 = arith.addi %mul3A_2, %add3A_46 : i32
    "tpu.region"() ({
      %run_scoped3A = tpu.sem_alloc : memref<!tpu.dma_semaphore, #tpu.memory_space<semaphore_mem>>
      %dma_start3A_173 = arith.constant 0 : i32
      %dma_start3A_174 = tpu.memref_slice %arg12[%add3A_47, %dma_start3A_173] : memref<10240x128xf32, #tpu.memory_space<vmem_shared>> -> memref<32x128xf32, #tpu.memory_space<vmem_shared>>
      %dma_start3A_175 = arith.constant 0 : i32
      %dma_start3A_176 = tpu.memref_slice %arg12[%add3A_47, %dma_start3A_175] : memref<10240x128xf32, #tpu.memory_space<vmem_shared>> -> memref<32x128xf32, #tpu.memory_space<vmem_shared>>
      tpu.enqueue_dma source(%arg11 : memref<32x128xf32, #tpu.memory_space<vmem>>) target(%dma_start3A_176 : memref<32x128xf32, #tpu.memory_space<vmem_shared>>) target_semaphore(%run_scoped3A : memref<!tpu.dma_semaphore, #tpu.memory_space<semaphore_mem>>)
      %dma_wait3A_177 = arith.constant 0 : i32
      %dma_wait3A_178 = tpu.memref_slice %arg12[%add3A_47, %dma_wait3A_177] : memref<10240x128xf32, #tpu.memory_space<vmem_shared>> -> memref<32x128xf32, #tpu.memory_space<vmem_shared>>
      %dma_wait3A_179 = arith.constant 0 : i32
      %dma_wait3A_180 = tpu.memref_slice %arg12[%add3A_47, %dma_wait3A_179] : memref<10240x128xf32, #tpu.memory_space<vmem_shared>> -> memref<32x128xf32, #tpu.memory_space<vmem_shared>>
      tpu.wait_dma2 semaphore(%run_scoped3A : memref<!tpu.dma_semaphore, #tpu.memory_space<semaphore_mem>>) src(%arg11 : memref<32x128xf32, #tpu.memory_space<vmem>>) dst(%dma_wait3A_180 : memref<32x128xf32, #tpu.memory_space<vmem_shared>>)
      tpu.yield
    }) : () -> ()
    %barrier3A = arith.constant 0 : index
    tpu.barrier barrier_id(%barrier3A)
    %dma_start3A = arith.constant 0 : i32
    %dma_start3A_48 = arith.constant 0 : i32
    %dma_start3A_49 = arith.constant 0 : i32
    %dma_start3A_50 = arith.constant 0 : i32
    %dma_start3A_51 = tpu.memref_slice %arg10[%dma_start3A_48, %dma_start3A_49, %dma_start3A_50] : memref<2x125x128xf32, #tpu.memory_space<vmem>> -> memref<1x125x128xf32, #tpu.memory_space<vmem>>
    %dma_start3A_52 = tpu.memref_squeeze %dma_start3A_51 : memref<1x125x128xf32, #tpu.memory_space<vmem>> -> memref<125x128xf32, #tpu.memory_space<vmem>>
    %dma_start3A_53 = arith.constant 0 : i32
    %dma_start3A_54 = tpu.memref_slice %arg8[%dma_start3A, %dma_start3A_53] : memref<40x125xi32, #tpu.memory_space<vmem>> -> memref<1x125xi32, #tpu.memory_space<vmem>>
    %dma_start3A_55 = tpu.memref_squeeze %dma_start3A_54 : memref<1x125xi32, #tpu.memory_space<vmem>> -> memref<125xi32, #tpu.memory_space<vmem>>
    %dma_start3A_56 = arith.constant 0 : i32
    %dma_start3A_57 = arith.constant 0 : i32
    %dma_start3A_58 = tpu.memref_slice %arg2[%dma_start3A_56, %dma_start3A_57] : memref<10000x128xf32, #tpu.memory_space<hbm>> -> memref<10000x128xf32, #tpu.memory_space<hbm>>
    tpu.enqueue_indirect_dma source(%dma_start3A_58 : memref<10000x128xf32, #tpu.memory_space<hbm>>) target(%dma_start3A_52 : memref<125x128xf32, #tpu.memory_space<vmem>>) offsets(%dma_start3A_55 : memref<125xi32, #tpu.memory_space<vmem>>) semaphore(%arg13 : memref<!tpu.dma_semaphore, #tpu.memory_space<semaphore_mem>>)
    %dma_start3A_59 = arith.constant 1 : i32
    %dma_start3A_60 = arith.constant 1 : i32
    %dma_start3A_61 = arith.constant 0 : i32
    %dma_start3A_62 = arith.constant 0 : i32
    %dma_start3A_63 = tpu.memref_slice %arg10[%dma_start3A_60, %dma_start3A_61, %dma_start3A_62] : memref<2x125x128xf32, #tpu.memory_space<vmem>> -> memref<1x125x128xf32, #tpu.memory_space<vmem>>
    %dma_start3A_64 = tpu.memref_squeeze %dma_start3A_63 : memref<1x125x128xf32, #tpu.memory_space<vmem>> -> memref<125x128xf32, #tpu.memory_space<vmem>>
    %dma_start3A_65 = arith.constant 0 : i32
    %dma_start3A_66 = tpu.memref_slice %arg8[%dma_start3A_59, %dma_start3A_65] : memref<40x125xi32, #tpu.memory_space<vmem>> -> memref<1x125xi32, #tpu.memory_space<vmem>>
    %dma_start3A_67 = tpu.memref_squeeze %dma_start3A_66 : memref<1x125xi32, #tpu.memory_space<vmem>> -> memref<125xi32, #tpu.memory_space<vmem>>
    %dma_start3A_68 = arith.constant 0 : i32
    %dma_start3A_69 = arith.constant 0 : i32
    %dma_start3A_70 = tpu.memref_slice %arg2[%dma_start3A_68, %dma_start3A_69] : memref<10000x128xf32, #tpu.memory_space<hbm>> -> memref<10000x128xf32, #tpu.memory_space<hbm>>
    tpu.enqueue_indirect_dma source(%dma_start3A_70 : memref<10000x128xf32, #tpu.memory_space<hbm>>) target(%dma_start3A_64 : memref<125x128xf32, #tpu.memory_space<vmem>>) offsets(%dma_start3A_67 : memref<125xi32, #tpu.memory_space<vmem>>) semaphore(%arg14 : memref<!tpu.dma_semaphore, #tpu.memory_space<semaphore_mem>>)
    %scan3A_71 = arith.constant 0 : i32
    %scan3A_72 = arith.constant 0 : i32
    %scan3A_73 = arith.constant 20 : i32
    %scan3A_74 = arith.addi %scan3A_72, %scan3A_73 : i32
    %scan3A_75 = arith.constant 1 : i32
    scf.for %scan3A_173 = %scan3A_72 to %scan3A_74 step %scan3A_75  : i32 {
      %mul3A_174 = arith.constant 2 : i32
      %mul3A_175 = arith.muli %scan3A_173, %mul3A_174 : i32
      %add3A_176 = arith.constant 0 : i32
      %add3A_177 = arith.addi %mul3A_175, %add3A_176 : i32
      %dma_wait3A_178 = arith.constant 0 : i32
      %dma_wait3A_179 = arith.constant 0 : i32
      %dma_wait3A_180 = arith.constant 0 : i32
      %dma_wait3A_181 = tpu.memref_slice %arg10[%dma_wait3A_178, %dma_wait3A_179, %dma_wait3A_180] : memref<2x125x128xf32, #tpu.memory_space<vmem>> -> memref<1x125x128xf32, #tpu.memory_space<vmem>>
      %dma_wait3A_182 = tpu.memref_squeeze %dma_wait3A_181 : memref<1x125x128xf32, #tpu.memory_space<vmem>> -> memref<125x128xf32, #tpu.memory_space<vmem>>
      %dma_wait3A_183 = arith.constant 0 : i32
      %dma_wait3A_184 = tpu.memref_slice %arg8[%add3A_177, %dma_wait3A_183] : memref<40x125xi32, #tpu.memory_space<vmem>> -> memref<1x125xi32, #tpu.memory_space<vmem>>
      %dma_wait3A_185 = tpu.memref_squeeze %dma_wait3A_184 : memref<1x125xi32, #tpu.memory_space<vmem>> -> memref<125xi32, #tpu.memory_space<vmem>>
      %dma_wait3A_186 = arith.constant 0 : i32
      %dma_wait3A_187 = arith.constant 0 : i32
      %dma_wait3A_188 = tpu.memref_slice %arg2[%dma_wait3A_186, %dma_wait3A_187] : memref<10000x128xf32, #tpu.memory_space<hbm>> -> memref<10000x128xf32, #tpu.memory_space<hbm>>
      tpu.wait_indirect_dma semaphore(%arg13 : memref<!tpu.dma_semaphore, #tpu.memory_space<semaphore_mem>>) src(%dma_wait3A_188 : memref<10000x128xf32, #tpu.memory_space<hbm>>) dst(%dma_wait3A_182 : memref<125x128xf32, #tpu.memory_space<vmem>>)
      %ge3A = arith.constant 1 : i32
      %ge3A_189 = arith.cmpi sge, %add3A_177, %ge3A : i32
      %convert_element_type3A = arith.extui %ge3A_189 : i1 to i32
      %cond3A = arith.constant 0 : i32
      %cond3A_190 = arith.cmpi ne, %convert_element_type3A, %cond3A : i32
      scf.if %cond3A_190 {
        %sub3A = arith.constant 1 : i32
        %sub3A_251 = arith.subi %add3A_177, %sub3A : i32
        %dma_wait3A_252 = arith.constant 1 : i32
        %dma_wait3A_253 = arith.constant 0 : i32
        %dma_wait3A_254 = arith.constant 0 : i32
        %dma_wait3A_255 = tpu.memref_slice %arg10[%dma_wait3A_252, %dma_wait3A_253, %dma_wait3A_254] : memref<2x125x128xf32, #tpu.memory_space<vmem>> -> memref<1x125x128xf32, #tpu.memory_space<vmem>>
        %dma_wait3A_256 = tpu.memref_squeeze %dma_wait3A_255 : memref<1x125x128xf32, #tpu.memory_space<vmem>> -> memref<125x128xf32, #tpu.memory_space<vmem>>
        %dma_wait3A_257 = arith.constant 0 : i32
        %dma_wait3A_258 = tpu.memref_slice %arg9[%sub3A_251, %dma_wait3A_257] : memref<40x125xi32, #tpu.memory_space<vmem>> -> memref<1x125xi32, #tpu.memory_space<vmem>>
        %dma_wait3A_259 = tpu.memref_squeeze %dma_wait3A_258 : memref<1x125xi32, #tpu.memory_space<vmem>> -> memref<125xi32, #tpu.memory_space<vmem>>
        %dma_wait3A_260 = arith.constant 0 : i32
        %dma_wait3A_261 = arith.constant 0 : i32
        %dma_wait3A_262 = tpu.memref_slice %arg12[%dma_wait3A_260, %dma_wait3A_261] : memref<10240x128xf32, #tpu.memory_space<vmem_shared>> -> memref<10240x128xf32, #tpu.memory_space<vmem_shared>>
        tpu.wait_indirect_dma semaphore(%arg16 : memref<!tpu.dma_semaphore, #tpu.memory_space<semaphore_mem>>) src(%dma_wait3A_256 : memref<125x128xf32, #tpu.memory_space<vmem>>) dst(%dma_wait3A_262 : memref<10240x128xf32, #tpu.memory_space<vmem_shared>>)
      } else {
      }
      %dma_start3A_191 = arith.constant 0 : i32
      %dma_start3A_192 = arith.constant 0 : i32
      %dma_start3A_193 = arith.constant 0 : i32
      %dma_start3A_194 = tpu.memref_slice %arg10[%dma_start3A_191, %dma_start3A_192, %dma_start3A_193] : memref<2x125x128xf32, #tpu.memory_space<vmem>> -> memref<1x125x128xf32, #tpu.memory_space<vmem>>
      %dma_start3A_195 = tpu.memref_squeeze %dma_start3A_194 : memref<1x125x128xf32, #tpu.memory_space<vmem>> -> memref<125x128xf32, #tpu.memory_space<vmem>>
      %dma_start3A_196 = arith.constant 0 : i32
      %dma_start3A_197 = tpu.memref_slice %arg9[%add3A_177, %dma_start3A_196] : memref<40x125xi32, #tpu.memory_space<vmem>> -> memref<1x125xi32, #tpu.memory_space<vmem>>
      %dma_start3A_198 = tpu.memref_squeeze %dma_start3A_197 : memref<1x125xi32, #tpu.memory_space<vmem>> -> memref<125xi32, #tpu.memory_space<vmem>>
      %dma_start3A_199 = arith.constant 0 : i32
      %dma_start3A_200 = arith.constant 0 : i32
      %dma_start3A_201 = tpu.memref_slice %arg12[%dma_start3A_199, %dma_start3A_200] : memref<10240x128xf32, #tpu.memory_space<vmem_shared>> -> memref<10240x128xf32, #tpu.memory_space<vmem_shared>>
      tpu.enqueue_indirect_dma source(%dma_start3A_195 : memref<125x128xf32, #tpu.memory_space<vmem>>) target(%dma_start3A_201 : memref<10240x128xf32, #tpu.memory_space<vmem_shared>>) offsets(%dma_start3A_198 : memref<125xi32, #tpu.memory_space<vmem>>) semaphore(%arg15 : memref<!tpu.dma_semaphore, #tpu.memory_space<semaphore_mem>>) {add = true}
      %ge3A_202 = arith.constant 1 : i32
      %ge3A_203 = arith.cmpi sge, %add3A_177, %ge3A_202 : i32
      %add3A_204 = arith.constant 1 : i32
      %add3A_205 = arith.addi %add3A_177, %add3A_204 : i32
      %lt3A = arith.constant 40 : i32
      %lt3A_206 = arith.cmpi slt, %add3A_205, %lt3A : i32
      %and3A = arith.andi %ge3A_203, %lt3A_206 : i1
      %convert_element_type3A_207 = arith.extui %and3A : i1 to i32
      %cond3A_208 = arith.constant 0 : i32
      %cond3A_209 = arith.cmpi ne, %convert_element_type3A_207, %cond3A_208 : i32
      scf.if %cond3A_209 {
        %add3A_251 = arith.constant 1 : i32
        %add3A_252 = arith.addi %add3A_177, %add3A_251 : i32
        %dma_start3A_253 = arith.constant 1 : i32
        %dma_start3A_254 = arith.constant 0 : i32
        %dma_start3A_255 = arith.constant 0 : i32
        %dma_start3A_256 = tpu.memref_slice %arg10[%dma_start3A_253, %dma_start3A_254, %dma_start3A_255] : memref<2x125x128xf32, #tpu.memory_space<vmem>> -> memref<1x125x128xf32, #tpu.memory_space<vmem>>
        %dma_start3A_257 = tpu.memref_squeeze %dma_start3A_256 : memref<1x125x128xf32, #tpu.memory_space<vmem>> -> memref<125x128xf32, #tpu.memory_space<vmem>>
        %dma_start3A_258 = arith.constant 0 : i32
        %dma_start3A_259 = tpu.memref_slice %arg8[%add3A_252, %dma_start3A_258] : memref<40x125xi32, #tpu.memory_space<vmem>> -> memref<1x125xi32, #tpu.memory_space<vmem>>
        %dma_start3A_260 = tpu.memref_squeeze %dma_start3A_259 : memref<1x125xi32, #tpu.memory_space<vmem>> -> memref<125xi32, #tpu.memory_space<vmem>>
        %dma_start3A_261 = arith.constant 0 : i32
        %dma_start3A_262 = arith.constant 0 : i32
        %dma_start3A_263 = tpu.memref_slice %arg2[%dma_start3A_261, %dma_start3A_262] : memref<10000x128xf32, #tpu.memory_space<hbm>> -> memref<10000x128xf32, #tpu.memory_space<hbm>>
        tpu.enqueue_indirect_dma source(%dma_start3A_263 : memref<10000x128xf32, #tpu.memory_space<hbm>>) target(%dma_start3A_257 : memref<125x128xf32, #tpu.memory_space<vmem>>) offsets(%dma_start3A_260 : memref<125xi32, #tpu.memory_space<vmem>>) semaphore(%arg14 : memref<!tpu.dma_semaphore, #tpu.memory_space<semaphore_mem>>)
      } else {
      }
      %mul3A_210 = arith.constant 2 : i32
      %mul3A_211 = arith.muli %scan3A_173, %mul3A_210 : i32
      %add3A_212 = arith.constant 1 : i32
      %add3A_213 = arith.addi %mul3A_211, %add3A_212 : i32
      %dma_wait3A_214 = arith.constant 1 : i32
      %dma_wait3A_215 = arith.constant 0 : i32
      %dma_wait3A_216 = arith.constant 0 : i32
      %dma_wait3A_217 = tpu.memref_slice %arg10[%dma_wait3A_214, %dma_wait3A_215, %dma_wait3A_216] : memref<2x125x128xf32, #tpu.memory_space<vmem>> -> memref<1x125x128xf32, #tpu.memory_space<vmem>>
      %dma_wait3A_218 = tpu.memref_squeeze %dma_wait3A_217 : memref<1x125x128xf32, #tpu.memory_space<vmem>> -> memref<125x128xf32, #tpu.memory_space<vmem>>
      %dma_wait3A_219 = arith.constant 0 : i32
      %dma_wait3A_220 = tpu.memref_slice %arg8[%add3A_213, %dma_wait3A_219] : memref<40x125xi32, #tpu.memory_space<vmem>> -> memref<1x125xi32, #tpu.memory_space<vmem>>
      %dma_wait3A_221 = tpu.memref_squeeze %dma_wait3A_220 : memref<1x125xi32, #tpu.memory_space<vmem>> -> memref<125xi32, #tpu.memory_space<vmem>>
      %dma_wait3A_222 = arith.constant 0 : i32
      %dma_wait3A_223 = arith.constant 0 : i32
      %dma_wait3A_224 = tpu.memref_slice %arg2[%dma_wait3A_222, %dma_wait3A_223] : memref<10000x128xf32, #tpu.memory_space<hbm>> -> memref<10000x128xf32, #tpu.memory_space<hbm>>
      tpu.wait_indirect_dma semaphore(%arg14 : memref<!tpu.dma_semaphore, #tpu.memory_space<semaphore_mem>>) src(%dma_wait3A_224 : memref<10000x128xf32, #tpu.memory_space<hbm>>) dst(%dma_wait3A_218 : memref<125x128xf32, #tpu.memory_space<vmem>>)
      %ge3A_225 = arith.constant 1 : i32
      %ge3A_226 = arith.cmpi sge, %add3A_213, %ge3A_225 : i32
      %convert_element_type3A_227 = arith.extui %ge3A_226 : i1 to i32
      %cond3A_228 = arith.constant 0 : i32
      %cond3A_229 = arith.cmpi ne, %convert_element_type3A_227, %cond3A_228 : i32
      scf.if %cond3A_229 {
        %sub3A = arith.constant 1 : i32
        %sub3A_251 = arith.subi %add3A_213, %sub3A : i32
        %dma_wait3A_252 = arith.constant 0 : i32
        %dma_wait3A_253 = arith.constant 0 : i32
        %dma_wait3A_254 = arith.constant 0 : i32
        %dma_wait3A_255 = tpu.memref_slice %arg10[%dma_wait3A_252, %dma_wait3A_253, %dma_wait3A_254] : memref<2x125x128xf32, #tpu.memory_space<vmem>> -> memref<1x125x128xf32, #tpu.memory_space<vmem>>
        %dma_wait3A_256 = tpu.memref_squeeze %dma_wait3A_255 : memref<1x125x128xf32, #tpu.memory_space<vmem>> -> memref<125x128xf32, #tpu.memory_space<vmem>>
        %dma_wait3A_257 = arith.constant 0 : i32
        %dma_wait3A_258 = tpu.memref_slice %arg9[%sub3A_251, %dma_wait3A_257] : memref<40x125xi32, #tpu.memory_space<vmem>> -> memref<1x125xi32, #tpu.memory_space<vmem>>
        %dma_wait3A_259 = tpu.memref_squeeze %dma_wait3A_258 : memref<1x125xi32, #tpu.memory_space<vmem>> -> memref<125xi32, #tpu.memory_space<vmem>>
        %dma_wait3A_260 = arith.constant 0 : i32
        %dma_wait3A_261 = arith.constant 0 : i32
        %dma_wait3A_262 = tpu.memref_slice %arg12[%dma_wait3A_260, %dma_wait3A_261] : memref<10240x128xf32, #tpu.memory_space<vmem_shared>> -> memref<10240x128xf32, #tpu.memory_space<vmem_shared>>
        tpu.wait_indirect_dma semaphore(%arg15 : memref<!tpu.dma_semaphore, #tpu.memory_space<semaphore_mem>>) src(%dma_wait3A_256 : memref<125x128xf32, #tpu.memory_space<vmem>>) dst(%dma_wait3A_262 : memref<10240x128xf32, #tpu.memory_space<vmem_shared>>)
      } else {
      }
      %dma_start3A_230 = arith.constant 1 : i32
      %dma_start3A_231 = arith.constant 0 : i32
      %dma_start3A_232 = arith.constant 0 : i32
      %dma_start3A_233 = tpu.memref_slice %arg10[%dma_start3A_230, %dma_start3A_231, %dma_start3A_232] : memref<2x125x128xf32, #tpu.memory_space<vmem>> -> memref<1x125x128xf32, #tpu.memory_space<vmem>>
      %dma_start3A_234 = tpu.memref_squeeze %dma_start3A_233 : memref<1x125x128xf32, #tpu.memory_space<vmem>> -> memref<125x128xf32, #tpu.memory_space<vmem>>
      %dma_start3A_235 = arith.constant 0 : i32
      %dma_start3A_236 = tpu.memref_slice %arg9[%add3A_213, %dma_start3A_235] : memref<40x125xi32, #tpu.memory_space<vmem>> -> memref<1x125xi32, #tpu.memory_space<vmem>>
      %dma_start3A_237 = tpu.memref_squeeze %dma_start3A_236 : memref<1x125xi32, #tpu.memory_space<vmem>> -> memref<125xi32, #tpu.memory_space<vmem>>
      %dma_start3A_238 = arith.constant 0 : i32
      %dma_start3A_239 = arith.constant 0 : i32
      %dma_start3A_240 = tpu.memref_slice %arg12[%dma_start3A_238, %dma_start3A_239] : memref<10240x128xf32, #tpu.memory_space<vmem_shared>> -> memref<10240x128xf32, #tpu.memory_space<vmem_shared>>
      tpu.enqueue_indirect_dma source(%dma_start3A_234 : memref<125x128xf32, #tpu.memory_space<vmem>>) target(%dma_start3A_240 : memref<10240x128xf32, #tpu.memory_space<vmem_shared>>) offsets(%dma_start3A_237 : memref<125xi32, #tpu.memory_space<vmem>>) semaphore(%arg16 : memref<!tpu.dma_semaphore, #tpu.memory_space<semaphore_mem>>) {add = true}
      %ge3A_241 = arith.constant 1 : i32
      %ge3A_242 = arith.cmpi sge, %add3A_213, %ge3A_241 : i32
      %add3A_243 = arith.constant 1 : i32
      %add3A_244 = arith.addi %add3A_213, %add3A_243 : i32
      %lt3A_245 = arith.constant 40 : i32
      %lt3A_246 = arith.cmpi slt, %add3A_244, %lt3A_245 : i32
      %and3A_247 = arith.andi %ge3A_242, %lt3A_246 : i1
      %convert_element_type3A_248 = arith.extui %and3A_247 : i1 to i32
      %cond3A_249 = arith.constant 0 : i32
      %cond3A_250 = arith.cmpi ne, %convert_element_type3A_248, %cond3A_249 : i32
      scf.if %cond3A_250 {
        %add3A_251 = arith.constant 1 : i32
        %add3A_252 = arith.addi %add3A_213, %add3A_251 : i32
        %dma_start3A_253 = arith.constant 0 : i32
        %dma_start3A_254 = arith.constant 0 : i32
        %dma_start3A_255 = arith.constant 0 : i32
        %dma_start3A_256 = tpu.memref_slice %arg10[%dma_start3A_253, %dma_start3A_254, %dma_start3A_255] : memref<2x125x128xf32, #tpu.memory_space<vmem>> -> memref<1x125x128xf32, #tpu.memory_space<vmem>>
        %dma_start3A_257 = tpu.memref_squeeze %dma_start3A_256 : memref<1x125x128xf32, #tpu.memory_space<vmem>> -> memref<125x128xf32, #tpu.memory_space<vmem>>
        %dma_start3A_258 = arith.constant 0 : i32
        %dma_start3A_259 = tpu.memref_slice %arg8[%add3A_252, %dma_start3A_258] : memref<40x125xi32, #tpu.memory_space<vmem>> -> memref<1x125xi32, #tpu.memory_space<vmem>>
        %dma_start3A_260 = tpu.memref_squeeze %dma_start3A_259 : memref<1x125xi32, #tpu.memory_space<vmem>> -> memref<125xi32, #tpu.memory_space<vmem>>
        %dma_start3A_261 = arith.constant 0 : i32
        %dma_start3A_262 = arith.constant 0 : i32
        %dma_start3A_263 = tpu.memref_slice %arg2[%dma_start3A_261, %dma_start3A_262] : memref<10000x128xf32, #tpu.memory_space<hbm>> -> memref<10000x128xf32, #tpu.memory_space<hbm>>
        tpu.enqueue_indirect_dma source(%dma_start3A_263 : memref<10000x128xf32, #tpu.memory_space<hbm>>) target(%dma_start3A_257 : memref<125x128xf32, #tpu.memory_space<vmem>>) offsets(%dma_start3A_260 : memref<125xi32, #tpu.memory_space<vmem>>) semaphore(%arg13 : memref<!tpu.dma_semaphore, #tpu.memory_space<semaphore_mem>>)
      } else {
      }
    }
    %scan3A_76 = arith.constant 20 : i32
    %dma_wait3A = arith.constant 1 : i32
    %dma_wait3A_77 = arith.constant 39 : i32
    %dma_wait3A_78 = arith.constant 0 : i32
    %dma_wait3A_79 = arith.constant 0 : i32
    %dma_wait3A_80 = tpu.memref_slice %arg10[%dma_wait3A, %dma_wait3A_78, %dma_wait3A_79] : memref<2x125x128xf32, #tpu.memory_space<vmem>> -> memref<1x125x128xf32, #tpu.memory_space<vmem>>
    %dma_wait3A_81 = tpu.memref_squeeze %dma_wait3A_80 : memref<1x125x128xf32, #tpu.memory_space<vmem>> -> memref<125x128xf32, #tpu.memory_space<vmem>>
    %dma_wait3A_82 = arith.constant 0 : i32
    %dma_wait3A_83 = tpu.memref_slice %arg9[%dma_wait3A_77, %dma_wait3A_82] : memref<40x125xi32, #tpu.memory_space<vmem>> -> memref<1x125xi32, #tpu.memory_space<vmem>>
    %dma_wait3A_84 = tpu.memref_squeeze %dma_wait3A_83 : memref<1x125xi32, #tpu.memory_space<vmem>> -> memref<125xi32, #tpu.memory_space<vmem>>
    %dma_wait3A_85 = arith.constant 0 : i32
    %dma_wait3A_86 = arith.constant 0 : i32
    %dma_wait3A_87 = tpu.memref_slice %arg12[%dma_wait3A_85, %dma_wait3A_86] : memref<10240x128xf32, #tpu.memory_space<vmem_shared>> -> memref<10240x128xf32, #tpu.memory_space<vmem_shared>>
    tpu.wait_indirect_dma semaphore(%arg16 : memref<!tpu.dma_semaphore, #tpu.memory_space<semaphore_mem>>) src(%dma_wait3A_81 : memref<125x128xf32, #tpu.memory_space<vmem>>) dst(%dma_wait3A_87 : memref<10240x128xf32, #tpu.memory_space<vmem_shared>>)
    %barrier3A_88 = arith.constant 0 : index
    tpu.barrier barrier_id(%barrier3A_88)
    "tpu.region"() ({
      %run_scoped3A = tpu.sem_alloc : memref<!tpu.dma_semaphore, #tpu.memory_space<semaphore_mem>>
      %dma_start3A_173 = arith.constant 0 : i32
      %dma_start3A_174 = tpu.memref_slice %arg6[%arg0, %mul3A_2, %dma_start3A_173] : memref<2x10240x128xf32, #tpu.memory_space<hbm>> -> memref<1x640x128xf32, #tpu.memory_space<hbm>>
      %dma_start3A_175 = tpu.memref_squeeze %dma_start3A_174 : memref<1x640x128xf32, #tpu.memory_space<hbm>> -> memref<640x128xf32, #tpu.memory_space<hbm>>
      %dma_start3A_176 = arith.constant 0 : i32
      %dma_start3A_177 = tpu.memref_slice %arg12[%mul3A_2, %dma_start3A_176] : memref<10240x128xf32, #tpu.memory_space<vmem_shared>> -> memref<640x128xf32, #tpu.memory_space<vmem_shared>>
      tpu.enqueue_dma source(%dma_start3A_177 : memref<640x128xf32, #tpu.memory_space<vmem_shared>>) target(%dma_start3A_175 : memref<640x128xf32, #tpu.memory_space<hbm>>) target_semaphore(%run_scoped3A : memref<!tpu.dma_semaphore, #tpu.memory_space<semaphore_mem>>)
      %dma_wait3A_178 = arith.constant 0 : i32
      %dma_wait3A_179 = tpu.memref_slice %arg6[%arg0, %mul3A_2, %dma_wait3A_178] : memref<2x10240x128xf32, #tpu.memory_space<hbm>> -> memref<1x640x128xf32, #tpu.memory_space<hbm>>
      %dma_wait3A_180 = tpu.memref_squeeze %dma_wait3A_179 : memref<1x640x128xf32, #tpu.memory_space<hbm>> -> memref<640x128xf32, #tpu.memory_space<hbm>>
      %dma_wait3A_181 = arith.constant 0 : i32
      %dma_wait3A_182 = tpu.memref_slice %arg12[%mul3A_2, %dma_wait3A_181] : memref<10240x128xf32, #tpu.memory_space<vmem_shared>> -> memref<640x128xf32, #tpu.memory_space<vmem_shared>>
      tpu.wait_dma2 semaphore(%run_scoped3A : memref<!tpu.dma_semaphore, #tpu.memory_space<semaphore_mem>>) src(%dma_wait3A_182 : memref<640x128xf32, #tpu.memory_space<vmem_shared>>) dst(%dma_wait3A_180 : memref<640x128xf32, #tpu.memory_space<hbm>>)
      tpu.yield
    }) : () -> ()
    %add3A_89 = arith.constant 0 : i32
    %add3A_90 = arith.addi %mul3A_2, %add3A_89 : i32
    "tpu.region"() ({
      %run_scoped3A = tpu.sem_alloc : memref<!tpu.dma_semaphore, #tpu.memory_space<semaphore_mem>>
      %dma_start3A_173 = arith.constant 0 : i32
      %dma_start3A_174 = tpu.memref_slice %arg12[%add3A_90, %dma_start3A_173] : memref<10240x128xf32, #tpu.memory_space<vmem_shared>> -> memref<32x128xf32, #tpu.memory_space<vmem_shared>>
      %dma_start3A_175 = arith.constant 0 : i32
      %dma_start3A_176 = tpu.memref_slice %arg12[%add3A_90, %dma_start3A_175] : memref<10240x128xf32, #tpu.memory_space<vmem_shared>> -> memref<32x128xf32, #tpu.memory_space<vmem_shared>>
      tpu.enqueue_dma source(%arg11 : memref<32x128xf32, #tpu.memory_space<vmem>>) target(%dma_start3A_176 : memref<32x128xf32, #tpu.memory_space<vmem_shared>>) target_semaphore(%run_scoped3A : memref<!tpu.dma_semaphore, #tpu.memory_space<semaphore_mem>>)
      %dma_wait3A_177 = arith.constant 0 : i32
      %dma_wait3A_178 = tpu.memref_slice %arg12[%add3A_90, %dma_wait3A_177] : memref<10240x128xf32, #tpu.memory_space<vmem_shared>> -> memref<32x128xf32, #tpu.memory_space<vmem_shared>>
      %dma_wait3A_179 = arith.constant 0 : i32
      %dma_wait3A_180 = tpu.memref_slice %arg12[%add3A_90, %dma_wait3A_179] : memref<10240x128xf32, #tpu.memory_space<vmem_shared>> -> memref<32x128xf32, #tpu.memory_space<vmem_shared>>
      tpu.wait_dma2 semaphore(%run_scoped3A : memref<!tpu.dma_semaphore, #tpu.memory_space<semaphore_mem>>) src(%arg11 : memref<32x128xf32, #tpu.memory_space<vmem>>) dst(%dma_wait3A_180 : memref<32x128xf32, #tpu.memory_space<vmem_shared>>)
      tpu.yield
    }) : () -> ()
    %add3A_91 = arith.constant 32 : i32
    %add3A_92 = arith.addi %mul3A_2, %add3A_91 : i32
    "tpu.region"() ({
      %run_scoped3A = tpu.sem_alloc : memref<!tpu.dma_semaphore, #tpu.memory_space<semaphore_mem>>
      %dma_start3A_173 = arith.constant 0 : i32
      %dma_start3A_174 = tpu.memref_slice %arg12[%add3A_92, %dma_start3A_173] : memref<10240x128xf32, #tpu.memory_space<vmem_shared>> -> memref<32x128xf32, #tpu.memory_space<vmem_shared>>
      %dma_start3A_175 = arith.constant 0 : i32
      %dma_start3A_176 = tpu.memref_slice %arg12[%add3A_92, %dma_start3A_175] : memref<10240x128xf32, #tpu.memory_space<vmem_shared>> -> memref<32x128xf32, #tpu.memory_space<vmem_shared>>
      tpu.enqueue_dma source(%arg11 : memref<32x128xf32, #tpu.memory_space<vmem>>) target(%dma_start3A_176 : memref<32x128xf32, #tpu.memory_space<vmem_shared>>) target_semaphore(%run_scoped3A : memref<!tpu.dma_semaphore, #tpu.memory_space<semaphore_mem>>)
      %dma_wait3A_177 = arith.constant 0 : i32
      %dma_wait3A_178 = tpu.memref_slice %arg12[%add3A_92, %dma_wait3A_177] : memref<10240x128xf32, #tpu.memory_space<vmem_shared>> -> memref<32x128xf32, #tpu.memory_space<vmem_shared>>
      %dma_wait3A_179 = arith.constant 0 : i32
      %dma_wait3A_180 = tpu.memref_slice %arg12[%add3A_92, %dma_wait3A_179] : memref<10240x128xf32, #tpu.memory_space<vmem_shared>> -> memref<32x128xf32, #tpu.memory_space<vmem_shared>>
      tpu.wait_dma2 semaphore(%run_scoped3A : memref<!tpu.dma_semaphore, #tpu.memory_space<semaphore_mem>>) src(%arg11 : memref<32x128xf32, #tpu.memory_space<vmem>>) dst(%dma_wait3A_180 : memref<32x128xf32, #tpu.memory_space<vmem_shared>>)
      tpu.yield
    }) : () -> ()
    %add3A_93 = arith.constant 64 : i32
    %add3A_94 = arith.addi %mul3A_2, %add3A_93 : i32
    "tpu.region"() ({
      %run_scoped3A = tpu.sem_alloc : memref<!tpu.dma_semaphore, #tpu.memory_space<semaphore_mem>>
      %dma_start3A_173 = arith.constant 0 : i32
      %dma_start3A_174 = tpu.memref_slice %arg12[%add3A_94, %dma_start3A_173] : memref<10240x128xf32, #tpu.memory_space<vmem_shared>> -> memref<32x128xf32, #tpu.memory_space<vmem_shared>>
      %dma_start3A_175 = arith.constant 0 : i32
      %dma_start3A_176 = tpu.memref_slice %arg12[%add3A_94, %dma_start3A_175] : memref<10240x128xf32, #tpu.memory_space<vmem_shared>> -> memref<32x128xf32, #tpu.memory_space<vmem_shared>>
      tpu.enqueue_dma source(%arg11 : memref<32x128xf32, #tpu.memory_space<vmem>>) target(%dma_start3A_176 : memref<32x128xf32, #tpu.memory_space<vmem_shared>>) target_semaphore(%run_scoped3A : memref<!tpu.dma_semaphore, #tpu.memory_space<semaphore_mem>>)
      %dma_wait3A_177 = arith.constant 0 : i32
      %dma_wait3A_178 = tpu.memref_slice %arg12[%add3A_94, %dma_wait3A_177] : memref<10240x128xf32, #tpu.memory_space<vmem_shared>> -> memref<32x128xf32, #tpu.memory_space<vmem_shared>>
      %dma_wait3A_179 = arith.constant 0 : i32
      %dma_wait3A_180 = tpu.memref_slice %arg12[%add3A_94, %dma_wait3A_179] : memref<10240x128xf32, #tpu.memory_space<vmem_shared>> -> memref<32x128xf32, #tpu.memory_space<vmem_shared>>
      tpu.wait_dma2 semaphore(%run_scoped3A : memref<!tpu.dma_semaphore, #tpu.memory_space<semaphore_mem>>) src(%arg11 : memref<32x128xf32, #tpu.memory_space<vmem>>) dst(%dma_wait3A_180 : memref<32x128xf32, #tpu.memory_space<vmem_shared>>)
      tpu.yield
    }) : () -> ()
    %add3A_95 = arith.constant 96 : i32
    %add3A_96 = arith.addi %mul3A_2, %add3A_95 : i32
    "tpu.region"() ({
      %run_scoped3A = tpu.sem_alloc : memref<!tpu.dma_semaphore, #tpu.memory_space<semaphore_mem>>
      %dma_start3A_173 = arith.constant 0 : i32
      %dma_start3A_174 = tpu.memref_slice %arg12[%add3A_96, %dma_start3A_173] : memref<10240x128xf32, #tpu.memory_space<vmem_shared>> -> memref<32x128xf32, #tpu.memory_space<vmem_shared>>
      %dma_start3A_175 = arith.constant 0 : i32
      %dma_start3A_176 = tpu.memref_slice %arg12[%add3A_96, %dma_start3A_175] : memref<10240x128xf32, #tpu.memory_space<vmem_shared>> -> memref<32x128xf32, #tpu.memory_space<vmem_shared>>
      tpu.enqueue_dma source(%arg11 : memref<32x128xf32, #tpu.memory_space<vmem>>) target(%dma_start3A_176 : memref<32x128xf32, #tpu.memory_space<vmem_shared>>) target_semaphore(%run_scoped3A : memref<!tpu.dma_semaphore, #tpu.memory_space<semaphore_mem>>)
      %dma_wait3A_177 = arith.constant 0 : i32
      %dma_wait3A_178 = tpu.memref_slice %arg12[%add3A_96, %dma_wait3A_177] : memref<10240x128xf32, #tpu.memory_space<vmem_shared>> -> memref<32x128xf32, #tpu.memory_space<vmem_shared>>
      %dma_wait3A_179 = arith.constant 0 : i32
      %dma_wait3A_180 = tpu.memref_slice %arg12[%add3A_96, %dma_wait3A_179] : memref<10240x128xf32, #tpu.memory_space<vmem_shared>> -> memref<32x128xf32, #tpu.memory_space<vmem_shared>>
      tpu.wait_dma2 semaphore(%run_scoped3A : memref<!tpu.dma_semaphore, #tpu.memory_space<semaphore_mem>>) src(%arg11 : memref<32x128xf32, #tpu.memory_space<vmem>>) dst(%dma_wait3A_180 : memref<32x128xf32, #tpu.memory_space<vmem_shared>>)
      tpu.yield
    }) : () -> ()
    %add3A_97 = arith.constant 128 : i32
    %add3A_98 = arith.addi %mul3A_2, %add3A_97 : i32
    "tpu.region"() ({
      %run_scoped3A = tpu.sem_alloc : memref<!tpu.dma_semaphore, #tpu.memory_space<semaphore_mem>>
      %dma_start3A_173 = arith.constant 0 : i32
      %dma_start3A_174 = tpu.memref_slice %arg12[%add3A_98, %dma_start3A_173] : memref<10240x128xf32, #tpu.memory_space<vmem_shared>> -> memref<32x128xf32, #tpu.memory_space<vmem_shared>>
      %dma_start3A_175 = arith.constant 0 : i32
      %dma_start3A_176 = tpu.memref_slice %arg12[%add3A_98, %dma_start3A_175] : memref<10240x128xf32, #tpu.memory_space<vmem_shared>> -> memref<32x128xf32, #tpu.memory_space<vmem_shared>>
      tpu.enqueue_dma source(%arg11 : memref<32x128xf32, #tpu.memory_space<vmem>>) target(%dma_start3A_176 : memref<32x128xf32, #tpu.memory_space<vmem_shared>>) target_semaphore(%run_scoped3A : memref<!tpu.dma_semaphore, #tpu.memory_space<semaphore_mem>>)
      %dma_wait3A_177 = arith.constant 0 : i32
      %dma_wait3A_178 = tpu.memref_slice %arg12[%add3A_98, %dma_wait3A_177] : memref<10240x128xf32, #tpu.memory_space<vmem_shared>> -> memref<32x128xf32, #tpu.memory_space<vmem_shared>>
      %dma_wait3A_179 = arith.constant 0 : i32
      %dma_wait3A_180 = tpu.memref_slice %arg12[%add3A_98, %dma_wait3A_179] : memref<10240x128xf32, #tpu.memory_space<vmem_shared>> -> memref<32x128xf32, #tpu.memory_space<vmem_shared>>
      tpu.wait_dma2 semaphore(%run_scoped3A : memref<!tpu.dma_semaphore, #tpu.memory_space<semaphore_mem>>) src(%arg11 : memref<32x128xf32, #tpu.memory_space<vmem>>) dst(%dma_wait3A_180 : memref<32x128xf32, #tpu.memory_space<vmem_shared>>)
      tpu.yield
    }) : () -> ()
    %add3A_99 = arith.constant 160 : i32
    %add3A_100 = arith.addi %mul3A_2, %add3A_99 : i32
    "tpu.region"() ({
      %run_scoped3A = tpu.sem_alloc : memref<!tpu.dma_semaphore, #tpu.memory_space<semaphore_mem>>
      %dma_start3A_173 = arith.constant 0 : i32
      %dma_start3A_174 = tpu.memref_slice %arg12[%add3A_100, %dma_start3A_173] : memref<10240x128xf32, #tpu.memory_space<vmem_shared>> -> memref<32x128xf32, #tpu.memory_space<vmem_shared>>
      %dma_start3A_175 = arith.constant 0 : i32
      %dma_start3A_176 = tpu.memref_slice %arg12[%add3A_100, %dma_start3A_175] : memref<10240x128xf32, #tpu.memory_space<vmem_shared>> -> memref<32x128xf32, #tpu.memory_space<vmem_shared>>
      tpu.enqueue_dma source(%arg11 : memref<32x128xf32, #tpu.memory_space<vmem>>) target(%dma_start3A_176 : memref<32x128xf32, #tpu.memory_space<vmem_shared>>) target_semaphore(%run_scoped3A : memref<!tpu.dma_semaphore, #tpu.memory_space<semaphore_mem>>)
      %dma_wait3A_177 = arith.constant 0 : i32
      %dma_wait3A_178 = tpu.memref_slice %arg12[%add3A_100, %dma_wait3A_177] : memref<10240x128xf32, #tpu.memory_space<vmem_shared>> -> memref<32x128xf32, #tpu.memory_space<vmem_shared>>
      %dma_wait3A_179 = arith.constant 0 : i32
      %dma_wait3A_180 = tpu.memref_slice %arg12[%add3A_100, %dma_wait3A_179] : memref<10240x128xf32, #tpu.memory_space<vmem_shared>> -> memref<32x128xf32, #tpu.memory_space<vmem_shared>>
      tpu.wait_dma2 semaphore(%run_scoped3A : memref<!tpu.dma_semaphore, #tpu.memory_space<semaphore_mem>>) src(%arg11 : memref<32x128xf32, #tpu.memory_space<vmem>>) dst(%dma_wait3A_180 : memref<32x128xf32, #tpu.memory_space<vmem_shared>>)
      tpu.yield
    }) : () -> ()
    %add3A_101 = arith.constant 192 : i32
    %add3A_102 = arith.addi %mul3A_2, %add3A_101 : i32
    "tpu.region"() ({
      %run_scoped3A = tpu.sem_alloc : memref<!tpu.dma_semaphore, #tpu.memory_space<semaphore_mem>>
      %dma_start3A_173 = arith.constant 0 : i32
      %dma_start3A_174 = tpu.memref_slice %arg12[%add3A_102, %dma_start3A_173] : memref<10240x128xf32, #tpu.memory_space<vmem_shared>> -> memref<32x128xf32, #tpu.memory_space<vmem_shared>>
      %dma_start3A_175 = arith.constant 0 : i32
      %dma_start3A_176 = tpu.memref_slice %arg12[%add3A_102, %dma_start3A_175] : memref<10240x128xf32, #tpu.memory_space<vmem_shared>> -> memref<32x128xf32, #tpu.memory_space<vmem_shared>>
      tpu.enqueue_dma source(%arg11 : memref<32x128xf32, #tpu.memory_space<vmem>>) target(%dma_start3A_176 : memref<32x128xf32, #tpu.memory_space<vmem_shared>>) target_semaphore(%run_scoped3A : memref<!tpu.dma_semaphore, #tpu.memory_space<semaphore_mem>>)
      %dma_wait3A_177 = arith.constant 0 : i32
      %dma_wait3A_178 = tpu.memref_slice %arg12[%add3A_102, %dma_wait3A_177] : memref<10240x128xf32, #tpu.memory_space<vmem_shared>> -> memref<32x128xf32, #tpu.memory_space<vmem_shared>>
      %dma_wait3A_179 = arith.constant 0 : i32
      %dma_wait3A_180 = tpu.memref_slice %arg12[%add3A_102, %dma_wait3A_179] : memref<10240x128xf32, #tpu.memory_space<vmem_shared>> -> memref<32x128xf32, #tpu.memory_space<vmem_shared>>
      tpu.wait_dma2 semaphore(%run_scoped3A : memref<!tpu.dma_semaphore, #tpu.memory_space<semaphore_mem>>) src(%arg11 : memref<32x128xf32, #tpu.memory_space<vmem>>) dst(%dma_wait3A_180 : memref<32x128xf32, #tpu.memory_space<vmem_shared>>)
      tpu.yield
    }) : () -> ()
    %add3A_103 = arith.constant 224 : i32
    %add3A_104 = arith.addi %mul3A_2, %add3A_103 : i32
    "tpu.region"() ({
      %run_scoped3A = tpu.sem_alloc : memref<!tpu.dma_semaphore, #tpu.memory_space<semaphore_mem>>
      %dma_start3A_173 = arith.constant 0 : i32
      %dma_start3A_174 = tpu.memref_slice %arg12[%add3A_104, %dma_start3A_173] : memref<10240x128xf32, #tpu.memory_space<vmem_shared>> -> memref<32x128xf32, #tpu.memory_space<vmem_shared>>
      %dma_start3A_175 = arith.constant 0 : i32
      %dma_start3A_176 = tpu.memref_slice %arg12[%add3A_104, %dma_start3A_175] : memref<10240x128xf32, #tpu.memory_space<vmem_shared>> -> memref<32x128xf32, #tpu.memory_space<vmem_shared>>
      tpu.enqueue_dma source(%arg11 : memref<32x128xf32, #tpu.memory_space<vmem>>) target(%dma_start3A_176 : memref<32x128xf32, #tpu.memory_space<vmem_shared>>) target_semaphore(%run_scoped3A : memref<!tpu.dma_semaphore, #tpu.memory_space<semaphore_mem>>)
      %dma_wait3A_177 = arith.constant 0 : i32
      %dma_wait3A_178 = tpu.memref_slice %arg12[%add3A_104, %dma_wait3A_177] : memref<10240x128xf32, #tpu.memory_space<vmem_shared>> -> memref<32x128xf32, #tpu.memory_space<vmem_shared>>
      %dma_wait3A_179 = arith.constant 0 : i32
      %dma_wait3A_180 = tpu.memref_slice %arg12[%add3A_104, %dma_wait3A_179] : memref<10240x128xf32, #tpu.memory_space<vmem_shared>> -> memref<32x128xf32, #tpu.memory_space<vmem_shared>>
      tpu.wait_dma2 semaphore(%run_scoped3A : memref<!tpu.dma_semaphore, #tpu.memory_space<semaphore_mem>>) src(%arg11 : memref<32x128xf32, #tpu.memory_space<vmem>>) dst(%dma_wait3A_180 : memref<32x128xf32, #tpu.memory_space<vmem_shared>>)
      tpu.yield
    }) : () -> ()
    %add3A_105 = arith.constant 256 : i32
    %add3A_106 = arith.addi %mul3A_2, %add3A_105 : i32
    "tpu.region"() ({
      %run_scoped3A = tpu.sem_alloc : memref<!tpu.dma_semaphore, #tpu.memory_space<semaphore_mem>>
      %dma_start3A_173 = arith.constant 0 : i32
      %dma_start3A_174 = tpu.memref_slice %arg12[%add3A_106, %dma_start3A_173] : memref<10240x128xf32, #tpu.memory_space<vmem_shared>> -> memref<32x128xf32, #tpu.memory_space<vmem_shared>>
      %dma_start3A_175 = arith.constant 0 : i32
      %dma_start3A_176 = tpu.memref_slice %arg12[%add3A_106, %dma_start3A_175] : memref<10240x128xf32, #tpu.memory_space<vmem_shared>> -> memref<32x128xf32, #tpu.memory_space<vmem_shared>>
      tpu.enqueue_dma source(%arg11 : memref<32x128xf32, #tpu.memory_space<vmem>>) target(%dma_start3A_176 : memref<32x128xf32, #tpu.memory_space<vmem_shared>>) target_semaphore(%run_scoped3A : memref<!tpu.dma_semaphore, #tpu.memory_space<semaphore_mem>>)
      %dma_wait3A_177 = arith.constant 0 : i32
      %dma_wait3A_178 = tpu.memref_slice %arg12[%add3A_106, %dma_wait3A_177] : memref<10240x128xf32, #tpu.memory_space<vmem_shared>> -> memref<32x128xf32, #tpu.memory_space<vmem_shared>>
      %dma_wait3A_179 = arith.constant 0 : i32
      %dma_wait3A_180 = tpu.memref_slice %arg12[%add3A_106, %dma_wait3A_179] : memref<10240x128xf32, #tpu.memory_space<vmem_shared>> -> memref<32x128xf32, #tpu.memory_space<vmem_shared>>
      tpu.wait_dma2 semaphore(%run_scoped3A : memref<!tpu.dma_semaphore, #tpu.memory_space<semaphore_mem>>) src(%arg11 : memref<32x128xf32, #tpu.memory_space<vmem>>) dst(%dma_wait3A_180 : memref<32x128xf32, #tpu.memory_space<vmem_shared>>)
      tpu.yield
    }) : () -> ()
    %add3A_107 = arith.constant 288 : i32
    %add3A_108 = arith.addi %mul3A_2, %add3A_107 : i32
    "tpu.region"() ({
      %run_scoped3A = tpu.sem_alloc : memref<!tpu.dma_semaphore, #tpu.memory_space<semaphore_mem>>
      %dma_start3A_173 = arith.constant 0 : i32
      %dma_start3A_174 = tpu.memref_slice %arg12[%add3A_108, %dma_start3A_173] : memref<10240x128xf32, #tpu.memory_space<vmem_shared>> -> memref<32x128xf32, #tpu.memory_space<vmem_shared>>
      %dma_start3A_175 = arith.constant 0 : i32
      %dma_start3A_176 = tpu.memref_slice %arg12[%add3A_108, %dma_start3A_175] : memref<10240x128xf32, #tpu.memory_space<vmem_shared>> -> memref<32x128xf32, #tpu.memory_space<vmem_shared>>
      tpu.enqueue_dma source(%arg11 : memref<32x128xf32, #tpu.memory_space<vmem>>) target(%dma_start3A_176 : memref<32x128xf32, #tpu.memory_space<vmem_shared>>) target_semaphore(%run_scoped3A : memref<!tpu.dma_semaphore, #tpu.memory_space<semaphore_mem>>)
      %dma_wait3A_177 = arith.constant 0 : i32
      %dma_wait3A_178 = tpu.memref_slice %arg12[%add3A_108, %dma_wait3A_177] : memref<10240x128xf32, #tpu.memory_space<vmem_shared>> -> memref<32x128xf32, #tpu.memory_space<vmem_shared>>
      %dma_wait3A_179 = arith.constant 0 : i32
      %dma_wait3A_180 = tpu.memref_slice %arg12[%add3A_108, %dma_wait3A_179] : memref<10240x128xf32, #tpu.memory_space<vmem_shared>> -> memref<32x128xf32, #tpu.memory_space<vmem_shared>>
      tpu.wait_dma2 semaphore(%run_scoped3A : memref<!tpu.dma_semaphore, #tpu.memory_space<semaphore_mem>>) src(%arg11 : memref<32x128xf32, #tpu.memory_space<vmem>>) dst(%dma_wait3A_180 : memref<32x128xf32, #tpu.memory_space<vmem_shared>>)
      tpu.yield
    }) : () -> ()
    %add3A_109 = arith.constant 320 : i32
    %add3A_110 = arith.addi %mul3A_2, %add3A_109 : i32
    "tpu.region"() ({
      %run_scoped3A = tpu.sem_alloc : memref<!tpu.dma_semaphore, #tpu.memory_space<semaphore_mem>>
      %dma_start3A_173 = arith.constant 0 : i32
      %dma_start3A_174 = tpu.memref_slice %arg12[%add3A_110, %dma_start3A_173] : memref<10240x128xf32, #tpu.memory_space<vmem_shared>> -> memref<32x128xf32, #tpu.memory_space<vmem_shared>>
      %dma_start3A_175 = arith.constant 0 : i32
      %dma_start3A_176 = tpu.memref_slice %arg12[%add3A_110, %dma_start3A_175] : memref<10240x128xf32, #tpu.memory_space<vmem_shared>> -> memref<32x128xf32, #tpu.memory_space<vmem_shared>>
      tpu.enqueue_dma source(%arg11 : memref<32x128xf32, #tpu.memory_space<vmem>>) target(%dma_start3A_176 : memref<32x128xf32, #tpu.memory_space<vmem_shared>>) target_semaphore(%run_scoped3A : memref<!tpu.dma_semaphore, #tpu.memory_space<semaphore_mem>>)
      %dma_wait3A_177 = arith.constant 0 : i32
      %dma_wait3A_178 = tpu.memref_slice %arg12[%add3A_110, %dma_wait3A_177] : memref<10240x128xf32, #tpu.memory_space<vmem_shared>> -> memref<32x128xf32, #tpu.memory_space<vmem_shared>>
      %dma_wait3A_179 = arith.constant 0 : i32
      %dma_wait3A_180 = tpu.memref_slice %arg12[%add3A_110, %dma_wait3A_179] : memref<10240x128xf32, #tpu.memory_space<vmem_shared>> -> memref<32x128xf32, #tpu.memory_space<vmem_shared>>
      tpu.wait_dma2 semaphore(%run_scoped3A : memref<!tpu.dma_semaphore, #tpu.memory_space<semaphore_mem>>) src(%arg11 : memref<32x128xf32, #tpu.memory_space<vmem>>) dst(%dma_wait3A_180 : memref<32x128xf32, #tpu.memory_space<vmem_shared>>)
      tpu.yield
    }) : () -> ()
    %add3A_111 = arith.constant 352 : i32
    %add3A_112 = arith.addi %mul3A_2, %add3A_111 : i32
    "tpu.region"() ({
      %run_scoped3A = tpu.sem_alloc : memref<!tpu.dma_semaphore, #tpu.memory_space<semaphore_mem>>
      %dma_start3A_173 = arith.constant 0 : i32
      %dma_start3A_174 = tpu.memref_slice %arg12[%add3A_112, %dma_start3A_173] : memref<10240x128xf32, #tpu.memory_space<vmem_shared>> -> memref<32x128xf32, #tpu.memory_space<vmem_shared>>
      %dma_start3A_175 = arith.constant 0 : i32
      %dma_start3A_176 = tpu.memref_slice %arg12[%add3A_112, %dma_start3A_175] : memref<10240x128xf32, #tpu.memory_space<vmem_shared>> -> memref<32x128xf32, #tpu.memory_space<vmem_shared>>
      tpu.enqueue_dma source(%arg11 : memref<32x128xf32, #tpu.memory_space<vmem>>) target(%dma_start3A_176 : memref<32x128xf32, #tpu.memory_space<vmem_shared>>) target_semaphore(%run_scoped3A : memref<!tpu.dma_semaphore, #tpu.memory_space<semaphore_mem>>)
      %dma_wait3A_177 = arith.constant 0 : i32
      %dma_wait3A_178 = tpu.memref_slice %arg12[%add3A_112, %dma_wait3A_177] : memref<10240x128xf32, #tpu.memory_space<vmem_shared>> -> memref<32x128xf32, #tpu.memory_space<vmem_shared>>
      %dma_wait3A_179 = arith.constant 0 : i32
      %dma_wait3A_180 = tpu.memref_slice %arg12[%add3A_112, %dma_wait3A_179] : memref<10240x128xf32, #tpu.memory_space<vmem_shared>> -> memref<32x128xf32, #tpu.memory_space<vmem_shared>>
      tpu.wait_dma2 semaphore(%run_scoped3A : memref<!tpu.dma_semaphore, #tpu.memory_space<semaphore_mem>>) src(%arg11 : memref<32x128xf32, #tpu.memory_space<vmem>>) dst(%dma_wait3A_180 : memref<32x128xf32, #tpu.memory_space<vmem_shared>>)
      tpu.yield
    }) : () -> ()
    %add3A_113 = arith.constant 384 : i32
    %add3A_114 = arith.addi %mul3A_2, %add3A_113 : i32
    "tpu.region"() ({
      %run_scoped3A = tpu.sem_alloc : memref<!tpu.dma_semaphore, #tpu.memory_space<semaphore_mem>>
      %dma_start3A_173 = arith.constant 0 : i32
      %dma_start3A_174 = tpu.memref_slice %arg12[%add3A_114, %dma_start3A_173] : memref<10240x128xf32, #tpu.memory_space<vmem_shared>> -> memref<32x128xf32, #tpu.memory_space<vmem_shared>>
      %dma_start3A_175 = arith.constant 0 : i32
      %dma_start3A_176 = tpu.memref_slice %arg12[%add3A_114, %dma_start3A_175] : memref<10240x128xf32, #tpu.memory_space<vmem_shared>> -> memref<32x128xf32, #tpu.memory_space<vmem_shared>>
      tpu.enqueue_dma source(%arg11 : memref<32x128xf32, #tpu.memory_space<vmem>>) target(%dma_start3A_176 : memref<32x128xf32, #tpu.memory_space<vmem_shared>>) target_semaphore(%run_scoped3A : memref<!tpu.dma_semaphore, #tpu.memory_space<semaphore_mem>>)
      %dma_wait3A_177 = arith.constant 0 : i32
      %dma_wait3A_178 = tpu.memref_slice %arg12[%add3A_114, %dma_wait3A_177] : memref<10240x128xf32, #tpu.memory_space<vmem_shared>> -> memref<32x128xf32, #tpu.memory_space<vmem_shared>>
      %dma_wait3A_179 = arith.constant 0 : i32
      %dma_wait3A_180 = tpu.memref_slice %arg12[%add3A_114, %dma_wait3A_179] : memref<10240x128xf32, #tpu.memory_space<vmem_shared>> -> memref<32x128xf32, #tpu.memory_space<vmem_shared>>
      tpu.wait_dma2 semaphore(%run_scoped3A : memref<!tpu.dma_semaphore, #tpu.memory_space<semaphore_mem>>) src(%arg11 : memref<32x128xf32, #tpu.memory_space<vmem>>) dst(%dma_wait3A_180 : memref<32x128xf32, #tpu.memory_space<vmem_shared>>)
      tpu.yield
    }) : () -> ()
    %add3A_115 = arith.constant 416 : i32
    %add3A_116 = arith.addi %mul3A_2, %add3A_115 : i32
    "tpu.region"() ({
      %run_scoped3A = tpu.sem_alloc : memref<!tpu.dma_semaphore, #tpu.memory_space<semaphore_mem>>
      %dma_start3A_173 = arith.constant 0 : i32
      %dma_start3A_174 = tpu.memref_slice %arg12[%add3A_116, %dma_start3A_173] : memref<10240x128xf32, #tpu.memory_space<vmem_shared>> -> memref<32x128xf32, #tpu.memory_space<vmem_shared>>
      %dma_start3A_175 = arith.constant 0 : i32
      %dma_start3A_176 = tpu.memref_slice %arg12[%add3A_116, %dma_start3A_175] : memref<10240x128xf32, #tpu.memory_space<vmem_shared>> -> memref<32x128xf32, #tpu.memory_space<vmem_shared>>
      tpu.enqueue_dma source(%arg11 : memref<32x128xf32, #tpu.memory_space<vmem>>) target(%dma_start3A_176 : memref<32x128xf32, #tpu.memory_space<vmem_shared>>) target_semaphore(%run_scoped3A : memref<!tpu.dma_semaphore, #tpu.memory_space<semaphore_mem>>)
      %dma_wait3A_177 = arith.constant 0 : i32
      %dma_wait3A_178 = tpu.memref_slice %arg12[%add3A_116, %dma_wait3A_177] : memref<10240x128xf32, #tpu.memory_space<vmem_shared>> -> memref<32x128xf32, #tpu.memory_space<vmem_shared>>
      %dma_wait3A_179 = arith.constant 0 : i32
      %dma_wait3A_180 = tpu.memref_slice %arg12[%add3A_116, %dma_wait3A_179] : memref<10240x128xf32, #tpu.memory_space<vmem_shared>> -> memref<32x128xf32, #tpu.memory_space<vmem_shared>>
      tpu.wait_dma2 semaphore(%run_scoped3A : memref<!tpu.dma_semaphore, #tpu.memory_space<semaphore_mem>>) src(%arg11 : memref<32x128xf32, #tpu.memory_space<vmem>>) dst(%dma_wait3A_180 : memref<32x128xf32, #tpu.memory_space<vmem_shared>>)
      tpu.yield
    }) : () -> ()
    %add3A_117 = arith.constant 448 : i32
    %add3A_118 = arith.addi %mul3A_2, %add3A_117 : i32
    "tpu.region"() ({
      %run_scoped3A = tpu.sem_alloc : memref<!tpu.dma_semaphore, #tpu.memory_space<semaphore_mem>>
      %dma_start3A_173 = arith.constant 0 : i32
      %dma_start3A_174 = tpu.memref_slice %arg12[%add3A_118, %dma_start3A_173] : memref<10240x128xf32, #tpu.memory_space<vmem_shared>> -> memref<32x128xf32, #tpu.memory_space<vmem_shared>>
      %dma_start3A_175 = arith.constant 0 : i32
      %dma_start3A_176 = tpu.memref_slice %arg12[%add3A_118, %dma_start3A_175] : memref<10240x128xf32, #tpu.memory_space<vmem_shared>> -> memref<32x128xf32, #tpu.memory_space<vmem_shared>>
      tpu.enqueue_dma source(%arg11 : memref<32x128xf32, #tpu.memory_space<vmem>>) target(%dma_start3A_176 : memref<32x128xf32, #tpu.memory_space<vmem_shared>>) target_semaphore(%run_scoped3A : memref<!tpu.dma_semaphore, #tpu.memory_space<semaphore_mem>>)
      %dma_wait3A_177 = arith.constant 0 : i32
      %dma_wait3A_178 = tpu.memref_slice %arg12[%add3A_118, %dma_wait3A_177] : memref<10240x128xf32, #tpu.memory_space<vmem_shared>> -> memref<32x128xf32, #tpu.memory_space<vmem_shared>>
      %dma_wait3A_179 = arith.constant 0 : i32
      %dma_wait3A_180 = tpu.memref_slice %arg12[%add3A_118, %dma_wait3A_179] : memref<10240x128xf32, #tpu.memory_space<vmem_shared>> -> memref<32x128xf32, #tpu.memory_space<vmem_shared>>
      tpu.wait_dma2 semaphore(%run_scoped3A : memref<!tpu.dma_semaphore, #tpu.memory_space<semaphore_mem>>) src(%arg11 : memref<32x128xf32, #tpu.memory_space<vmem>>) dst(%dma_wait3A_180 : memref<32x128xf32, #tpu.memory_space<vmem_shared>>)
      tpu.yield
    }) : () -> ()
    %add3A_119 = arith.constant 480 : i32
    %add3A_120 = arith.addi %mul3A_2, %add3A_119 : i32
    "tpu.region"() ({
      %run_scoped3A = tpu.sem_alloc : memref<!tpu.dma_semaphore, #tpu.memory_space<semaphore_mem>>
      %dma_start3A_173 = arith.constant 0 : i32
      %dma_start3A_174 = tpu.memref_slice %arg12[%add3A_120, %dma_start3A_173] : memref<10240x128xf32, #tpu.memory_space<vmem_shared>> -> memref<32x128xf32, #tpu.memory_space<vmem_shared>>
      %dma_start3A_175 = arith.constant 0 : i32
      %dma_start3A_176 = tpu.memref_slice %arg12[%add3A_120, %dma_start3A_175] : memref<10240x128xf32, #tpu.memory_space<vmem_shared>> -> memref<32x128xf32, #tpu.memory_space<vmem_shared>>
      tpu.enqueue_dma source(%arg11 : memref<32x128xf32, #tpu.memory_space<vmem>>) target(%dma_start3A_176 : memref<32x128xf32, #tpu.memory_space<vmem_shared>>) target_semaphore(%run_scoped3A : memref<!tpu.dma_semaphore, #tpu.memory_space<semaphore_mem>>)
      %dma_wait3A_177 = arith.constant 0 : i32
      %dma_wait3A_178 = tpu.memref_slice %arg12[%add3A_120, %dma_wait3A_177] : memref<10240x128xf32, #tpu.memory_space<vmem_shared>> -> memref<32x128xf32, #tpu.memory_space<vmem_shared>>
      %dma_wait3A_179 = arith.constant 0 : i32
      %dma_wait3A_180 = tpu.memref_slice %arg12[%add3A_120, %dma_wait3A_179] : memref<10240x128xf32, #tpu.memory_space<vmem_shared>> -> memref<32x128xf32, #tpu.memory_space<vmem_shared>>
      tpu.wait_dma2 semaphore(%run_scoped3A : memref<!tpu.dma_semaphore, #tpu.memory_space<semaphore_mem>>) src(%arg11 : memref<32x128xf32, #tpu.memory_space<vmem>>) dst(%dma_wait3A_180 : memref<32x128xf32, #tpu.memory_space<vmem_shared>>)
      tpu.yield
    }) : () -> ()
    %add3A_121 = arith.constant 512 : i32
    %add3A_122 = arith.addi %mul3A_2, %add3A_121 : i32
    "tpu.region"() ({
      %run_scoped3A = tpu.sem_alloc : memref<!tpu.dma_semaphore, #tpu.memory_space<semaphore_mem>>
      %dma_start3A_173 = arith.constant 0 : i32
      %dma_start3A_174 = tpu.memref_slice %arg12[%add3A_122, %dma_start3A_173] : memref<10240x128xf32, #tpu.memory_space<vmem_shared>> -> memref<32x128xf32, #tpu.memory_space<vmem_shared>>
      %dma_start3A_175 = arith.constant 0 : i32
      %dma_start3A_176 = tpu.memref_slice %arg12[%add3A_122, %dma_start3A_175] : memref<10240x128xf32, #tpu.memory_space<vmem_shared>> -> memref<32x128xf32, #tpu.memory_space<vmem_shared>>
      tpu.enqueue_dma source(%arg11 : memref<32x128xf32, #tpu.memory_space<vmem>>) target(%dma_start3A_176 : memref<32x128xf32, #tpu.memory_space<vmem_shared>>) target_semaphore(%run_scoped3A : memref<!tpu.dma_semaphore, #tpu.memory_space<semaphore_mem>>)
      %dma_wait3A_177 = arith.constant 0 : i32
      %dma_wait3A_178 = tpu.memref_slice %arg12[%add3A_122, %dma_wait3A_177] : memref<10240x128xf32, #tpu.memory_space<vmem_shared>> -> memref<32x128xf32, #tpu.memory_space<vmem_shared>>
      %dma_wait3A_179 = arith.constant 0 : i32
      %dma_wait3A_180 = tpu.memref_slice %arg12[%add3A_122, %dma_wait3A_179] : memref<10240x128xf32, #tpu.memory_space<vmem_shared>> -> memref<32x128xf32, #tpu.memory_space<vmem_shared>>
      tpu.wait_dma2 semaphore(%run_scoped3A : memref<!tpu.dma_semaphore, #tpu.memory_space<semaphore_mem>>) src(%arg11 : memref<32x128xf32, #tpu.memory_space<vmem>>) dst(%dma_wait3A_180 : memref<32x128xf32, #tpu.memory_space<vmem_shared>>)
      tpu.yield
    }) : () -> ()
    %add3A_123 = arith.constant 544 : i32
    %add3A_124 = arith.addi %mul3A_2, %add3A_123 : i32
    "tpu.region"() ({
      %run_scoped3A = tpu.sem_alloc : memref<!tpu.dma_semaphore, #tpu.memory_space<semaphore_mem>>
      %dma_start3A_173 = arith.constant 0 : i32
      %dma_start3A_174 = tpu.memref_slice %arg12[%add3A_124, %dma_start3A_173] : memref<10240x128xf32, #tpu.memory_space<vmem_shared>> -> memref<32x128xf32, #tpu.memory_space<vmem_shared>>
      %dma_start3A_175 = arith.constant 0 : i32
      %dma_start3A_176 = tpu.memref_slice %arg12[%add3A_124, %dma_start3A_175] : memref<10240x128xf32, #tpu.memory_space<vmem_shared>> -> memref<32x128xf32, #tpu.memory_space<vmem_shared>>
      tpu.enqueue_dma source(%arg11 : memref<32x128xf32, #tpu.memory_space<vmem>>) target(%dma_start3A_176 : memref<32x128xf32, #tpu.memory_space<vmem_shared>>) target_semaphore(%run_scoped3A : memref<!tpu.dma_semaphore, #tpu.memory_space<semaphore_mem>>)
      %dma_wait3A_177 = arith.constant 0 : i32
      %dma_wait3A_178 = tpu.memref_slice %arg12[%add3A_124, %dma_wait3A_177] : memref<10240x128xf32, #tpu.memory_space<vmem_shared>> -> memref<32x128xf32, #tpu.memory_space<vmem_shared>>
      %dma_wait3A_179 = arith.constant 0 : i32
      %dma_wait3A_180 = tpu.memref_slice %arg12[%add3A_124, %dma_wait3A_179] : memref<10240x128xf32, #tpu.memory_space<vmem_shared>> -> memref<32x128xf32, #tpu.memory_space<vmem_shared>>
      tpu.wait_dma2 semaphore(%run_scoped3A : memref<!tpu.dma_semaphore, #tpu.memory_space<semaphore_mem>>) src(%arg11 : memref<32x128xf32, #tpu.memory_space<vmem>>) dst(%dma_wait3A_180 : memref<32x128xf32, #tpu.memory_space<vmem_shared>>)
      tpu.yield
    }) : () -> ()
    %add3A_125 = arith.constant 576 : i32
    %add3A_126 = arith.addi %mul3A_2, %add3A_125 : i32
    "tpu.region"() ({
      %run_scoped3A = tpu.sem_alloc : memref<!tpu.dma_semaphore, #tpu.memory_space<semaphore_mem>>
      %dma_start3A_173 = arith.constant 0 : i32
      %dma_start3A_174 = tpu.memref_slice %arg12[%add3A_126, %dma_start3A_173] : memref<10240x128xf32, #tpu.memory_space<vmem_shared>> -> memref<32x128xf32, #tpu.memory_space<vmem_shared>>
      %dma_start3A_175 = arith.constant 0 : i32
      %dma_start3A_176 = tpu.memref_slice %arg12[%add3A_126, %dma_start3A_175] : memref<10240x128xf32, #tpu.memory_space<vmem_shared>> -> memref<32x128xf32, #tpu.memory_space<vmem_shared>>
      tpu.enqueue_dma source(%arg11 : memref<32x128xf32, #tpu.memory_space<vmem>>) target(%dma_start3A_176 : memref<32x128xf32, #tpu.memory_space<vmem_shared>>) target_semaphore(%run_scoped3A : memref<!tpu.dma_semaphore, #tpu.memory_space<semaphore_mem>>)
      %dma_wait3A_177 = arith.constant 0 : i32
      %dma_wait3A_178 = tpu.memref_slice %arg12[%add3A_126, %dma_wait3A_177] : memref<10240x128xf32, #tpu.memory_space<vmem_shared>> -> memref<32x128xf32, #tpu.memory_space<vmem_shared>>
      %dma_wait3A_179 = arith.constant 0 : i32
      %dma_wait3A_180 = tpu.memref_slice %arg12[%add3A_126, %dma_wait3A_179] : memref<10240x128xf32, #tpu.memory_space<vmem_shared>> -> memref<32x128xf32, #tpu.memory_space<vmem_shared>>
      tpu.wait_dma2 semaphore(%run_scoped3A : memref<!tpu.dma_semaphore, #tpu.memory_space<semaphore_mem>>) src(%arg11 : memref<32x128xf32, #tpu.memory_space<vmem>>) dst(%dma_wait3A_180 : memref<32x128xf32, #tpu.memory_space<vmem_shared>>)
      tpu.yield
    }) : () -> ()
    %add3A_127 = arith.constant 608 : i32
    %add3A_128 = arith.addi %mul3A_2, %add3A_127 : i32
    "tpu.region"() ({
      %run_scoped3A = tpu.sem_alloc : memref<!tpu.dma_semaphore, #tpu.memory_space<semaphore_mem>>
      %dma_start3A_173 = arith.constant 0 : i32
      %dma_start3A_174 = tpu.memref_slice %arg12[%add3A_128, %dma_start3A_173] : memref<10240x128xf32, #tpu.memory_space<vmem_shared>> -> memref<32x128xf32, #tpu.memory_space<vmem_shared>>
      %dma_start3A_175 = arith.constant 0 : i32
      %dma_start3A_176 = tpu.memref_slice %arg12[%add3A_128, %dma_start3A_175] : memref<10240x128xf32, #tpu.memory_space<vmem_shared>> -> memref<32x128xf32, #tpu.memory_space<vmem_shared>>
      tpu.enqueue_dma source(%arg11 : memref<32x128xf32, #tpu.memory_space<vmem>>) target(%dma_start3A_176 : memref<32x128xf32, #tpu.memory_space<vmem_shared>>) target_semaphore(%run_scoped3A : memref<!tpu.dma_semaphore, #tpu.memory_space<semaphore_mem>>)
      %dma_wait3A_177 = arith.constant 0 : i32
      %dma_wait3A_178 = tpu.memref_slice %arg12[%add3A_128, %dma_wait3A_177] : memref<10240x128xf32, #tpu.memory_space<vmem_shared>> -> memref<32x128xf32, #tpu.memory_space<vmem_shared>>
      %dma_wait3A_179 = arith.constant 0 : i32
      %dma_wait3A_180 = tpu.memref_slice %arg12[%add3A_128, %dma_wait3A_179] : memref<10240x128xf32, #tpu.memory_space<vmem_shared>> -> memref<32x128xf32, #tpu.memory_space<vmem_shared>>
      tpu.wait_dma2 semaphore(%run_scoped3A : memref<!tpu.dma_semaphore, #tpu.memory_space<semaphore_mem>>) src(%arg11 : memref<32x128xf32, #tpu.memory_space<vmem>>) dst(%dma_wait3A_180 : memref<32x128xf32, #tpu.memory_space<vmem_shared>>)
      tpu.yield
    }) : () -> ()
    %barrier3A_129 = arith.constant 0 : index
    tpu.barrier barrier_id(%barrier3A_129)
    %dma_start3A_130 = arith.constant 0 : i32
    %dma_start3A_131 = arith.constant 0 : i32
    %dma_start3A_132 = arith.constant 0 : i32
    %dma_start3A_133 = arith.constant 0 : i32
    %dma_start3A_134 = tpu.memref_slice %arg10[%dma_start3A_131, %dma_start3A_132, %dma_start3A_133] : memref<2x125x128xf32, #tpu.memory_space<vmem>> -> memref<1x125x128xf32, #tpu.memory_space<vmem>>
    %dma_start3A_135 = tpu.memref_squeeze %dma_start3A_134 : memref<1x125x128xf32, #tpu.memory_space<vmem>> -> memref<125x128xf32, #tpu.memory_space<vmem>>
    %dma_start3A_136 = arith.constant 0 : i32
    %dma_start3A_137 = tpu.memref_slice %arg8[%dma_start3A_130, %dma_start3A_136] : memref<40x125xi32, #tpu.memory_space<vmem>> -> memref<1x125xi32, #tpu.memory_space<vmem>>
    %dma_start3A_138 = tpu.memref_squeeze %dma_start3A_137 : memref<1x125xi32, #tpu.memory_space<vmem>> -> memref<125xi32, #tpu.memory_space<vmem>>
    %dma_start3A_139 = arith.constant 0 : i32
    %dma_start3A_140 = arith.constant 0 : i32
    %dma_start3A_141 = tpu.memref_slice %arg3[%dma_start3A_139, %dma_start3A_140] : memref<10000x128xf32, #tpu.memory_space<hbm>> -> memref<10000x128xf32, #tpu.memory_space<hbm>>
    tpu.enqueue_indirect_dma source(%dma_start3A_141 : memref<10000x128xf32, #tpu.memory_space<hbm>>) target(%dma_start3A_135 : memref<125x128xf32, #tpu.memory_space<vmem>>) offsets(%dma_start3A_138 : memref<125xi32, #tpu.memory_space<vmem>>) semaphore(%arg13 : memref<!tpu.dma_semaphore, #tpu.memory_space<semaphore_mem>>)
    %dma_start3A_142 = arith.constant 1 : i32
    %dma_start3A_143 = arith.constant 1 : i32
    %dma_start3A_144 = arith.constant 0 : i32
    %dma_start3A_145 = arith.constant 0 : i32
    %dma_start3A_146 = tpu.memref_slice %arg10[%dma_start3A_143, %dma_start3A_144, %dma_start3A_145] : memref<2x125x128xf32, #tpu.memory_space<vmem>> -> memref<1x125x128xf32, #tpu.memory_space<vmem>>
    %dma_start3A_147 = tpu.memref_squeeze %dma_start3A_146 : memref<1x125x128xf32, #tpu.memory_space<vmem>> -> memref<125x128xf32, #tpu.memory_space<vmem>>
    %dma_start3A_148 = arith.constant 0 : i32
    %dma_start3A_149 = tpu.memref_slice %arg8[%dma_start3A_142, %dma_start3A_148] : memref<40x125xi32, #tpu.memory_space<vmem>> -> memref<1x125xi32, #tpu.memory_space<vmem>>
    %dma_start3A_150 = tpu.memref_squeeze %dma_start3A_149 : memref<1x125xi32, #tpu.memory_space<vmem>> -> memref<125xi32, #tpu.memory_space<vmem>>
    %dma_start3A_151 = arith.constant 0 : i32
    %dma_start3A_152 = arith.constant 0 : i32
    %dma_start3A_153 = tpu.memref_slice %arg3[%dma_start3A_151, %dma_start3A_152] : memref<10000x128xf32, #tpu.memory_space<hbm>> -> memref<10000x128xf32, #tpu.memory_space<hbm>>
    tpu.enqueue_indirect_dma source(%dma_start3A_153 : memref<10000x128xf32, #tpu.memory_space<hbm>>) target(%dma_start3A_147 : memref<125x128xf32, #tpu.memory_space<vmem>>) offsets(%dma_start3A_150 : memref<125xi32, #tpu.memory_space<vmem>>) semaphore(%arg14 : memref<!tpu.dma_semaphore, #tpu.memory_space<semaphore_mem>>)
    %scan3A_154 = arith.constant 0 : i32
    %scan3A_155 = arith.constant 0 : i32
    %scan3A_156 = arith.constant 20 : i32
    %scan3A_157 = arith.addi %scan3A_155, %scan3A_156 : i32
    %scan3A_158 = arith.constant 1 : i32
    scf.for %scan3A_173 = %scan3A_155 to %scan3A_157 step %scan3A_158  : i32 {
      %mul3A_174 = arith.constant 2 : i32
      %mul3A_175 = arith.muli %scan3A_173, %mul3A_174 : i32
      %add3A_176 = arith.constant 0 : i32
      %add3A_177 = arith.addi %mul3A_175, %add3A_176 : i32
      %dma_wait3A_178 = arith.constant 0 : i32
      %dma_wait3A_179 = arith.constant 0 : i32
      %dma_wait3A_180 = arith.constant 0 : i32
      %dma_wait3A_181 = tpu.memref_slice %arg10[%dma_wait3A_178, %dma_wait3A_179, %dma_wait3A_180] : memref<2x125x128xf32, #tpu.memory_space<vmem>> -> memref<1x125x128xf32, #tpu.memory_space<vmem>>
      %dma_wait3A_182 = tpu.memref_squeeze %dma_wait3A_181 : memref<1x125x128xf32, #tpu.memory_space<vmem>> -> memref<125x128xf32, #tpu.memory_space<vmem>>
      %dma_wait3A_183 = arith.constant 0 : i32
      %dma_wait3A_184 = tpu.memref_slice %arg8[%add3A_177, %dma_wait3A_183] : memref<40x125xi32, #tpu.memory_space<vmem>> -> memref<1x125xi32, #tpu.memory_space<vmem>>
      %dma_wait3A_185 = tpu.memref_squeeze %dma_wait3A_184 : memref<1x125xi32, #tpu.memory_space<vmem>> -> memref<125xi32, #tpu.memory_space<vmem>>
      %dma_wait3A_186 = arith.constant 0 : i32
      %dma_wait3A_187 = arith.constant 0 : i32
      %dma_wait3A_188 = tpu.memref_slice %arg3[%dma_wait3A_186, %dma_wait3A_187] : memref<10000x128xf32, #tpu.memory_space<hbm>> -> memref<10000x128xf32, #tpu.memory_space<hbm>>
      tpu.wait_indirect_dma semaphore(%arg13 : memref<!tpu.dma_semaphore, #tpu.memory_space<semaphore_mem>>) src(%dma_wait3A_188 : memref<10000x128xf32, #tpu.memory_space<hbm>>) dst(%dma_wait3A_182 : memref<125x128xf32, #tpu.memory_space<vmem>>)
      %ge3A = arith.constant 1 : i32
      %ge3A_189 = arith.cmpi sge, %add3A_177, %ge3A : i32
      %convert_element_type3A = arith.extui %ge3A_189 : i1 to i32
      %cond3A = arith.constant 0 : i32
      %cond3A_190 = arith.cmpi ne, %convert_element_type3A, %cond3A : i32
      scf.if %cond3A_190 {
        %sub3A = arith.constant 1 : i32
        %sub3A_251 = arith.subi %add3A_177, %sub3A : i32
        %dma_wait3A_252 = arith.constant 1 : i32
        %dma_wait3A_253 = arith.constant 0 : i32
        %dma_wait3A_254 = arith.constant 0 : i32
        %dma_wait3A_255 = tpu.memref_slice %arg10[%dma_wait3A_252, %dma_wait3A_253, %dma_wait3A_254] : memref<2x125x128xf32, #tpu.memory_space<vmem>> -> memref<1x125x128xf32, #tpu.memory_space<vmem>>
        %dma_wait3A_256 = tpu.memref_squeeze %dma_wait3A_255 : memref<1x125x128xf32, #tpu.memory_space<vmem>> -> memref<125x128xf32, #tpu.memory_space<vmem>>
        %dma_wait3A_257 = arith.constant 0 : i32
        %dma_wait3A_258 = tpu.memref_slice %arg9[%sub3A_251, %dma_wait3A_257] : memref<40x125xi32, #tpu.memory_space<vmem>> -> memref<1x125xi32, #tpu.memory_space<vmem>>
        %dma_wait3A_259 = tpu.memref_squeeze %dma_wait3A_258 : memref<1x125xi32, #tpu.memory_space<vmem>> -> memref<125xi32, #tpu.memory_space<vmem>>
        %dma_wait3A_260 = arith.constant 0 : i32
        %dma_wait3A_261 = arith.constant 0 : i32
        %dma_wait3A_262 = tpu.memref_slice %arg12[%dma_wait3A_260, %dma_wait3A_261] : memref<10240x128xf32, #tpu.memory_space<vmem_shared>> -> memref<10240x128xf32, #tpu.memory_space<vmem_shared>>
        tpu.wait_indirect_dma semaphore(%arg16 : memref<!tpu.dma_semaphore, #tpu.memory_space<semaphore_mem>>) src(%dma_wait3A_256 : memref<125x128xf32, #tpu.memory_space<vmem>>) dst(%dma_wait3A_262 : memref<10240x128xf32, #tpu.memory_space<vmem_shared>>)
      } else {
      }
      %dma_start3A_191 = arith.constant 0 : i32
      %dma_start3A_192 = arith.constant 0 : i32
      %dma_start3A_193 = arith.constant 0 : i32
      %dma_start3A_194 = tpu.memref_slice %arg10[%dma_start3A_191, %dma_start3A_192, %dma_start3A_193] : memref<2x125x128xf32, #tpu.memory_space<vmem>> -> memref<1x125x128xf32, #tpu.memory_space<vmem>>
      %dma_start3A_195 = tpu.memref_squeeze %dma_start3A_194 : memref<1x125x128xf32, #tpu.memory_space<vmem>> -> memref<125x128xf32, #tpu.memory_space<vmem>>
      %dma_start3A_196 = arith.constant 0 : i32
      %dma_start3A_197 = tpu.memref_slice %arg9[%add3A_177, %dma_start3A_196] : memref<40x125xi32, #tpu.memory_space<vmem>> -> memref<1x125xi32, #tpu.memory_space<vmem>>
      %dma_start3A_198 = tpu.memref_squeeze %dma_start3A_197 : memref<1x125xi32, #tpu.memory_space<vmem>> -> memref<125xi32, #tpu.memory_space<vmem>>
      %dma_start3A_199 = arith.constant 0 : i32
      %dma_start3A_200 = arith.constant 0 : i32
      %dma_start3A_201 = tpu.memref_slice %arg12[%dma_start3A_199, %dma_start3A_200] : memref<10240x128xf32, #tpu.memory_space<vmem_shared>> -> memref<10240x128xf32, #tpu.memory_space<vmem_shared>>
      tpu.enqueue_indirect_dma source(%dma_start3A_195 : memref<125x128xf32, #tpu.memory_space<vmem>>) target(%dma_start3A_201 : memref<10240x128xf32, #tpu.memory_space<vmem_shared>>) offsets(%dma_start3A_198 : memref<125xi32, #tpu.memory_space<vmem>>) semaphore(%arg15 : memref<!tpu.dma_semaphore, #tpu.memory_space<semaphore_mem>>) {add = true}
      %ge3A_202 = arith.constant 1 : i32
      %ge3A_203 = arith.cmpi sge, %add3A_177, %ge3A_202 : i32
      %add3A_204 = arith.constant 1 : i32
      %add3A_205 = arith.addi %add3A_177, %add3A_204 : i32
      %lt3A = arith.constant 40 : i32
      %lt3A_206 = arith.cmpi slt, %add3A_205, %lt3A : i32
      %and3A = arith.andi %ge3A_203, %lt3A_206 : i1
      %convert_element_type3A_207 = arith.extui %and3A : i1 to i32
      %cond3A_208 = arith.constant 0 : i32
      %cond3A_209 = arith.cmpi ne, %convert_element_type3A_207, %cond3A_208 : i32
      scf.if %cond3A_209 {
        %add3A_251 = arith.constant 1 : i32
        %add3A_252 = arith.addi %add3A_177, %add3A_251 : i32
        %dma_start3A_253 = arith.constant 1 : i32
        %dma_start3A_254 = arith.constant 0 : i32
        %dma_start3A_255 = arith.constant 0 : i32
        %dma_start3A_256 = tpu.memref_slice %arg10[%dma_start3A_253, %dma_start3A_254, %dma_start3A_255] : memref<2x125x128xf32, #tpu.memory_space<vmem>> -> memref<1x125x128xf32, #tpu.memory_space<vmem>>
        %dma_start3A_257 = tpu.memref_squeeze %dma_start3A_256 : memref<1x125x128xf32, #tpu.memory_space<vmem>> -> memref<125x128xf32, #tpu.memory_space<vmem>>
        %dma_start3A_258 = arith.constant 0 : i32
        %dma_start3A_259 = tpu.memref_slice %arg8[%add3A_252, %dma_start3A_258] : memref<40x125xi32, #tpu.memory_space<vmem>> -> memref<1x125xi32, #tpu.memory_space<vmem>>
        %dma_start3A_260 = tpu.memref_squeeze %dma_start3A_259 : memref<1x125xi32, #tpu.memory_space<vmem>> -> memref<125xi32, #tpu.memory_space<vmem>>
        %dma_start3A_261 = arith.constant 0 : i32
        %dma_start3A_262 = arith.constant 0 : i32
        %dma_start3A_263 = tpu.memref_slice %arg3[%dma_start3A_261, %dma_start3A_262] : memref<10000x128xf32, #tpu.memory_space<hbm>> -> memref<10000x128xf32, #tpu.memory_space<hbm>>
        tpu.enqueue_indirect_dma source(%dma_start3A_263 : memref<10000x128xf32, #tpu.memory_space<hbm>>) target(%dma_start3A_257 : memref<125x128xf32, #tpu.memory_space<vmem>>) offsets(%dma_start3A_260 : memref<125xi32, #tpu.memory_space<vmem>>) semaphore(%arg14 : memref<!tpu.dma_semaphore, #tpu.memory_space<semaphore_mem>>)
      } else {
      }
      %mul3A_210 = arith.constant 2 : i32
      %mul3A_211 = arith.muli %scan3A_173, %mul3A_210 : i32
      %add3A_212 = arith.constant 1 : i32
      %add3A_213 = arith.addi %mul3A_211, %add3A_212 : i32
      %dma_wait3A_214 = arith.constant 1 : i32
      %dma_wait3A_215 = arith.constant 0 : i32
      %dma_wait3A_216 = arith.constant 0 : i32
      %dma_wait3A_217 = tpu.memref_slice %arg10[%dma_wait3A_214, %dma_wait3A_215, %dma_wait3A_216] : memref<2x125x128xf32, #tpu.memory_space<vmem>> -> memref<1x125x128xf32, #tpu.memory_space<vmem>>
      %dma_wait3A_218 = tpu.memref_squeeze %dma_wait3A_217 : memref<1x125x128xf32, #tpu.memory_space<vmem>> -> memref<125x128xf32, #tpu.memory_space<vmem>>
      %dma_wait3A_219 = arith.constant 0 : i32
      %dma_wait3A_220 = tpu.memref_slice %arg8[%add3A_213, %dma_wait3A_219] : memref<40x125xi32, #tpu.memory_space<vmem>> -> memref<1x125xi32, #tpu.memory_space<vmem>>
      %dma_wait3A_221 = tpu.memref_squeeze %dma_wait3A_220 : memref<1x125xi32, #tpu.memory_space<vmem>> -> memref<125xi32, #tpu.memory_space<vmem>>
      %dma_wait3A_222 = arith.constant 0 : i32
      %dma_wait3A_223 = arith.constant 0 : i32
      %dma_wait3A_224 = tpu.memref_slice %arg3[%dma_wait3A_222, %dma_wait3A_223] : memref<10000x128xf32, #tpu.memory_space<hbm>> -> memref<10000x128xf32, #tpu.memory_space<hbm>>
      tpu.wait_indirect_dma semaphore(%arg14 : memref<!tpu.dma_semaphore, #tpu.memory_space<semaphore_mem>>) src(%dma_wait3A_224 : memref<10000x128xf32, #tpu.memory_space<hbm>>) dst(%dma_wait3A_218 : memref<125x128xf32, #tpu.memory_space<vmem>>)
      %ge3A_225 = arith.constant 1 : i32
      %ge3A_226 = arith.cmpi sge, %add3A_213, %ge3A_225 : i32
      %convert_element_type3A_227 = arith.extui %ge3A_226 : i1 to i32
      %cond3A_228 = arith.constant 0 : i32
      %cond3A_229 = arith.cmpi ne, %convert_element_type3A_227, %cond3A_228 : i32
      scf.if %cond3A_229 {
        %sub3A = arith.constant 1 : i32
        %sub3A_251 = arith.subi %add3A_213, %sub3A : i32
        %dma_wait3A_252 = arith.constant 0 : i32
        %dma_wait3A_253 = arith.constant 0 : i32
        %dma_wait3A_254 = arith.constant 0 : i32
        %dma_wait3A_255 = tpu.memref_slice %arg10[%dma_wait3A_252, %dma_wait3A_253, %dma_wait3A_254] : memref<2x125x128xf32, #tpu.memory_space<vmem>> -> memref<1x125x128xf32, #tpu.memory_space<vmem>>
        %dma_wait3A_256 = tpu.memref_squeeze %dma_wait3A_255 : memref<1x125x128xf32, #tpu.memory_space<vmem>> -> memref<125x128xf32, #tpu.memory_space<vmem>>
        %dma_wait3A_257 = arith.constant 0 : i32
        %dma_wait3A_258 = tpu.memref_slice %arg9[%sub3A_251, %dma_wait3A_257] : memref<40x125xi32, #tpu.memory_space<vmem>> -> memref<1x125xi32, #tpu.memory_space<vmem>>
        %dma_wait3A_259 = tpu.memref_squeeze %dma_wait3A_258 : memref<1x125xi32, #tpu.memory_space<vmem>> -> memref<125xi32, #tpu.memory_space<vmem>>
        %dma_wait3A_260 = arith.constant 0 : i32
        %dma_wait3A_261 = arith.constant 0 : i32
        %dma_wait3A_262 = tpu.memref_slice %arg12[%dma_wait3A_260, %dma_wait3A_261] : memref<10240x128xf32, #tpu.memory_space<vmem_shared>> -> memref<10240x128xf32, #tpu.memory_space<vmem_shared>>
        tpu.wait_indirect_dma semaphore(%arg15 : memref<!tpu.dma_semaphore, #tpu.memory_space<semaphore_mem>>) src(%dma_wait3A_256 : memref<125x128xf32, #tpu.memory_space<vmem>>) dst(%dma_wait3A_262 : memref<10240x128xf32, #tpu.memory_space<vmem_shared>>)
      } else {
      }
      %dma_start3A_230 = arith.constant 1 : i32
      %dma_start3A_231 = arith.constant 0 : i32
      %dma_start3A_232 = arith.constant 0 : i32
      %dma_start3A_233 = tpu.memref_slice %arg10[%dma_start3A_230, %dma_start3A_231, %dma_start3A_232] : memref<2x125x128xf32, #tpu.memory_space<vmem>> -> memref<1x125x128xf32, #tpu.memory_space<vmem>>
      %dma_start3A_234 = tpu.memref_squeeze %dma_start3A_233 : memref<1x125x128xf32, #tpu.memory_space<vmem>> -> memref<125x128xf32, #tpu.memory_space<vmem>>
      %dma_start3A_235 = arith.constant 0 : i32
      %dma_start3A_236 = tpu.memref_slice %arg9[%add3A_213, %dma_start3A_235] : memref<40x125xi32, #tpu.memory_space<vmem>> -> memref<1x125xi32, #tpu.memory_space<vmem>>
      %dma_start3A_237 = tpu.memref_squeeze %dma_start3A_236 : memref<1x125xi32, #tpu.memory_space<vmem>> -> memref<125xi32, #tpu.memory_space<vmem>>
      %dma_start3A_238 = arith.constant 0 : i32
      %dma_start3A_239 = arith.constant 0 : i32
      %dma_start3A_240 = tpu.memref_slice %arg12[%dma_start3A_238, %dma_start3A_239] : memref<10240x128xf32, #tpu.memory_space<vmem_shared>> -> memref<10240x128xf32, #tpu.memory_space<vmem_shared>>
      tpu.enqueue_indirect_dma source(%dma_start3A_234 : memref<125x128xf32, #tpu.memory_space<vmem>>) target(%dma_start3A_240 : memref<10240x128xf32, #tpu.memory_space<vmem_shared>>) offsets(%dma_start3A_237 : memref<125xi32, #tpu.memory_space<vmem>>) semaphore(%arg16 : memref<!tpu.dma_semaphore, #tpu.memory_space<semaphore_mem>>) {add = true}
      %ge3A_241 = arith.constant 1 : i32
      %ge3A_242 = arith.cmpi sge, %add3A_213, %ge3A_241 : i32
      %add3A_243 = arith.constant 1 : i32
      %add3A_244 = arith.addi %add3A_213, %add3A_243 : i32
      %lt3A_245 = arith.constant 40 : i32
      %lt3A_246 = arith.cmpi slt, %add3A_244, %lt3A_245 : i32
      %and3A_247 = arith.andi %ge3A_242, %lt3A_246 : i1
      %convert_element_type3A_248 = arith.extui %and3A_247 : i1 to i32
      %cond3A_249 = arith.constant 0 : i32
      %cond3A_250 = arith.cmpi ne, %convert_element_type3A_248, %cond3A_249 : i32
      scf.if %cond3A_250 {
        %add3A_251 = arith.constant 1 : i32
        %add3A_252 = arith.addi %add3A_213, %add3A_251 : i32
        %dma_start3A_253 = arith.constant 0 : i32
        %dma_start3A_254 = arith.constant 0 : i32
        %dma_start3A_255 = arith.constant 0 : i32
        %dma_start3A_256 = tpu.memref_slice %arg10[%dma_start3A_253, %dma_start3A_254, %dma_start3A_255] : memref<2x125x128xf32, #tpu.memory_space<vmem>> -> memref<1x125x128xf32, #tpu.memory_space<vmem>>
        %dma_start3A_257 = tpu.memref_squeeze %dma_start3A_256 : memref<1x125x128xf32, #tpu.memory_space<vmem>> -> memref<125x128xf32, #tpu.memory_space<vmem>>
        %dma_start3A_258 = arith.constant 0 : i32
        %dma_start3A_259 = tpu.memref_slice %arg8[%add3A_252, %dma_start3A_258] : memref<40x125xi32, #tpu.memory_space<vmem>> -> memref<1x125xi32, #tpu.memory_space<vmem>>
        %dma_start3A_260 = tpu.memref_squeeze %dma_start3A_259 : memref<1x125xi32, #tpu.memory_space<vmem>> -> memref<125xi32, #tpu.memory_space<vmem>>
        %dma_start3A_261 = arith.constant 0 : i32
        %dma_start3A_262 = arith.constant 0 : i32
        %dma_start3A_263 = tpu.memref_slice %arg3[%dma_start3A_261, %dma_start3A_262] : memref<10000x128xf32, #tpu.memory_space<hbm>> -> memref<10000x128xf32, #tpu.memory_space<hbm>>
        tpu.enqueue_indirect_dma source(%dma_start3A_263 : memref<10000x128xf32, #tpu.memory_space<hbm>>) target(%dma_start3A_257 : memref<125x128xf32, #tpu.memory_space<vmem>>) offsets(%dma_start3A_260 : memref<125xi32, #tpu.memory_space<vmem>>) semaphore(%arg13 : memref<!tpu.dma_semaphore, #tpu.memory_space<semaphore_mem>>)
      } else {
      }
    }
    %scan3A_159 = arith.constant 20 : i32
    %dma_wait3A_160 = arith.constant 1 : i32
    %dma_wait3A_161 = arith.constant 39 : i32
    %dma_wait3A_162 = arith.constant 0 : i32
    %dma_wait3A_163 = arith.constant 0 : i32
    %dma_wait3A_164 = tpu.memref_slice %arg10[%dma_wait3A_160, %dma_wait3A_162, %dma_wait3A_163] : memref<2x125x128xf32, #tpu.memory_space<vmem>> -> memref<1x125x128xf32, #tpu.memory_space<vmem>>
    %dma_wait3A_165 = tpu.memref_squeeze %dma_wait3A_164 : memref<1x125x128xf32, #tpu.memory_space<vmem>> -> memref<125x128xf32, #tpu.memory_space<vmem>>
    %dma_wait3A_166 = arith.constant 0 : i32
    %dma_wait3A_167 = tpu.memref_slice %arg9[%dma_wait3A_161, %dma_wait3A_166] : memref<40x125xi32, #tpu.memory_space<vmem>> -> memref<1x125xi32, #tpu.memory_space<vmem>>
    %dma_wait3A_168 = tpu.memref_squeeze %dma_wait3A_167 : memref<1x125xi32, #tpu.memory_space<vmem>> -> memref<125xi32, #tpu.memory_space<vmem>>
    %dma_wait3A_169 = arith.constant 0 : i32
    %dma_wait3A_170 = arith.constant 0 : i32
    %dma_wait3A_171 = tpu.memref_slice %arg12[%dma_wait3A_169, %dma_wait3A_170] : memref<10240x128xf32, #tpu.memory_space<vmem_shared>> -> memref<10240x128xf32, #tpu.memory_space<vmem_shared>>
    tpu.wait_indirect_dma semaphore(%arg16 : memref<!tpu.dma_semaphore, #tpu.memory_space<semaphore_mem>>) src(%dma_wait3A_165 : memref<125x128xf32, #tpu.memory_space<vmem>>) dst(%dma_wait3A_171 : memref<10240x128xf32, #tpu.memory_space<vmem_shared>>)
    %barrier3A_172 = arith.constant 0 : index
    tpu.barrier barrier_id(%barrier3A_172)
    "tpu.region"() ({
      %run_scoped3A = tpu.sem_alloc : memref<!tpu.dma_semaphore, #tpu.memory_space<semaphore_mem>>
      %dma_start3A_173 = arith.constant 0 : i32
      %dma_start3A_174 = tpu.memref_slice %arg7[%arg0, %mul3A_2, %dma_start3A_173] : memref<2x10240x128xf32, #tpu.memory_space<hbm>> -> memref<1x640x128xf32, #tpu.memory_space<hbm>>
      %dma_start3A_175 = tpu.memref_squeeze %dma_start3A_174 : memref<1x640x128xf32, #tpu.memory_space<hbm>> -> memref<640x128xf32, #tpu.memory_space<hbm>>
      %dma_start3A_176 = arith.constant 0 : i32
      %dma_start3A_177 = tpu.memref_slice %arg12[%mul3A_2, %dma_start3A_176] : memref<10240x128xf32, #tpu.memory_space<vmem_shared>> -> memref<640x128xf32, #tpu.memory_space<vmem_shared>>
      tpu.enqueue_dma source(%dma_start3A_177 : memref<640x128xf32, #tpu.memory_space<vmem_shared>>) target(%dma_start3A_175 : memref<640x128xf32, #tpu.memory_space<hbm>>) target_semaphore(%run_scoped3A : memref<!tpu.dma_semaphore, #tpu.memory_space<semaphore_mem>>)
      %dma_wait3A_178 = arith.constant 0 : i32
      %dma_wait3A_179 = tpu.memref_slice %arg7[%arg0, %mul3A_2, %dma_wait3A_178] : memref<2x10240x128xf32, #tpu.memory_space<hbm>> -> memref<1x640x128xf32, #tpu.memory_space<hbm>>
      %dma_wait3A_180 = tpu.memref_squeeze %dma_wait3A_179 : memref<1x640x128xf32, #tpu.memory_space<hbm>> -> memref<640x128xf32, #tpu.memory_space<hbm>>
      %dma_wait3A_181 = arith.constant 0 : i32
      %dma_wait3A_182 = tpu.memref_slice %arg12[%mul3A_2, %dma_wait3A_181] : memref<10240x128xf32, #tpu.memory_space<vmem_shared>> -> memref<640x128xf32, #tpu.memory_space<vmem_shared>>
      tpu.wait_dma2 semaphore(%run_scoped3A : memref<!tpu.dma_semaphore, #tpu.memory_space<semaphore_mem>>) src(%dma_wait3A_182 : memref<640x128xf32, #tpu.memory_space<vmem_shared>>) dst(%dma_wait3A_180 : memref<640x128xf32, #tpu.memory_space<hbm>>)
      tpu.yield
    }) : () -> ()
    return
  }
}

#map = affine_map<(d0, d1) -> (0, 0)>
#map1 = affine_map<(d0, d1) -> (0, 0, 0)>
module attributes {stable_mosaic.version = 14 : i64} {
  func.func @agg_kernel(%arg0: i32, %arg1: i32, %arg2: memref<10000x128xf32, #tpu.memory_space<hbm>>, %arg3: memref<10000x128xf32, #tpu.memory_space<hbm>>, %arg4: memref<32x40x125xi32, #tpu.memory_space<hbm>>, %arg5: memref<32x40x125xi32, #tpu.memory_space<hbm>>, %arg6: memref<2x10240x128xf32, #tpu.memory_space<hbm>>, %arg7: memref<2x10240x128xf32, #tpu.memory_space<hbm>>, %arg8: memref<40x125xi32, #tpu.memory_space<vmem>>, %arg9: memref<40x125xi32, #tpu.memory_space<vmem>>, %arg10: memref<2x125x128xf32, #tpu.memory_space<vmem>>, %arg11: memref<32x128xf32, #tpu.memory_space<vmem>>, %arg12: memref<10240x128xf32, #tpu.memory_space<vmem_shared>>, %arg13: memref<!tpu.dma_semaphore, #tpu.memory_space<semaphore_mem>>, %arg14: memref<!tpu.dma_semaphore, #tpu.memory_space<semaphore_mem>>, %arg15: memref<!tpu.dma_semaphore, #tpu.memory_space<semaphore_mem>>, %arg16: memref<!tpu.dma_semaphore, #tpu.memory_space<semaphore_mem>>) attributes {dimension_semantics = [#tpu.dimension_semantics<core_parallel>, #tpu.dimension_semantics<subcore_parallel>], iteration_bounds = array<i64: 2, 16>, scalar_prefetch = 0 : i64, scratch_operands = 9 : i64, tpu.core_type = #tpu.core_type<sc_vector_subcore>, window_params = [{transform_indices = #map}, {transform_indices = #map}, {transform_indices = #map1}, {transform_indices = #map1}, {transform_indices = #map1}, {transform_indices = #map1}]} {
    %mul3A = arith.constant 16 : i32
    %mul3A_0 = arith.muli %arg0, %mul3A : i32
    %add3A = arith.addi %mul3A_0, %arg1 : i32
    %mul3A_1 = arith.constant 640 : i32
    %mul3A_2 = arith.muli %arg1, %mul3A_1 : i32
    "tpu.region"() ({
      %run_scoped3A = tpu.sem_alloc : memref<!tpu.dma_semaphore, #tpu.memory_space<semaphore_mem>>
      %dma_start3A_173 = arith.constant 0 : i32
      %dma_start3A_174 = arith.constant 0 : i32
      %dma_start3A_175 = tpu.memref_slice %arg4[%add3A, %dma_start3A_173, %dma_start3A_174] : memref<32x40x125xi32, #tpu.memory_space<hbm>> -> memref<1x40x125xi32, #tpu.memory_space<hbm>>
      %dma_start3A_176 = tpu.memref_squeeze %dma_start3A_175 : memref<1x40x125xi32, #tpu.memory_space<hbm>> -> memref<40x125xi32, #tpu.memory_space<hbm>>
      %dma_start3A_177 = arith.constant 0 : i32
      %dma_start3A_178 = arith.constant 0 : i32
      %dma_start3A_179 = tpu.memref_slice %arg4[%add3A, %dma_start3A_177, %dma_start3A_178] : memref<32x40x125xi32, #tpu.memory_space<hbm>> -> memref<1x40x125xi32, #tpu.memory_space<hbm>>
      %dma_start3A_180 = tpu.memref_squeeze %dma_start3A_179 : memref<1x40x125xi32, #tpu.memory_space<hbm>> -> memref<40x125xi32, #tpu.memory_space<hbm>>
      tpu.enqueue_dma source(%dma_start3A_180 : memref<40x125xi32, #tpu.memory_space<hbm>>) target(%arg8 : memref<40x125xi32, #tpu.memory_space<vmem>>) target_semaphore(%run_scoped3A : memref<!tpu.dma_semaphore, #tpu.memory_space<semaphore_mem>>)
      %dma_wait3A_181 = arith.constant 0 : i32
      %dma_wait3A_182 = arith.constant 0 : i32
      %dma_wait3A_183 = tpu.memref_slice %arg4[%add3A, %dma_wait3A_181, %dma_wait3A_182] : memref<32x40x125xi32, #tpu.memory_space<hbm>> -> memref<1x40x125xi32, #tpu.memory_space<hbm>>
      %dma_wait3A_184 = tpu.memref_squeeze %dma_wait3A_183 : memref<1x40x125xi32, #tpu.memory_space<hbm>> -> memref<40x125xi32, #tpu.memory_space<hbm>>
      %dma_wait3A_185 = arith.constant 0 : i32
      %dma_wait3A_186 = arith.constant 0 : i32
      %dma_wait3A_187 = tpu.memref_slice %arg4[%add3A, %dma_wait3A_185, %dma_wait3A_186] : memref<32x40x125xi32, #tpu.memory_space<hbm>> -> memref<1x40x125xi32, #tpu.memory_space<hbm>>
      %dma_wait3A_188 = tpu.memref_squeeze %dma_wait3A_187 : memref<1x40x125xi32, #tpu.memory_space<hbm>> -> memref<40x125xi32, #tpu.memory_space<hbm>>
      tpu.wait_dma2 semaphore(%run_scoped3A : memref<!tpu.dma_semaphore, #tpu.memory_space<semaphore_mem>>) src(%dma_wait3A_188 : memref<40x125xi32, #tpu.memory_space<hbm>>) dst(%arg8 : memref<40x125xi32, #tpu.memory_space<vmem>>)
      tpu.yield
    }) : () -> ()
    "tpu.region"() ({
      %run_scoped3A = tpu.sem_alloc : memref<!tpu.dma_semaphore, #tpu.memory_space<semaphore_mem>>
      %dma_start3A_173 = arith.constant 0 : i32
      %dma_start3A_174 = arith.constant 0 : i32
      %dma_start3A_175 = tpu.memref_slice %arg5[%add3A, %dma_start3A_173, %dma_start3A_174] : memref<32x40x125xi32, #tpu.memory_space<hbm>> -> memref<1x40x125xi32, #tpu.memory_space<hbm>>
      %dma_start3A_176 = tpu.memref_squeeze %dma_start3A_175 : memref<1x40x125xi32, #tpu.memory_space<hbm>> -> memref<40x125xi32, #tpu.memory_space<hbm>>
      %dma_start3A_177 = arith.constant 0 : i32
      %dma_start3A_178 = arith.constant 0 : i32
      %dma_start3A_179 = tpu.memref_slice %arg5[%add3A, %dma_start3A_177, %dma_start3A_178] : memref<32x40x125xi32, #tpu.memory_space<hbm>> -> memref<1x40x125xi32, #tpu.memory_space<hbm>>
      %dma_start3A_180 = tpu.memref_squeeze %dma_start3A_179 : memref<1x40x125xi32, #tpu.memory_space<hbm>> -> memref<40x125xi32, #tpu.memory_space<hbm>>
      tpu.enqueue_dma source(%dma_start3A_180 : memref<40x125xi32, #tpu.memory_space<hbm>>) target(%arg9 : memref<40x125xi32, #tpu.memory_space<vmem>>) target_semaphore(%run_scoped3A : memref<!tpu.dma_semaphore, #tpu.memory_space<semaphore_mem>>)
      %dma_wait3A_181 = arith.constant 0 : i32
      %dma_wait3A_182 = arith.constant 0 : i32
      %dma_wait3A_183 = tpu.memref_slice %arg5[%add3A, %dma_wait3A_181, %dma_wait3A_182] : memref<32x40x125xi32, #tpu.memory_space<hbm>> -> memref<1x40x125xi32, #tpu.memory_space<hbm>>
      %dma_wait3A_184 = tpu.memref_squeeze %dma_wait3A_183 : memref<1x40x125xi32, #tpu.memory_space<hbm>> -> memref<40x125xi32, #tpu.memory_space<hbm>>
      %dma_wait3A_185 = arith.constant 0 : i32
      %dma_wait3A_186 = arith.constant 0 : i32
      %dma_wait3A_187 = tpu.memref_slice %arg5[%add3A, %dma_wait3A_185, %dma_wait3A_186] : memref<32x40x125xi32, #tpu.memory_space<hbm>> -> memref<1x40x125xi32, #tpu.memory_space<hbm>>
      %dma_wait3A_188 = tpu.memref_squeeze %dma_wait3A_187 : memref<1x40x125xi32, #tpu.memory_space<hbm>> -> memref<40x125xi32, #tpu.memory_space<hbm>>
      tpu.wait_dma2 semaphore(%run_scoped3A : memref<!tpu.dma_semaphore, #tpu.memory_space<semaphore_mem>>) src(%dma_wait3A_188 : memref<40x125xi32, #tpu.memory_space<hbm>>) dst(%arg9 : memref<40x125xi32, #tpu.memory_space<vmem>>)
      tpu.yield
    }) : () -> ()
    %scan3A = arith.constant 0 : i32
    %scan3A_3 = arith.constant 0 : i32
    %scan3A_4 = arith.constant 32 : i32
    %scan3A_5 = arith.addi %scan3A_3, %scan3A_4 : i32
    %scan3A_6 = arith.constant 1 : i32
    scf.for %scan3A_173 = %scan3A_3 to %scan3A_5 step %scan3A_6  : i32 {
      %broadcast_in_dim3A = arith.constant 0.000000e+00 : f32
      %broadcast_in_dim3A_174 = vector.broadcast %broadcast_in_dim3A : f32 to vector<16xf32>
      %swap3A = arith.index_cast %scan3A_173 : i32 to index
      %swap3A_175 = arith.constant 0 : index
      %swap3A_176 = tpu.vector_load %arg11[%swap3A, %swap3A_175] {strides = array<i32>} : memref<32x128xf32, #tpu.memory_space<vmem>>, vector<1x16xf32>,
      %swap3A_177 = vector.shape_cast %swap3A_176 : vector<1x16xf32> to vector<16xf32>
      %swap3A_178 = vector.shape_cast %broadcast_in_dim3A_174 : vector<16xf32> to vector<1x16xf32>
      tpu.vector_store %arg11[%swap3A, %swap3A_175], %swap3A_178 {strides = array<i32>} : memref<32x128xf32, #tpu.memory_space<vmem>>, vector<1x16xf32>,
      %broadcast_in_dim3A_179 = arith.constant 0.000000e+00 : f32
      %broadcast_in_dim3A_180 = vector.broadcast %broadcast_in_dim3A_179 : f32 to vector<16xf32>
      %swap3A_181 = arith.index_cast %scan3A_173 : i32 to index
      %swap3A_182 = arith.constant 16 : index
      %swap3A_183 = tpu.vector_load %arg11[%swap3A_181, %swap3A_182] {strides = array<i32>} : memref<32x128xf32, #tpu.memory_space<vmem>>, vector<1x16xf32>,
      %swap3A_184 = vector.shape_cast %swap3A_183 : vector<1x16xf32> to vector<16xf32>
      %swap3A_185 = vector.shape_cast %broadcast_in_dim3A_180 : vector<16xf32> to vector<1x16xf32>
      tpu.vector_store %arg11[%swap3A_181, %swap3A_182], %swap3A_185 {strides = array<i32>} : memref<32x128xf32, #tpu.memory_space<vmem>>, vector<1x16xf32>,
      %broadcast_in_dim3A_186 = arith.constant 0.000000e+00 : f32
      %broadcast_in_dim3A_187 = vector.broadcast %broadcast_in_dim3A_186 : f32 to vector<16xf32>
      %swap3A_188 = arith.index_cast %scan3A_173 : i32 to index
      %swap3A_189 = arith.constant 32 : index
      %swap3A_190 = tpu.vector_load %arg11[%swap3A_188, %swap3A_189] {strides = array<i32>} : memref<32x128xf32, #tpu.memory_space<vmem>>, vector<1x16xf32>,
      %swap3A_191 = vector.shape_cast %swap3A_190 : vector<1x16xf32> to vector<16xf32>
      %swap3A_192 = vector.shape_cast %broadcast_in_dim3A_187 : vector<16xf32> to vector<1x16xf32>
      tpu.vector_store %arg11[%swap3A_188, %swap3A_189], %swap3A_192 {strides = array<i32>} : memref<32x128xf32, #tpu.memory_space<vmem>>, vector<1x16xf32>,
      %broadcast_in_dim3A_193 = arith.constant 0.000000e+00 : f32
      %broadcast_in_dim3A_194 = vector.broadcast %broadcast_in_dim3A_193 : f32 to vector<16xf32>
      %swap3A_195 = arith.index_cast %scan3A_173 : i32 to index
      %swap3A_196 = arith.constant 48 : index
      %swap3A_197 = tpu.vector_load %arg11[%swap3A_195, %swap3A_196] {strides = array<i32>} : memref<32x128xf32, #tpu.memory_space<vmem>>, vector<1x16xf32>,
      %swap3A_198 = vector.shape_cast %swap3A_197 : vector<1x16xf32> to vector<16xf32>
      %swap3A_199 = vector.shape_cast %broadcast_in_dim3A_194 : vector<16xf32> to vector<1x16xf32>
      tpu.vector_store %arg11[%swap3A_195, %swap3A_196], %swap3A_199 {strides = array<i32>} : memref<32x128xf32, #tpu.memory_space<vmem>>, vector<1x16xf32>,
      %broadcast_in_dim3A_200 = arith.constant 0.000000e+00 : f32
      %broadcast_in_dim3A_201 = vector.broadcast %broadcast_in_dim3A_200 : f32 to vector<16xf32>
      %swap3A_202 = arith.index_cast %scan3A_173 : i32 to index
      %swap3A_203 = arith.constant 64 : index
      %swap3A_204 = tpu.vector_load %arg11[%swap3A_202, %swap3A_203] {strides = array<i32>} : memref<32x128xf32, #tpu.memory_space<vmem>>, vector<1x16xf32>,
      %swap3A_205 = vector.shape_cast %swap3A_204 : vector<1x16xf32> to vector<16xf32>
      %swap3A_206 = vector.shape_cast %broadcast_in_dim3A_201 : vector<16xf32> to vector<1x16xf32>
      tpu.vector_store %arg11[%swap3A_202, %swap3A_203], %swap3A_206 {strides = array<i32>} : memref<32x128xf32, #tpu.memory_space<vmem>>, vector<1x16xf32>,
      %broadcast_in_dim3A_207 = arith.constant 0.000000e+00 : f32
      %broadcast_in_dim3A_208 = vector.broadcast %broadcast_in_dim3A_207 : f32 to vector<16xf32>
      %swap3A_209 = arith.index_cast %scan3A_173 : i32 to index
      %swap3A_210 = arith.constant 80 : index
      %swap3A_211 = tpu.vector_load %arg11[%swap3A_209, %swap3A_210] {strides = array<i32>} : memref<32x128xf32, #tpu.memory_space<vmem>>, vector<1x16xf32>,
      %swap3A_212 = vector.shape_cast %swap3A_211 : vector<1x16xf32> to vector<16xf32>
      %swap3A_213 = vector.shape_cast %broadcast_in_dim3A_208 : vector<16xf32> to vector<1x16xf32>
      tpu.vector_store %arg11[%swap3A_209, %swap3A_210], %swap3A_213 {strides = array<i32>} : memref<32x128xf32, #tpu.memory_space<vmem>>, vector<1x16xf32>,
      %broadcast_in_dim3A_214 = arith.constant 0.000000e+00 : f32
      %broadcast_in_dim3A_215 = vector.broadcast %broadcast_in_dim3A_214 : f32 to vector<16xf32>
      %swap3A_216 = arith.index_cast %scan3A_173 : i32 to index
      %swap3A_217 = arith.constant 96 : index
      %swap3A_218 = tpu.vector_load %arg11[%swap3A_216, %swap3A_217] {strides = array<i32>} : memref<32x128xf32, #tpu.memory_space<vmem>>, vector<1x16xf32>,
      %swap3A_219 = vector.shape_cast %swap3A_218 : vector<1x16xf32> to vector<16xf32>
      %swap3A_220 = vector.shape_cast %broadcast_in_dim3A_215 : vector<16xf32> to vector<1x16xf32>
      tpu.vector_store %arg11[%swap3A_216, %swap3A_217], %swap3A_220 {strides = array<i32>} : memref<32x128xf32, #tpu.memory_space<vmem>>, vector<1x16xf32>,
      %broadcast_in_dim3A_221 = arith.constant 0.000000e+00 : f32
      %broadcast_in_dim3A_222 = vector.broadcast %broadcast_in_dim3A_221 : f32 to vector<16xf32>
      %swap3A_223 = arith.index_cast %scan3A_173 : i32 to index
      %swap3A_224 = arith.constant 112 : index
      %swap3A_225 = tpu.vector_load %arg11[%swap3A_223, %swap3A_224] {strides = array<i32>} : memref<32x128xf32, #tpu.memory_space<vmem>>, vector<1x16xf32>,
      %swap3A_226 = vector.shape_cast %swap3A_225 : vector<1x16xf32> to vector<16xf32>
      %swap3A_227 = vector.shape_cast %broadcast_in_dim3A_222 : vector<16xf32> to vector<1x16xf32>
      tpu.vector_store %arg11[%swap3A_223, %swap3A_224], %swap3A_227 {strides = array<i32>} : memref<32x128xf32, #tpu.memory_space<vmem>>, vector<1x16xf32>,
    }
    %scan3A_7 = arith.constant 32 : i32
    %add3A_8 = arith.constant 0 : i32
    %add3A_9 = arith.addi %mul3A_2, %add3A_8 : i32
    "tpu.region"() ({
      %run_scoped3A = tpu.sem_alloc : memref<!tpu.dma_semaphore, #tpu.memory_space<semaphore_mem>>
      %dma_start3A_173 = arith.constant 0 : i32
      %dma_start3A_174 = tpu.memref_slice %arg12[%add3A_9, %dma_start3A_173] : memref<10240x128xf32, #tpu.memory_space<vmem_shared>> -> memref<32x128xf32, #tpu.memory_space<vmem_shared>>
      %dma_start3A_175 = arith.constant 0 : i32
      %dma_start3A_176 = tpu.memref_slice %arg12[%add3A_9, %dma_start3A_175] : memref<10240x128xf32, #tpu.memory_space<vmem_shared>> -> memref<32x128xf32, #tpu.memory_space<vmem_shared>>
      tpu.enqueue_dma source(%arg11 : memref<32x128xf32, #tpu.memory_space<vmem>>) target(%dma_start3A_176 : memref<32x128xf32, #tpu.memory_space<vmem_shared>>) target_semaphore(%run_scoped3A : memref<!tpu.dma_semaphore, #tpu.memory_space<semaphore_mem>>)
      %dma_wait3A_177 = arith.constant 0 : i32
      %dma_wait3A_178 = tpu.memref_slice %arg12[%add3A_9, %dma_wait3A_177] : memref<10240x128xf32, #tpu.memory_space<vmem_shared>> -> memref<32x128xf32, #tpu.memory_space<vmem_shared>>
      %dma_wait3A_179 = arith.constant 0 : i32
      %dma_wait3A_180 = tpu.memref_slice %arg12[%add3A_9, %dma_wait3A_179] : memref<10240x128xf32, #tpu.memory_space<vmem_shared>> -> memref<32x128xf32, #tpu.memory_space<vmem_shared>>
      tpu.wait_dma2 semaphore(%run_scoped3A : memref<!tpu.dma_semaphore, #tpu.memory_space<semaphore_mem>>) src(%arg11 : memref<32x128xf32, #tpu.memory_space<vmem>>) dst(%dma_wait3A_180 : memref<32x128xf32, #tpu.memory_space<vmem_shared>>)
      tpu.yield
    }) : () -> ()
    %add3A_10 = arith.constant 32 : i32
    %add3A_11 = arith.addi %mul3A_2, %add3A_10 : i32
    "tpu.region"() ({
      %run_scoped3A = tpu.sem_alloc : memref<!tpu.dma_semaphore, #tpu.memory_space<semaphore_mem>>
      %dma_start3A_173 = arith.constant 0 : i32
      %dma_start3A_174 = tpu.memref_slice %arg12[%add3A_11, %dma_start3A_173] : memref<10240x128xf32, #tpu.memory_space<vmem_shared>> -> memref<32x128xf32, #tpu.memory_space<vmem_shared>>
      %dma_start3A_175 = arith.constant 0 : i32
      %dma_start3A_176 = tpu.memref_slice %arg12[%add3A_11, %dma_start3A_175] : memref<10240x128xf32, #tpu.memory_space<vmem_shared>> -> memref<32x128xf32, #tpu.memory_space<vmem_shared>>
      tpu.enqueue_dma source(%arg11 : memref<32x128xf32, #tpu.memory_space<vmem>>) target(%dma_start3A_176 : memref<32x128xf32, #tpu.memory_space<vmem_shared>>) target_semaphore(%run_scoped3A : memref<!tpu.dma_semaphore, #tpu.memory_space<semaphore_mem>>)
      %dma_wait3A_177 = arith.constant 0 : i32
      %dma_wait3A_178 = tpu.memref_slice %arg12[%add3A_11, %dma_wait3A_177] : memref<10240x128xf32, #tpu.memory_space<vmem_shared>> -> memref<32x128xf32, #tpu.memory_space<vmem_shared>>
      %dma_wait3A_179 = arith.constant 0 : i32
      %dma_wait3A_180 = tpu.memref_slice %arg12[%add3A_11, %dma_wait3A_179] : memref<10240x128xf32, #tpu.memory_space<vmem_shared>> -> memref<32x128xf32, #tpu.memory_space<vmem_shared>>
      tpu.wait_dma2 semaphore(%run_scoped3A : memref<!tpu.dma_semaphore, #tpu.memory_space<semaphore_mem>>) src(%arg11 : memref<32x128xf32, #tpu.memory_space<vmem>>) dst(%dma_wait3A_180 : memref<32x128xf32, #tpu.memory_space<vmem_shared>>)
      tpu.yield
    }) : () -> ()
    %add3A_12 = arith.constant 64 : i32
    %add3A_13 = arith.addi %mul3A_2, %add3A_12 : i32
    "tpu.region"() ({
      %run_scoped3A = tpu.sem_alloc : memref<!tpu.dma_semaphore, #tpu.memory_space<semaphore_mem>>
      %dma_start3A_173 = arith.constant 0 : i32
      %dma_start3A_174 = tpu.memref_slice %arg12[%add3A_13, %dma_start3A_173] : memref<10240x128xf32, #tpu.memory_space<vmem_shared>> -> memref<32x128xf32, #tpu.memory_space<vmem_shared>>
      %dma_start3A_175 = arith.constant 0 : i32
      %dma_start3A_176 = tpu.memref_slice %arg12[%add3A_13, %dma_start3A_175] : memref<10240x128xf32, #tpu.memory_space<vmem_shared>> -> memref<32x128xf32, #tpu.memory_space<vmem_shared>>
      tpu.enqueue_dma source(%arg11 : memref<32x128xf32, #tpu.memory_space<vmem>>) target(%dma_start3A_176 : memref<32x128xf32, #tpu.memory_space<vmem_shared>>) target_semaphore(%run_scoped3A : memref<!tpu.dma_semaphore, #tpu.memory_space<semaphore_mem>>)
      %dma_wait3A_177 = arith.constant 0 : i32
      %dma_wait3A_178 = tpu.memref_slice %arg12[%add3A_13, %dma_wait3A_177] : memref<10240x128xf32, #tpu.memory_space<vmem_shared>> -> memref<32x128xf32, #tpu.memory_space<vmem_shared>>
      %dma_wait3A_179 = arith.constant 0 : i32
      %dma_wait3A_180 = tpu.memref_slice %arg12[%add3A_13, %dma_wait3A_179] : memref<10240x128xf32, #tpu.memory_space<vmem_shared>> -> memref<32x128xf32, #tpu.memory_space<vmem_shared>>
      tpu.wait_dma2 semaphore(%run_scoped3A : memref<!tpu.dma_semaphore, #tpu.memory_space<semaphore_mem>>) src(%arg11 : memref<32x128xf32, #tpu.memory_space<vmem>>) dst(%dma_wait3A_180 : memref<32x128xf32, #tpu.memory_space<vmem_shared>>)
      tpu.yield
    }) : () -> ()
    %add3A_14 = arith.constant 96 : i32
    %add3A_15 = arith.addi %mul3A_2, %add3A_14 : i32
    "tpu.region"() ({
      %run_scoped3A = tpu.sem_alloc : memref<!tpu.dma_semaphore, #tpu.memory_space<semaphore_mem>>
      %dma_start3A_173 = arith.constant 0 : i32
      %dma_start3A_174 = tpu.memref_slice %arg12[%add3A_15, %dma_start3A_173] : memref<10240x128xf32, #tpu.memory_space<vmem_shared>> -> memref<32x128xf32, #tpu.memory_space<vmem_shared>>
      %dma_start3A_175 = arith.constant 0 : i32
      %dma_start3A_176 = tpu.memref_slice %arg12[%add3A_15, %dma_start3A_175] : memref<10240x128xf32, #tpu.memory_space<vmem_shared>> -> memref<32x128xf32, #tpu.memory_space<vmem_shared>>
      tpu.enqueue_dma source(%arg11 : memref<32x128xf32, #tpu.memory_space<vmem>>) target(%dma_start3A_176 : memref<32x128xf32, #tpu.memory_space<vmem_shared>>) target_semaphore(%run_scoped3A : memref<!tpu.dma_semaphore, #tpu.memory_space<semaphore_mem>>)
      %dma_wait3A_177 = arith.constant 0 : i32
      %dma_wait3A_178 = tpu.memref_slice %arg12[%add3A_15, %dma_wait3A_177] : memref<10240x128xf32, #tpu.memory_space<vmem_shared>> -> memref<32x128xf32, #tpu.memory_space<vmem_shared>>
      %dma_wait3A_179 = arith.constant 0 : i32
      %dma_wait3A_180 = tpu.memref_slice %arg12[%add3A_15, %dma_wait3A_179] : memref<10240x128xf32, #tpu.memory_space<vmem_shared>> -> memref<32x128xf32, #tpu.memory_space<vmem_shared>>
      tpu.wait_dma2 semaphore(%run_scoped3A : memref<!tpu.dma_semaphore, #tpu.memory_space<semaphore_mem>>) src(%arg11 : memref<32x128xf32, #tpu.memory_space<vmem>>) dst(%dma_wait3A_180 : memref<32x128xf32, #tpu.memory_space<vmem_shared>>)
      tpu.yield
    }) : () -> ()
    %add3A_16 = arith.constant 128 : i32
    %add3A_17 = arith.addi %mul3A_2, %add3A_16 : i32
    "tpu.region"() ({
      %run_scoped3A = tpu.sem_alloc : memref<!tpu.dma_semaphore, #tpu.memory_space<semaphore_mem>>
      %dma_start3A_173 = arith.constant 0 : i32
      %dma_start3A_174 = tpu.memref_slice %arg12[%add3A_17, %dma_start3A_173] : memref<10240x128xf32, #tpu.memory_space<vmem_shared>> -> memref<32x128xf32, #tpu.memory_space<vmem_shared>>
      %dma_start3A_175 = arith.constant 0 : i32
      %dma_start3A_176 = tpu.memref_slice %arg12[%add3A_17, %dma_start3A_175] : memref<10240x128xf32, #tpu.memory_space<vmem_shared>> -> memref<32x128xf32, #tpu.memory_space<vmem_shared>>
      tpu.enqueue_dma source(%arg11 : memref<32x128xf32, #tpu.memory_space<vmem>>) target(%dma_start3A_176 : memref<32x128xf32, #tpu.memory_space<vmem_shared>>) target_semaphore(%run_scoped3A : memref<!tpu.dma_semaphore, #tpu.memory_space<semaphore_mem>>)
      %dma_wait3A_177 = arith.constant 0 : i32
      %dma_wait3A_178 = tpu.memref_slice %arg12[%add3A_17, %dma_wait3A_177] : memref<10240x128xf32, #tpu.memory_space<vmem_shared>> -> memref<32x128xf32, #tpu.memory_space<vmem_shared>>
      %dma_wait3A_179 = arith.constant 0 : i32
      %dma_wait3A_180 = tpu.memref_slice %arg12[%add3A_17, %dma_wait3A_179] : memref<10240x128xf32, #tpu.memory_space<vmem_shared>> -> memref<32x128xf32, #tpu.memory_space<vmem_shared>>
      tpu.wait_dma2 semaphore(%run_scoped3A : memref<!tpu.dma_semaphore, #tpu.memory_space<semaphore_mem>>) src(%arg11 : memref<32x128xf32, #tpu.memory_space<vmem>>) dst(%dma_wait3A_180 : memref<32x128xf32, #tpu.memory_space<vmem_shared>>)
      tpu.yield
    }) : () -> ()
    %add3A_18 = arith.constant 160 : i32
    %add3A_19 = arith.addi %mul3A_2, %add3A_18 : i32
    "tpu.region"() ({
      %run_scoped3A = tpu.sem_alloc : memref<!tpu.dma_semaphore, #tpu.memory_space<semaphore_mem>>
      %dma_start3A_173 = arith.constant 0 : i32
      %dma_start3A_174 = tpu.memref_slice %arg12[%add3A_19, %dma_start3A_173] : memref<10240x128xf32, #tpu.memory_space<vmem_shared>> -> memref<32x128xf32, #tpu.memory_space<vmem_shared>>
      %dma_start3A_175 = arith.constant 0 : i32
      %dma_start3A_176 = tpu.memref_slice %arg12[%add3A_19, %dma_start3A_175] : memref<10240x128xf32, #tpu.memory_space<vmem_shared>> -> memref<32x128xf32, #tpu.memory_space<vmem_shared>>
      tpu.enqueue_dma source(%arg11 : memref<32x128xf32, #tpu.memory_space<vmem>>) target(%dma_start3A_176 : memref<32x128xf32, #tpu.memory_space<vmem_shared>>) target_semaphore(%run_scoped3A : memref<!tpu.dma_semaphore, #tpu.memory_space<semaphore_mem>>)
      %dma_wait3A_177 = arith.constant 0 : i32
      %dma_wait3A_178 = tpu.memref_slice %arg12[%add3A_19, %dma_wait3A_177] : memref<10240x128xf32, #tpu.memory_space<vmem_shared>> -> memref<32x128xf32, #tpu.memory_space<vmem_shared>>
      %dma_wait3A_179 = arith.constant 0 : i32
      %dma_wait3A_180 = tpu.memref_slice %arg12[%add3A_19, %dma_wait3A_179] : memref<10240x128xf32, #tpu.memory_space<vmem_shared>> -> memref<32x128xf32, #tpu.memory_space<vmem_shared>>
      tpu.wait_dma2 semaphore(%run_scoped3A : memref<!tpu.dma_semaphore, #tpu.memory_space<semaphore_mem>>) src(%arg11 : memref<32x128xf32, #tpu.memory_space<vmem>>) dst(%dma_wait3A_180 : memref<32x128xf32, #tpu.memory_space<vmem_shared>>)
      tpu.yield
    }) : () -> ()
    %add3A_20 = arith.constant 192 : i32
    %add3A_21 = arith.addi %mul3A_2, %add3A_20 : i32
    "tpu.region"() ({
      %run_scoped3A = tpu.sem_alloc : memref<!tpu.dma_semaphore, #tpu.memory_space<semaphore_mem>>
      %dma_start3A_173 = arith.constant 0 : i32
      %dma_start3A_174 = tpu.memref_slice %arg12[%add3A_21, %dma_start3A_173] : memref<10240x128xf32, #tpu.memory_space<vmem_shared>> -> memref<32x128xf32, #tpu.memory_space<vmem_shared>>
      %dma_start3A_175 = arith.constant 0 : i32
      %dma_start3A_176 = tpu.memref_slice %arg12[%add3A_21, %dma_start3A_175] : memref<10240x128xf32, #tpu.memory_space<vmem_shared>> -> memref<32x128xf32, #tpu.memory_space<vmem_shared>>
      tpu.enqueue_dma source(%arg11 : memref<32x128xf32, #tpu.memory_space<vmem>>) target(%dma_start3A_176 : memref<32x128xf32, #tpu.memory_space<vmem_shared>>) target_semaphore(%run_scoped3A : memref<!tpu.dma_semaphore, #tpu.memory_space<semaphore_mem>>)
      %dma_wait3A_177 = arith.constant 0 : i32
      %dma_wait3A_178 = tpu.memref_slice %arg12[%add3A_21, %dma_wait3A_177] : memref<10240x128xf32, #tpu.memory_space<vmem_shared>> -> memref<32x128xf32, #tpu.memory_space<vmem_shared>>
      %dma_wait3A_179 = arith.constant 0 : i32
      %dma_wait3A_180 = tpu.memref_slice %arg12[%add3A_21, %dma_wait3A_179] : memref<10240x128xf32, #tpu.memory_space<vmem_shared>> -> memref<32x128xf32, #tpu.memory_space<vmem_shared>>
      tpu.wait_dma2 semaphore(%run_scoped3A : memref<!tpu.dma_semaphore, #tpu.memory_space<semaphore_mem>>) src(%arg11 : memref<32x128xf32, #tpu.memory_space<vmem>>) dst(%dma_wait3A_180 : memref<32x128xf32, #tpu.memory_space<vmem_shared>>)
      tpu.yield
    }) : () -> ()
    %add3A_22 = arith.constant 224 : i32
    %add3A_23 = arith.addi %mul3A_2, %add3A_22 : i32
    "tpu.region"() ({
      %run_scoped3A = tpu.sem_alloc : memref<!tpu.dma_semaphore, #tpu.memory_space<semaphore_mem>>
      %dma_start3A_173 = arith.constant 0 : i32
      %dma_start3A_174 = tpu.memref_slice %arg12[%add3A_23, %dma_start3A_173] : memref<10240x128xf32, #tpu.memory_space<vmem_shared>> -> memref<32x128xf32, #tpu.memory_space<vmem_shared>>
      %dma_start3A_175 = arith.constant 0 : i32
      %dma_start3A_176 = tpu.memref_slice %arg12[%add3A_23, %dma_start3A_175] : memref<10240x128xf32, #tpu.memory_space<vmem_shared>> -> memref<32x128xf32, #tpu.memory_space<vmem_shared>>
      tpu.enqueue_dma source(%arg11 : memref<32x128xf32, #tpu.memory_space<vmem>>) target(%dma_start3A_176 : memref<32x128xf32, #tpu.memory_space<vmem_shared>>) target_semaphore(%run_scoped3A : memref<!tpu.dma_semaphore, #tpu.memory_space<semaphore_mem>>)
      %dma_wait3A_177 = arith.constant 0 : i32
      %dma_wait3A_178 = tpu.memref_slice %arg12[%add3A_23, %dma_wait3A_177] : memref<10240x128xf32, #tpu.memory_space<vmem_shared>> -> memref<32x128xf32, #tpu.memory_space<vmem_shared>>
      %dma_wait3A_179 = arith.constant 0 : i32
      %dma_wait3A_180 = tpu.memref_slice %arg12[%add3A_23, %dma_wait3A_179] : memref<10240x128xf32, #tpu.memory_space<vmem_shared>> -> memref<32x128xf32, #tpu.memory_space<vmem_shared>>
      tpu.wait_dma2 semaphore(%run_scoped3A : memref<!tpu.dma_semaphore, #tpu.memory_space<semaphore_mem>>) src(%arg11 : memref<32x128xf32, #tpu.memory_space<vmem>>) dst(%dma_wait3A_180 : memref<32x128xf32, #tpu.memory_space<vmem_shared>>)
      tpu.yield
    }) : () -> ()
    %add3A_24 = arith.constant 256 : i32
    %add3A_25 = arith.addi %mul3A_2, %add3A_24 : i32
    "tpu.region"() ({
      %run_scoped3A = tpu.sem_alloc : memref<!tpu.dma_semaphore, #tpu.memory_space<semaphore_mem>>
      %dma_start3A_173 = arith.constant 0 : i32
      %dma_start3A_174 = tpu.memref_slice %arg12[%add3A_25, %dma_start3A_173] : memref<10240x128xf32, #tpu.memory_space<vmem_shared>> -> memref<32x128xf32, #tpu.memory_space<vmem_shared>>
      %dma_start3A_175 = arith.constant 0 : i32
      %dma_start3A_176 = tpu.memref_slice %arg12[%add3A_25, %dma_start3A_175] : memref<10240x128xf32, #tpu.memory_space<vmem_shared>> -> memref<32x128xf32, #tpu.memory_space<vmem_shared>>
      tpu.enqueue_dma source(%arg11 : memref<32x128xf32, #tpu.memory_space<vmem>>) target(%dma_start3A_176 : memref<32x128xf32, #tpu.memory_space<vmem_shared>>) target_semaphore(%run_scoped3A : memref<!tpu.dma_semaphore, #tpu.memory_space<semaphore_mem>>)
      %dma_wait3A_177 = arith.constant 0 : i32
      %dma_wait3A_178 = tpu.memref_slice %arg12[%add3A_25, %dma_wait3A_177] : memref<10240x128xf32, #tpu.memory_space<vmem_shared>> -> memref<32x128xf32, #tpu.memory_space<vmem_shared>>
      %dma_wait3A_179 = arith.constant 0 : i32
      %dma_wait3A_180 = tpu.memref_slice %arg12[%add3A_25, %dma_wait3A_179] : memref<10240x128xf32, #tpu.memory_space<vmem_shared>> -> memref<32x128xf32, #tpu.memory_space<vmem_shared>>
      tpu.wait_dma2 semaphore(%run_scoped3A : memref<!tpu.dma_semaphore, #tpu.memory_space<semaphore_mem>>) src(%arg11 : memref<32x128xf32, #tpu.memory_space<vmem>>) dst(%dma_wait3A_180 : memref<32x128xf32, #tpu.memory_space<vmem_shared>>)
      tpu.yield
    }) : () -> ()
    %add3A_26 = arith.constant 288 : i32
    %add3A_27 = arith.addi %mul3A_2, %add3A_26 : i32
    "tpu.region"() ({
      %run_scoped3A = tpu.sem_alloc : memref<!tpu.dma_semaphore, #tpu.memory_space<semaphore_mem>>
      %dma_start3A_173 = arith.constant 0 : i32
      %dma_start3A_174 = tpu.memref_slice %arg12[%add3A_27, %dma_start3A_173] : memref<10240x128xf32, #tpu.memory_space<vmem_shared>> -> memref<32x128xf32, #tpu.memory_space<vmem_shared>>
      %dma_start3A_175 = arith.constant 0 : i32
      %dma_start3A_176 = tpu.memref_slice %arg12[%add3A_27, %dma_start3A_175] : memref<10240x128xf32, #tpu.memory_space<vmem_shared>> -> memref<32x128xf32, #tpu.memory_space<vmem_shared>>
      tpu.enqueue_dma source(%arg11 : memref<32x128xf32, #tpu.memory_space<vmem>>) target(%dma_start3A_176 : memref<32x128xf32, #tpu.memory_space<vmem_shared>>) target_semaphore(%run_scoped3A : memref<!tpu.dma_semaphore, #tpu.memory_space<semaphore_mem>>)
      %dma_wait3A_177 = arith.constant 0 : i32
      %dma_wait3A_178 = tpu.memref_slice %arg12[%add3A_27, %dma_wait3A_177] : memref<10240x128xf32, #tpu.memory_space<vmem_shared>> -> memref<32x128xf32, #tpu.memory_space<vmem_shared>>
      %dma_wait3A_179 = arith.constant 0 : i32
      %dma_wait3A_180 = tpu.memref_slice %arg12[%add3A_27, %dma_wait3A_179] : memref<10240x128xf32, #tpu.memory_space<vmem_shared>> -> memref<32x128xf32, #tpu.memory_space<vmem_shared>>
      tpu.wait_dma2 semaphore(%run_scoped3A : memref<!tpu.dma_semaphore, #tpu.memory_space<semaphore_mem>>) src(%arg11 : memref<32x128xf32, #tpu.memory_space<vmem>>) dst(%dma_wait3A_180 : memref<32x128xf32, #tpu.memory_space<vmem_shared>>)
      tpu.yield
    }) : () -> ()
    %add3A_28 = arith.constant 320 : i32
    %add3A_29 = arith.addi %mul3A_2, %add3A_28 : i32
    "tpu.region"() ({
      %run_scoped3A = tpu.sem_alloc : memref<!tpu.dma_semaphore, #tpu.memory_space<semaphore_mem>>
      %dma_start3A_173 = arith.constant 0 : i32
      %dma_start3A_174 = tpu.memref_slice %arg12[%add3A_29, %dma_start3A_173] : memref<10240x128xf32, #tpu.memory_space<vmem_shared>> -> memref<32x128xf32, #tpu.memory_space<vmem_shared>>
      %dma_start3A_175 = arith.constant 0 : i32
      %dma_start3A_176 = tpu.memref_slice %arg12[%add3A_29, %dma_start3A_175] : memref<10240x128xf32, #tpu.memory_space<vmem_shared>> -> memref<32x128xf32, #tpu.memory_space<vmem_shared>>
      tpu.enqueue_dma source(%arg11 : memref<32x128xf32, #tpu.memory_space<vmem>>) target(%dma_start3A_176 : memref<32x128xf32, #tpu.memory_space<vmem_shared>>) target_semaphore(%run_scoped3A : memref<!tpu.dma_semaphore, #tpu.memory_space<semaphore_mem>>)
      %dma_wait3A_177 = arith.constant 0 : i32
      %dma_wait3A_178 = tpu.memref_slice %arg12[%add3A_29, %dma_wait3A_177] : memref<10240x128xf32, #tpu.memory_space<vmem_shared>> -> memref<32x128xf32, #tpu.memory_space<vmem_shared>>
      %dma_wait3A_179 = arith.constant 0 : i32
      %dma_wait3A_180 = tpu.memref_slice %arg12[%add3A_29, %dma_wait3A_179] : memref<10240x128xf32, #tpu.memory_space<vmem_shared>> -> memref<32x128xf32, #tpu.memory_space<vmem_shared>>
      tpu.wait_dma2 semaphore(%run_scoped3A : memref<!tpu.dma_semaphore, #tpu.memory_space<semaphore_mem>>) src(%arg11 : memref<32x128xf32, #tpu.memory_space<vmem>>) dst(%dma_wait3A_180 : memref<32x128xf32, #tpu.memory_space<vmem_shared>>)
      tpu.yield
    }) : () -> ()
    %add3A_30 = arith.constant 352 : i32
    %add3A_31 = arith.addi %mul3A_2, %add3A_30 : i32
    "tpu.region"() ({
      %run_scoped3A = tpu.sem_alloc : memref<!tpu.dma_semaphore, #tpu.memory_space<semaphore_mem>>
      %dma_start3A_173 = arith.constant 0 : i32
      %dma_start3A_174 = tpu.memref_slice %arg12[%add3A_31, %dma_start3A_173] : memref<10240x128xf32, #tpu.memory_space<vmem_shared>> -> memref<32x128xf32, #tpu.memory_space<vmem_shared>>
      %dma_start3A_175 = arith.constant 0 : i32
      %dma_start3A_176 = tpu.memref_slice %arg12[%add3A_31, %dma_start3A_175] : memref<10240x128xf32, #tpu.memory_space<vmem_shared>> -> memref<32x128xf32, #tpu.memory_space<vmem_shared>>
      tpu.enqueue_dma source(%arg11 : memref<32x128xf32, #tpu.memory_space<vmem>>) target(%dma_start3A_176 : memref<32x128xf32, #tpu.memory_space<vmem_shared>>) target_semaphore(%run_scoped3A : memref<!tpu.dma_semaphore, #tpu.memory_space<semaphore_mem>>)
      %dma_wait3A_177 = arith.constant 0 : i32
      %dma_wait3A_178 = tpu.memref_slice %arg12[%add3A_31, %dma_wait3A_177] : memref<10240x128xf32, #tpu.memory_space<vmem_shared>> -> memref<32x128xf32, #tpu.memory_space<vmem_shared>>
      %dma_wait3A_179 = arith.constant 0 : i32
      %dma_wait3A_180 = tpu.memref_slice %arg12[%add3A_31, %dma_wait3A_179] : memref<10240x128xf32, #tpu.memory_space<vmem_shared>> -> memref<32x128xf32, #tpu.memory_space<vmem_shared>>
      tpu.wait_dma2 semaphore(%run_scoped3A : memref<!tpu.dma_semaphore, #tpu.memory_space<semaphore_mem>>) src(%arg11 : memref<32x128xf32, #tpu.memory_space<vmem>>) dst(%dma_wait3A_180 : memref<32x128xf32, #tpu.memory_space<vmem_shared>>)
      tpu.yield
    }) : () -> ()
    %add3A_32 = arith.constant 384 : i32
    %add3A_33 = arith.addi %mul3A_2, %add3A_32 : i32
    "tpu.region"() ({
      %run_scoped3A = tpu.sem_alloc : memref<!tpu.dma_semaphore, #tpu.memory_space<semaphore_mem>>
      %dma_start3A_173 = arith.constant 0 : i32
      %dma_start3A_174 = tpu.memref_slice %arg12[%add3A_33, %dma_start3A_173] : memref<10240x128xf32, #tpu.memory_space<vmem_shared>> -> memref<32x128xf32, #tpu.memory_space<vmem_shared>>
      %dma_start3A_175 = arith.constant 0 : i32
      %dma_start3A_176 = tpu.memref_slice %arg12[%add3A_33, %dma_start3A_175] : memref<10240x128xf32, #tpu.memory_space<vmem_shared>> -> memref<32x128xf32, #tpu.memory_space<vmem_shared>>
      tpu.enqueue_dma source(%arg11 : memref<32x128xf32, #tpu.memory_space<vmem>>) target(%dma_start3A_176 : memref<32x128xf32, #tpu.memory_space<vmem_shared>>) target_semaphore(%run_scoped3A : memref<!tpu.dma_semaphore, #tpu.memory_space<semaphore_mem>>)
      %dma_wait3A_177 = arith.constant 0 : i32
      %dma_wait3A_178 = tpu.memref_slice %arg12[%add3A_33, %dma_wait3A_177] : memref<10240x128xf32, #tpu.memory_space<vmem_shared>> -> memref<32x128xf32, #tpu.memory_space<vmem_shared>>
      %dma_wait3A_179 = arith.constant 0 : i32
      %dma_wait3A_180 = tpu.memref_slice %arg12[%add3A_33, %dma_wait3A_179] : memref<10240x128xf32, #tpu.memory_space<vmem_shared>> -> memref<32x128xf32, #tpu.memory_space<vmem_shared>>
      tpu.wait_dma2 semaphore(%run_scoped3A : memref<!tpu.dma_semaphore, #tpu.memory_space<semaphore_mem>>) src(%arg11 : memref<32x128xf32, #tpu.memory_space<vmem>>) dst(%dma_wait3A_180 : memref<32x128xf32, #tpu.memory_space<vmem_shared>>)
      tpu.yield
    }) : () -> ()
    %add3A_34 = arith.constant 416 : i32
    %add3A_35 = arith.addi %mul3A_2, %add3A_34 : i32
    "tpu.region"() ({
      %run_scoped3A = tpu.sem_alloc : memref<!tpu.dma_semaphore, #tpu.memory_space<semaphore_mem>>
      %dma_start3A_173 = arith.constant 0 : i32
      %dma_start3A_174 = tpu.memref_slice %arg12[%add3A_35, %dma_start3A_173] : memref<10240x128xf32, #tpu.memory_space<vmem_shared>> -> memref<32x128xf32, #tpu.memory_space<vmem_shared>>
      %dma_start3A_175 = arith.constant 0 : i32
      %dma_start3A_176 = tpu.memref_slice %arg12[%add3A_35, %dma_start3A_175] : memref<10240x128xf32, #tpu.memory_space<vmem_shared>> -> memref<32x128xf32, #tpu.memory_space<vmem_shared>>
      tpu.enqueue_dma source(%arg11 : memref<32x128xf32, #tpu.memory_space<vmem>>) target(%dma_start3A_176 : memref<32x128xf32, #tpu.memory_space<vmem_shared>>) target_semaphore(%run_scoped3A : memref<!tpu.dma_semaphore, #tpu.memory_space<semaphore_mem>>)
      %dma_wait3A_177 = arith.constant 0 : i32
      %dma_wait3A_178 = tpu.memref_slice %arg12[%add3A_35, %dma_wait3A_177] : memref<10240x128xf32, #tpu.memory_space<vmem_shared>> -> memref<32x128xf32, #tpu.memory_space<vmem_shared>>
      %dma_wait3A_179 = arith.constant 0 : i32
      %dma_wait3A_180 = tpu.memref_slice %arg12[%add3A_35, %dma_wait3A_179] : memref<10240x128xf32, #tpu.memory_space<vmem_shared>> -> memref<32x128xf32, #tpu.memory_space<vmem_shared>>
      tpu.wait_dma2 semaphore(%run_scoped3A : memref<!tpu.dma_semaphore, #tpu.memory_space<semaphore_mem>>) src(%arg11 : memref<32x128xf32, #tpu.memory_space<vmem>>) dst(%dma_wait3A_180 : memref<32x128xf32, #tpu.memory_space<vmem_shared>>)
      tpu.yield
    }) : () -> ()
    %add3A_36 = arith.constant 448 : i32
    %add3A_37 = arith.addi %mul3A_2, %add3A_36 : i32
    "tpu.region"() ({
      %run_scoped3A = tpu.sem_alloc : memref<!tpu.dma_semaphore, #tpu.memory_space<semaphore_mem>>
      %dma_start3A_173 = arith.constant 0 : i32
      %dma_start3A_174 = tpu.memref_slice %arg12[%add3A_37, %dma_start3A_173] : memref<10240x128xf32, #tpu.memory_space<vmem_shared>> -> memref<32x128xf32, #tpu.memory_space<vmem_shared>>
      %dma_start3A_175 = arith.constant 0 : i32
      %dma_start3A_176 = tpu.memref_slice %arg12[%add3A_37, %dma_start3A_175] : memref<10240x128xf32, #tpu.memory_space<vmem_shared>> -> memref<32x128xf32, #tpu.memory_space<vmem_shared>>
      tpu.enqueue_dma source(%arg11 : memref<32x128xf32, #tpu.memory_space<vmem>>) target(%dma_start3A_176 : memref<32x128xf32, #tpu.memory_space<vmem_shared>>) target_semaphore(%run_scoped3A : memref<!tpu.dma_semaphore, #tpu.memory_space<semaphore_mem>>)
      %dma_wait3A_177 = arith.constant 0 : i32
      %dma_wait3A_178 = tpu.memref_slice %arg12[%add3A_37, %dma_wait3A_177] : memref<10240x128xf32, #tpu.memory_space<vmem_shared>> -> memref<32x128xf32, #tpu.memory_space<vmem_shared>>
      %dma_wait3A_179 = arith.constant 0 : i32
      %dma_wait3A_180 = tpu.memref_slice %arg12[%add3A_37, %dma_wait3A_179] : memref<10240x128xf32, #tpu.memory_space<vmem_shared>> -> memref<32x128xf32, #tpu.memory_space<vmem_shared>>
      tpu.wait_dma2 semaphore(%run_scoped3A : memref<!tpu.dma_semaphore, #tpu.memory_space<semaphore_mem>>) src(%arg11 : memref<32x128xf32, #tpu.memory_space<vmem>>) dst(%dma_wait3A_180 : memref<32x128xf32, #tpu.memory_space<vmem_shared>>)
      tpu.yield
    }) : () -> ()
    %add3A_38 = arith.constant 480 : i32
    %add3A_39 = arith.addi %mul3A_2, %add3A_38 : i32
    "tpu.region"() ({
      %run_scoped3A = tpu.sem_alloc : memref<!tpu.dma_semaphore, #tpu.memory_space<semaphore_mem>>
      %dma_start3A_173 = arith.constant 0 : i32
      %dma_start3A_174 = tpu.memref_slice %arg12[%add3A_39, %dma_start3A_173] : memref<10240x128xf32, #tpu.memory_space<vmem_shared>> -> memref<32x128xf32, #tpu.memory_space<vmem_shared>>
      %dma_start3A_175 = arith.constant 0 : i32
      %dma_start3A_176 = tpu.memref_slice %arg12[%add3A_39, %dma_start3A_175] : memref<10240x128xf32, #tpu.memory_space<vmem_shared>> -> memref<32x128xf32, #tpu.memory_space<vmem_shared>>
      tpu.enqueue_dma source(%arg11 : memref<32x128xf32, #tpu.memory_space<vmem>>) target(%dma_start3A_176 : memref<32x128xf32, #tpu.memory_space<vmem_shared>>) target_semaphore(%run_scoped3A : memref<!tpu.dma_semaphore, #tpu.memory_space<semaphore_mem>>)
      %dma_wait3A_177 = arith.constant 0 : i32
      %dma_wait3A_178 = tpu.memref_slice %arg12[%add3A_39, %dma_wait3A_177] : memref<10240x128xf32, #tpu.memory_space<vmem_shared>> -> memref<32x128xf32, #tpu.memory_space<vmem_shared>>
      %dma_wait3A_179 = arith.constant 0 : i32
      %dma_wait3A_180 = tpu.memref_slice %arg12[%add3A_39, %dma_wait3A_179] : memref<10240x128xf32, #tpu.memory_space<vmem_shared>> -> memref<32x128xf32, #tpu.memory_space<vmem_shared>>
      tpu.wait_dma2 semaphore(%run_scoped3A : memref<!tpu.dma_semaphore, #tpu.memory_space<semaphore_mem>>) src(%arg11 : memref<32x128xf32, #tpu.memory_space<vmem>>) dst(%dma_wait3A_180 : memref<32x128xf32, #tpu.memory_space<vmem_shared>>)
      tpu.yield
    }) : () -> ()
    %add3A_40 = arith.constant 512 : i32
    %add3A_41 = arith.addi %mul3A_2, %add3A_40 : i32
    "tpu.region"() ({
      %run_scoped3A = tpu.sem_alloc : memref<!tpu.dma_semaphore, #tpu.memory_space<semaphore_mem>>
      %dma_start3A_173 = arith.constant 0 : i32
      %dma_start3A_174 = tpu.memref_slice %arg12[%add3A_41, %dma_start3A_173] : memref<10240x128xf32, #tpu.memory_space<vmem_shared>> -> memref<32x128xf32, #tpu.memory_space<vmem_shared>>
      %dma_start3A_175 = arith.constant 0 : i32
      %dma_start3A_176 = tpu.memref_slice %arg12[%add3A_41, %dma_start3A_175] : memref<10240x128xf32, #tpu.memory_space<vmem_shared>> -> memref<32x128xf32, #tpu.memory_space<vmem_shared>>
      tpu.enqueue_dma source(%arg11 : memref<32x128xf32, #tpu.memory_space<vmem>>) target(%dma_start3A_176 : memref<32x128xf32, #tpu.memory_space<vmem_shared>>) target_semaphore(%run_scoped3A : memref<!tpu.dma_semaphore, #tpu.memory_space<semaphore_mem>>)
      %dma_wait3A_177 = arith.constant 0 : i32
      %dma_wait3A_178 = tpu.memref_slice %arg12[%add3A_41, %dma_wait3A_177] : memref<10240x128xf32, #tpu.memory_space<vmem_shared>> -> memref<32x128xf32, #tpu.memory_space<vmem_shared>>
      %dma_wait3A_179 = arith.constant 0 : i32
      %dma_wait3A_180 = tpu.memref_slice %arg12[%add3A_41, %dma_wait3A_179] : memref<10240x128xf32, #tpu.memory_space<vmem_shared>> -> memref<32x128xf32, #tpu.memory_space<vmem_shared>>
      tpu.wait_dma2 semaphore(%run_scoped3A : memref<!tpu.dma_semaphore, #tpu.memory_space<semaphore_mem>>) src(%arg11 : memref<32x128xf32, #tpu.memory_space<vmem>>) dst(%dma_wait3A_180 : memref<32x128xf32, #tpu.memory_space<vmem_shared>>)
      tpu.yield
    }) : () -> ()
    %add3A_42 = arith.constant 544 : i32
    %add3A_43 = arith.addi %mul3A_2, %add3A_42 : i32
    "tpu.region"() ({
      %run_scoped3A = tpu.sem_alloc : memref<!tpu.dma_semaphore, #tpu.memory_space<semaphore_mem>>
      %dma_start3A_173 = arith.constant 0 : i32
      %dma_start3A_174 = tpu.memref_slice %arg12[%add3A_43, %dma_start3A_173] : memref<10240x128xf32, #tpu.memory_space<vmem_shared>> -> memref<32x128xf32, #tpu.memory_space<vmem_shared>>
      %dma_start3A_175 = arith.constant 0 : i32
      %dma_start3A_176 = tpu.memref_slice %arg12[%add3A_43, %dma_start3A_175] : memref<10240x128xf32, #tpu.memory_space<vmem_shared>> -> memref<32x128xf32, #tpu.memory_space<vmem_shared>>
      tpu.enqueue_dma source(%arg11 : memref<32x128xf32, #tpu.memory_space<vmem>>) target(%dma_start3A_176 : memref<32x128xf32, #tpu.memory_space<vmem_shared>>) target_semaphore(%run_scoped3A : memref<!tpu.dma_semaphore, #tpu.memory_space<semaphore_mem>>)
      %dma_wait3A_177 = arith.constant 0 : i32
      %dma_wait3A_178 = tpu.memref_slice %arg12[%add3A_43, %dma_wait3A_177] : memref<10240x128xf32, #tpu.memory_space<vmem_shared>> -> memref<32x128xf32, #tpu.memory_space<vmem_shared>>
      %dma_wait3A_179 = arith.constant 0 : i32
      %dma_wait3A_180 = tpu.memref_slice %arg12[%add3A_43, %dma_wait3A_179] : memref<10240x128xf32, #tpu.memory_space<vmem_shared>> -> memref<32x128xf32, #tpu.memory_space<vmem_shared>>
      tpu.wait_dma2 semaphore(%run_scoped3A : memref<!tpu.dma_semaphore, #tpu.memory_space<semaphore_mem>>) src(%arg11 : memref<32x128xf32, #tpu.memory_space<vmem>>) dst(%dma_wait3A_180 : memref<32x128xf32, #tpu.memory_space<vmem_shared>>)
      tpu.yield
    }) : () -> ()
    %add3A_44 = arith.constant 576 : i32
    %add3A_45 = arith.addi %mul3A_2, %add3A_44 : i32
    "tpu.region"() ({
      %run_scoped3A = tpu.sem_alloc : memref<!tpu.dma_semaphore, #tpu.memory_space<semaphore_mem>>
      %dma_start3A_173 = arith.constant 0 : i32
      %dma_start3A_174 = tpu.memref_slice %arg12[%add3A_45, %dma_start3A_173] : memref<10240x128xf32, #tpu.memory_space<vmem_shared>> -> memref<32x128xf32, #tpu.memory_space<vmem_shared>>
      %dma_start3A_175 = arith.constant 0 : i32
      %dma_start3A_176 = tpu.memref_slice %arg12[%add3A_45, %dma_start3A_175] : memref<10240x128xf32, #tpu.memory_space<vmem_shared>> -> memref<32x128xf32, #tpu.memory_space<vmem_shared>>
      tpu.enqueue_dma source(%arg11 : memref<32x128xf32, #tpu.memory_space<vmem>>) target(%dma_start3A_176 : memref<32x128xf32, #tpu.memory_space<vmem_shared>>) target_semaphore(%run_scoped3A : memref<!tpu.dma_semaphore, #tpu.memory_space<semaphore_mem>>)
      %dma_wait3A_177 = arith.constant 0 : i32
      %dma_wait3A_178 = tpu.memref_slice %arg12[%add3A_45, %dma_wait3A_177] : memref<10240x128xf32, #tpu.memory_space<vmem_shared>> -> memref<32x128xf32, #tpu.memory_space<vmem_shared>>
      %dma_wait3A_179 = arith.constant 0 : i32
      %dma_wait3A_180 = tpu.memref_slice %arg12[%add3A_45, %dma_wait3A_179] : memref<10240x128xf32, #tpu.memory_space<vmem_shared>> -> memref<32x128xf32, #tpu.memory_space<vmem_shared>>
      tpu.wait_dma2 semaphore(%run_scoped3A : memref<!tpu.dma_semaphore, #tpu.memory_space<semaphore_mem>>) src(%arg11 : memref<32x128xf32, #tpu.memory_space<vmem>>) dst(%dma_wait3A_180 : memref<32x128xf32, #tpu.memory_space<vmem_shared>>)
      tpu.yield
    }) : () -> ()
    %add3A_46 = arith.constant 608 : i32
    %add3A_47 = arith.addi %mul3A_2, %add3A_46 : i32
    "tpu.region"() ({
      %run_scoped3A = tpu.sem_alloc : memref<!tpu.dma_semaphore, #tpu.memory_space<semaphore_mem>>
      %dma_start3A_173 = arith.constant 0 : i32
      %dma_start3A_174 = tpu.memref_slice %arg12[%add3A_47, %dma_start3A_173] : memref<10240x128xf32, #tpu.memory_space<vmem_shared>> -> memref<32x128xf32, #tpu.memory_space<vmem_shared>>
      %dma_start3A_175 = arith.constant 0 : i32
      %dma_start3A_176 = tpu.memref_slice %arg12[%add3A_47, %dma_start3A_175] : memref<10240x128xf32, #tpu.memory_space<vmem_shared>> -> memref<32x128xf32, #tpu.memory_space<vmem_shared>>
      tpu.enqueue_dma source(%arg11 : memref<32x128xf32, #tpu.memory_space<vmem>>) target(%dma_start3A_176 : memref<32x128xf32, #tpu.memory_space<vmem_shared>>) target_semaphore(%run_scoped3A : memref<!tpu.dma_semaphore, #tpu.memory_space<semaphore_mem>>)
      %dma_wait3A_177 = arith.constant 0 : i32
      %dma_wait3A_178 = tpu.memref_slice %arg12[%add3A_47, %dma_wait3A_177] : memref<10240x128xf32, #tpu.memory_space<vmem_shared>> -> memref<32x128xf32, #tpu.memory_space<vmem_shared>>
      %dma_wait3A_179 = arith.constant 0 : i32
      %dma_wait3A_180 = tpu.memref_slice %arg12[%add3A_47, %dma_wait3A_179] : memref<10240x128xf32, #tpu.memory_space<vmem_shared>> -> memref<32x128xf32, #tpu.memory_space<vmem_shared>>
      tpu.wait_dma2 semaphore(%run_scoped3A : memref<!tpu.dma_semaphore, #tpu.memory_space<semaphore_mem>>) src(%arg11 : memref<32x128xf32, #tpu.memory_space<vmem>>) dst(%dma_wait3A_180 : memref<32x128xf32, #tpu.memory_space<vmem_shared>>)
      tpu.yield
    }) : () -> ()
    %barrier3A = arith.constant 0 : index
    tpu.barrier barrier_id(%barrier3A)
    %dma_start3A = arith.constant 0 : i32
    %dma_start3A_48 = arith.constant 0 : i32
    %dma_start3A_49 = arith.constant 0 : i32
    %dma_start3A_50 = arith.constant 0 : i32
    %dma_start3A_51 = tpu.memref_slice %arg10[%dma_start3A_48, %dma_start3A_49, %dma_start3A_50] : memref<2x125x128xf32, #tpu.memory_space<vmem>> -> memref<1x125x128xf32, #tpu.memory_space<vmem>>
    %dma_start3A_52 = tpu.memref_squeeze %dma_start3A_51 : memref<1x125x128xf32, #tpu.memory_space<vmem>> -> memref<125x128xf32, #tpu.memory_space<vmem>>
    %dma_start3A_53 = arith.constant 0 : i32
    %dma_start3A_54 = tpu.memref_slice %arg8[%dma_start3A, %dma_start3A_53] : memref<40x125xi32, #tpu.memory_space<vmem>> -> memref<1x125xi32, #tpu.memory_space<vmem>>
    %dma_start3A_55 = tpu.memref_squeeze %dma_start3A_54 : memref<1x125xi32, #tpu.memory_space<vmem>> -> memref<125xi32, #tpu.memory_space<vmem>>
    %dma_start3A_56 = arith.constant 0 : i32
    %dma_start3A_57 = arith.constant 0 : i32
    %dma_start3A_58 = tpu.memref_slice %arg2[%dma_start3A_56, %dma_start3A_57] : memref<10000x128xf32, #tpu.memory_space<hbm>> -> memref<10000x128xf32, #tpu.memory_space<hbm>>
    tpu.enqueue_indirect_dma source(%dma_start3A_58 : memref<10000x128xf32, #tpu.memory_space<hbm>>) target(%dma_start3A_52 : memref<125x128xf32, #tpu.memory_space<vmem>>) offsets(%dma_start3A_55 : memref<125xi32, #tpu.memory_space<vmem>>) semaphore(%arg13 : memref<!tpu.dma_semaphore, #tpu.memory_space<semaphore_mem>>)
    %dma_start3A_59 = arith.constant 1 : i32
    %dma_start3A_60 = arith.constant 1 : i32
    %dma_start3A_61 = arith.constant 0 : i32
    %dma_start3A_62 = arith.constant 0 : i32
    %dma_start3A_63 = tpu.memref_slice %arg10[%dma_start3A_60, %dma_start3A_61, %dma_start3A_62] : memref<2x125x128xf32, #tpu.memory_space<vmem>> -> memref<1x125x128xf32, #tpu.memory_space<vmem>>
    %dma_start3A_64 = tpu.memref_squeeze %dma_start3A_63 : memref<1x125x128xf32, #tpu.memory_space<vmem>> -> memref<125x128xf32, #tpu.memory_space<vmem>>
    %dma_start3A_65 = arith.constant 0 : i32
    %dma_start3A_66 = tpu.memref_slice %arg8[%dma_start3A_59, %dma_start3A_65] : memref<40x125xi32, #tpu.memory_space<vmem>> -> memref<1x125xi32, #tpu.memory_space<vmem>>
    %dma_start3A_67 = tpu.memref_squeeze %dma_start3A_66 : memref<1x125xi32, #tpu.memory_space<vmem>> -> memref<125xi32, #tpu.memory_space<vmem>>
    %dma_start3A_68 = arith.constant 0 : i32
    %dma_start3A_69 = arith.constant 0 : i32
    %dma_start3A_70 = tpu.memref_slice %arg2[%dma_start3A_68, %dma_start3A_69] : memref<10000x128xf32, #tpu.memory_space<hbm>> -> memref<10000x128xf32, #tpu.memory_space<hbm>>
    tpu.enqueue_indirect_dma source(%dma_start3A_70 : memref<10000x128xf32, #tpu.memory_space<hbm>>) target(%dma_start3A_64 : memref<125x128xf32, #tpu.memory_space<vmem>>) offsets(%dma_start3A_67 : memref<125xi32, #tpu.memory_space<vmem>>) semaphore(%arg14 : memref<!tpu.dma_semaphore, #tpu.memory_space<semaphore_mem>>)
    %scan3A_71 = arith.constant 0 : i32
    %scan3A_72 = arith.constant 0 : i32
    %scan3A_73 = arith.constant 20 : i32
    %scan3A_74 = arith.addi %scan3A_72, %scan3A_73 : i32
    %scan3A_75 = arith.constant 1 : i32
    scf.for %scan3A_173 = %scan3A_72 to %scan3A_74 step %scan3A_75  : i32 {
      %mul3A_174 = arith.constant 2 : i32
      %mul3A_175 = arith.muli %scan3A_173, %mul3A_174 : i32
      %add3A_176 = arith.constant 0 : i32
      %add3A_177 = arith.addi %mul3A_175, %add3A_176 : i32
      %dma_wait3A_178 = arith.constant 0 : i32
      %dma_wait3A_179 = arith.constant 0 : i32
      %dma_wait3A_180 = arith.constant 0 : i32
      %dma_wait3A_181 = tpu.memref_slice %arg10[%dma_wait3A_178, %dma_wait3A_179, %dma_wait3A_180] : memref<2x125x128xf32, #tpu.memory_space<vmem>> -> memref<1x125x128xf32, #tpu.memory_space<vmem>>
      %dma_wait3A_182 = tpu.memref_squeeze %dma_wait3A_181 : memref<1x125x128xf32, #tpu.memory_space<vmem>> -> memref<125x128xf32, #tpu.memory_space<vmem>>
      %dma_wait3A_183 = arith.constant 0 : i32
      %dma_wait3A_184 = tpu.memref_slice %arg8[%add3A_177, %dma_wait3A_183] : memref<40x125xi32, #tpu.memory_space<vmem>> -> memref<1x125xi32, #tpu.memory_space<vmem>>
      %dma_wait3A_185 = tpu.memref_squeeze %dma_wait3A_184 : memref<1x125xi32, #tpu.memory_space<vmem>> -> memref<125xi32, #tpu.memory_space<vmem>>
      %dma_wait3A_186 = arith.constant 0 : i32
      %dma_wait3A_187 = arith.constant 0 : i32
      %dma_wait3A_188 = tpu.memref_slice %arg2[%dma_wait3A_186, %dma_wait3A_187] : memref<10000x128xf32, #tpu.memory_space<hbm>> -> memref<10000x128xf32, #tpu.memory_space<hbm>>
      tpu.wait_indirect_dma semaphore(%arg13 : memref<!tpu.dma_semaphore, #tpu.memory_space<semaphore_mem>>) src(%dma_wait3A_188 : memref<10000x128xf32, #tpu.memory_space<hbm>>) dst(%dma_wait3A_182 : memref<125x128xf32, #tpu.memory_space<vmem>>)
      %ge3A = arith.constant 1 : i32
      %ge3A_189 = arith.cmpi sge, %add3A_177, %ge3A : i32
      %convert_element_type3A = arith.extui %ge3A_189 : i1 to i32
      %cond3A = arith.constant 0 : i32
      %cond3A_190 = arith.cmpi ne, %convert_element_type3A, %cond3A : i32
      scf.if %cond3A_190 {
        %sub3A = arith.constant 1 : i32
        %sub3A_251 = arith.subi %add3A_177, %sub3A : i32
        %dma_wait3A_252 = arith.constant 1 : i32
        %dma_wait3A_253 = arith.constant 0 : i32
        %dma_wait3A_254 = arith.constant 0 : i32
        %dma_wait3A_255 = tpu.memref_slice %arg10[%dma_wait3A_252, %dma_wait3A_253, %dma_wait3A_254] : memref<2x125x128xf32, #tpu.memory_space<vmem>> -> memref<1x125x128xf32, #tpu.memory_space<vmem>>
        %dma_wait3A_256 = tpu.memref_squeeze %dma_wait3A_255 : memref<1x125x128xf32, #tpu.memory_space<vmem>> -> memref<125x128xf32, #tpu.memory_space<vmem>>
        %dma_wait3A_257 = arith.constant 0 : i32
        %dma_wait3A_258 = tpu.memref_slice %arg9[%sub3A_251, %dma_wait3A_257] : memref<40x125xi32, #tpu.memory_space<vmem>> -> memref<1x125xi32, #tpu.memory_space<vmem>>
        %dma_wait3A_259 = tpu.memref_squeeze %dma_wait3A_258 : memref<1x125xi32, #tpu.memory_space<vmem>> -> memref<125xi32, #tpu.memory_space<vmem>>
        %dma_wait3A_260 = arith.constant 0 : i32
        %dma_wait3A_261 = arith.constant 0 : i32
        %dma_wait3A_262 = tpu.memref_slice %arg12[%dma_wait3A_260, %dma_wait3A_261] : memref<10240x128xf32, #tpu.memory_space<vmem_shared>> -> memref<10240x128xf32, #tpu.memory_space<vmem_shared>>
        tpu.wait_indirect_dma semaphore(%arg16 : memref<!tpu.dma_semaphore, #tpu.memory_space<semaphore_mem>>) src(%dma_wait3A_256 : memref<125x128xf32, #tpu.memory_space<vmem>>) dst(%dma_wait3A_262 : memref<10240x128xf32, #tpu.memory_space<vmem_shared>>)
      } else {
      }
      %dma_start3A_191 = arith.constant 0 : i32
      %dma_start3A_192 = arith.constant 0 : i32
      %dma_start3A_193 = arith.constant 0 : i32
      %dma_start3A_194 = tpu.memref_slice %arg10[%dma_start3A_191, %dma_start3A_192, %dma_start3A_193] : memref<2x125x128xf32, #tpu.memory_space<vmem>> -> memref<1x125x128xf32, #tpu.memory_space<vmem>>
      %dma_start3A_195 = tpu.memref_squeeze %dma_start3A_194 : memref<1x125x128xf32, #tpu.memory_space<vmem>> -> memref<125x128xf32, #tpu.memory_space<vmem>>
      %dma_start3A_196 = arith.constant 0 : i32
      %dma_start3A_197 = tpu.memref_slice %arg9[%add3A_177, %dma_start3A_196] : memref<40x125xi32, #tpu.memory_space<vmem>> -> memref<1x125xi32, #tpu.memory_space<vmem>>
      %dma_start3A_198 = tpu.memref_squeeze %dma_start3A_197 : memref<1x125xi32, #tpu.memory_space<vmem>> -> memref<125xi32, #tpu.memory_space<vmem>>
      %dma_start3A_199 = arith.constant 0 : i32
      %dma_start3A_200 = arith.constant 0 : i32
      %dma_start3A_201 = tpu.memref_slice %arg12[%dma_start3A_199, %dma_start3A_200] : memref<10240x128xf32, #tpu.memory_space<vmem_shared>> -> memref<10240x128xf32, #tpu.memory_space<vmem_shared>>
      tpu.enqueue_indirect_dma source(%dma_start3A_195 : memref<125x128xf32, #tpu.memory_space<vmem>>) target(%dma_start3A_201 : memref<10240x128xf32, #tpu.memory_space<vmem_shared>>) offsets(%dma_start3A_198 : memref<125xi32, #tpu.memory_space<vmem>>) semaphore(%arg15 : memref<!tpu.dma_semaphore, #tpu.memory_space<semaphore_mem>>) {add = true}
      %ge3A_202 = arith.constant 1 : i32
      %ge3A_203 = arith.cmpi sge, %add3A_177, %ge3A_202 : i32
      %add3A_204 = arith.constant 1 : i32
      %add3A_205 = arith.addi %add3A_177, %add3A_204 : i32
      %lt3A = arith.constant 40 : i32
      %lt3A_206 = arith.cmpi slt, %add3A_205, %lt3A : i32
      %and3A = arith.andi %ge3A_203, %lt3A_206 : i1
      %convert_element_type3A_207 = arith.extui %and3A : i1 to i32
      %cond3A_208 = arith.constant 0 : i32
      %cond3A_209 = arith.cmpi ne, %convert_element_type3A_207, %cond3A_208 : i32
      scf.if %cond3A_209 {
        %add3A_251 = arith.constant 1 : i32
        %add3A_252 = arith.addi %add3A_177, %add3A_251 : i32
        %dma_start3A_253 = arith.constant 1 : i32
        %dma_start3A_254 = arith.constant 0 : i32
        %dma_start3A_255 = arith.constant 0 : i32
        %dma_start3A_256 = tpu.memref_slice %arg10[%dma_start3A_253, %dma_start3A_254, %dma_start3A_255] : memref<2x125x128xf32, #tpu.memory_space<vmem>> -> memref<1x125x128xf32, #tpu.memory_space<vmem>>
        %dma_start3A_257 = tpu.memref_squeeze %dma_start3A_256 : memref<1x125x128xf32, #tpu.memory_space<vmem>> -> memref<125x128xf32, #tpu.memory_space<vmem>>
        %dma_start3A_258 = arith.constant 0 : i32
        %dma_start3A_259 = tpu.memref_slice %arg8[%add3A_252, %dma_start3A_258] : memref<40x125xi32, #tpu.memory_space<vmem>> -> memref<1x125xi32, #tpu.memory_space<vmem>>
        %dma_start3A_260 = tpu.memref_squeeze %dma_start3A_259 : memref<1x125xi32, #tpu.memory_space<vmem>> -> memref<125xi32, #tpu.memory_space<vmem>>
        %dma_start3A_261 = arith.constant 0 : i32
        %dma_start3A_262 = arith.constant 0 : i32
        %dma_start3A_263 = tpu.memref_slice %arg2[%dma_start3A_261, %dma_start3A_262] : memref<10000x128xf32, #tpu.memory_space<hbm>> -> memref<10000x128xf32, #tpu.memory_space<hbm>>
        tpu.enqueue_indirect_dma source(%dma_start3A_263 : memref<10000x128xf32, #tpu.memory_space<hbm>>) target(%dma_start3A_257 : memref<125x128xf32, #tpu.memory_space<vmem>>) offsets(%dma_start3A_260 : memref<125xi32, #tpu.memory_space<vmem>>) semaphore(%arg14 : memref<!tpu.dma_semaphore, #tpu.memory_space<semaphore_mem>>)
      } else {
      }
      %mul3A_210 = arith.constant 2 : i32
      %mul3A_211 = arith.muli %scan3A_173, %mul3A_210 : i32
      %add3A_212 = arith.constant 1 : i32
      %add3A_213 = arith.addi %mul3A_211, %add3A_212 : i32
      %dma_wait3A_214 = arith.constant 1 : i32
      %dma_wait3A_215 = arith.constant 0 : i32
      %dma_wait3A_216 = arith.constant 0 : i32
      %dma_wait3A_217 = tpu.memref_slice %arg10[%dma_wait3A_214, %dma_wait3A_215, %dma_wait3A_216] : memref<2x125x128xf32, #tpu.memory_space<vmem>> -> memref<1x125x128xf32, #tpu.memory_space<vmem>>
      %dma_wait3A_218 = tpu.memref_squeeze %dma_wait3A_217 : memref<1x125x128xf32, #tpu.memory_space<vmem>> -> memref<125x128xf32, #tpu.memory_space<vmem>>
      %dma_wait3A_219 = arith.constant 0 : i32
      %dma_wait3A_220 = tpu.memref_slice %arg8[%add3A_213, %dma_wait3A_219] : memref<40x125xi32, #tpu.memory_space<vmem>> -> memref<1x125xi32, #tpu.memory_space<vmem>>
      %dma_wait3A_221 = tpu.memref_squeeze %dma_wait3A_220 : memref<1x125xi32, #tpu.memory_space<vmem>> -> memref<125xi32, #tpu.memory_space<vmem>>
      %dma_wait3A_222 = arith.constant 0 : i32
      %dma_wait3A_223 = arith.constant 0 : i32
      %dma_wait3A_224 = tpu.memref_slice %arg2[%dma_wait3A_222, %dma_wait3A_223] : memref<10000x128xf32, #tpu.memory_space<hbm>> -> memref<10000x128xf32, #tpu.memory_space<hbm>>
      tpu.wait_indirect_dma semaphore(%arg14 : memref<!tpu.dma_semaphore, #tpu.memory_space<semaphore_mem>>) src(%dma_wait3A_224 : memref<10000x128xf32, #tpu.memory_space<hbm>>) dst(%dma_wait3A_218 : memref<125x128xf32, #tpu.memory_space<vmem>>)
      %ge3A_225 = arith.constant 1 : i32
      %ge3A_226 = arith.cmpi sge, %add3A_213, %ge3A_225 : i32
      %convert_element_type3A_227 = arith.extui %ge3A_226 : i1 to i32
      %cond3A_228 = arith.constant 0 : i32
      %cond3A_229 = arith.cmpi ne, %convert_element_type3A_227, %cond3A_228 : i32
      scf.if %cond3A_229 {
        %sub3A = arith.constant 1 : i32
        %sub3A_251 = arith.subi %add3A_213, %sub3A : i32
        %dma_wait3A_252 = arith.constant 0 : i32
        %dma_wait3A_253 = arith.constant 0 : i32
        %dma_wait3A_254 = arith.constant 0 : i32
        %dma_wait3A_255 = tpu.memref_slice %arg10[%dma_wait3A_252, %dma_wait3A_253, %dma_wait3A_254] : memref<2x125x128xf32, #tpu.memory_space<vmem>> -> memref<1x125x128xf32, #tpu.memory_space<vmem>>
        %dma_wait3A_256 = tpu.memref_squeeze %dma_wait3A_255 : memref<1x125x128xf32, #tpu.memory_space<vmem>> -> memref<125x128xf32, #tpu.memory_space<vmem>>
        %dma_wait3A_257 = arith.constant 0 : i32
        %dma_wait3A_258 = tpu.memref_slice %arg9[%sub3A_251, %dma_wait3A_257] : memref<40x125xi32, #tpu.memory_space<vmem>> -> memref<1x125xi32, #tpu.memory_space<vmem>>
        %dma_wait3A_259 = tpu.memref_squeeze %dma_wait3A_258 : memref<1x125xi32, #tpu.memory_space<vmem>> -> memref<125xi32, #tpu.memory_space<vmem>>
        %dma_wait3A_260 = arith.constant 0 : i32
        %dma_wait3A_261 = arith.constant 0 : i32
        %dma_wait3A_262 = tpu.memref_slice %arg12[%dma_wait3A_260, %dma_wait3A_261] : memref<10240x128xf32, #tpu.memory_space<vmem_shared>> -> memref<10240x128xf32, #tpu.memory_space<vmem_shared>>
        tpu.wait_indirect_dma semaphore(%arg15 : memref<!tpu.dma_semaphore, #tpu.memory_space<semaphore_mem>>) src(%dma_wait3A_256 : memref<125x128xf32, #tpu.memory_space<vmem>>) dst(%dma_wait3A_262 : memref<10240x128xf32, #tpu.memory_space<vmem_shared>>)
      } else {
      }
      %dma_start3A_230 = arith.constant 1 : i32
      %dma_start3A_231 = arith.constant 0 : i32
      %dma_start3A_232 = arith.constant 0 : i32
      %dma_start3A_233 = tpu.memref_slice %arg10[%dma_start3A_230, %dma_start3A_231, %dma_start3A_232] : memref<2x125x128xf32, #tpu.memory_space<vmem>> -> memref<1x125x128xf32, #tpu.memory_space<vmem>>
      %dma_start3A_234 = tpu.memref_squeeze %dma_start3A_233 : memref<1x125x128xf32, #tpu.memory_space<vmem>> -> memref<125x128xf32, #tpu.memory_space<vmem>>
      %dma_start3A_235 = arith.constant 0 : i32
      %dma_start3A_236 = tpu.memref_slice %arg9[%add3A_213, %dma_start3A_235] : memref<40x125xi32, #tpu.memory_space<vmem>> -> memref<1x125xi32, #tpu.memory_space<vmem>>
      %dma_start3A_237 = tpu.memref_squeeze %dma_start3A_236 : memref<1x125xi32, #tpu.memory_space<vmem>> -> memref<125xi32, #tpu.memory_space<vmem>>
      %dma_start3A_238 = arith.constant 0 : i32
      %dma_start3A_239 = arith.constant 0 : i32
      %dma_start3A_240 = tpu.memref_slice %arg12[%dma_start3A_238, %dma_start3A_239] : memref<10240x128xf32, #tpu.memory_space<vmem_shared>> -> memref<10240x128xf32, #tpu.memory_space<vmem_shared>>
      tpu.enqueue_indirect_dma source(%dma_start3A_234 : memref<125x128xf32, #tpu.memory_space<vmem>>) target(%dma_start3A_240 : memref<10240x128xf32, #tpu.memory_space<vmem_shared>>) offsets(%dma_start3A_237 : memref<125xi32, #tpu.memory_space<vmem>>) semaphore(%arg16 : memref<!tpu.dma_semaphore, #tpu.memory_space<semaphore_mem>>) {add = true}
      %ge3A_241 = arith.constant 1 : i32
      %ge3A_242 = arith.cmpi sge, %add3A_213, %ge3A_241 : i32
      %add3A_243 = arith.constant 1 : i32
      %add3A_244 = arith.addi %add3A_213, %add3A_243 : i32
      %lt3A_245 = arith.constant 40 : i32
      %lt3A_246 = arith.cmpi slt, %add3A_244, %lt3A_245 : i32
      %and3A_247 = arith.andi %ge3A_242, %lt3A_246 : i1
      %convert_element_type3A_248 = arith.extui %and3A_247 : i1 to i32
      %cond3A_249 = arith.constant 0 : i32
      %cond3A_250 = arith.cmpi ne, %convert_element_type3A_248, %cond3A_249 : i32
      scf.if %cond3A_250 {
        %add3A_251 = arith.constant 1 : i32
        %add3A_252 = arith.addi %add3A_213, %add3A_251 : i32
        %dma_start3A_253 = arith.constant 0 : i32
        %dma_start3A_254 = arith.constant 0 : i32
        %dma_start3A_255 = arith.constant 0 : i32
        %dma_start3A_256 = tpu.memref_slice %arg10[%dma_start3A_253, %dma_start3A_254, %dma_start3A_255] : memref<2x125x128xf32, #tpu.memory_space<vmem>> -> memref<1x125x128xf32, #tpu.memory_space<vmem>>
        %dma_start3A_257 = tpu.memref_squeeze %dma_start3A_256 : memref<1x125x128xf32, #tpu.memory_space<vmem>> -> memref<125x128xf32, #tpu.memory_space<vmem>>
        %dma_start3A_258 = arith.constant 0 : i32
        %dma_start3A_259 = tpu.memref_slice %arg8[%add3A_252, %dma_start3A_258] : memref<40x125xi32, #tpu.memory_space<vmem>> -> memref<1x125xi32, #tpu.memory_space<vmem>>
        %dma_start3A_260 = tpu.memref_squeeze %dma_start3A_259 : memref<1x125xi32, #tpu.memory_space<vmem>> -> memref<125xi32, #tpu.memory_space<vmem>>
        %dma_start3A_261 = arith.constant 0 : i32
        %dma_start3A_262 = arith.constant 0 : i32
        %dma_start3A_263 = tpu.memref_slice %arg2[%dma_start3A_261, %dma_start3A_262] : memref<10000x128xf32, #tpu.memory_space<hbm>> -> memref<10000x128xf32, #tpu.memory_space<hbm>>
        tpu.enqueue_indirect_dma source(%dma_start3A_263 : memref<10000x128xf32, #tpu.memory_space<hbm>>) target(%dma_start3A_257 : memref<125x128xf32, #tpu.memory_space<vmem>>) offsets(%dma_start3A_260 : memref<125xi32, #tpu.memory_space<vmem>>) semaphore(%arg13 : memref<!tpu.dma_semaphore, #tpu.memory_space<semaphore_mem>>)
      } else {
      }
    }
    %scan3A_76 = arith.constant 20 : i32
    %dma_wait3A = arith.constant 1 : i32
    %dma_wait3A_77 = arith.constant 39 : i32
    %dma_wait3A_78 = arith.constant 0 : i32
    %dma_wait3A_79 = arith.constant 0 : i32
    %dma_wait3A_80 = tpu.memref_slice %arg10[%dma_wait3A, %dma_wait3A_78, %dma_wait3A_79] : memref<2x125x128xf32, #tpu.memory_space<vmem>> -> memref<1x125x128xf32, #tpu.memory_space<vmem>>
    %dma_wait3A_81 = tpu.memref_squeeze %dma_wait3A_80 : memref<1x125x128xf32, #tpu.memory_space<vmem>> -> memref<125x128xf32, #tpu.memory_space<vmem>>
    %dma_wait3A_82 = arith.constant 0 : i32
    %dma_wait3A_83 = tpu.memref_slice %arg9[%dma_wait3A_77, %dma_wait3A_82] : memref<40x125xi32, #tpu.memory_space<vmem>> -> memref<1x125xi32, #tpu.memory_space<vmem>>
    %dma_wait3A_84 = tpu.memref_squeeze %dma_wait3A_83 : memref<1x125xi32, #tpu.memory_space<vmem>> -> memref<125xi32, #tpu.memory_space<vmem>>
    %dma_wait3A_85 = arith.constant 0 : i32
    %dma_wait3A_86 = arith.constant 0 : i32
    %dma_wait3A_87 = tpu.memref_slice %arg12[%dma_wait3A_85, %dma_wait3A_86] : memref<10240x128xf32, #tpu.memory_space<vmem_shared>> -> memref<10240x128xf32, #tpu.memory_space<vmem_shared>>
    tpu.wait_indirect_dma semaphore(%arg16 : memref<!tpu.dma_semaphore, #tpu.memory_space<semaphore_mem>>) src(%dma_wait3A_81 : memref<125x128xf32, #tpu.memory_space<vmem>>) dst(%dma_wait3A_87 : memref<10240x128xf32, #tpu.memory_space<vmem_shared>>)
    %barrier3A_88 = arith.constant 0 : index
    tpu.barrier barrier_id(%barrier3A_88)
    "tpu.region"() ({
      %run_scoped3A = tpu.sem_alloc : memref<!tpu.dma_semaphore, #tpu.memory_space<semaphore_mem>>
      %dma_start3A_173 = arith.constant 0 : i32
      %dma_start3A_174 = tpu.memref_slice %arg6[%arg0, %mul3A_2, %dma_start3A_173] : memref<2x10240x128xf32, #tpu.memory_space<hbm>> -> memref<1x640x128xf32, #tpu.memory_space<hbm>>
      %dma_start3A_175 = tpu.memref_squeeze %dma_start3A_174 : memref<1x640x128xf32, #tpu.memory_space<hbm>> -> memref<640x128xf32, #tpu.memory_space<hbm>>
      %dma_start3A_176 = arith.constant 0 : i32
      %dma_start3A_177 = tpu.memref_slice %arg12[%mul3A_2, %dma_start3A_176] : memref<10240x128xf32, #tpu.memory_space<vmem_shared>> -> memref<640x128xf32, #tpu.memory_space<vmem_shared>>
      tpu.enqueue_dma source(%dma_start3A_177 : memref<640x128xf32, #tpu.memory_space<vmem_shared>>) target(%dma_start3A_175 : memref<640x128xf32, #tpu.memory_space<hbm>>) target_semaphore(%run_scoped3A : memref<!tpu.dma_semaphore, #tpu.memory_space<semaphore_mem>>)
      %dma_wait3A_178 = arith.constant 0 : i32
      %dma_wait3A_179 = tpu.memref_slice %arg6[%arg0, %mul3A_2, %dma_wait3A_178] : memref<2x10240x128xf32, #tpu.memory_space<hbm>> -> memref<1x640x128xf32, #tpu.memory_space<hbm>>
      %dma_wait3A_180 = tpu.memref_squeeze %dma_wait3A_179 : memref<1x640x128xf32, #tpu.memory_space<hbm>> -> memref<640x128xf32, #tpu.memory_space<hbm>>
      %dma_wait3A_181 = arith.constant 0 : i32
      %dma_wait3A_182 = tpu.memref_slice %arg12[%mul3A_2, %dma_wait3A_181] : memref<10240x128xf32, #tpu.memory_space<vmem_shared>> -> memref<640x128xf32, #tpu.memory_space<vmem_shared>>
      tpu.wait_dma2 semaphore(%run_scoped3A : memref<!tpu.dma_semaphore, #tpu.memory_space<semaphore_mem>>) src(%dma_wait3A_182 : memref<640x128xf32, #tpu.memory_space<vmem_shared>>) dst(%dma_wait3A_180 : memref<640x128xf32, #tpu.memory_space<hbm>>)
      tpu.yield
    }) : () -> ()
    %add3A_89 = arith.constant 0 : i32
    %add3A_90 = arith.addi %mul3A_2, %add3A_89 : i32
    "tpu.region"() ({
      %run_scoped3A = tpu.sem_alloc : memref<!tpu.dma_semaphore, #tpu.memory_space<semaphore_mem>>
      %dma_start3A_173 = arith.constant 0 : i32
      %dma_start3A_174 = tpu.memref_slice %arg12[%add3A_90, %dma_start3A_173] : memref<10240x128xf32, #tpu.memory_space<vmem_shared>> -> memref<32x128xf32, #tpu.memory_space<vmem_shared>>
      %dma_start3A_175 = arith.constant 0 : i32
      %dma_start3A_176 = tpu.memref_slice %arg12[%add3A_90, %dma_start3A_175] : memref<10240x128xf32, #tpu.memory_space<vmem_shared>> -> memref<32x128xf32, #tpu.memory_space<vmem_shared>>
      tpu.enqueue_dma source(%arg11 : memref<32x128xf32, #tpu.memory_space<vmem>>) target(%dma_start3A_176 : memref<32x128xf32, #tpu.memory_space<vmem_shared>>) target_semaphore(%run_scoped3A : memref<!tpu.dma_semaphore, #tpu.memory_space<semaphore_mem>>)
      %dma_wait3A_177 = arith.constant 0 : i32
      %dma_wait3A_178 = tpu.memref_slice %arg12[%add3A_90, %dma_wait3A_177] : memref<10240x128xf32, #tpu.memory_space<vmem_shared>> -> memref<32x128xf32, #tpu.memory_space<vmem_shared>>
      %dma_wait3A_179 = arith.constant 0 : i32
      %dma_wait3A_180 = tpu.memref_slice %arg12[%add3A_90, %dma_wait3A_179] : memref<10240x128xf32, #tpu.memory_space<vmem_shared>> -> memref<32x128xf32, #tpu.memory_space<vmem_shared>>
      tpu.wait_dma2 semaphore(%run_scoped3A : memref<!tpu.dma_semaphore, #tpu.memory_space<semaphore_mem>>) src(%arg11 : memref<32x128xf32, #tpu.memory_space<vmem>>) dst(%dma_wait3A_180 : memref<32x128xf32, #tpu.memory_space<vmem_shared>>)
      tpu.yield
    }) : () -> ()
    %add3A_91 = arith.constant 32 : i32
    %add3A_92 = arith.addi %mul3A_2, %add3A_91 : i32
    "tpu.region"() ({
      %run_scoped3A = tpu.sem_alloc : memref<!tpu.dma_semaphore, #tpu.memory_space<semaphore_mem>>
      %dma_start3A_173 = arith.constant 0 : i32
      %dma_start3A_174 = tpu.memref_slice %arg12[%add3A_92, %dma_start3A_173] : memref<10240x128xf32, #tpu.memory_space<vmem_shared>> -> memref<32x128xf32, #tpu.memory_space<vmem_shared>>
      %dma_start3A_175 = arith.constant 0 : i32
      %dma_start3A_176 = tpu.memref_slice %arg12[%add3A_92, %dma_start3A_175] : memref<10240x128xf32, #tpu.memory_space<vmem_shared>> -> memref<32x128xf32, #tpu.memory_space<vmem_shared>>
      tpu.enqueue_dma source(%arg11 : memref<32x128xf32, #tpu.memory_space<vmem>>) target(%dma_start3A_176 : memref<32x128xf32, #tpu.memory_space<vmem_shared>>) target_semaphore(%run_scoped3A : memref<!tpu.dma_semaphore, #tpu.memory_space<semaphore_mem>>)
      %dma_wait3A_177 = arith.constant 0 : i32
      %dma_wait3A_178 = tpu.memref_slice %arg12[%add3A_92, %dma_wait3A_177] : memref<10240x128xf32, #tpu.memory_space<vmem_shared>> -> memref<32x128xf32, #tpu.memory_space<vmem_shared>>
      %dma_wait3A_179 = arith.constant 0 : i32
      %dma_wait3A_180 = tpu.memref_slice %arg12[%add3A_92, %dma_wait3A_179] : memref<10240x128xf32, #tpu.memory_space<vmem_shared>> -> memref<32x128xf32, #tpu.memory_space<vmem_shared>>
      tpu.wait_dma2 semaphore(%run_scoped3A : memref<!tpu.dma_semaphore, #tpu.memory_space<semaphore_mem>>) src(%arg11 : memref<32x128xf32, #tpu.memory_space<vmem>>) dst(%dma_wait3A_180 : memref<32x128xf32, #tpu.memory_space<vmem_shared>>)
      tpu.yield
    }) : () -> ()
    %add3A_93 = arith.constant 64 : i32
    %add3A_94 = arith.addi %mul3A_2, %add3A_93 : i32
    "tpu.region"() ({
      %run_scoped3A = tpu.sem_alloc : memref<!tpu.dma_semaphore, #tpu.memory_space<semaphore_mem>>
      %dma_start3A_173 = arith.constant 0 : i32
      %dma_start3A_174 = tpu.memref_slice %arg12[%add3A_94, %dma_start3A_173] : memref<10240x128xf32, #tpu.memory_space<vmem_shared>> -> memref<32x128xf32, #tpu.memory_space<vmem_shared>>
      %dma_start3A_175 = arith.constant 0 : i32
      %dma_start3A_176 = tpu.memref_slice %arg12[%add3A_94, %dma_start3A_175] : memref<10240x128xf32, #tpu.memory_space<vmem_shared>> -> memref<32x128xf32, #tpu.memory_space<vmem_shared>>
      tpu.enqueue_dma source(%arg11 : memref<32x128xf32, #tpu.memory_space<vmem>>) target(%dma_start3A_176 : memref<32x128xf32, #tpu.memory_space<vmem_shared>>) target_semaphore(%run_scoped3A : memref<!tpu.dma_semaphore, #tpu.memory_space<semaphore_mem>>)
      %dma_wait3A_177 = arith.constant 0 : i32
      %dma_wait3A_178 = tpu.memref_slice %arg12[%add3A_94, %dma_wait3A_177] : memref<10240x128xf32, #tpu.memory_space<vmem_shared>> -> memref<32x128xf32, #tpu.memory_space<vmem_shared>>
      %dma_wait3A_179 = arith.constant 0 : i32
      %dma_wait3A_180 = tpu.memref_slice %arg12[%add3A_94, %dma_wait3A_179] : memref<10240x128xf32, #tpu.memory_space<vmem_shared>> -> memref<32x128xf32, #tpu.memory_space<vmem_shared>>
      tpu.wait_dma2 semaphore(%run_scoped3A : memref<!tpu.dma_semaphore, #tpu.memory_space<semaphore_mem>>) src(%arg11 : memref<32x128xf32, #tpu.memory_space<vmem>>) dst(%dma_wait3A_180 : memref<32x128xf32, #tpu.memory_space<vmem_shared>>)
      tpu.yield
    }) : () -> ()
    %add3A_95 = arith.constant 96 : i32
    %add3A_96 = arith.addi %mul3A_2, %add3A_95 : i32
    "tpu.region"() ({
      %run_scoped3A = tpu.sem_alloc : memref<!tpu.dma_semaphore, #tpu.memory_space<semaphore_mem>>
      %dma_start3A_173 = arith.constant 0 : i32
      %dma_start3A_174 = tpu.memref_slice %arg12[%add3A_96, %dma_start3A_173] : memref<10240x128xf32, #tpu.memory_space<vmem_shared>> -> memref<32x128xf32, #tpu.memory_space<vmem_shared>>
      %dma_start3A_175 = arith.constant 0 : i32
      %dma_start3A_176 = tpu.memref_slice %arg12[%add3A_96, %dma_start3A_175] : memref<10240x128xf32, #tpu.memory_space<vmem_shared>> -> memref<32x128xf32, #tpu.memory_space<vmem_shared>>
      tpu.enqueue_dma source(%arg11 : memref<32x128xf32, #tpu.memory_space<vmem>>) target(%dma_start3A_176 : memref<32x128xf32, #tpu.memory_space<vmem_shared>>) target_semaphore(%run_scoped3A : memref<!tpu.dma_semaphore, #tpu.memory_space<semaphore_mem>>)
      %dma_wait3A_177 = arith.constant 0 : i32
      %dma_wait3A_178 = tpu.memref_slice %arg12[%add3A_96, %dma_wait3A_177] : memref<10240x128xf32, #tpu.memory_space<vmem_shared>> -> memref<32x128xf32, #tpu.memory_space<vmem_shared>>
      %dma_wait3A_179 = arith.constant 0 : i32
      %dma_wait3A_180 = tpu.memref_slice %arg12[%add3A_96, %dma_wait3A_179] : memref<10240x128xf32, #tpu.memory_space<vmem_shared>> -> memref<32x128xf32, #tpu.memory_space<vmem_shared>>
      tpu.wait_dma2 semaphore(%run_scoped3A : memref<!tpu.dma_semaphore, #tpu.memory_space<semaphore_mem>>) src(%arg11 : memref<32x128xf32, #tpu.memory_space<vmem>>) dst(%dma_wait3A_180 : memref<32x128xf32, #tpu.memory_space<vmem_shared>>)
      tpu.yield
    }) : () -> ()
    %add3A_97 = arith.constant 128 : i32
    %add3A_98 = arith.addi %mul3A_2, %add3A_97 : i32
    "tpu.region"() ({
      %run_scoped3A = tpu.sem_alloc : memref<!tpu.dma_semaphore, #tpu.memory_space<semaphore_mem>>
      %dma_start3A_173 = arith.constant 0 : i32
      %dma_start3A_174 = tpu.memref_slice %arg12[%add3A_98, %dma_start3A_173] : memref<10240x128xf32, #tpu.memory_space<vmem_shared>> -> memref<32x128xf32, #tpu.memory_space<vmem_shared>>
      %dma_start3A_175 = arith.constant 0 : i32
      %dma_start3A_176 = tpu.memref_slice %arg12[%add3A_98, %dma_start3A_175] : memref<10240x128xf32, #tpu.memory_space<vmem_shared>> -> memref<32x128xf32, #tpu.memory_space<vmem_shared>>
      tpu.enqueue_dma source(%arg11 : memref<32x128xf32, #tpu.memory_space<vmem>>) target(%dma_start3A_176 : memref<32x128xf32, #tpu.memory_space<vmem_shared>>) target_semaphore(%run_scoped3A : memref<!tpu.dma_semaphore, #tpu.memory_space<semaphore_mem>>)
      %dma_wait3A_177 = arith.constant 0 : i32
      %dma_wait3A_178 = tpu.memref_slice %arg12[%add3A_98, %dma_wait3A_177] : memref<10240x128xf32, #tpu.memory_space<vmem_shared>> -> memref<32x128xf32, #tpu.memory_space<vmem_shared>>
      %dma_wait3A_179 = arith.constant 0 : i32
      %dma_wait3A_180 = tpu.memref_slice %arg12[%add3A_98, %dma_wait3A_179] : memref<10240x128xf32, #tpu.memory_space<vmem_shared>> -> memref<32x128xf32, #tpu.memory_space<vmem_shared>>
      tpu.wait_dma2 semaphore(%run_scoped3A : memref<!tpu.dma_semaphore, #tpu.memory_space<semaphore_mem>>) src(%arg11 : memref<32x128xf32, #tpu.memory_space<vmem>>) dst(%dma_wait3A_180 : memref<32x128xf32, #tpu.memory_space<vmem_shared>>)
      tpu.yield
    }) : () -> ()
    %add3A_99 = arith.constant 160 : i32
    %add3A_100 = arith.addi %mul3A_2, %add3A_99 : i32
    "tpu.region"() ({
      %run_scoped3A = tpu.sem_alloc : memref<!tpu.dma_semaphore, #tpu.memory_space<semaphore_mem>>
      %dma_start3A_173 = arith.constant 0 : i32
      %dma_start3A_174 = tpu.memref_slice %arg12[%add3A_100, %dma_start3A_173] : memref<10240x128xf32, #tpu.memory_space<vmem_shared>> -> memref<32x128xf32, #tpu.memory_space<vmem_shared>>
      %dma_start3A_175 = arith.constant 0 : i32
      %dma_start3A_176 = tpu.memref_slice %arg12[%add3A_100, %dma_start3A_175] : memref<10240x128xf32, #tpu.memory_space<vmem_shared>> -> memref<32x128xf32, #tpu.memory_space<vmem_shared>>
      tpu.enqueue_dma source(%arg11 : memref<32x128xf32, #tpu.memory_space<vmem>>) target(%dma_start3A_176 : memref<32x128xf32, #tpu.memory_space<vmem_shared>>) target_semaphore(%run_scoped3A : memref<!tpu.dma_semaphore, #tpu.memory_space<semaphore_mem>>)
      %dma_wait3A_177 = arith.constant 0 : i32
      %dma_wait3A_178 = tpu.memref_slice %arg12[%add3A_100, %dma_wait3A_177] : memref<10240x128xf32, #tpu.memory_space<vmem_shared>> -> memref<32x128xf32, #tpu.memory_space<vmem_shared>>
      %dma_wait3A_179 = arith.constant 0 : i32
      %dma_wait3A_180 = tpu.memref_slice %arg12[%add3A_100, %dma_wait3A_179] : memref<10240x128xf32, #tpu.memory_space<vmem_shared>> -> memref<32x128xf32, #tpu.memory_space<vmem_shared>>
      tpu.wait_dma2 semaphore(%run_scoped3A : memref<!tpu.dma_semaphore, #tpu.memory_space<semaphore_mem>>) src(%arg11 : memref<32x128xf32, #tpu.memory_space<vmem>>) dst(%dma_wait3A_180 : memref<32x128xf32, #tpu.memory_space<vmem_shared>>)
      tpu.yield
    }) : () -> ()
    %add3A_101 = arith.constant 192 : i32
    %add3A_102 = arith.addi %mul3A_2, %add3A_101 : i32
    "tpu.region"() ({
      %run_scoped3A = tpu.sem_alloc : memref<!tpu.dma_semaphore, #tpu.memory_space<semaphore_mem>>
      %dma_start3A_173 = arith.constant 0 : i32
      %dma_start3A_174 = tpu.memref_slice %arg12[%add3A_102, %dma_start3A_173] : memref<10240x128xf32, #tpu.memory_space<vmem_shared>> -> memref<32x128xf32, #tpu.memory_space<vmem_shared>>
      %dma_start3A_175 = arith.constant 0 : i32
      %dma_start3A_176 = tpu.memref_slice %arg12[%add3A_102, %dma_start3A_175] : memref<10240x128xf32, #tpu.memory_space<vmem_shared>> -> memref<32x128xf32, #tpu.memory_space<vmem_shared>>
      tpu.enqueue_dma source(%arg11 : memref<32x128xf32, #tpu.memory_space<vmem>>) target(%dma_start3A_176 : memref<32x128xf32, #tpu.memory_space<vmem_shared>>) target_semaphore(%run_scoped3A : memref<!tpu.dma_semaphore, #tpu.memory_space<semaphore_mem>>)
      %dma_wait3A_177 = arith.constant 0 : i32
      %dma_wait3A_178 = tpu.memref_slice %arg12[%add3A_102, %dma_wait3A_177] : memref<10240x128xf32, #tpu.memory_space<vmem_shared>> -> memref<32x128xf32, #tpu.memory_space<vmem_shared>>
      %dma_wait3A_179 = arith.constant 0 : i32
      %dma_wait3A_180 = tpu.memref_slice %arg12[%add3A_102, %dma_wait3A_179] : memref<10240x128xf32, #tpu.memory_space<vmem_shared>> -> memref<32x128xf32, #tpu.memory_space<vmem_shared>>
      tpu.wait_dma2 semaphore(%run_scoped3A : memref<!tpu.dma_semaphore, #tpu.memory_space<semaphore_mem>>) src(%arg11 : memref<32x128xf32, #tpu.memory_space<vmem>>) dst(%dma_wait3A_180 : memref<32x128xf32, #tpu.memory_space<vmem_shared>>)
      tpu.yield
    }) : () -> ()
    %add3A_103 = arith.constant 224 : i32
    %add3A_104 = arith.addi %mul3A_2, %add3A_103 : i32
    "tpu.region"() ({
      %run_scoped3A = tpu.sem_alloc : memref<!tpu.dma_semaphore, #tpu.memory_space<semaphore_mem>>
      %dma_start3A_173 = arith.constant 0 : i32
      %dma_start3A_174 = tpu.memref_slice %arg12[%add3A_104, %dma_start3A_173] : memref<10240x128xf32, #tpu.memory_space<vmem_shared>> -> memref<32x128xf32, #tpu.memory_space<vmem_shared>>
      %dma_start3A_175 = arith.constant 0 : i32
      %dma_start3A_176 = tpu.memref_slice %arg12[%add3A_104, %dma_start3A_175] : memref<10240x128xf32, #tpu.memory_space<vmem_shared>> -> memref<32x128xf32, #tpu.memory_space<vmem_shared>>
      tpu.enqueue_dma source(%arg11 : memref<32x128xf32, #tpu.memory_space<vmem>>) target(%dma_start3A_176 : memref<32x128xf32, #tpu.memory_space<vmem_shared>>) target_semaphore(%run_scoped3A : memref<!tpu.dma_semaphore, #tpu.memory_space<semaphore_mem>>)
      %dma_wait3A_177 = arith.constant 0 : i32
      %dma_wait3A_178 = tpu.memref_slice %arg12[%add3A_104, %dma_wait3A_177] : memref<10240x128xf32, #tpu.memory_space<vmem_shared>> -> memref<32x128xf32, #tpu.memory_space<vmem_shared>>
      %dma_wait3A_179 = arith.constant 0 : i32
      %dma_wait3A_180 = tpu.memref_slice %arg12[%add3A_104, %dma_wait3A_179] : memref<10240x128xf32, #tpu.memory_space<vmem_shared>> -> memref<32x128xf32, #tpu.memory_space<vmem_shared>>
      tpu.wait_dma2 semaphore(%run_scoped3A : memref<!tpu.dma_semaphore, #tpu.memory_space<semaphore_mem>>) src(%arg11 : memref<32x128xf32, #tpu.memory_space<vmem>>) dst(%dma_wait3A_180 : memref<32x128xf32, #tpu.memory_space<vmem_shared>>)
      tpu.yield
    }) : () -> ()
    %add3A_105 = arith.constant 256 : i32
    %add3A_106 = arith.addi %mul3A_2, %add3A_105 : i32
    "tpu.region"() ({
      %run_scoped3A = tpu.sem_alloc : memref<!tpu.dma_semaphore, #tpu.memory_space<semaphore_mem>>
      %dma_start3A_173 = arith.constant 0 : i32
      %dma_start3A_174 = tpu.memref_slice %arg12[%add3A_106, %dma_start3A_173] : memref<10240x128xf32, #tpu.memory_space<vmem_shared>> -> memref<32x128xf32, #tpu.memory_space<vmem_shared>>
      %dma_start3A_175 = arith.constant 0 : i32
      %dma_start3A_176 = tpu.memref_slice %arg12[%add3A_106, %dma_start3A_175] : memref<10240x128xf32, #tpu.memory_space<vmem_shared>> -> memref<32x128xf32, #tpu.memory_space<vmem_shared>>
      tpu.enqueue_dma source(%arg11 : memref<32x128xf32, #tpu.memory_space<vmem>>) target(%dma_start3A_176 : memref<32x128xf32, #tpu.memory_space<vmem_shared>>) target_semaphore(%run_scoped3A : memref<!tpu.dma_semaphore, #tpu.memory_space<semaphore_mem>>)
      %dma_wait3A_177 = arith.constant 0 : i32
      %dma_wait3A_178 = tpu.memref_slice %arg12[%add3A_106, %dma_wait3A_177] : memref<10240x128xf32, #tpu.memory_space<vmem_shared>> -> memref<32x128xf32, #tpu.memory_space<vmem_shared>>
      %dma_wait3A_179 = arith.constant 0 : i32
      %dma_wait3A_180 = tpu.memref_slice %arg12[%add3A_106, %dma_wait3A_179] : memref<10240x128xf32, #tpu.memory_space<vmem_shared>> -> memref<32x128xf32, #tpu.memory_space<vmem_shared>>
      tpu.wait_dma2 semaphore(%run_scoped3A : memref<!tpu.dma_semaphore, #tpu.memory_space<semaphore_mem>>) src(%arg11 : memref<32x128xf32, #tpu.memory_space<vmem>>) dst(%dma_wait3A_180 : memref<32x128xf32, #tpu.memory_space<vmem_shared>>)
      tpu.yield
    }) : () -> ()
    %add3A_107 = arith.constant 288 : i32
    %add3A_108 = arith.addi %mul3A_2, %add3A_107 : i32
    "tpu.region"() ({
      %run_scoped3A = tpu.sem_alloc : memref<!tpu.dma_semaphore, #tpu.memory_space<semaphore_mem>>
      %dma_start3A_173 = arith.constant 0 : i32
      %dma_start3A_174 = tpu.memref_slice %arg12[%add3A_108, %dma_start3A_173] : memref<10240x128xf32, #tpu.memory_space<vmem_shared>> -> memref<32x128xf32, #tpu.memory_space<vmem_shared>>
      %dma_start3A_175 = arith.constant 0 : i32
      %dma_start3A_176 = tpu.memref_slice %arg12[%add3A_108, %dma_start3A_175] : memref<10240x128xf32, #tpu.memory_space<vmem_shared>> -> memref<32x128xf32, #tpu.memory_space<vmem_shared>>
      tpu.enqueue_dma source(%arg11 : memref<32x128xf32, #tpu.memory_space<vmem>>) target(%dma_start3A_176 : memref<32x128xf32, #tpu.memory_space<vmem_shared>>) target_semaphore(%run_scoped3A : memref<!tpu.dma_semaphore, #tpu.memory_space<semaphore_mem>>)
      %dma_wait3A_177 = arith.constant 0 : i32
      %dma_wait3A_178 = tpu.memref_slice %arg12[%add3A_108, %dma_wait3A_177] : memref<10240x128xf32, #tpu.memory_space<vmem_shared>> -> memref<32x128xf32, #tpu.memory_space<vmem_shared>>
      %dma_wait3A_179 = arith.constant 0 : i32
      %dma_wait3A_180 = tpu.memref_slice %arg12[%add3A_108, %dma_wait3A_179] : memref<10240x128xf32, #tpu.memory_space<vmem_shared>> -> memref<32x128xf32, #tpu.memory_space<vmem_shared>>
      tpu.wait_dma2 semaphore(%run_scoped3A : memref<!tpu.dma_semaphore, #tpu.memory_space<semaphore_mem>>) src(%arg11 : memref<32x128xf32, #tpu.memory_space<vmem>>) dst(%dma_wait3A_180 : memref<32x128xf32, #tpu.memory_space<vmem_shared>>)
      tpu.yield
    }) : () -> ()
    %add3A_109 = arith.constant 320 : i32
    %add3A_110 = arith.addi %mul3A_2, %add3A_109 : i32
    "tpu.region"() ({
      %run_scoped3A = tpu.sem_alloc : memref<!tpu.dma_semaphore, #tpu.memory_space<semaphore_mem>>
      %dma_start3A_173 = arith.constant 0 : i32
      %dma_start3A_174 = tpu.memref_slice %arg12[%add3A_110, %dma_start3A_173] : memref<10240x128xf32, #tpu.memory_space<vmem_shared>> -> memref<32x128xf32, #tpu.memory_space<vmem_shared>>
      %dma_start3A_175 = arith.constant 0 : i32
      %dma_start3A_176 = tpu.memref_slice %arg12[%add3A_110, %dma_start3A_175] : memref<10240x128xf32, #tpu.memory_space<vmem_shared>> -> memref<32x128xf32, #tpu.memory_space<vmem_shared>>
      tpu.enqueue_dma source(%arg11 : memref<32x128xf32, #tpu.memory_space<vmem>>) target(%dma_start3A_176 : memref<32x128xf32, #tpu.memory_space<vmem_shared>>) target_semaphore(%run_scoped3A : memref<!tpu.dma_semaphore, #tpu.memory_space<semaphore_mem>>)
      %dma_wait3A_177 = arith.constant 0 : i32
      %dma_wait3A_178 = tpu.memref_slice %arg12[%add3A_110, %dma_wait3A_177] : memref<10240x128xf32, #tpu.memory_space<vmem_shared>> -> memref<32x128xf32, #tpu.memory_space<vmem_shared>>
      %dma_wait3A_179 = arith.constant 0 : i32
      %dma_wait3A_180 = tpu.memref_slice %arg12[%add3A_110, %dma_wait3A_179] : memref<10240x128xf32, #tpu.memory_space<vmem_shared>> -> memref<32x128xf32, #tpu.memory_space<vmem_shared>>
      tpu.wait_dma2 semaphore(%run_scoped3A : memref<!tpu.dma_semaphore, #tpu.memory_space<semaphore_mem>>) src(%arg11 : memref<32x128xf32, #tpu.memory_space<vmem>>) dst(%dma_wait3A_180 : memref<32x128xf32, #tpu.memory_space<vmem_shared>>)
      tpu.yield
    }) : () -> ()
    %add3A_111 = arith.constant 352 : i32
    %add3A_112 = arith.addi %mul3A_2, %add3A_111 : i32
    "tpu.region"() ({
      %run_scoped3A = tpu.sem_alloc : memref<!tpu.dma_semaphore, #tpu.memory_space<semaphore_mem>>
      %dma_start3A_173 = arith.constant 0 : i32
      %dma_start3A_174 = tpu.memref_slice %arg12[%add3A_112, %dma_start3A_173] : memref<10240x128xf32, #tpu.memory_space<vmem_shared>> -> memref<32x128xf32, #tpu.memory_space<vmem_shared>>
      %dma_start3A_175 = arith.constant 0 : i32
      %dma_start3A_176 = tpu.memref_slice %arg12[%add3A_112, %dma_start3A_175] : memref<10240x128xf32, #tpu.memory_space<vmem_shared>> -> memref<32x128xf32, #tpu.memory_space<vmem_shared>>
      tpu.enqueue_dma source(%arg11 : memref<32x128xf32, #tpu.memory_space<vmem>>) target(%dma_start3A_176 : memref<32x128xf32, #tpu.memory_space<vmem_shared>>) target_semaphore(%run_scoped3A : memref<!tpu.dma_semaphore, #tpu.memory_space<semaphore_mem>>)
      %dma_wait3A_177 = arith.constant 0 : i32
      %dma_wait3A_178 = tpu.memref_slice %arg12[%add3A_112, %dma_wait3A_177] : memref<10240x128xf32, #tpu.memory_space<vmem_shared>> -> memref<32x128xf32, #tpu.memory_space<vmem_shared>>
      %dma_wait3A_179 = arith.constant 0 : i32
      %dma_wait3A_180 = tpu.memref_slice %arg12[%add3A_112, %dma_wait3A_179] : memref<10240x128xf32, #tpu.memory_space<vmem_shared>> -> memref<32x128xf32, #tpu.memory_space<vmem_shared>>
      tpu.wait_dma2 semaphore(%run_scoped3A : memref<!tpu.dma_semaphore, #tpu.memory_space<semaphore_mem>>) src(%arg11 : memref<32x128xf32, #tpu.memory_space<vmem>>) dst(%dma_wait3A_180 : memref<32x128xf32, #tpu.memory_space<vmem_shared>>)
      tpu.yield
    }) : () -> ()
    %add3A_113 = arith.constant 384 : i32
    %add3A_114 = arith.addi %mul3A_2, %add3A_113 : i32
    "tpu.region"() ({
      %run_scoped3A = tpu.sem_alloc : memref<!tpu.dma_semaphore, #tpu.memory_space<semaphore_mem>>
      %dma_start3A_173 = arith.constant 0 : i32
      %dma_start3A_174 = tpu.memref_slice %arg12[%add3A_114, %dma_start3A_173] : memref<10240x128xf32, #tpu.memory_space<vmem_shared>> -> memref<32x128xf32, #tpu.memory_space<vmem_shared>>
      %dma_start3A_175 = arith.constant 0 : i32
      %dma_start3A_176 = tpu.memref_slice %arg12[%add3A_114, %dma_start3A_175] : memref<10240x128xf32, #tpu.memory_space<vmem_shared>> -> memref<32x128xf32, #tpu.memory_space<vmem_shared>>
      tpu.enqueue_dma source(%arg11 : memref<32x128xf32, #tpu.memory_space<vmem>>) target(%dma_start3A_176 : memref<32x128xf32, #tpu.memory_space<vmem_shared>>) target_semaphore(%run_scoped3A : memref<!tpu.dma_semaphore, #tpu.memory_space<semaphore_mem>>)
      %dma_wait3A_177 = arith.constant 0 : i32
      %dma_wait3A_178 = tpu.memref_slice %arg12[%add3A_114, %dma_wait3A_177] : memref<10240x128xf32, #tpu.memory_space<vmem_shared>> -> memref<32x128xf32, #tpu.memory_space<vmem_shared>>
      %dma_wait3A_179 = arith.constant 0 : i32
      %dma_wait3A_180 = tpu.memref_slice %arg12[%add3A_114, %dma_wait3A_179] : memref<10240x128xf32, #tpu.memory_space<vmem_shared>> -> memref<32x128xf32, #tpu.memory_space<vmem_shared>>
      tpu.wait_dma2 semaphore(%run_scoped3A : memref<!tpu.dma_semaphore, #tpu.memory_space<semaphore_mem>>) src(%arg11 : memref<32x128xf32, #tpu.memory_space<vmem>>) dst(%dma_wait3A_180 : memref<32x128xf32, #tpu.memory_space<vmem_shared>>)
      tpu.yield
    }) : () -> ()
    %add3A_115 = arith.constant 416 : i32
    %add3A_116 = arith.addi %mul3A_2, %add3A_115 : i32
    "tpu.region"() ({
      %run_scoped3A = tpu.sem_alloc : memref<!tpu.dma_semaphore, #tpu.memory_space<semaphore_mem>>
      %dma_start3A_173 = arith.constant 0 : i32
      %dma_start3A_174 = tpu.memref_slice %arg12[%add3A_116, %dma_start3A_173] : memref<10240x128xf32, #tpu.memory_space<vmem_shared>> -> memref<32x128xf32, #tpu.memory_space<vmem_shared>>
      %dma_start3A_175 = arith.constant 0 : i32
      %dma_start3A_176 = tpu.memref_slice %arg12[%add3A_116, %dma_start3A_175] : memref<10240x128xf32, #tpu.memory_space<vmem_shared>> -> memref<32x128xf32, #tpu.memory_space<vmem_shared>>
      tpu.enqueue_dma source(%arg11 : memref<32x128xf32, #tpu.memory_space<vmem>>) target(%dma_start3A_176 : memref<32x128xf32, #tpu.memory_space<vmem_shared>>) target_semaphore(%run_scoped3A : memref<!tpu.dma_semaphore, #tpu.memory_space<semaphore_mem>>)
      %dma_wait3A_177 = arith.constant 0 : i32
      %dma_wait3A_178 = tpu.memref_slice %arg12[%add3A_116, %dma_wait3A_177] : memref<10240x128xf32, #tpu.memory_space<vmem_shared>> -> memref<32x128xf32, #tpu.memory_space<vmem_shared>>
      %dma_wait3A_179 = arith.constant 0 : i32
      %dma_wait3A_180 = tpu.memref_slice %arg12[%add3A_116, %dma_wait3A_179] : memref<10240x128xf32, #tpu.memory_space<vmem_shared>> -> memref<32x128xf32, #tpu.memory_space<vmem_shared>>
      tpu.wait_dma2 semaphore(%run_scoped3A : memref<!tpu.dma_semaphore, #tpu.memory_space<semaphore_mem>>) src(%arg11 : memref<32x128xf32, #tpu.memory_space<vmem>>) dst(%dma_wait3A_180 : memref<32x128xf32, #tpu.memory_space<vmem_shared>>)
      tpu.yield
    }) : () -> ()
    %add3A_117 = arith.constant 448 : i32
    %add3A_118 = arith.addi %mul3A_2, %add3A_117 : i32
    "tpu.region"() ({
      %run_scoped3A = tpu.sem_alloc : memref<!tpu.dma_semaphore, #tpu.memory_space<semaphore_mem>>
      %dma_start3A_173 = arith.constant 0 : i32
      %dma_start3A_174 = tpu.memref_slice %arg12[%add3A_118, %dma_start3A_173] : memref<10240x128xf32, #tpu.memory_space<vmem_shared>> -> memref<32x128xf32, #tpu.memory_space<vmem_shared>>
      %dma_start3A_175 = arith.constant 0 : i32
      %dma_start3A_176 = tpu.memref_slice %arg12[%add3A_118, %dma_start3A_175] : memref<10240x128xf32, #tpu.memory_space<vmem_shared>> -> memref<32x128xf32, #tpu.memory_space<vmem_shared>>
      tpu.enqueue_dma source(%arg11 : memref<32x128xf32, #tpu.memory_space<vmem>>) target(%dma_start3A_176 : memref<32x128xf32, #tpu.memory_space<vmem_shared>>) target_semaphore(%run_scoped3A : memref<!tpu.dma_semaphore, #tpu.memory_space<semaphore_mem>>)
      %dma_wait3A_177 = arith.constant 0 : i32
      %dma_wait3A_178 = tpu.memref_slice %arg12[%add3A_118, %dma_wait3A_177] : memref<10240x128xf32, #tpu.memory_space<vmem_shared>> -> memref<32x128xf32, #tpu.memory_space<vmem_shared>>
      %dma_wait3A_179 = arith.constant 0 : i32
      %dma_wait3A_180 = tpu.memref_slice %arg12[%add3A_118, %dma_wait3A_179] : memref<10240x128xf32, #tpu.memory_space<vmem_shared>> -> memref<32x128xf32, #tpu.memory_space<vmem_shared>>
      tpu.wait_dma2 semaphore(%run_scoped3A : memref<!tpu.dma_semaphore, #tpu.memory_space<semaphore_mem>>) src(%arg11 : memref<32x128xf32, #tpu.memory_space<vmem>>) dst(%dma_wait3A_180 : memref<32x128xf32, #tpu.memory_space<vmem_shared>>)
      tpu.yield
    }) : () -> ()
    %add3A_119 = arith.constant 480 : i32
    %add3A_120 = arith.addi %mul3A_2, %add3A_119 : i32
    "tpu.region"() ({
      %run_scoped3A = tpu.sem_alloc : memref<!tpu.dma_semaphore, #tpu.memory_space<semaphore_mem>>
      %dma_start3A_173 = arith.constant 0 : i32
      %dma_start3A_174 = tpu.memref_slice %arg12[%add3A_120, %dma_start3A_173] : memref<10240x128xf32, #tpu.memory_space<vmem_shared>> -> memref<32x128xf32, #tpu.memory_space<vmem_shared>>
      %dma_start3A_175 = arith.constant 0 : i32
      %dma_start3A_176 = tpu.memref_slice %arg12[%add3A_120, %dma_start3A_175] : memref<10240x128xf32, #tpu.memory_space<vmem_shared>> -> memref<32x128xf32, #tpu.memory_space<vmem_shared>>
      tpu.enqueue_dma source(%arg11 : memref<32x128xf32, #tpu.memory_space<vmem>>) target(%dma_start3A_176 : memref<32x128xf32, #tpu.memory_space<vmem_shared>>) target_semaphore(%run_scoped3A : memref<!tpu.dma_semaphore, #tpu.memory_space<semaphore_mem>>)
      %dma_wait3A_177 = arith.constant 0 : i32
      %dma_wait3A_178 = tpu.memref_slice %arg12[%add3A_120, %dma_wait3A_177] : memref<10240x128xf32, #tpu.memory_space<vmem_shared>> -> memref<32x128xf32, #tpu.memory_space<vmem_shared>>
      %dma_wait3A_179 = arith.constant 0 : i32
      %dma_wait3A_180 = tpu.memref_slice %arg12[%add3A_120, %dma_wait3A_179] : memref<10240x128xf32, #tpu.memory_space<vmem_shared>> -> memref<32x128xf32, #tpu.memory_space<vmem_shared>>
      tpu.wait_dma2 semaphore(%run_scoped3A : memref<!tpu.dma_semaphore, #tpu.memory_space<semaphore_mem>>) src(%arg11 : memref<32x128xf32, #tpu.memory_space<vmem>>) dst(%dma_wait3A_180 : memref<32x128xf32, #tpu.memory_space<vmem_shared>>)
      tpu.yield
    }) : () -> ()
    %add3A_121 = arith.constant 512 : i32
    %add3A_122 = arith.addi %mul3A_2, %add3A_121 : i32
    "tpu.region"() ({
      %run_scoped3A = tpu.sem_alloc : memref<!tpu.dma_semaphore, #tpu.memory_space<semaphore_mem>>
      %dma_start3A_173 = arith.constant 0 : i32
      %dma_start3A_174 = tpu.memref_slice %arg12[%add3A_122, %dma_start3A_173] : memref<10240x128xf32, #tpu.memory_space<vmem_shared>> -> memref<32x128xf32, #tpu.memory_space<vmem_shared>>
      %dma_start3A_175 = arith.constant 0 : i32
      %dma_start3A_176 = tpu.memref_slice %arg12[%add3A_122, %dma_start3A_175] : memref<10240x128xf32, #tpu.memory_space<vmem_shared>> -> memref<32x128xf32, #tpu.memory_space<vmem_shared>>
      tpu.enqueue_dma source(%arg11 : memref<32x128xf32, #tpu.memory_space<vmem>>) target(%dma_start3A_176 : memref<32x128xf32, #tpu.memory_space<vmem_shared>>) target_semaphore(%run_scoped3A : memref<!tpu.dma_semaphore, #tpu.memory_space<semaphore_mem>>)
      %dma_wait3A_177 = arith.constant 0 : i32
      %dma_wait3A_178 = tpu.memref_slice %arg12[%add3A_122, %dma_wait3A_177] : memref<10240x128xf32, #tpu.memory_space<vmem_shared>> -> memref<32x128xf32, #tpu.memory_space<vmem_shared>>
      %dma_wait3A_179 = arith.constant 0 : i32
      %dma_wait3A_180 = tpu.memref_slice %arg12[%add3A_122, %dma_wait3A_179] : memref<10240x128xf32, #tpu.memory_space<vmem_shared>> -> memref<32x128xf32, #tpu.memory_space<vmem_shared>>
      tpu.wait_dma2 semaphore(%run_scoped3A : memref<!tpu.dma_semaphore, #tpu.memory_space<semaphore_mem>>) src(%arg11 : memref<32x128xf32, #tpu.memory_space<vmem>>) dst(%dma_wait3A_180 : memref<32x128xf32, #tpu.memory_space<vmem_shared>>)
      tpu.yield
    }) : () -> ()
    %add3A_123 = arith.constant 544 : i32
    %add3A_124 = arith.addi %mul3A_2, %add3A_123 : i32
    "tpu.region"() ({
      %run_scoped3A = tpu.sem_alloc : memref<!tpu.dma_semaphore, #tpu.memory_space<semaphore_mem>>
      %dma_start3A_173 = arith.constant 0 : i32
      %dma_start3A_174 = tpu.memref_slice %arg12[%add3A_124, %dma_start3A_173] : memref<10240x128xf32, #tpu.memory_space<vmem_shared>> -> memref<32x128xf32, #tpu.memory_space<vmem_shared>>
      %dma_start3A_175 = arith.constant 0 : i32
      %dma_start3A_176 = tpu.memref_slice %arg12[%add3A_124, %dma_start3A_175] : memref<10240x128xf32, #tpu.memory_space<vmem_shared>> -> memref<32x128xf32, #tpu.memory_space<vmem_shared>>
      tpu.enqueue_dma source(%arg11 : memref<32x128xf32, #tpu.memory_space<vmem>>) target(%dma_start3A_176 : memref<32x128xf32, #tpu.memory_space<vmem_shared>>) target_semaphore(%run_scoped3A : memref<!tpu.dma_semaphore, #tpu.memory_space<semaphore_mem>>)
      %dma_wait3A_177 = arith.constant 0 : i32
      %dma_wait3A_178 = tpu.memref_slice %arg12[%add3A_124, %dma_wait3A_177] : memref<10240x128xf32, #tpu.memory_space<vmem_shared>> -> memref<32x128xf32, #tpu.memory_space<vmem_shared>>
      %dma_wait3A_179 = arith.constant 0 : i32
      %dma_wait3A_180 = tpu.memref_slice %arg12[%add3A_124, %dma_wait3A_179] : memref<10240x128xf32, #tpu.memory_space<vmem_shared>> -> memref<32x128xf32, #tpu.memory_space<vmem_shared>>
      tpu.wait_dma2 semaphore(%run_scoped3A : memref<!tpu.dma_semaphore, #tpu.memory_space<semaphore_mem>>) src(%arg11 : memref<32x128xf32, #tpu.memory_space<vmem>>) dst(%dma_wait3A_180 : memref<32x128xf32, #tpu.memory_space<vmem_shared>>)
      tpu.yield
    }) : () -> ()
    %add3A_125 = arith.constant 576 : i32
    %add3A_126 = arith.addi %mul3A_2, %add3A_125 : i32
    "tpu.region"() ({
      %run_scoped3A = tpu.sem_alloc : memref<!tpu.dma_semaphore, #tpu.memory_space<semaphore_mem>>
      %dma_start3A_173 = arith.constant 0 : i32
      %dma_start3A_174 = tpu.memref_slice %arg12[%add3A_126, %dma_start3A_173] : memref<10240x128xf32, #tpu.memory_space<vmem_shared>> -> memref<32x128xf32, #tpu.memory_space<vmem_shared>>
      %dma_start3A_175 = arith.constant 0 : i32
      %dma_start3A_176 = tpu.memref_slice %arg12[%add3A_126, %dma_start3A_175] : memref<10240x128xf32, #tpu.memory_space<vmem_shared>> -> memref<32x128xf32, #tpu.memory_space<vmem_shared>>
      tpu.enqueue_dma source(%arg11 : memref<32x128xf32, #tpu.memory_space<vmem>>) target(%dma_start3A_176 : memref<32x128xf32, #tpu.memory_space<vmem_shared>>) target_semaphore(%run_scoped3A : memref<!tpu.dma_semaphore, #tpu.memory_space<semaphore_mem>>)
      %dma_wait3A_177 = arith.constant 0 : i32
      %dma_wait3A_178 = tpu.memref_slice %arg12[%add3A_126, %dma_wait3A_177] : memref<10240x128xf32, #tpu.memory_space<vmem_shared>> -> memref<32x128xf32, #tpu.memory_space<vmem_shared>>
      %dma_wait3A_179 = arith.constant 0 : i32
      %dma_wait3A_180 = tpu.memref_slice %arg12[%add3A_126, %dma_wait3A_179] : memref<10240x128xf32, #tpu.memory_space<vmem_shared>> -> memref<32x128xf32, #tpu.memory_space<vmem_shared>>
      tpu.wait_dma2 semaphore(%run_scoped3A : memref<!tpu.dma_semaphore, #tpu.memory_space<semaphore_mem>>) src(%arg11 : memref<32x128xf32, #tpu.memory_space<vmem>>) dst(%dma_wait3A_180 : memref<32x128xf32, #tpu.memory_space<vmem_shared>>)
      tpu.yield
    }) : () -> ()
    %add3A_127 = arith.constant 608 : i32
    %add3A_128 = arith.addi %mul3A_2, %add3A_127 : i32
    "tpu.region"() ({
      %run_scoped3A = tpu.sem_alloc : memref<!tpu.dma_semaphore, #tpu.memory_space<semaphore_mem>>
      %dma_start3A_173 = arith.constant 0 : i32
      %dma_start3A_174 = tpu.memref_slice %arg12[%add3A_128, %dma_start3A_173] : memref<10240x128xf32, #tpu.memory_space<vmem_shared>> -> memref<32x128xf32, #tpu.memory_space<vmem_shared>>
      %dma_start3A_175 = arith.constant 0 : i32
      %dma_start3A_176 = tpu.memref_slice %arg12[%add3A_128, %dma_start3A_175] : memref<10240x128xf32, #tpu.memory_space<vmem_shared>> -> memref<32x128xf32, #tpu.memory_space<vmem_shared>>
      tpu.enqueue_dma source(%arg11 : memref<32x128xf32, #tpu.memory_space<vmem>>) target(%dma_start3A_176 : memref<32x128xf32, #tpu.memory_space<vmem_shared>>) target_semaphore(%run_scoped3A : memref<!tpu.dma_semaphore, #tpu.memory_space<semaphore_mem>>)
      %dma_wait3A_177 = arith.constant 0 : i32
      %dma_wait3A_178 = tpu.memref_slice %arg12[%add3A_128, %dma_wait3A_177] : memref<10240x128xf32, #tpu.memory_space<vmem_shared>> -> memref<32x128xf32, #tpu.memory_space<vmem_shared>>
      %dma_wait3A_179 = arith.constant 0 : i32
      %dma_wait3A_180 = tpu.memref_slice %arg12[%add3A_128, %dma_wait3A_179] : memref<10240x128xf32, #tpu.memory_space<vmem_shared>> -> memref<32x128xf32, #tpu.memory_space<vmem_shared>>
      tpu.wait_dma2 semaphore(%run_scoped3A : memref<!tpu.dma_semaphore, #tpu.memory_space<semaphore_mem>>) src(%arg11 : memref<32x128xf32, #tpu.memory_space<vmem>>) dst(%dma_wait3A_180 : memref<32x128xf32, #tpu.memory_space<vmem_shared>>)
      tpu.yield
    }) : () -> ()
    %barrier3A_129 = arith.constant 0 : index
    tpu.barrier barrier_id(%barrier3A_129)
    %dma_start3A_130 = arith.constant 0 : i32
    %dma_start3A_131 = arith.constant 0 : i32
    %dma_start3A_132 = arith.constant 0 : i32
    %dma_start3A_133 = arith.constant 0 : i32
    %dma_start3A_134 = tpu.memref_slice %arg10[%dma_start3A_131, %dma_start3A_132, %dma_start3A_133] : memref<2x125x128xf32, #tpu.memory_space<vmem>> -> memref<1x125x128xf32, #tpu.memory_space<vmem>>
    %dma_start3A_135 = tpu.memref_squeeze %dma_start3A_134 : memref<1x125x128xf32, #tpu.memory_space<vmem>> -> memref<125x128xf32, #tpu.memory_space<vmem>>
    %dma_start3A_136 = arith.constant 0 : i32
    %dma_start3A_137 = tpu.memref_slice %arg8[%dma_start3A_130, %dma_start3A_136] : memref<40x125xi32, #tpu.memory_space<vmem>> -> memref<1x125xi32, #tpu.memory_space<vmem>>
    %dma_start3A_138 = tpu.memref_squeeze %dma_start3A_137 : memref<1x125xi32, #tpu.memory_space<vmem>> -> memref<125xi32, #tpu.memory_space<vmem>>
    %dma_start3A_139 = arith.constant 0 : i32
    %dma_start3A_140 = arith.constant 0 : i32
    %dma_start3A_141 = tpu.memref_slice %arg3[%dma_start3A_139, %dma_start3A_140] : memref<10000x128xf32, #tpu.memory_space<hbm>> -> memref<10000x128xf32, #tpu.memory_space<hbm>>
    tpu.enqueue_indirect_dma source(%dma_start3A_141 : memref<10000x128xf32, #tpu.memory_space<hbm>>) target(%dma_start3A_135 : memref<125x128xf32, #tpu.memory_space<vmem>>) offsets(%dma_start3A_138 : memref<125xi32, #tpu.memory_space<vmem>>) semaphore(%arg13 : memref<!tpu.dma_semaphore, #tpu.memory_space<semaphore_mem>>)
    %dma_start3A_142 = arith.constant 1 : i32
    %dma_start3A_143 = arith.constant 1 : i32
    %dma_start3A_144 = arith.constant 0 : i32
    %dma_start3A_145 = arith.constant 0 : i32
    %dma_start3A_146 = tpu.memref_slice %arg10[%dma_start3A_143, %dma_start3A_144, %dma_start3A_145] : memref<2x125x128xf32, #tpu.memory_space<vmem>> -> memref<1x125x128xf32, #tpu.memory_space<vmem>>
    %dma_start3A_147 = tpu.memref_squeeze %dma_start3A_146 : memref<1x125x128xf32, #tpu.memory_space<vmem>> -> memref<125x128xf32, #tpu.memory_space<vmem>>
    %dma_start3A_148 = arith.constant 0 : i32
    %dma_start3A_149 = tpu.memref_slice %arg8[%dma_start3A_142, %dma_start3A_148] : memref<40x125xi32, #tpu.memory_space<vmem>> -> memref<1x125xi32, #tpu.memory_space<vmem>>
    %dma_start3A_150 = tpu.memref_squeeze %dma_start3A_149 : memref<1x125xi32, #tpu.memory_space<vmem>> -> memref<125xi32, #tpu.memory_space<vmem>>
    %dma_start3A_151 = arith.constant 0 : i32
    %dma_start3A_152 = arith.constant 0 : i32
    %dma_start3A_153 = tpu.memref_slice %arg3[%dma_start3A_151, %dma_start3A_152] : memref<10000x128xf32, #tpu.memory_space<hbm>> -> memref<10000x128xf32, #tpu.memory_space<hbm>>
    tpu.enqueue_indirect_dma source(%dma_start3A_153 : memref<10000x128xf32, #tpu.memory_space<hbm>>) target(%dma_start3A_147 : memref<125x128xf32, #tpu.memory_space<vmem>>) offsets(%dma_start3A_150 : memref<125xi32, #tpu.memory_space<vmem>>) semaphore(%arg14 : memref<!tpu.dma_semaphore, #tpu.memory_space<semaphore_mem>>)
    %scan3A_154 = arith.constant 0 : i32
    %scan3A_155 = arith.constant 0 : i32
    %scan3A_156 = arith.constant 20 : i32
    %scan3A_157 = arith.addi %scan3A_155, %scan3A_156 : i32
    %scan3A_158 = arith.constant 1 : i32
    scf.for %scan3A_173 = %scan3A_155 to %scan3A_157 step %scan3A_158  : i32 {
      %mul3A_174 = arith.constant 2 : i32
      %mul3A_175 = arith.muli %scan3A_173, %mul3A_174 : i32
      %add3A_176 = arith.constant 0 : i32
      %add3A_177 = arith.addi %mul3A_175, %add3A_176 : i32
      %dma_wait3A_178 = arith.constant 0 : i32
      %dma_wait3A_179 = arith.constant 0 : i32
      %dma_wait3A_180 = arith.constant 0 : i32
      %dma_wait3A_181 = tpu.memref_slice %arg10[%dma_wait3A_178, %dma_wait3A_179, %dma_wait3A_180] : memref<2x125x128xf32, #tpu.memory_space<vmem>> -> memref<1x125x128xf32, #tpu.memory_space<vmem>>
      %dma_wait3A_182 = tpu.memref_squeeze %dma_wait3A_181 : memref<1x125x128xf32, #tpu.memory_space<vmem>> -> memref<125x128xf32, #tpu.memory_space<vmem>>
      %dma_wait3A_183 = arith.constant 0 : i32
      %dma_wait3A_184 = tpu.memref_slice %arg8[%add3A_177, %dma_wait3A_183] : memref<40x125xi32, #tpu.memory_space<vmem>> -> memref<1x125xi32, #tpu.memory_space<vmem>>
      %dma_wait3A_185 = tpu.memref_squeeze %dma_wait3A_184 : memref<1x125xi32, #tpu.memory_space<vmem>> -> memref<125xi32, #tpu.memory_space<vmem>>
      %dma_wait3A_186 = arith.constant 0 : i32
      %dma_wait3A_187 = arith.constant 0 : i32
      %dma_wait3A_188 = tpu.memref_slice %arg3[%dma_wait3A_186, %dma_wait3A_187] : memref<10000x128xf32, #tpu.memory_space<hbm>> -> memref<10000x128xf32, #tpu.memory_space<hbm>>
      tpu.wait_indirect_dma semaphore(%arg13 : memref<!tpu.dma_semaphore, #tpu.memory_space<semaphore_mem>>) src(%dma_wait3A_188 : memref<10000x128xf32, #tpu.memory_space<hbm>>) dst(%dma_wait3A_182 : memref<125x128xf32, #tpu.memory_space<vmem>>)
      %ge3A = arith.constant 1 : i32
      %ge3A_189 = arith.cmpi sge, %add3A_177, %ge3A : i32
      %convert_element_type3A = arith.extui %ge3A_189 : i1 to i32
      %cond3A = arith.constant 0 : i32
      %cond3A_190 = arith.cmpi ne, %convert_element_type3A, %cond3A : i32
      scf.if %cond3A_190 {
        %sub3A = arith.constant 1 : i32
        %sub3A_251 = arith.subi %add3A_177, %sub3A : i32
        %dma_wait3A_252 = arith.constant 1 : i32
        %dma_wait3A_253 = arith.constant 0 : i32
        %dma_wait3A_254 = arith.constant 0 : i32
        %dma_wait3A_255 = tpu.memref_slice %arg10[%dma_wait3A_252, %dma_wait3A_253, %dma_wait3A_254] : memref<2x125x128xf32, #tpu.memory_space<vmem>> -> memref<1x125x128xf32, #tpu.memory_space<vmem>>
        %dma_wait3A_256 = tpu.memref_squeeze %dma_wait3A_255 : memref<1x125x128xf32, #tpu.memory_space<vmem>> -> memref<125x128xf32, #tpu.memory_space<vmem>>
        %dma_wait3A_257 = arith.constant 0 : i32
        %dma_wait3A_258 = tpu.memref_slice %arg9[%sub3A_251, %dma_wait3A_257] : memref<40x125xi32, #tpu.memory_space<vmem>> -> memref<1x125xi32, #tpu.memory_space<vmem>>
        %dma_wait3A_259 = tpu.memref_squeeze %dma_wait3A_258 : memref<1x125xi32, #tpu.memory_space<vmem>> -> memref<125xi32, #tpu.memory_space<vmem>>
        %dma_wait3A_260 = arith.constant 0 : i32
        %dma_wait3A_261 = arith.constant 0 : i32
        %dma_wait3A_262 = tpu.memref_slice %arg12[%dma_wait3A_260, %dma_wait3A_261] : memref<10240x128xf32, #tpu.memory_space<vmem_shared>> -> memref<10240x128xf32, #tpu.memory_space<vmem_shared>>
        tpu.wait_indirect_dma semaphore(%arg16 : memref<!tpu.dma_semaphore, #tpu.memory_space<semaphore_mem>>) src(%dma_wait3A_256 : memref<125x128xf32, #tpu.memory_space<vmem>>) dst(%dma_wait3A_262 : memref<10240x128xf32, #tpu.memory_space<vmem_shared>>)
      } else {
      }
      %dma_start3A_191 = arith.constant 0 : i32
      %dma_start3A_192 = arith.constant 0 : i32
      %dma_start3A_193 = arith.constant 0 : i32
      %dma_start3A_194 = tpu.memref_slice %arg10[%dma_start3A_191, %dma_start3A_192, %dma_start3A_193] : memref<2x125x128xf32, #tpu.memory_space<vmem>> -> memref<1x125x128xf32, #tpu.memory_space<vmem>>
      %dma_start3A_195 = tpu.memref_squeeze %dma_start3A_194 : memref<1x125x128xf32, #tpu.memory_space<vmem>> -> memref<125x128xf32, #tpu.memory_space<vmem>>
      %dma_start3A_196 = arith.constant 0 : i32
      %dma_start3A_197 = tpu.memref_slice %arg9[%add3A_177, %dma_start3A_196] : memref<40x125xi32, #tpu.memory_space<vmem>> -> memref<1x125xi32, #tpu.memory_space<vmem>>
      %dma_start3A_198 = tpu.memref_squeeze %dma_start3A_197 : memref<1x125xi32, #tpu.memory_space<vmem>> -> memref<125xi32, #tpu.memory_space<vmem>>
      %dma_start3A_199 = arith.constant 0 : i32
      %dma_start3A_200 = arith.constant 0 : i32
      %dma_start3A_201 = tpu.memref_slice %arg12[%dma_start3A_199, %dma_start3A_200] : memref<10240x128xf32, #tpu.memory_space<vmem_shared>> -> memref<10240x128xf32, #tpu.memory_space<vmem_shared>>
      tpu.enqueue_indirect_dma source(%dma_start3A_195 : memref<125x128xf32, #tpu.memory_space<vmem>>) target(%dma_start3A_201 : memref<10240x128xf32, #tpu.memory_space<vmem_shared>>) offsets(%dma_start3A_198 : memref<125xi32, #tpu.memory_space<vmem>>) semaphore(%arg15 : memref<!tpu.dma_semaphore, #tpu.memory_space<semaphore_mem>>) {add = true}
      %ge3A_202 = arith.constant 1 : i32
      %ge3A_203 = arith.cmpi sge, %add3A_177, %ge3A_202 : i32
      %add3A_204 = arith.constant 1 : i32
      %add3A_205 = arith.addi %add3A_177, %add3A_204 : i32
      %lt3A = arith.constant 40 : i32
      %lt3A_206 = arith.cmpi slt, %add3A_205, %lt3A : i32
      %and3A = arith.andi %ge3A_203, %lt3A_206 : i1
      %convert_element_type3A_207 = arith.extui %and3A : i1 to i32
      %cond3A_208 = arith.constant 0 : i32
      %cond3A_209 = arith.cmpi ne, %convert_element_type3A_207, %cond3A_208 : i32
      scf.if %cond3A_209 {
        %add3A_251 = arith.constant 1 : i32
        %add3A_252 = arith.addi %add3A_177, %add3A_251 : i32
        %dma_start3A_253 = arith.constant 1 : i32
        %dma_start3A_254 = arith.constant 0 : i32
        %dma_start3A_255 = arith.constant 0 : i32
        %dma_start3A_256 = tpu.memref_slice %arg10[%dma_start3A_253, %dma_start3A_254, %dma_start3A_255] : memref<2x125x128xf32, #tpu.memory_space<vmem>> -> memref<1x125x128xf32, #tpu.memory_space<vmem>>
        %dma_start3A_257 = tpu.memref_squeeze %dma_start3A_256 : memref<1x125x128xf32, #tpu.memory_space<vmem>> -> memref<125x128xf32, #tpu.memory_space<vmem>>
        %dma_start3A_258 = arith.constant 0 : i32
        %dma_start3A_259 = tpu.memref_slice %arg8[%add3A_252, %dma_start3A_258] : memref<40x125xi32, #tpu.memory_space<vmem>> -> memref<1x125xi32, #tpu.memory_space<vmem>>
        %dma_start3A_260 = tpu.memref_squeeze %dma_start3A_259 : memref<1x125xi32, #tpu.memory_space<vmem>> -> memref<125xi32, #tpu.memory_space<vmem>>
        %dma_start3A_261 = arith.constant 0 : i32
        %dma_start3A_262 = arith.constant 0 : i32
        %dma_start3A_263 = tpu.memref_slice %arg3[%dma_start3A_261, %dma_start3A_262] : memref<10000x128xf32, #tpu.memory_space<hbm>> -> memref<10000x128xf32, #tpu.memory_space<hbm>>
        tpu.enqueue_indirect_dma source(%dma_start3A_263 : memref<10000x128xf32, #tpu.memory_space<hbm>>) target(%dma_start3A_257 : memref<125x128xf32, #tpu.memory_space<vmem>>) offsets(%dma_start3A_260 : memref<125xi32, #tpu.memory_space<vmem>>) semaphore(%arg14 : memref<!tpu.dma_semaphore, #tpu.memory_space<semaphore_mem>>)
      } else {
      }
      %mul3A_210 = arith.constant 2 : i32
      %mul3A_211 = arith.muli %scan3A_173, %mul3A_210 : i32
      %add3A_212 = arith.constant 1 : i32
      %add3A_213 = arith.addi %mul3A_211, %add3A_212 : i32
      %dma_wait3A_214 = arith.constant 1 : i32
      %dma_wait3A_215 = arith.constant 0 : i32
      %dma_wait3A_216 = arith.constant 0 : i32
      %dma_wait3A_217 = tpu.memref_slice %arg10[%dma_wait3A_214, %dma_wait3A_215, %dma_wait3A_216] : memref<2x125x128xf32, #tpu.memory_space<vmem>> -> memref<1x125x128xf32, #tpu.memory_space<vmem>>
      %dma_wait3A_218 = tpu.memref_squeeze %dma_wait3A_217 : memref<1x125x128xf32, #tpu.memory_space<vmem>> -> memref<125x128xf32, #tpu.memory_space<vmem>>
      %dma_wait3A_219 = arith.constant 0 : i32
      %dma_wait3A_220 = tpu.memref_slice %arg8[%add3A_213, %dma_wait3A_219] : memref<40x125xi32, #tpu.memory_space<vmem>> -> memref<1x125xi32, #tpu.memory_space<vmem>>
      %dma_wait3A_221 = tpu.memref_squeeze %dma_wait3A_220 : memref<1x125xi32, #tpu.memory_space<vmem>> -> memref<125xi32, #tpu.memory_space<vmem>>
      %dma_wait3A_222 = arith.constant 0 : i32
      %dma_wait3A_223 = arith.constant 0 : i32
      %dma_wait3A_224 = tpu.memref_slice %arg3[%dma_wait3A_222, %dma_wait3A_223] : memref<10000x128xf32, #tpu.memory_space<hbm>> -> memref<10000x128xf32, #tpu.memory_space<hbm>>
      tpu.wait_indirect_dma semaphore(%arg14 : memref<!tpu.dma_semaphore, #tpu.memory_space<semaphore_mem>>) src(%dma_wait3A_224 : memref<10000x128xf32, #tpu.memory_space<hbm>>) dst(%dma_wait3A_218 : memref<125x128xf32, #tpu.memory_space<vmem>>)
      %ge3A_225 = arith.constant 1 : i32
      %ge3A_226 = arith.cmpi sge, %add3A_213, %ge3A_225 : i32
      %convert_element_type3A_227 = arith.extui %ge3A_226 : i1 to i32
      %cond3A_228 = arith.constant 0 : i32
      %cond3A_229 = arith.cmpi ne, %convert_element_type3A_227, %cond3A_228 : i32
      scf.if %cond3A_229 {
        %sub3A = arith.constant 1 : i32
        %sub3A_251 = arith.subi %add3A_213, %sub3A : i32
        %dma_wait3A_252 = arith.constant 0 : i32
        %dma_wait3A_253 = arith.constant 0 : i32
        %dma_wait3A_254 = arith.constant 0 : i32
        %dma_wait3A_255 = tpu.memref_slice %arg10[%dma_wait3A_252, %dma_wait3A_253, %dma_wait3A_254] : memref<2x125x128xf32, #tpu.memory_space<vmem>> -> memref<1x125x128xf32, #tpu.memory_space<vmem>>
        %dma_wait3A_256 = tpu.memref_squeeze %dma_wait3A_255 : memref<1x125x128xf32, #tpu.memory_space<vmem>> -> memref<125x128xf32, #tpu.memory_space<vmem>>
        %dma_wait3A_257 = arith.constant 0 : i32
        %dma_wait3A_258 = tpu.memref_slice %arg9[%sub3A_251, %dma_wait3A_257] : memref<40x125xi32, #tpu.memory_space<vmem>> -> memref<1x125xi32, #tpu.memory_space<vmem>>
        %dma_wait3A_259 = tpu.memref_squeeze %dma_wait3A_258 : memref<1x125xi32, #tpu.memory_space<vmem>> -> memref<125xi32, #tpu.memory_space<vmem>>
        %dma_wait3A_260 = arith.constant 0 : i32
        %dma_wait3A_261 = arith.constant 0 : i32
        %dma_wait3A_262 = tpu.memref_slice %arg12[%dma_wait3A_260, %dma_wait3A_261] : memref<10240x128xf32, #tpu.memory_space<vmem_shared>> -> memref<10240x128xf32, #tpu.memory_space<vmem_shared>>
        tpu.wait_indirect_dma semaphore(%arg15 : memref<!tpu.dma_semaphore, #tpu.memory_space<semaphore_mem>>) src(%dma_wait3A_256 : memref<125x128xf32, #tpu.memory_space<vmem>>) dst(%dma_wait3A_262 : memref<10240x128xf32, #tpu.memory_space<vmem_shared>>)
      } else {
      }
      %dma_start3A_230 = arith.constant 1 : i32
      %dma_start3A_231 = arith.constant 0 : i32
      %dma_start3A_232 = arith.constant 0 : i32
      %dma_start3A_233 = tpu.memref_slice %arg10[%dma_start3A_230, %dma_start3A_231, %dma_start3A_232] : memref<2x125x128xf32, #tpu.memory_space<vmem>> -> memref<1x125x128xf32, #tpu.memory_space<vmem>>
      %dma_start3A_234 = tpu.memref_squeeze %dma_start3A_233 : memref<1x125x128xf32, #tpu.memory_space<vmem>> -> memref<125x128xf32, #tpu.memory_space<vmem>>
      %dma_start3A_235 = arith.constant 0 : i32
      %dma_start3A_236 = tpu.memref_slice %arg9[%add3A_213, %dma_start3A_235] : memref<40x125xi32, #tpu.memory_space<vmem>> -> memref<1x125xi32, #tpu.memory_space<vmem>>
      %dma_start3A_237 = tpu.memref_squeeze %dma_start3A_236 : memref<1x125xi32, #tpu.memory_space<vmem>> -> memref<125xi32, #tpu.memory_space<vmem>>
      %dma_start3A_238 = arith.constant 0 : i32
      %dma_start3A_239 = arith.constant 0 : i32
      %dma_start3A_240 = tpu.memref_slice %arg12[%dma_start3A_238, %dma_start3A_239] : memref<10240x128xf32, #tpu.memory_space<vmem_shared>> -> memref<10240x128xf32, #tpu.memory_space<vmem_shared>>
      tpu.enqueue_indirect_dma source(%dma_start3A_234 : memref<125x128xf32, #tpu.memory_space<vmem>>) target(%dma_start3A_240 : memref<10240x128xf32, #tpu.memory_space<vmem_shared>>) offsets(%dma_start3A_237 : memref<125xi32, #tpu.memory_space<vmem>>) semaphore(%arg16 : memref<!tpu.dma_semaphore, #tpu.memory_space<semaphore_mem>>) {add = true}
      %ge3A_241 = arith.constant 1 : i32
      %ge3A_242 = arith.cmpi sge, %add3A_213, %ge3A_241 : i32
      %add3A_243 = arith.constant 1 : i32
      %add3A_244 = arith.addi %add3A_213, %add3A_243 : i32
      %lt3A_245 = arith.constant 40 : i32
      %lt3A_246 = arith.cmpi slt, %add3A_244, %lt3A_245 : i32
      %and3A_247 = arith.andi %ge3A_242, %lt3A_246 : i1
      %convert_element_type3A_248 = arith.extui %and3A_247 : i1 to i32
      %cond3A_249 = arith.constant 0 : i32
      %cond3A_250 = arith.cmpi ne, %convert_element_type3A_248, %cond3A_249 : i32
      scf.if %cond3A_250 {
        %add3A_251 = arith.constant 1 : i32
        %add3A_252 = arith.addi %add3A_213, %add3A_251 : i32
        %dma_start3A_253 = arith.constant 0 : i32
        %dma_start3A_254 = arith.constant 0 : i32
        %dma_start3A_255 = arith.constant 0 : i32
        %dma_start3A_256 = tpu.memref_slice %arg10[%dma_start3A_253, %dma_start3A_254, %dma_start3A_255] : memref<2x125x128xf32, #tpu.memory_space<vmem>> -> memref<1x125x128xf32, #tpu.memory_space<vmem>>
        %dma_start3A_257 = tpu.memref_squeeze %dma_start3A_256 : memref<1x125x128xf32, #tpu.memory_space<vmem>> -> memref<125x128xf32, #tpu.memory_space<vmem>>
        %dma_start3A_258 = arith.constant 0 : i32
        %dma_start3A_259 = tpu.memref_slice %arg8[%add3A_252, %dma_start3A_258] : memref<40x125xi32, #tpu.memory_space<vmem>> -> memref<1x125xi32, #tpu.memory_space<vmem>>
        %dma_start3A_260 = tpu.memref_squeeze %dma_start3A_259 : memref<1x125xi32, #tpu.memory_space<vmem>> -> memref<125xi32, #tpu.memory_space<vmem>>
        %dma_start3A_261 = arith.constant 0 : i32
        %dma_start3A_262 = arith.constant 0 : i32
        %dma_start3A_263 = tpu.memref_slice %arg3[%dma_start3A_261, %dma_start3A_262] : memref<10000x128xf32, #tpu.memory_space<hbm>> -> memref<10000x128xf32, #tpu.memory_space<hbm>>
        tpu.enqueue_indirect_dma source(%dma_start3A_263 : memref<10000x128xf32, #tpu.memory_space<hbm>>) target(%dma_start3A_257 : memref<125x128xf32, #tpu.memory_space<vmem>>) offsets(%dma_start3A_260 : memref<125xi32, #tpu.memory_space<vmem>>) semaphore(%arg13 : memref<!tpu.dma_semaphore, #tpu.memory_space<semaphore_mem>>)
      } else {
      }
    }
    %scan3A_159 = arith.constant 20 : i32
    %dma_wait3A_160 = arith.constant 1 : i32
    %dma_wait3A_161 = arith.constant 39 : i32
    %dma_wait3A_162 = arith.constant 0 : i32
    %dma_wait3A_163 = arith.constant 0 : i32
    %dma_wait3A_164 = tpu.memref_slice %arg10[%dma_wait3A_160, %dma_wait3A_162, %dma_wait3A_163] : memref<2x125x128xf32, #tpu.memory_space<vmem>> -> memref<1x125x128xf32, #tpu.memory_space<vmem>>
    %dma_wait3A_165 = tpu.memref_squeeze %dma_wait3A_164 : memref<1x125x128xf32, #tpu.memory_space<vmem>> -> memref<125x128xf32, #tpu.memory_space<vmem>>
    %dma_wait3A_166 = arith.constant 0 : i32
    %dma_wait3A_167 = tpu.memref_slice %arg9[%dma_wait3A_161, %dma_wait3A_166] : memref<40x125xi32, #tpu.memory_space<vmem>> -> memref<1x125xi32, #tpu.memory_space<vmem>>
    %dma_wait3A_168 = tpu.memref_squeeze %dma_wait3A_167 : memref<1x125xi32, #tpu.memory_space<vmem>> -> memref<125xi32, #tpu.memory_space<vmem>>
    %dma_wait3A_169 = arith.constant 0 : i32
    %dma_wait3A_170 = arith.constant 0 : i32
    %dma_wait3A_171 = tpu.memref_slice %arg12[%dma_wait3A_169, %dma_wait3A_170] : memref<10240x128xf32, #tpu.memory_space<vmem_shared>> -> memref<10240x128xf32, #tpu.memory_space<vmem_shared>>
    tpu.wait_indirect_dma semaphore(%arg16 : memref<!tpu.dma_semaphore, #tpu.memory_space<semaphore_mem>>) src(%dma_wait3A_165 : memref<125x128xf32, #tpu.memory_space<vmem>>) dst(%dma_wait3A_171 : memref<10240x128xf32, #tpu.memory_space<vmem_shared>>)
    %barrier3A_172 = arith.constant 0 : index
    tpu.barrier barrier_id(%barrier3A_172)
    "tpu.region"() ({
      %run_scoped3A = tpu.sem_alloc : memref<!tpu.dma_semaphore, #tpu.memory_space<semaphore_mem>>
      %dma_start3A_173 = arith.constant 0 : i32
      %dma_start3A_174 = tpu.memref_slice %arg7[%arg0, %mul3A_2, %dma_start3A_173] : memref<2x10240x128xf32, #tpu.memory_space<hbm>> -> memref<1x640x128xf32, #tpu.memory_space<hbm>>
      %dma_start3A_175 = tpu.memref_squeeze %dma_start3A_174 : memref<1x640x128xf32, #tpu.memory_space<hbm>> -> memref<640x128xf32, #tpu.memory_space<hbm>>
      %dma_start3A_176 = arith.constant 0 : i32
      %dma_start3A_177 = tpu.memref_slice %arg12[%mul3A_2, %dma_start3A_176] : memref<10240x128xf32, #tpu.memory_space<vmem_shared>> -> memref<640x128xf32, #tpu.memory_space<vmem_shared>>
      tpu.enqueue_dma source(%dma_start3A_177 : memref<640x128xf32, #tpu.memory_space<vmem_shared>>) target(%dma_start3A_175 : memref<640x128xf32, #tpu.memory_space<hbm>>) target_semaphore(%run_scoped3A : memref<!tpu.dma_semaphore, #tpu.memory_space<semaphore_mem>>)
      %dma_wait3A_178 = arith.constant 0 : i32
      %dma_wait3A_179 = tpu.memref_slice %arg7[%arg0, %mul3A_2, %dma_wait3A_178] : memref<2x10240x128xf32, #tpu.memory_space<hbm>> -> memref<1x640x128xf32, #tpu.memory_space<hbm>>
      %dma_wait3A_180 = tpu.memref_squeeze %dma_wait3A_179 : memref<1x640x128xf32, #tpu.memory_space<hbm>> -> memref<640x128xf32, #tpu.memory_space<hbm>>
      %dma_wait3A_181 = arith.constant 0 : i32
      %dma_wait3A_182 = tpu.memref_slice %arg12[%mul3A_2, %dma_wait3A_181] : memref<10240x128xf32, #tpu.memory_space<vmem_shared>> -> memref<640x128xf32, #tpu.memory_space<vmem_shared>>
      tpu.wait_dma2 semaphore(%run_scoped3A : memref<!tpu.dma_semaphore, #tpu.memory_space<semaphore_mem>>) src(%dma_wait3A_182 : memref<640x128xf32, #tpu.memory_space<vmem_shared>>) dst(%dma_wait3A_180 : memref<640x128xf32, #tpu.memory_space<hbm>>)
      tpu.yield
    }) : () -> ()
    return
  }
}

#map = affine_map<(d0, d1) -> (0, 0)>
#map1 = affine_map<(d0, d1) -> (0, 0, 0)>
module attributes {stable_mosaic.version = 14 : i64} {
  func.func @agg_kernel(%arg0: i32, %arg1: i32, %arg2: memref<10000x128xf32, #tpu.memory_space<hbm>>, %arg3: memref<32x40x125xi32, #tpu.memory_space<hbm>>, %arg4: memref<32x40x125xi32, #tpu.memory_space<hbm>>, %arg5: memref<2x10240x128xf32, #tpu.memory_space<hbm>>, %arg6: memref<40x125xi32, #tpu.memory_space<vmem>>, %arg7: memref<40x125xi32, #tpu.memory_space<vmem>>, %arg8: memref<2x125x128xf32, #tpu.memory_space<vmem>>, %arg9: memref<32x128xf32, #tpu.memory_space<vmem>>, %arg10: memref<10240x128xf32, #tpu.memory_space<vmem_shared>>, %arg11: memref<!tpu.dma_semaphore, #tpu.memory_space<semaphore_mem>>, %arg12: memref<!tpu.dma_semaphore, #tpu.memory_space<semaphore_mem>>, %arg13: memref<!tpu.dma_semaphore, #tpu.memory_space<semaphore_mem>>, %arg14: memref<!tpu.dma_semaphore, #tpu.memory_space<semaphore_mem>>) attributes {dimension_semantics = [#tpu.dimension_semantics<core_parallel>, #tpu.dimension_semantics<subcore_parallel>], iteration_bounds = array<i64: 2, 16>, scalar_prefetch = 0 : i64, scratch_operands = 9 : i64, tpu.core_type = #tpu.core_type<sc_vector_subcore>, window_params = [{transform_indices = #map}, {transform_indices = #map1}, {transform_indices = #map1}, {transform_indices = #map1}]} {
    %mul3A = arith.constant 16 : i32
    %mul3A_0 = arith.muli %arg0, %mul3A : i32
    %add3A = arith.addi %mul3A_0, %arg1 : i32
    %mul3A_1 = arith.constant 640 : i32
    %mul3A_2 = arith.muli %arg1, %mul3A_1 : i32
    "tpu.region"() ({
      %run_scoped3A = tpu.sem_alloc : memref<!tpu.dma_semaphore, #tpu.memory_space<semaphore_mem>>
      %dma_start3A_89 = arith.constant 0 : i32
      %dma_start3A_90 = arith.constant 0 : i32
      %dma_start3A_91 = tpu.memref_slice %arg3[%add3A, %dma_start3A_89, %dma_start3A_90] : memref<32x40x125xi32, #tpu.memory_space<hbm>> -> memref<1x40x125xi32, #tpu.memory_space<hbm>>
      %dma_start3A_92 = tpu.memref_squeeze %dma_start3A_91 : memref<1x40x125xi32, #tpu.memory_space<hbm>> -> memref<40x125xi32, #tpu.memory_space<hbm>>
      %dma_start3A_93 = arith.constant 0 : i32
      %dma_start3A_94 = arith.constant 0 : i32
      %dma_start3A_95 = tpu.memref_slice %arg3[%add3A, %dma_start3A_93, %dma_start3A_94] : memref<32x40x125xi32, #tpu.memory_space<hbm>> -> memref<1x40x125xi32, #tpu.memory_space<hbm>>
      %dma_start3A_96 = tpu.memref_squeeze %dma_start3A_95 : memref<1x40x125xi32, #tpu.memory_space<hbm>> -> memref<40x125xi32, #tpu.memory_space<hbm>>
      tpu.enqueue_dma source(%dma_start3A_96 : memref<40x125xi32, #tpu.memory_space<hbm>>) target(%arg6 : memref<40x125xi32, #tpu.memory_space<vmem>>) target_semaphore(%run_scoped3A : memref<!tpu.dma_semaphore, #tpu.memory_space<semaphore_mem>>)
      %dma_wait3A_97 = arith.constant 0 : i32
      %dma_wait3A_98 = arith.constant 0 : i32
      %dma_wait3A_99 = tpu.memref_slice %arg3[%add3A, %dma_wait3A_97, %dma_wait3A_98] : memref<32x40x125xi32, #tpu.memory_space<hbm>> -> memref<1x40x125xi32, #tpu.memory_space<hbm>>
      %dma_wait3A_100 = tpu.memref_squeeze %dma_wait3A_99 : memref<1x40x125xi32, #tpu.memory_space<hbm>> -> memref<40x125xi32, #tpu.memory_space<hbm>>
      %dma_wait3A_101 = arith.constant 0 : i32
      %dma_wait3A_102 = arith.constant 0 : i32
      %dma_wait3A_103 = tpu.memref_slice %arg3[%add3A, %dma_wait3A_101, %dma_wait3A_102] : memref<32x40x125xi32, #tpu.memory_space<hbm>> -> memref<1x40x125xi32, #tpu.memory_space<hbm>>
      %dma_wait3A_104 = tpu.memref_squeeze %dma_wait3A_103 : memref<1x40x125xi32, #tpu.memory_space<hbm>> -> memref<40x125xi32, #tpu.memory_space<hbm>>
      tpu.wait_dma2 semaphore(%run_scoped3A : memref<!tpu.dma_semaphore, #tpu.memory_space<semaphore_mem>>) src(%dma_wait3A_104 : memref<40x125xi32, #tpu.memory_space<hbm>>) dst(%arg6 : memref<40x125xi32, #tpu.memory_space<vmem>>)
      tpu.yield
    }) : () -> ()
    "tpu.region"() ({
      %run_scoped3A = tpu.sem_alloc : memref<!tpu.dma_semaphore, #tpu.memory_space<semaphore_mem>>
      %dma_start3A_89 = arith.constant 0 : i32
      %dma_start3A_90 = arith.constant 0 : i32
      %dma_start3A_91 = tpu.memref_slice %arg4[%add3A, %dma_start3A_89, %dma_start3A_90] : memref<32x40x125xi32, #tpu.memory_space<hbm>> -> memref<1x40x125xi32, #tpu.memory_space<hbm>>
      %dma_start3A_92 = tpu.memref_squeeze %dma_start3A_91 : memref<1x40x125xi32, #tpu.memory_space<hbm>> -> memref<40x125xi32, #tpu.memory_space<hbm>>
      %dma_start3A_93 = arith.constant 0 : i32
      %dma_start3A_94 = arith.constant 0 : i32
      %dma_start3A_95 = tpu.memref_slice %arg4[%add3A, %dma_start3A_93, %dma_start3A_94] : memref<32x40x125xi32, #tpu.memory_space<hbm>> -> memref<1x40x125xi32, #tpu.memory_space<hbm>>
      %dma_start3A_96 = tpu.memref_squeeze %dma_start3A_95 : memref<1x40x125xi32, #tpu.memory_space<hbm>> -> memref<40x125xi32, #tpu.memory_space<hbm>>
      tpu.enqueue_dma source(%dma_start3A_96 : memref<40x125xi32, #tpu.memory_space<hbm>>) target(%arg7 : memref<40x125xi32, #tpu.memory_space<vmem>>) target_semaphore(%run_scoped3A : memref<!tpu.dma_semaphore, #tpu.memory_space<semaphore_mem>>)
      %dma_wait3A_97 = arith.constant 0 : i32
      %dma_wait3A_98 = arith.constant 0 : i32
      %dma_wait3A_99 = tpu.memref_slice %arg4[%add3A, %dma_wait3A_97, %dma_wait3A_98] : memref<32x40x125xi32, #tpu.memory_space<hbm>> -> memref<1x40x125xi32, #tpu.memory_space<hbm>>
      %dma_wait3A_100 = tpu.memref_squeeze %dma_wait3A_99 : memref<1x40x125xi32, #tpu.memory_space<hbm>> -> memref<40x125xi32, #tpu.memory_space<hbm>>
      %dma_wait3A_101 = arith.constant 0 : i32
      %dma_wait3A_102 = arith.constant 0 : i32
      %dma_wait3A_103 = tpu.memref_slice %arg4[%add3A, %dma_wait3A_101, %dma_wait3A_102] : memref<32x40x125xi32, #tpu.memory_space<hbm>> -> memref<1x40x125xi32, #tpu.memory_space<hbm>>
      %dma_wait3A_104 = tpu.memref_squeeze %dma_wait3A_103 : memref<1x40x125xi32, #tpu.memory_space<hbm>> -> memref<40x125xi32, #tpu.memory_space<hbm>>
      tpu.wait_dma2 semaphore(%run_scoped3A : memref<!tpu.dma_semaphore, #tpu.memory_space<semaphore_mem>>) src(%dma_wait3A_104 : memref<40x125xi32, #tpu.memory_space<hbm>>) dst(%arg7 : memref<40x125xi32, #tpu.memory_space<vmem>>)
      tpu.yield
    }) : () -> ()
    %scan3A = arith.constant 0 : i32
    %scan3A_3 = arith.constant 0 : i32
    %scan3A_4 = arith.constant 32 : i32
    %scan3A_5 = arith.addi %scan3A_3, %scan3A_4 : i32
    %scan3A_6 = arith.constant 1 : i32
    scf.for %scan3A_89 = %scan3A_3 to %scan3A_5 step %scan3A_6  : i32 {
      %broadcast_in_dim3A = arith.constant 0.000000e+00 : f32
      %broadcast_in_dim3A_90 = vector.broadcast %broadcast_in_dim3A : f32 to vector<16xf32>
      %swap3A = arith.index_cast %scan3A_89 : i32 to index
      %swap3A_91 = arith.constant 0 : index
      %swap3A_92 = tpu.vector_load %arg9[%swap3A, %swap3A_91] {strides = array<i32>} : memref<32x128xf32, #tpu.memory_space<vmem>>, vector<1x16xf32>,
      %swap3A_93 = vector.shape_cast %swap3A_92 : vector<1x16xf32> to vector<16xf32>
      %swap3A_94 = vector.shape_cast %broadcast_in_dim3A_90 : vector<16xf32> to vector<1x16xf32>
      tpu.vector_store %arg9[%swap3A, %swap3A_91], %swap3A_94 {strides = array<i32>} : memref<32x128xf32, #tpu.memory_space<vmem>>, vector<1x16xf32>,
      %broadcast_in_dim3A_95 = arith.constant 0.000000e+00 : f32
      %broadcast_in_dim3A_96 = vector.broadcast %broadcast_in_dim3A_95 : f32 to vector<16xf32>
      %swap3A_97 = arith.index_cast %scan3A_89 : i32 to index
      %swap3A_98 = arith.constant 16 : index
      %swap3A_99 = tpu.vector_load %arg9[%swap3A_97, %swap3A_98] {strides = array<i32>} : memref<32x128xf32, #tpu.memory_space<vmem>>, vector<1x16xf32>,
      %swap3A_100 = vector.shape_cast %swap3A_99 : vector<1x16xf32> to vector<16xf32>
      %swap3A_101 = vector.shape_cast %broadcast_in_dim3A_96 : vector<16xf32> to vector<1x16xf32>
      tpu.vector_store %arg9[%swap3A_97, %swap3A_98], %swap3A_101 {strides = array<i32>} : memref<32x128xf32, #tpu.memory_space<vmem>>, vector<1x16xf32>,
      %broadcast_in_dim3A_102 = arith.constant 0.000000e+00 : f32
      %broadcast_in_dim3A_103 = vector.broadcast %broadcast_in_dim3A_102 : f32 to vector<16xf32>
      %swap3A_104 = arith.index_cast %scan3A_89 : i32 to index
      %swap3A_105 = arith.constant 32 : index
      %swap3A_106 = tpu.vector_load %arg9[%swap3A_104, %swap3A_105] {strides = array<i32>} : memref<32x128xf32, #tpu.memory_space<vmem>>, vector<1x16xf32>,
      %swap3A_107 = vector.shape_cast %swap3A_106 : vector<1x16xf32> to vector<16xf32>
      %swap3A_108 = vector.shape_cast %broadcast_in_dim3A_103 : vector<16xf32> to vector<1x16xf32>
      tpu.vector_store %arg9[%swap3A_104, %swap3A_105], %swap3A_108 {strides = array<i32>} : memref<32x128xf32, #tpu.memory_space<vmem>>, vector<1x16xf32>,
      %broadcast_in_dim3A_109 = arith.constant 0.000000e+00 : f32
      %broadcast_in_dim3A_110 = vector.broadcast %broadcast_in_dim3A_109 : f32 to vector<16xf32>
      %swap3A_111 = arith.index_cast %scan3A_89 : i32 to index
      %swap3A_112 = arith.constant 48 : index
      %swap3A_113 = tpu.vector_load %arg9[%swap3A_111, %swap3A_112] {strides = array<i32>} : memref<32x128xf32, #tpu.memory_space<vmem>>, vector<1x16xf32>,
      %swap3A_114 = vector.shape_cast %swap3A_113 : vector<1x16xf32> to vector<16xf32>
      %swap3A_115 = vector.shape_cast %broadcast_in_dim3A_110 : vector<16xf32> to vector<1x16xf32>
      tpu.vector_store %arg9[%swap3A_111, %swap3A_112], %swap3A_115 {strides = array<i32>} : memref<32x128xf32, #tpu.memory_space<vmem>>, vector<1x16xf32>,
      %broadcast_in_dim3A_116 = arith.constant 0.000000e+00 : f32
      %broadcast_in_dim3A_117 = vector.broadcast %broadcast_in_dim3A_116 : f32 to vector<16xf32>
      %swap3A_118 = arith.index_cast %scan3A_89 : i32 to index
      %swap3A_119 = arith.constant 64 : index
      %swap3A_120 = tpu.vector_load %arg9[%swap3A_118, %swap3A_119] {strides = array<i32>} : memref<32x128xf32, #tpu.memory_space<vmem>>, vector<1x16xf32>,
      %swap3A_121 = vector.shape_cast %swap3A_120 : vector<1x16xf32> to vector<16xf32>
      %swap3A_122 = vector.shape_cast %broadcast_in_dim3A_117 : vector<16xf32> to vector<1x16xf32>
      tpu.vector_store %arg9[%swap3A_118, %swap3A_119], %swap3A_122 {strides = array<i32>} : memref<32x128xf32, #tpu.memory_space<vmem>>, vector<1x16xf32>,
      %broadcast_in_dim3A_123 = arith.constant 0.000000e+00 : f32
      %broadcast_in_dim3A_124 = vector.broadcast %broadcast_in_dim3A_123 : f32 to vector<16xf32>
      %swap3A_125 = arith.index_cast %scan3A_89 : i32 to index
      %swap3A_126 = arith.constant 80 : index
      %swap3A_127 = tpu.vector_load %arg9[%swap3A_125, %swap3A_126] {strides = array<i32>} : memref<32x128xf32, #tpu.memory_space<vmem>>, vector<1x16xf32>,
      %swap3A_128 = vector.shape_cast %swap3A_127 : vector<1x16xf32> to vector<16xf32>
      %swap3A_129 = vector.shape_cast %broadcast_in_dim3A_124 : vector<16xf32> to vector<1x16xf32>
      tpu.vector_store %arg9[%swap3A_125, %swap3A_126], %swap3A_129 {strides = array<i32>} : memref<32x128xf32, #tpu.memory_space<vmem>>, vector<1x16xf32>,
      %broadcast_in_dim3A_130 = arith.constant 0.000000e+00 : f32
      %broadcast_in_dim3A_131 = vector.broadcast %broadcast_in_dim3A_130 : f32 to vector<16xf32>
      %swap3A_132 = arith.index_cast %scan3A_89 : i32 to index
      %swap3A_133 = arith.constant 96 : index
      %swap3A_134 = tpu.vector_load %arg9[%swap3A_132, %swap3A_133] {strides = array<i32>} : memref<32x128xf32, #tpu.memory_space<vmem>>, vector<1x16xf32>,
      %swap3A_135 = vector.shape_cast %swap3A_134 : vector<1x16xf32> to vector<16xf32>
      %swap3A_136 = vector.shape_cast %broadcast_in_dim3A_131 : vector<16xf32> to vector<1x16xf32>
      tpu.vector_store %arg9[%swap3A_132, %swap3A_133], %swap3A_136 {strides = array<i32>} : memref<32x128xf32, #tpu.memory_space<vmem>>, vector<1x16xf32>,
      %broadcast_in_dim3A_137 = arith.constant 0.000000e+00 : f32
      %broadcast_in_dim3A_138 = vector.broadcast %broadcast_in_dim3A_137 : f32 to vector<16xf32>
      %swap3A_139 = arith.index_cast %scan3A_89 : i32 to index
      %swap3A_140 = arith.constant 112 : index
      %swap3A_141 = tpu.vector_load %arg9[%swap3A_139, %swap3A_140] {strides = array<i32>} : memref<32x128xf32, #tpu.memory_space<vmem>>, vector<1x16xf32>,
      %swap3A_142 = vector.shape_cast %swap3A_141 : vector<1x16xf32> to vector<16xf32>
      %swap3A_143 = vector.shape_cast %broadcast_in_dim3A_138 : vector<16xf32> to vector<1x16xf32>
      tpu.vector_store %arg9[%swap3A_139, %swap3A_140], %swap3A_143 {strides = array<i32>} : memref<32x128xf32, #tpu.memory_space<vmem>>, vector<1x16xf32>,
    }
    %scan3A_7 = arith.constant 32 : i32
    %add3A_8 = arith.constant 0 : i32
    %add3A_9 = arith.addi %mul3A_2, %add3A_8 : i32
    "tpu.region"() ({
      %run_scoped3A = tpu.sem_alloc : memref<!tpu.dma_semaphore, #tpu.memory_space<semaphore_mem>>
      %dma_start3A_89 = arith.constant 0 : i32
      %dma_start3A_90 = tpu.memref_slice %arg10[%add3A_9, %dma_start3A_89] : memref<10240x128xf32, #tpu.memory_space<vmem_shared>> -> memref<32x128xf32, #tpu.memory_space<vmem_shared>>
      %dma_start3A_91 = arith.constant 0 : i32
      %dma_start3A_92 = tpu.memref_slice %arg10[%add3A_9, %dma_start3A_91] : memref<10240x128xf32, #tpu.memory_space<vmem_shared>> -> memref<32x128xf32, #tpu.memory_space<vmem_shared>>
      tpu.enqueue_dma source(%arg9 : memref<32x128xf32, #tpu.memory_space<vmem>>) target(%dma_start3A_92 : memref<32x128xf32, #tpu.memory_space<vmem_shared>>) target_semaphore(%run_scoped3A : memref<!tpu.dma_semaphore, #tpu.memory_space<semaphore_mem>>)
      %dma_wait3A_93 = arith.constant 0 : i32
      %dma_wait3A_94 = tpu.memref_slice %arg10[%add3A_9, %dma_wait3A_93] : memref<10240x128xf32, #tpu.memory_space<vmem_shared>> -> memref<32x128xf32, #tpu.memory_space<vmem_shared>>
      %dma_wait3A_95 = arith.constant 0 : i32
      %dma_wait3A_96 = tpu.memref_slice %arg10[%add3A_9, %dma_wait3A_95] : memref<10240x128xf32, #tpu.memory_space<vmem_shared>> -> memref<32x128xf32, #tpu.memory_space<vmem_shared>>
      tpu.wait_dma2 semaphore(%run_scoped3A : memref<!tpu.dma_semaphore, #tpu.memory_space<semaphore_mem>>) src(%arg9 : memref<32x128xf32, #tpu.memory_space<vmem>>) dst(%dma_wait3A_96 : memref<32x128xf32, #tpu.memory_space<vmem_shared>>)
      tpu.yield
    }) : () -> ()
    %add3A_10 = arith.constant 32 : i32
    %add3A_11 = arith.addi %mul3A_2, %add3A_10 : i32
    "tpu.region"() ({
      %run_scoped3A = tpu.sem_alloc : memref<!tpu.dma_semaphore, #tpu.memory_space<semaphore_mem>>
      %dma_start3A_89 = arith.constant 0 : i32
      %dma_start3A_90 = tpu.memref_slice %arg10[%add3A_11, %dma_start3A_89] : memref<10240x128xf32, #tpu.memory_space<vmem_shared>> -> memref<32x128xf32, #tpu.memory_space<vmem_shared>>
      %dma_start3A_91 = arith.constant 0 : i32
      %dma_start3A_92 = tpu.memref_slice %arg10[%add3A_11, %dma_start3A_91] : memref<10240x128xf32, #tpu.memory_space<vmem_shared>> -> memref<32x128xf32, #tpu.memory_space<vmem_shared>>
      tpu.enqueue_dma source(%arg9 : memref<32x128xf32, #tpu.memory_space<vmem>>) target(%dma_start3A_92 : memref<32x128xf32, #tpu.memory_space<vmem_shared>>) target_semaphore(%run_scoped3A : memref<!tpu.dma_semaphore, #tpu.memory_space<semaphore_mem>>)
      %dma_wait3A_93 = arith.constant 0 : i32
      %dma_wait3A_94 = tpu.memref_slice %arg10[%add3A_11, %dma_wait3A_93] : memref<10240x128xf32, #tpu.memory_space<vmem_shared>> -> memref<32x128xf32, #tpu.memory_space<vmem_shared>>
      %dma_wait3A_95 = arith.constant 0 : i32
      %dma_wait3A_96 = tpu.memref_slice %arg10[%add3A_11, %dma_wait3A_95] : memref<10240x128xf32, #tpu.memory_space<vmem_shared>> -> memref<32x128xf32, #tpu.memory_space<vmem_shared>>
      tpu.wait_dma2 semaphore(%run_scoped3A : memref<!tpu.dma_semaphore, #tpu.memory_space<semaphore_mem>>) src(%arg9 : memref<32x128xf32, #tpu.memory_space<vmem>>) dst(%dma_wait3A_96 : memref<32x128xf32, #tpu.memory_space<vmem_shared>>)
      tpu.yield
    }) : () -> ()
    %add3A_12 = arith.constant 64 : i32
    %add3A_13 = arith.addi %mul3A_2, %add3A_12 : i32
    "tpu.region"() ({
      %run_scoped3A = tpu.sem_alloc : memref<!tpu.dma_semaphore, #tpu.memory_space<semaphore_mem>>
      %dma_start3A_89 = arith.constant 0 : i32
      %dma_start3A_90 = tpu.memref_slice %arg10[%add3A_13, %dma_start3A_89] : memref<10240x128xf32, #tpu.memory_space<vmem_shared>> -> memref<32x128xf32, #tpu.memory_space<vmem_shared>>
      %dma_start3A_91 = arith.constant 0 : i32
      %dma_start3A_92 = tpu.memref_slice %arg10[%add3A_13, %dma_start3A_91] : memref<10240x128xf32, #tpu.memory_space<vmem_shared>> -> memref<32x128xf32, #tpu.memory_space<vmem_shared>>
      tpu.enqueue_dma source(%arg9 : memref<32x128xf32, #tpu.memory_space<vmem>>) target(%dma_start3A_92 : memref<32x128xf32, #tpu.memory_space<vmem_shared>>) target_semaphore(%run_scoped3A : memref<!tpu.dma_semaphore, #tpu.memory_space<semaphore_mem>>)
      %dma_wait3A_93 = arith.constant 0 : i32
      %dma_wait3A_94 = tpu.memref_slice %arg10[%add3A_13, %dma_wait3A_93] : memref<10240x128xf32, #tpu.memory_space<vmem_shared>> -> memref<32x128xf32, #tpu.memory_space<vmem_shared>>
      %dma_wait3A_95 = arith.constant 0 : i32
      %dma_wait3A_96 = tpu.memref_slice %arg10[%add3A_13, %dma_wait3A_95] : memref<10240x128xf32, #tpu.memory_space<vmem_shared>> -> memref<32x128xf32, #tpu.memory_space<vmem_shared>>
      tpu.wait_dma2 semaphore(%run_scoped3A : memref<!tpu.dma_semaphore, #tpu.memory_space<semaphore_mem>>) src(%arg9 : memref<32x128xf32, #tpu.memory_space<vmem>>) dst(%dma_wait3A_96 : memref<32x128xf32, #tpu.memory_space<vmem_shared>>)
      tpu.yield
    }) : () -> ()
    %add3A_14 = arith.constant 96 : i32
    %add3A_15 = arith.addi %mul3A_2, %add3A_14 : i32
    "tpu.region"() ({
      %run_scoped3A = tpu.sem_alloc : memref<!tpu.dma_semaphore, #tpu.memory_space<semaphore_mem>>
      %dma_start3A_89 = arith.constant 0 : i32
      %dma_start3A_90 = tpu.memref_slice %arg10[%add3A_15, %dma_start3A_89] : memref<10240x128xf32, #tpu.memory_space<vmem_shared>> -> memref<32x128xf32, #tpu.memory_space<vmem_shared>>
      %dma_start3A_91 = arith.constant 0 : i32
      %dma_start3A_92 = tpu.memref_slice %arg10[%add3A_15, %dma_start3A_91] : memref<10240x128xf32, #tpu.memory_space<vmem_shared>> -> memref<32x128xf32, #tpu.memory_space<vmem_shared>>
      tpu.enqueue_dma source(%arg9 : memref<32x128xf32, #tpu.memory_space<vmem>>) target(%dma_start3A_92 : memref<32x128xf32, #tpu.memory_space<vmem_shared>>) target_semaphore(%run_scoped3A : memref<!tpu.dma_semaphore, #tpu.memory_space<semaphore_mem>>)
      %dma_wait3A_93 = arith.constant 0 : i32
      %dma_wait3A_94 = tpu.memref_slice %arg10[%add3A_15, %dma_wait3A_93] : memref<10240x128xf32, #tpu.memory_space<vmem_shared>> -> memref<32x128xf32, #tpu.memory_space<vmem_shared>>
      %dma_wait3A_95 = arith.constant 0 : i32
      %dma_wait3A_96 = tpu.memref_slice %arg10[%add3A_15, %dma_wait3A_95] : memref<10240x128xf32, #tpu.memory_space<vmem_shared>> -> memref<32x128xf32, #tpu.memory_space<vmem_shared>>
      tpu.wait_dma2 semaphore(%run_scoped3A : memref<!tpu.dma_semaphore, #tpu.memory_space<semaphore_mem>>) src(%arg9 : memref<32x128xf32, #tpu.memory_space<vmem>>) dst(%dma_wait3A_96 : memref<32x128xf32, #tpu.memory_space<vmem_shared>>)
      tpu.yield
    }) : () -> ()
    %add3A_16 = arith.constant 128 : i32
    %add3A_17 = arith.addi %mul3A_2, %add3A_16 : i32
    "tpu.region"() ({
      %run_scoped3A = tpu.sem_alloc : memref<!tpu.dma_semaphore, #tpu.memory_space<semaphore_mem>>
      %dma_start3A_89 = arith.constant 0 : i32
      %dma_start3A_90 = tpu.memref_slice %arg10[%add3A_17, %dma_start3A_89] : memref<10240x128xf32, #tpu.memory_space<vmem_shared>> -> memref<32x128xf32, #tpu.memory_space<vmem_shared>>
      %dma_start3A_91 = arith.constant 0 : i32
      %dma_start3A_92 = tpu.memref_slice %arg10[%add3A_17, %dma_start3A_91] : memref<10240x128xf32, #tpu.memory_space<vmem_shared>> -> memref<32x128xf32, #tpu.memory_space<vmem_shared>>
      tpu.enqueue_dma source(%arg9 : memref<32x128xf32, #tpu.memory_space<vmem>>) target(%dma_start3A_92 : memref<32x128xf32, #tpu.memory_space<vmem_shared>>) target_semaphore(%run_scoped3A : memref<!tpu.dma_semaphore, #tpu.memory_space<semaphore_mem>>)
      %dma_wait3A_93 = arith.constant 0 : i32
      %dma_wait3A_94 = tpu.memref_slice %arg10[%add3A_17, %dma_wait3A_93] : memref<10240x128xf32, #tpu.memory_space<vmem_shared>> -> memref<32x128xf32, #tpu.memory_space<vmem_shared>>
      %dma_wait3A_95 = arith.constant 0 : i32
      %dma_wait3A_96 = tpu.memref_slice %arg10[%add3A_17, %dma_wait3A_95] : memref<10240x128xf32, #tpu.memory_space<vmem_shared>> -> memref<32x128xf32, #tpu.memory_space<vmem_shared>>
      tpu.wait_dma2 semaphore(%run_scoped3A : memref<!tpu.dma_semaphore, #tpu.memory_space<semaphore_mem>>) src(%arg9 : memref<32x128xf32, #tpu.memory_space<vmem>>) dst(%dma_wait3A_96 : memref<32x128xf32, #tpu.memory_space<vmem_shared>>)
      tpu.yield
    }) : () -> ()
    %add3A_18 = arith.constant 160 : i32
    %add3A_19 = arith.addi %mul3A_2, %add3A_18 : i32
    "tpu.region"() ({
      %run_scoped3A = tpu.sem_alloc : memref<!tpu.dma_semaphore, #tpu.memory_space<semaphore_mem>>
      %dma_start3A_89 = arith.constant 0 : i32
      %dma_start3A_90 = tpu.memref_slice %arg10[%add3A_19, %dma_start3A_89] : memref<10240x128xf32, #tpu.memory_space<vmem_shared>> -> memref<32x128xf32, #tpu.memory_space<vmem_shared>>
      %dma_start3A_91 = arith.constant 0 : i32
      %dma_start3A_92 = tpu.memref_slice %arg10[%add3A_19, %dma_start3A_91] : memref<10240x128xf32, #tpu.memory_space<vmem_shared>> -> memref<32x128xf32, #tpu.memory_space<vmem_shared>>
      tpu.enqueue_dma source(%arg9 : memref<32x128xf32, #tpu.memory_space<vmem>>) target(%dma_start3A_92 : memref<32x128xf32, #tpu.memory_space<vmem_shared>>) target_semaphore(%run_scoped3A : memref<!tpu.dma_semaphore, #tpu.memory_space<semaphore_mem>>)
      %dma_wait3A_93 = arith.constant 0 : i32
      %dma_wait3A_94 = tpu.memref_slice %arg10[%add3A_19, %dma_wait3A_93] : memref<10240x128xf32, #tpu.memory_space<vmem_shared>> -> memref<32x128xf32, #tpu.memory_space<vmem_shared>>
      %dma_wait3A_95 = arith.constant 0 : i32
      %dma_wait3A_96 = tpu.memref_slice %arg10[%add3A_19, %dma_wait3A_95] : memref<10240x128xf32, #tpu.memory_space<vmem_shared>> -> memref<32x128xf32, #tpu.memory_space<vmem_shared>>
      tpu.wait_dma2 semaphore(%run_scoped3A : memref<!tpu.dma_semaphore, #tpu.memory_space<semaphore_mem>>) src(%arg9 : memref<32x128xf32, #tpu.memory_space<vmem>>) dst(%dma_wait3A_96 : memref<32x128xf32, #tpu.memory_space<vmem_shared>>)
      tpu.yield
    }) : () -> ()
    %add3A_20 = arith.constant 192 : i32
    %add3A_21 = arith.addi %mul3A_2, %add3A_20 : i32
    "tpu.region"() ({
      %run_scoped3A = tpu.sem_alloc : memref<!tpu.dma_semaphore, #tpu.memory_space<semaphore_mem>>
      %dma_start3A_89 = arith.constant 0 : i32
      %dma_start3A_90 = tpu.memref_slice %arg10[%add3A_21, %dma_start3A_89] : memref<10240x128xf32, #tpu.memory_space<vmem_shared>> -> memref<32x128xf32, #tpu.memory_space<vmem_shared>>
      %dma_start3A_91 = arith.constant 0 : i32
      %dma_start3A_92 = tpu.memref_slice %arg10[%add3A_21, %dma_start3A_91] : memref<10240x128xf32, #tpu.memory_space<vmem_shared>> -> memref<32x128xf32, #tpu.memory_space<vmem_shared>>
      tpu.enqueue_dma source(%arg9 : memref<32x128xf32, #tpu.memory_space<vmem>>) target(%dma_start3A_92 : memref<32x128xf32, #tpu.memory_space<vmem_shared>>) target_semaphore(%run_scoped3A : memref<!tpu.dma_semaphore, #tpu.memory_space<semaphore_mem>>)
      %dma_wait3A_93 = arith.constant 0 : i32
      %dma_wait3A_94 = tpu.memref_slice %arg10[%add3A_21, %dma_wait3A_93] : memref<10240x128xf32, #tpu.memory_space<vmem_shared>> -> memref<32x128xf32, #tpu.memory_space<vmem_shared>>
      %dma_wait3A_95 = arith.constant 0 : i32
      %dma_wait3A_96 = tpu.memref_slice %arg10[%add3A_21, %dma_wait3A_95] : memref<10240x128xf32, #tpu.memory_space<vmem_shared>> -> memref<32x128xf32, #tpu.memory_space<vmem_shared>>
      tpu.wait_dma2 semaphore(%run_scoped3A : memref<!tpu.dma_semaphore, #tpu.memory_space<semaphore_mem>>) src(%arg9 : memref<32x128xf32, #tpu.memory_space<vmem>>) dst(%dma_wait3A_96 : memref<32x128xf32, #tpu.memory_space<vmem_shared>>)
      tpu.yield
    }) : () -> ()
    %add3A_22 = arith.constant 224 : i32
    %add3A_23 = arith.addi %mul3A_2, %add3A_22 : i32
    "tpu.region"() ({
      %run_scoped3A = tpu.sem_alloc : memref<!tpu.dma_semaphore, #tpu.memory_space<semaphore_mem>>
      %dma_start3A_89 = arith.constant 0 : i32
      %dma_start3A_90 = tpu.memref_slice %arg10[%add3A_23, %dma_start3A_89] : memref<10240x128xf32, #tpu.memory_space<vmem_shared>> -> memref<32x128xf32, #tpu.memory_space<vmem_shared>>
      %dma_start3A_91 = arith.constant 0 : i32
      %dma_start3A_92 = tpu.memref_slice %arg10[%add3A_23, %dma_start3A_91] : memref<10240x128xf32, #tpu.memory_space<vmem_shared>> -> memref<32x128xf32, #tpu.memory_space<vmem_shared>>
      tpu.enqueue_dma source(%arg9 : memref<32x128xf32, #tpu.memory_space<vmem>>) target(%dma_start3A_92 : memref<32x128xf32, #tpu.memory_space<vmem_shared>>) target_semaphore(%run_scoped3A : memref<!tpu.dma_semaphore, #tpu.memory_space<semaphore_mem>>)
      %dma_wait3A_93 = arith.constant 0 : i32
      %dma_wait3A_94 = tpu.memref_slice %arg10[%add3A_23, %dma_wait3A_93] : memref<10240x128xf32, #tpu.memory_space<vmem_shared>> -> memref<32x128xf32, #tpu.memory_space<vmem_shared>>
      %dma_wait3A_95 = arith.constant 0 : i32
      %dma_wait3A_96 = tpu.memref_slice %arg10[%add3A_23, %dma_wait3A_95] : memref<10240x128xf32, #tpu.memory_space<vmem_shared>> -> memref<32x128xf32, #tpu.memory_space<vmem_shared>>
      tpu.wait_dma2 semaphore(%run_scoped3A : memref<!tpu.dma_semaphore, #tpu.memory_space<semaphore_mem>>) src(%arg9 : memref<32x128xf32, #tpu.memory_space<vmem>>) dst(%dma_wait3A_96 : memref<32x128xf32, #tpu.memory_space<vmem_shared>>)
      tpu.yield
    }) : () -> ()
    %add3A_24 = arith.constant 256 : i32
    %add3A_25 = arith.addi %mul3A_2, %add3A_24 : i32
    "tpu.region"() ({
      %run_scoped3A = tpu.sem_alloc : memref<!tpu.dma_semaphore, #tpu.memory_space<semaphore_mem>>
      %dma_start3A_89 = arith.constant 0 : i32
      %dma_start3A_90 = tpu.memref_slice %arg10[%add3A_25, %dma_start3A_89] : memref<10240x128xf32, #tpu.memory_space<vmem_shared>> -> memref<32x128xf32, #tpu.memory_space<vmem_shared>>
      %dma_start3A_91 = arith.constant 0 : i32
      %dma_start3A_92 = tpu.memref_slice %arg10[%add3A_25, %dma_start3A_91] : memref<10240x128xf32, #tpu.memory_space<vmem_shared>> -> memref<32x128xf32, #tpu.memory_space<vmem_shared>>
      tpu.enqueue_dma source(%arg9 : memref<32x128xf32, #tpu.memory_space<vmem>>) target(%dma_start3A_92 : memref<32x128xf32, #tpu.memory_space<vmem_shared>>) target_semaphore(%run_scoped3A : memref<!tpu.dma_semaphore, #tpu.memory_space<semaphore_mem>>)
      %dma_wait3A_93 = arith.constant 0 : i32
      %dma_wait3A_94 = tpu.memref_slice %arg10[%add3A_25, %dma_wait3A_93] : memref<10240x128xf32, #tpu.memory_space<vmem_shared>> -> memref<32x128xf32, #tpu.memory_space<vmem_shared>>
      %dma_wait3A_95 = arith.constant 0 : i32
      %dma_wait3A_96 = tpu.memref_slice %arg10[%add3A_25, %dma_wait3A_95] : memref<10240x128xf32, #tpu.memory_space<vmem_shared>> -> memref<32x128xf32, #tpu.memory_space<vmem_shared>>
      tpu.wait_dma2 semaphore(%run_scoped3A : memref<!tpu.dma_semaphore, #tpu.memory_space<semaphore_mem>>) src(%arg9 : memref<32x128xf32, #tpu.memory_space<vmem>>) dst(%dma_wait3A_96 : memref<32x128xf32, #tpu.memory_space<vmem_shared>>)
      tpu.yield
    }) : () -> ()
    %add3A_26 = arith.constant 288 : i32
    %add3A_27 = arith.addi %mul3A_2, %add3A_26 : i32
    "tpu.region"() ({
      %run_scoped3A = tpu.sem_alloc : memref<!tpu.dma_semaphore, #tpu.memory_space<semaphore_mem>>
      %dma_start3A_89 = arith.constant 0 : i32
      %dma_start3A_90 = tpu.memref_slice %arg10[%add3A_27, %dma_start3A_89] : memref<10240x128xf32, #tpu.memory_space<vmem_shared>> -> memref<32x128xf32, #tpu.memory_space<vmem_shared>>
      %dma_start3A_91 = arith.constant 0 : i32
      %dma_start3A_92 = tpu.memref_slice %arg10[%add3A_27, %dma_start3A_91] : memref<10240x128xf32, #tpu.memory_space<vmem_shared>> -> memref<32x128xf32, #tpu.memory_space<vmem_shared>>
      tpu.enqueue_dma source(%arg9 : memref<32x128xf32, #tpu.memory_space<vmem>>) target(%dma_start3A_92 : memref<32x128xf32, #tpu.memory_space<vmem_shared>>) target_semaphore(%run_scoped3A : memref<!tpu.dma_semaphore, #tpu.memory_space<semaphore_mem>>)
      %dma_wait3A_93 = arith.constant 0 : i32
      %dma_wait3A_94 = tpu.memref_slice %arg10[%add3A_27, %dma_wait3A_93] : memref<10240x128xf32, #tpu.memory_space<vmem_shared>> -> memref<32x128xf32, #tpu.memory_space<vmem_shared>>
      %dma_wait3A_95 = arith.constant 0 : i32
      %dma_wait3A_96 = tpu.memref_slice %arg10[%add3A_27, %dma_wait3A_95] : memref<10240x128xf32, #tpu.memory_space<vmem_shared>> -> memref<32x128xf32, #tpu.memory_space<vmem_shared>>
      tpu.wait_dma2 semaphore(%run_scoped3A : memref<!tpu.dma_semaphore, #tpu.memory_space<semaphore_mem>>) src(%arg9 : memref<32x128xf32, #tpu.memory_space<vmem>>) dst(%dma_wait3A_96 : memref<32x128xf32, #tpu.memory_space<vmem_shared>>)
      tpu.yield
    }) : () -> ()
    %add3A_28 = arith.constant 320 : i32
    %add3A_29 = arith.addi %mul3A_2, %add3A_28 : i32
    "tpu.region"() ({
      %run_scoped3A = tpu.sem_alloc : memref<!tpu.dma_semaphore, #tpu.memory_space<semaphore_mem>>
      %dma_start3A_89 = arith.constant 0 : i32
      %dma_start3A_90 = tpu.memref_slice %arg10[%add3A_29, %dma_start3A_89] : memref<10240x128xf32, #tpu.memory_space<vmem_shared>> -> memref<32x128xf32, #tpu.memory_space<vmem_shared>>
      %dma_start3A_91 = arith.constant 0 : i32
      %dma_start3A_92 = tpu.memref_slice %arg10[%add3A_29, %dma_start3A_91] : memref<10240x128xf32, #tpu.memory_space<vmem_shared>> -> memref<32x128xf32, #tpu.memory_space<vmem_shared>>
      tpu.enqueue_dma source(%arg9 : memref<32x128xf32, #tpu.memory_space<vmem>>) target(%dma_start3A_92 : memref<32x128xf32, #tpu.memory_space<vmem_shared>>) target_semaphore(%run_scoped3A : memref<!tpu.dma_semaphore, #tpu.memory_space<semaphore_mem>>)
      %dma_wait3A_93 = arith.constant 0 : i32
      %dma_wait3A_94 = tpu.memref_slice %arg10[%add3A_29, %dma_wait3A_93] : memref<10240x128xf32, #tpu.memory_space<vmem_shared>> -> memref<32x128xf32, #tpu.memory_space<vmem_shared>>
      %dma_wait3A_95 = arith.constant 0 : i32
      %dma_wait3A_96 = tpu.memref_slice %arg10[%add3A_29, %dma_wait3A_95] : memref<10240x128xf32, #tpu.memory_space<vmem_shared>> -> memref<32x128xf32, #tpu.memory_space<vmem_shared>>
      tpu.wait_dma2 semaphore(%run_scoped3A : memref<!tpu.dma_semaphore, #tpu.memory_space<semaphore_mem>>) src(%arg9 : memref<32x128xf32, #tpu.memory_space<vmem>>) dst(%dma_wait3A_96 : memref<32x128xf32, #tpu.memory_space<vmem_shared>>)
      tpu.yield
    }) : () -> ()
    %add3A_30 = arith.constant 352 : i32
    %add3A_31 = arith.addi %mul3A_2, %add3A_30 : i32
    "tpu.region"() ({
      %run_scoped3A = tpu.sem_alloc : memref<!tpu.dma_semaphore, #tpu.memory_space<semaphore_mem>>
      %dma_start3A_89 = arith.constant 0 : i32
      %dma_start3A_90 = tpu.memref_slice %arg10[%add3A_31, %dma_start3A_89] : memref<10240x128xf32, #tpu.memory_space<vmem_shared>> -> memref<32x128xf32, #tpu.memory_space<vmem_shared>>
      %dma_start3A_91 = arith.constant 0 : i32
      %dma_start3A_92 = tpu.memref_slice %arg10[%add3A_31, %dma_start3A_91] : memref<10240x128xf32, #tpu.memory_space<vmem_shared>> -> memref<32x128xf32, #tpu.memory_space<vmem_shared>>
      tpu.enqueue_dma source(%arg9 : memref<32x128xf32, #tpu.memory_space<vmem>>) target(%dma_start3A_92 : memref<32x128xf32, #tpu.memory_space<vmem_shared>>) target_semaphore(%run_scoped3A : memref<!tpu.dma_semaphore, #tpu.memory_space<semaphore_mem>>)
      %dma_wait3A_93 = arith.constant 0 : i32
      %dma_wait3A_94 = tpu.memref_slice %arg10[%add3A_31, %dma_wait3A_93] : memref<10240x128xf32, #tpu.memory_space<vmem_shared>> -> memref<32x128xf32, #tpu.memory_space<vmem_shared>>
      %dma_wait3A_95 = arith.constant 0 : i32
      %dma_wait3A_96 = tpu.memref_slice %arg10[%add3A_31, %dma_wait3A_95] : memref<10240x128xf32, #tpu.memory_space<vmem_shared>> -> memref<32x128xf32, #tpu.memory_space<vmem_shared>>
      tpu.wait_dma2 semaphore(%run_scoped3A : memref<!tpu.dma_semaphore, #tpu.memory_space<semaphore_mem>>) src(%arg9 : memref<32x128xf32, #tpu.memory_space<vmem>>) dst(%dma_wait3A_96 : memref<32x128xf32, #tpu.memory_space<vmem_shared>>)
      tpu.yield
    }) : () -> ()
    %add3A_32 = arith.constant 384 : i32
    %add3A_33 = arith.addi %mul3A_2, %add3A_32 : i32
    "tpu.region"() ({
      %run_scoped3A = tpu.sem_alloc : memref<!tpu.dma_semaphore, #tpu.memory_space<semaphore_mem>>
      %dma_start3A_89 = arith.constant 0 : i32
      %dma_start3A_90 = tpu.memref_slice %arg10[%add3A_33, %dma_start3A_89] : memref<10240x128xf32, #tpu.memory_space<vmem_shared>> -> memref<32x128xf32, #tpu.memory_space<vmem_shared>>
      %dma_start3A_91 = arith.constant 0 : i32
      %dma_start3A_92 = tpu.memref_slice %arg10[%add3A_33, %dma_start3A_91] : memref<10240x128xf32, #tpu.memory_space<vmem_shared>> -> memref<32x128xf32, #tpu.memory_space<vmem_shared>>
      tpu.enqueue_dma source(%arg9 : memref<32x128xf32, #tpu.memory_space<vmem>>) target(%dma_start3A_92 : memref<32x128xf32, #tpu.memory_space<vmem_shared>>) target_semaphore(%run_scoped3A : memref<!tpu.dma_semaphore, #tpu.memory_space<semaphore_mem>>)
      %dma_wait3A_93 = arith.constant 0 : i32
      %dma_wait3A_94 = tpu.memref_slice %arg10[%add3A_33, %dma_wait3A_93] : memref<10240x128xf32, #tpu.memory_space<vmem_shared>> -> memref<32x128xf32, #tpu.memory_space<vmem_shared>>
      %dma_wait3A_95 = arith.constant 0 : i32
      %dma_wait3A_96 = tpu.memref_slice %arg10[%add3A_33, %dma_wait3A_95] : memref<10240x128xf32, #tpu.memory_space<vmem_shared>> -> memref<32x128xf32, #tpu.memory_space<vmem_shared>>
      tpu.wait_dma2 semaphore(%run_scoped3A : memref<!tpu.dma_semaphore, #tpu.memory_space<semaphore_mem>>) src(%arg9 : memref<32x128xf32, #tpu.memory_space<vmem>>) dst(%dma_wait3A_96 : memref<32x128xf32, #tpu.memory_space<vmem_shared>>)
      tpu.yield
    }) : () -> ()
    %add3A_34 = arith.constant 416 : i32
    %add3A_35 = arith.addi %mul3A_2, %add3A_34 : i32
    "tpu.region"() ({
      %run_scoped3A = tpu.sem_alloc : memref<!tpu.dma_semaphore, #tpu.memory_space<semaphore_mem>>
      %dma_start3A_89 = arith.constant 0 : i32
      %dma_start3A_90 = tpu.memref_slice %arg10[%add3A_35, %dma_start3A_89] : memref<10240x128xf32, #tpu.memory_space<vmem_shared>> -> memref<32x128xf32, #tpu.memory_space<vmem_shared>>
      %dma_start3A_91 = arith.constant 0 : i32
      %dma_start3A_92 = tpu.memref_slice %arg10[%add3A_35, %dma_start3A_91] : memref<10240x128xf32, #tpu.memory_space<vmem_shared>> -> memref<32x128xf32, #tpu.memory_space<vmem_shared>>
      tpu.enqueue_dma source(%arg9 : memref<32x128xf32, #tpu.memory_space<vmem>>) target(%dma_start3A_92 : memref<32x128xf32, #tpu.memory_space<vmem_shared>>) target_semaphore(%run_scoped3A : memref<!tpu.dma_semaphore, #tpu.memory_space<semaphore_mem>>)
      %dma_wait3A_93 = arith.constant 0 : i32
      %dma_wait3A_94 = tpu.memref_slice %arg10[%add3A_35, %dma_wait3A_93] : memref<10240x128xf32, #tpu.memory_space<vmem_shared>> -> memref<32x128xf32, #tpu.memory_space<vmem_shared>>
      %dma_wait3A_95 = arith.constant 0 : i32
      %dma_wait3A_96 = tpu.memref_slice %arg10[%add3A_35, %dma_wait3A_95] : memref<10240x128xf32, #tpu.memory_space<vmem_shared>> -> memref<32x128xf32, #tpu.memory_space<vmem_shared>>
      tpu.wait_dma2 semaphore(%run_scoped3A : memref<!tpu.dma_semaphore, #tpu.memory_space<semaphore_mem>>) src(%arg9 : memref<32x128xf32, #tpu.memory_space<vmem>>) dst(%dma_wait3A_96 : memref<32x128xf32, #tpu.memory_space<vmem_shared>>)
      tpu.yield
    }) : () -> ()
    %add3A_36 = arith.constant 448 : i32
    %add3A_37 = arith.addi %mul3A_2, %add3A_36 : i32
    "tpu.region"() ({
      %run_scoped3A = tpu.sem_alloc : memref<!tpu.dma_semaphore, #tpu.memory_space<semaphore_mem>>
      %dma_start3A_89 = arith.constant 0 : i32
      %dma_start3A_90 = tpu.memref_slice %arg10[%add3A_37, %dma_start3A_89] : memref<10240x128xf32, #tpu.memory_space<vmem_shared>> -> memref<32x128xf32, #tpu.memory_space<vmem_shared>>
      %dma_start3A_91 = arith.constant 0 : i32
      %dma_start3A_92 = tpu.memref_slice %arg10[%add3A_37, %dma_start3A_91] : memref<10240x128xf32, #tpu.memory_space<vmem_shared>> -> memref<32x128xf32, #tpu.memory_space<vmem_shared>>
      tpu.enqueue_dma source(%arg9 : memref<32x128xf32, #tpu.memory_space<vmem>>) target(%dma_start3A_92 : memref<32x128xf32, #tpu.memory_space<vmem_shared>>) target_semaphore(%run_scoped3A : memref<!tpu.dma_semaphore, #tpu.memory_space<semaphore_mem>>)
      %dma_wait3A_93 = arith.constant 0 : i32
      %dma_wait3A_94 = tpu.memref_slice %arg10[%add3A_37, %dma_wait3A_93] : memref<10240x128xf32, #tpu.memory_space<vmem_shared>> -> memref<32x128xf32, #tpu.memory_space<vmem_shared>>
      %dma_wait3A_95 = arith.constant 0 : i32
      %dma_wait3A_96 = tpu.memref_slice %arg10[%add3A_37, %dma_wait3A_95] : memref<10240x128xf32, #tpu.memory_space<vmem_shared>> -> memref<32x128xf32, #tpu.memory_space<vmem_shared>>
      tpu.wait_dma2 semaphore(%run_scoped3A : memref<!tpu.dma_semaphore, #tpu.memory_space<semaphore_mem>>) src(%arg9 : memref<32x128xf32, #tpu.memory_space<vmem>>) dst(%dma_wait3A_96 : memref<32x128xf32, #tpu.memory_space<vmem_shared>>)
      tpu.yield
    }) : () -> ()
    %add3A_38 = arith.constant 480 : i32
    %add3A_39 = arith.addi %mul3A_2, %add3A_38 : i32
    "tpu.region"() ({
      %run_scoped3A = tpu.sem_alloc : memref<!tpu.dma_semaphore, #tpu.memory_space<semaphore_mem>>
      %dma_start3A_89 = arith.constant 0 : i32
      %dma_start3A_90 = tpu.memref_slice %arg10[%add3A_39, %dma_start3A_89] : memref<10240x128xf32, #tpu.memory_space<vmem_shared>> -> memref<32x128xf32, #tpu.memory_space<vmem_shared>>
      %dma_start3A_91 = arith.constant 0 : i32
      %dma_start3A_92 = tpu.memref_slice %arg10[%add3A_39, %dma_start3A_91] : memref<10240x128xf32, #tpu.memory_space<vmem_shared>> -> memref<32x128xf32, #tpu.memory_space<vmem_shared>>
      tpu.enqueue_dma source(%arg9 : memref<32x128xf32, #tpu.memory_space<vmem>>) target(%dma_start3A_92 : memref<32x128xf32, #tpu.memory_space<vmem_shared>>) target_semaphore(%run_scoped3A : memref<!tpu.dma_semaphore, #tpu.memory_space<semaphore_mem>>)
      %dma_wait3A_93 = arith.constant 0 : i32
      %dma_wait3A_94 = tpu.memref_slice %arg10[%add3A_39, %dma_wait3A_93] : memref<10240x128xf32, #tpu.memory_space<vmem_shared>> -> memref<32x128xf32, #tpu.memory_space<vmem_shared>>
      %dma_wait3A_95 = arith.constant 0 : i32
      %dma_wait3A_96 = tpu.memref_slice %arg10[%add3A_39, %dma_wait3A_95] : memref<10240x128xf32, #tpu.memory_space<vmem_shared>> -> memref<32x128xf32, #tpu.memory_space<vmem_shared>>
      tpu.wait_dma2 semaphore(%run_scoped3A : memref<!tpu.dma_semaphore, #tpu.memory_space<semaphore_mem>>) src(%arg9 : memref<32x128xf32, #tpu.memory_space<vmem>>) dst(%dma_wait3A_96 : memref<32x128xf32, #tpu.memory_space<vmem_shared>>)
      tpu.yield
    }) : () -> ()
    %add3A_40 = arith.constant 512 : i32
    %add3A_41 = arith.addi %mul3A_2, %add3A_40 : i32
    "tpu.region"() ({
      %run_scoped3A = tpu.sem_alloc : memref<!tpu.dma_semaphore, #tpu.memory_space<semaphore_mem>>
      %dma_start3A_89 = arith.constant 0 : i32
      %dma_start3A_90 = tpu.memref_slice %arg10[%add3A_41, %dma_start3A_89] : memref<10240x128xf32, #tpu.memory_space<vmem_shared>> -> memref<32x128xf32, #tpu.memory_space<vmem_shared>>
      %dma_start3A_91 = arith.constant 0 : i32
      %dma_start3A_92 = tpu.memref_slice %arg10[%add3A_41, %dma_start3A_91] : memref<10240x128xf32, #tpu.memory_space<vmem_shared>> -> memref<32x128xf32, #tpu.memory_space<vmem_shared>>
      tpu.enqueue_dma source(%arg9 : memref<32x128xf32, #tpu.memory_space<vmem>>) target(%dma_start3A_92 : memref<32x128xf32, #tpu.memory_space<vmem_shared>>) target_semaphore(%run_scoped3A : memref<!tpu.dma_semaphore, #tpu.memory_space<semaphore_mem>>)
      %dma_wait3A_93 = arith.constant 0 : i32
      %dma_wait3A_94 = tpu.memref_slice %arg10[%add3A_41, %dma_wait3A_93] : memref<10240x128xf32, #tpu.memory_space<vmem_shared>> -> memref<32x128xf32, #tpu.memory_space<vmem_shared>>
      %dma_wait3A_95 = arith.constant 0 : i32
      %dma_wait3A_96 = tpu.memref_slice %arg10[%add3A_41, %dma_wait3A_95] : memref<10240x128xf32, #tpu.memory_space<vmem_shared>> -> memref<32x128xf32, #tpu.memory_space<vmem_shared>>
      tpu.wait_dma2 semaphore(%run_scoped3A : memref<!tpu.dma_semaphore, #tpu.memory_space<semaphore_mem>>) src(%arg9 : memref<32x128xf32, #tpu.memory_space<vmem>>) dst(%dma_wait3A_96 : memref<32x128xf32, #tpu.memory_space<vmem_shared>>)
      tpu.yield
    }) : () -> ()
    %add3A_42 = arith.constant 544 : i32
    %add3A_43 = arith.addi %mul3A_2, %add3A_42 : i32
    "tpu.region"() ({
      %run_scoped3A = tpu.sem_alloc : memref<!tpu.dma_semaphore, #tpu.memory_space<semaphore_mem>>
      %dma_start3A_89 = arith.constant 0 : i32
      %dma_start3A_90 = tpu.memref_slice %arg10[%add3A_43, %dma_start3A_89] : memref<10240x128xf32, #tpu.memory_space<vmem_shared>> -> memref<32x128xf32, #tpu.memory_space<vmem_shared>>
      %dma_start3A_91 = arith.constant 0 : i32
      %dma_start3A_92 = tpu.memref_slice %arg10[%add3A_43, %dma_start3A_91] : memref<10240x128xf32, #tpu.memory_space<vmem_shared>> -> memref<32x128xf32, #tpu.memory_space<vmem_shared>>
      tpu.enqueue_dma source(%arg9 : memref<32x128xf32, #tpu.memory_space<vmem>>) target(%dma_start3A_92 : memref<32x128xf32, #tpu.memory_space<vmem_shared>>) target_semaphore(%run_scoped3A : memref<!tpu.dma_semaphore, #tpu.memory_space<semaphore_mem>>)
      %dma_wait3A_93 = arith.constant 0 : i32
      %dma_wait3A_94 = tpu.memref_slice %arg10[%add3A_43, %dma_wait3A_93] : memref<10240x128xf32, #tpu.memory_space<vmem_shared>> -> memref<32x128xf32, #tpu.memory_space<vmem_shared>>
      %dma_wait3A_95 = arith.constant 0 : i32
      %dma_wait3A_96 = tpu.memref_slice %arg10[%add3A_43, %dma_wait3A_95] : memref<10240x128xf32, #tpu.memory_space<vmem_shared>> -> memref<32x128xf32, #tpu.memory_space<vmem_shared>>
      tpu.wait_dma2 semaphore(%run_scoped3A : memref<!tpu.dma_semaphore, #tpu.memory_space<semaphore_mem>>) src(%arg9 : memref<32x128xf32, #tpu.memory_space<vmem>>) dst(%dma_wait3A_96 : memref<32x128xf32, #tpu.memory_space<vmem_shared>>)
      tpu.yield
    }) : () -> ()
    %add3A_44 = arith.constant 576 : i32
    %add3A_45 = arith.addi %mul3A_2, %add3A_44 : i32
    "tpu.region"() ({
      %run_scoped3A = tpu.sem_alloc : memref<!tpu.dma_semaphore, #tpu.memory_space<semaphore_mem>>
      %dma_start3A_89 = arith.constant 0 : i32
      %dma_start3A_90 = tpu.memref_slice %arg10[%add3A_45, %dma_start3A_89] : memref<10240x128xf32, #tpu.memory_space<vmem_shared>> -> memref<32x128xf32, #tpu.memory_space<vmem_shared>>
      %dma_start3A_91 = arith.constant 0 : i32
      %dma_start3A_92 = tpu.memref_slice %arg10[%add3A_45, %dma_start3A_91] : memref<10240x128xf32, #tpu.memory_space<vmem_shared>> -> memref<32x128xf32, #tpu.memory_space<vmem_shared>>
      tpu.enqueue_dma source(%arg9 : memref<32x128xf32, #tpu.memory_space<vmem>>) target(%dma_start3A_92 : memref<32x128xf32, #tpu.memory_space<vmem_shared>>) target_semaphore(%run_scoped3A : memref<!tpu.dma_semaphore, #tpu.memory_space<semaphore_mem>>)
      %dma_wait3A_93 = arith.constant 0 : i32
      %dma_wait3A_94 = tpu.memref_slice %arg10[%add3A_45, %dma_wait3A_93] : memref<10240x128xf32, #tpu.memory_space<vmem_shared>> -> memref<32x128xf32, #tpu.memory_space<vmem_shared>>
      %dma_wait3A_95 = arith.constant 0 : i32
      %dma_wait3A_96 = tpu.memref_slice %arg10[%add3A_45, %dma_wait3A_95] : memref<10240x128xf32, #tpu.memory_space<vmem_shared>> -> memref<32x128xf32, #tpu.memory_space<vmem_shared>>
      tpu.wait_dma2 semaphore(%run_scoped3A : memref<!tpu.dma_semaphore, #tpu.memory_space<semaphore_mem>>) src(%arg9 : memref<32x128xf32, #tpu.memory_space<vmem>>) dst(%dma_wait3A_96 : memref<32x128xf32, #tpu.memory_space<vmem_shared>>)
      tpu.yield
    }) : () -> ()
    %add3A_46 = arith.constant 608 : i32
    %add3A_47 = arith.addi %mul3A_2, %add3A_46 : i32
    "tpu.region"() ({
      %run_scoped3A = tpu.sem_alloc : memref<!tpu.dma_semaphore, #tpu.memory_space<semaphore_mem>>
      %dma_start3A_89 = arith.constant 0 : i32
      %dma_start3A_90 = tpu.memref_slice %arg10[%add3A_47, %dma_start3A_89] : memref<10240x128xf32, #tpu.memory_space<vmem_shared>> -> memref<32x128xf32, #tpu.memory_space<vmem_shared>>
      %dma_start3A_91 = arith.constant 0 : i32
      %dma_start3A_92 = tpu.memref_slice %arg10[%add3A_47, %dma_start3A_91] : memref<10240x128xf32, #tpu.memory_space<vmem_shared>> -> memref<32x128xf32, #tpu.memory_space<vmem_shared>>
      tpu.enqueue_dma source(%arg9 : memref<32x128xf32, #tpu.memory_space<vmem>>) target(%dma_start3A_92 : memref<32x128xf32, #tpu.memory_space<vmem_shared>>) target_semaphore(%run_scoped3A : memref<!tpu.dma_semaphore, #tpu.memory_space<semaphore_mem>>)
      %dma_wait3A_93 = arith.constant 0 : i32
      %dma_wait3A_94 = tpu.memref_slice %arg10[%add3A_47, %dma_wait3A_93] : memref<10240x128xf32, #tpu.memory_space<vmem_shared>> -> memref<32x128xf32, #tpu.memory_space<vmem_shared>>
      %dma_wait3A_95 = arith.constant 0 : i32
      %dma_wait3A_96 = tpu.memref_slice %arg10[%add3A_47, %dma_wait3A_95] : memref<10240x128xf32, #tpu.memory_space<vmem_shared>> -> memref<32x128xf32, #tpu.memory_space<vmem_shared>>
      tpu.wait_dma2 semaphore(%run_scoped3A : memref<!tpu.dma_semaphore, #tpu.memory_space<semaphore_mem>>) src(%arg9 : memref<32x128xf32, #tpu.memory_space<vmem>>) dst(%dma_wait3A_96 : memref<32x128xf32, #tpu.memory_space<vmem_shared>>)
      tpu.yield
    }) : () -> ()
    %barrier3A = arith.constant 0 : index
    tpu.barrier barrier_id(%barrier3A)
    %dma_start3A = arith.constant 0 : i32
    %dma_start3A_48 = arith.constant 0 : i32
    %dma_start3A_49 = arith.constant 0 : i32
    %dma_start3A_50 = arith.constant 0 : i32
    %dma_start3A_51 = tpu.memref_slice %arg8[%dma_start3A_48, %dma_start3A_49, %dma_start3A_50] : memref<2x125x128xf32, #tpu.memory_space<vmem>> -> memref<1x125x128xf32, #tpu.memory_space<vmem>>
    %dma_start3A_52 = tpu.memref_squeeze %dma_start3A_51 : memref<1x125x128xf32, #tpu.memory_space<vmem>> -> memref<125x128xf32, #tpu.memory_space<vmem>>
    %dma_start3A_53 = arith.constant 0 : i32
    %dma_start3A_54 = tpu.memref_slice %arg6[%dma_start3A, %dma_start3A_53] : memref<40x125xi32, #tpu.memory_space<vmem>> -> memref<1x125xi32, #tpu.memory_space<vmem>>
    %dma_start3A_55 = tpu.memref_squeeze %dma_start3A_54 : memref<1x125xi32, #tpu.memory_space<vmem>> -> memref<125xi32, #tpu.memory_space<vmem>>
    %dma_start3A_56 = arith.constant 0 : i32
    %dma_start3A_57 = arith.constant 0 : i32
    %dma_start3A_58 = tpu.memref_slice %arg2[%dma_start3A_56, %dma_start3A_57] : memref<10000x128xf32, #tpu.memory_space<hbm>> -> memref<10000x128xf32, #tpu.memory_space<hbm>>
    tpu.enqueue_indirect_dma source(%dma_start3A_58 : memref<10000x128xf32, #tpu.memory_space<hbm>>) target(%dma_start3A_52 : memref<125x128xf32, #tpu.memory_space<vmem>>) offsets(%dma_start3A_55 : memref<125xi32, #tpu.memory_space<vmem>>) semaphore(%arg11 : memref<!tpu.dma_semaphore, #tpu.memory_space<semaphore_mem>>)
    %dma_start3A_59 = arith.constant 1 : i32
    %dma_start3A_60 = arith.constant 1 : i32
    %dma_start3A_61 = arith.constant 0 : i32
    %dma_start3A_62 = arith.constant 0 : i32
    %dma_start3A_63 = tpu.memref_slice %arg8[%dma_start3A_60, %dma_start3A_61, %dma_start3A_62] : memref<2x125x128xf32, #tpu.memory_space<vmem>> -> memref<1x125x128xf32, #tpu.memory_space<vmem>>
    %dma_start3A_64 = tpu.memref_squeeze %dma_start3A_63 : memref<1x125x128xf32, #tpu.memory_space<vmem>> -> memref<125x128xf32, #tpu.memory_space<vmem>>
    %dma_start3A_65 = arith.constant 0 : i32
    %dma_start3A_66 = tpu.memref_slice %arg6[%dma_start3A_59, %dma_start3A_65] : memref<40x125xi32, #tpu.memory_space<vmem>> -> memref<1x125xi32, #tpu.memory_space<vmem>>
    %dma_start3A_67 = tpu.memref_squeeze %dma_start3A_66 : memref<1x125xi32, #tpu.memory_space<vmem>> -> memref<125xi32, #tpu.memory_space<vmem>>
    %dma_start3A_68 = arith.constant 0 : i32
    %dma_start3A_69 = arith.constant 0 : i32
    %dma_start3A_70 = tpu.memref_slice %arg2[%dma_start3A_68, %dma_start3A_69] : memref<10000x128xf32, #tpu.memory_space<hbm>> -> memref<10000x128xf32, #tpu.memory_space<hbm>>
    tpu.enqueue_indirect_dma source(%dma_start3A_70 : memref<10000x128xf32, #tpu.memory_space<hbm>>) target(%dma_start3A_64 : memref<125x128xf32, #tpu.memory_space<vmem>>) offsets(%dma_start3A_67 : memref<125xi32, #tpu.memory_space<vmem>>) semaphore(%arg12 : memref<!tpu.dma_semaphore, #tpu.memory_space<semaphore_mem>>)
    %scan3A_71 = arith.constant 0 : i32
    %scan3A_72 = arith.constant 0 : i32
    %scan3A_73 = arith.constant 20 : i32
    %scan3A_74 = arith.addi %scan3A_72, %scan3A_73 : i32
    %scan3A_75 = arith.constant 1 : i32
    scf.for %scan3A_89 = %scan3A_72 to %scan3A_74 step %scan3A_75  : i32 {
      %mul3A_90 = arith.constant 2 : i32
      %mul3A_91 = arith.muli %scan3A_89, %mul3A_90 : i32
      %add3A_92 = arith.constant 0 : i32
      %add3A_93 = arith.addi %mul3A_91, %add3A_92 : i32
      %dma_wait3A_94 = arith.constant 0 : i32
      %dma_wait3A_95 = arith.constant 0 : i32
      %dma_wait3A_96 = arith.constant 0 : i32
      %dma_wait3A_97 = tpu.memref_slice %arg8[%dma_wait3A_94, %dma_wait3A_95, %dma_wait3A_96] : memref<2x125x128xf32, #tpu.memory_space<vmem>> -> memref<1x125x128xf32, #tpu.memory_space<vmem>>
      %dma_wait3A_98 = tpu.memref_squeeze %dma_wait3A_97 : memref<1x125x128xf32, #tpu.memory_space<vmem>> -> memref<125x128xf32, #tpu.memory_space<vmem>>
      %dma_wait3A_99 = arith.constant 0 : i32
      %dma_wait3A_100 = tpu.memref_slice %arg6[%add3A_93, %dma_wait3A_99] : memref<40x125xi32, #tpu.memory_space<vmem>> -> memref<1x125xi32, #tpu.memory_space<vmem>>
      %dma_wait3A_101 = tpu.memref_squeeze %dma_wait3A_100 : memref<1x125xi32, #tpu.memory_space<vmem>> -> memref<125xi32, #tpu.memory_space<vmem>>
      %dma_wait3A_102 = arith.constant 0 : i32
      %dma_wait3A_103 = arith.constant 0 : i32
      %dma_wait3A_104 = tpu.memref_slice %arg2[%dma_wait3A_102, %dma_wait3A_103] : memref<10000x128xf32, #tpu.memory_space<hbm>> -> memref<10000x128xf32, #tpu.memory_space<hbm>>
      tpu.wait_indirect_dma semaphore(%arg11 : memref<!tpu.dma_semaphore, #tpu.memory_space<semaphore_mem>>) src(%dma_wait3A_104 : memref<10000x128xf32, #tpu.memory_space<hbm>>) dst(%dma_wait3A_98 : memref<125x128xf32, #tpu.memory_space<vmem>>)
      %ge3A = arith.constant 1 : i32
      %ge3A_105 = arith.cmpi sge, %add3A_93, %ge3A : i32
      %convert_element_type3A = arith.extui %ge3A_105 : i1 to i32
      %cond3A = arith.constant 0 : i32
      %cond3A_106 = arith.cmpi ne, %convert_element_type3A, %cond3A : i32
      scf.if %cond3A_106 {
        %sub3A = arith.constant 1 : i32
        %sub3A_167 = arith.subi %add3A_93, %sub3A : i32
        %dma_wait3A_168 = arith.constant 1 : i32
        %dma_wait3A_169 = arith.constant 0 : i32
        %dma_wait3A_170 = arith.constant 0 : i32
        %dma_wait3A_171 = tpu.memref_slice %arg8[%dma_wait3A_168, %dma_wait3A_169, %dma_wait3A_170] : memref<2x125x128xf32, #tpu.memory_space<vmem>> -> memref<1x125x128xf32, #tpu.memory_space<vmem>>
        %dma_wait3A_172 = tpu.memref_squeeze %dma_wait3A_171 : memref<1x125x128xf32, #tpu.memory_space<vmem>> -> memref<125x128xf32, #tpu.memory_space<vmem>>
        %dma_wait3A_173 = arith.constant 0 : i32
        %dma_wait3A_174 = tpu.memref_slice %arg7[%sub3A_167, %dma_wait3A_173] : memref<40x125xi32, #tpu.memory_space<vmem>> -> memref<1x125xi32, #tpu.memory_space<vmem>>
        %dma_wait3A_175 = tpu.memref_squeeze %dma_wait3A_174 : memref<1x125xi32, #tpu.memory_space<vmem>> -> memref<125xi32, #tpu.memory_space<vmem>>
        %dma_wait3A_176 = arith.constant 0 : i32
        %dma_wait3A_177 = arith.constant 0 : i32
        %dma_wait3A_178 = tpu.memref_slice %arg10[%dma_wait3A_176, %dma_wait3A_177] : memref<10240x128xf32, #tpu.memory_space<vmem_shared>> -> memref<10240x128xf32, #tpu.memory_space<vmem_shared>>
        tpu.wait_indirect_dma semaphore(%arg14 : memref<!tpu.dma_semaphore, #tpu.memory_space<semaphore_mem>>) src(%dma_wait3A_172 : memref<125x128xf32, #tpu.memory_space<vmem>>) dst(%dma_wait3A_178 : memref<10240x128xf32, #tpu.memory_space<vmem_shared>>)
      } else {
      }
      %dma_start3A_107 = arith.constant 0 : i32
      %dma_start3A_108 = arith.constant 0 : i32
      %dma_start3A_109 = arith.constant 0 : i32
      %dma_start3A_110 = tpu.memref_slice %arg8[%dma_start3A_107, %dma_start3A_108, %dma_start3A_109] : memref<2x125x128xf32, #tpu.memory_space<vmem>> -> memref<1x125x128xf32, #tpu.memory_space<vmem>>
      %dma_start3A_111 = tpu.memref_squeeze %dma_start3A_110 : memref<1x125x128xf32, #tpu.memory_space<vmem>> -> memref<125x128xf32, #tpu.memory_space<vmem>>
      %dma_start3A_112 = arith.constant 0 : i32
      %dma_start3A_113 = tpu.memref_slice %arg7[%add3A_93, %dma_start3A_112] : memref<40x125xi32, #tpu.memory_space<vmem>> -> memref<1x125xi32, #tpu.memory_space<vmem>>
      %dma_start3A_114 = tpu.memref_squeeze %dma_start3A_113 : memref<1x125xi32, #tpu.memory_space<vmem>> -> memref<125xi32, #tpu.memory_space<vmem>>
      %dma_start3A_115 = arith.constant 0 : i32
      %dma_start3A_116 = arith.constant 0 : i32
      %dma_start3A_117 = tpu.memref_slice %arg10[%dma_start3A_115, %dma_start3A_116] : memref<10240x128xf32, #tpu.memory_space<vmem_shared>> -> memref<10240x128xf32, #tpu.memory_space<vmem_shared>>
      tpu.enqueue_indirect_dma source(%dma_start3A_111 : memref<125x128xf32, #tpu.memory_space<vmem>>) target(%dma_start3A_117 : memref<10240x128xf32, #tpu.memory_space<vmem_shared>>) offsets(%dma_start3A_114 : memref<125xi32, #tpu.memory_space<vmem>>) semaphore(%arg13 : memref<!tpu.dma_semaphore, #tpu.memory_space<semaphore_mem>>) {add = true}
      %ge3A_118 = arith.constant 1 : i32
      %ge3A_119 = arith.cmpi sge, %add3A_93, %ge3A_118 : i32
      %add3A_120 = arith.constant 1 : i32
      %add3A_121 = arith.addi %add3A_93, %add3A_120 : i32
      %lt3A = arith.constant 40 : i32
      %lt3A_122 = arith.cmpi slt, %add3A_121, %lt3A : i32
      %and3A = arith.andi %ge3A_119, %lt3A_122 : i1
      %convert_element_type3A_123 = arith.extui %and3A : i1 to i32
      %cond3A_124 = arith.constant 0 : i32
      %cond3A_125 = arith.cmpi ne, %convert_element_type3A_123, %cond3A_124 : i32
      scf.if %cond3A_125 {
        %add3A_167 = arith.constant 1 : i32
        %add3A_168 = arith.addi %add3A_93, %add3A_167 : i32
        %dma_start3A_169 = arith.constant 1 : i32
        %dma_start3A_170 = arith.constant 0 : i32
        %dma_start3A_171 = arith.constant 0 : i32
        %dma_start3A_172 = tpu.memref_slice %arg8[%dma_start3A_169, %dma_start3A_170, %dma_start3A_171] : memref<2x125x128xf32, #tpu.memory_space<vmem>> -> memref<1x125x128xf32, #tpu.memory_space<vmem>>
        %dma_start3A_173 = tpu.memref_squeeze %dma_start3A_172 : memref<1x125x128xf32, #tpu.memory_space<vmem>> -> memref<125x128xf32, #tpu.memory_space<vmem>>
        %dma_start3A_174 = arith.constant 0 : i32
        %dma_start3A_175 = tpu.memref_slice %arg6[%add3A_168, %dma_start3A_174] : memref<40x125xi32, #tpu.memory_space<vmem>> -> memref<1x125xi32, #tpu.memory_space<vmem>>
        %dma_start3A_176 = tpu.memref_squeeze %dma_start3A_175 : memref<1x125xi32, #tpu.memory_space<vmem>> -> memref<125xi32, #tpu.memory_space<vmem>>
        %dma_start3A_177 = arith.constant 0 : i32
        %dma_start3A_178 = arith.constant 0 : i32
        %dma_start3A_179 = tpu.memref_slice %arg2[%dma_start3A_177, %dma_start3A_178] : memref<10000x128xf32, #tpu.memory_space<hbm>> -> memref<10000x128xf32, #tpu.memory_space<hbm>>
        tpu.enqueue_indirect_dma source(%dma_start3A_179 : memref<10000x128xf32, #tpu.memory_space<hbm>>) target(%dma_start3A_173 : memref<125x128xf32, #tpu.memory_space<vmem>>) offsets(%dma_start3A_176 : memref<125xi32, #tpu.memory_space<vmem>>) semaphore(%arg12 : memref<!tpu.dma_semaphore, #tpu.memory_space<semaphore_mem>>)
      } else {
      }
      %mul3A_126 = arith.constant 2 : i32
      %mul3A_127 = arith.muli %scan3A_89, %mul3A_126 : i32
      %add3A_128 = arith.constant 1 : i32
      %add3A_129 = arith.addi %mul3A_127, %add3A_128 : i32
      %dma_wait3A_130 = arith.constant 1 : i32
      %dma_wait3A_131 = arith.constant 0 : i32
      %dma_wait3A_132 = arith.constant 0 : i32
      %dma_wait3A_133 = tpu.memref_slice %arg8[%dma_wait3A_130, %dma_wait3A_131, %dma_wait3A_132] : memref<2x125x128xf32, #tpu.memory_space<vmem>> -> memref<1x125x128xf32, #tpu.memory_space<vmem>>
      %dma_wait3A_134 = tpu.memref_squeeze %dma_wait3A_133 : memref<1x125x128xf32, #tpu.memory_space<vmem>> -> memref<125x128xf32, #tpu.memory_space<vmem>>
      %dma_wait3A_135 = arith.constant 0 : i32
      %dma_wait3A_136 = tpu.memref_slice %arg6[%add3A_129, %dma_wait3A_135] : memref<40x125xi32, #tpu.memory_space<vmem>> -> memref<1x125xi32, #tpu.memory_space<vmem>>
      %dma_wait3A_137 = tpu.memref_squeeze %dma_wait3A_136 : memref<1x125xi32, #tpu.memory_space<vmem>> -> memref<125xi32, #tpu.memory_space<vmem>>
      %dma_wait3A_138 = arith.constant 0 : i32
      %dma_wait3A_139 = arith.constant 0 : i32
      %dma_wait3A_140 = tpu.memref_slice %arg2[%dma_wait3A_138, %dma_wait3A_139] : memref<10000x128xf32, #tpu.memory_space<hbm>> -> memref<10000x128xf32, #tpu.memory_space<hbm>>
      tpu.wait_indirect_dma semaphore(%arg12 : memref<!tpu.dma_semaphore, #tpu.memory_space<semaphore_mem>>) src(%dma_wait3A_140 : memref<10000x128xf32, #tpu.memory_space<hbm>>) dst(%dma_wait3A_134 : memref<125x128xf32, #tpu.memory_space<vmem>>)
      %ge3A_141 = arith.constant 1 : i32
      %ge3A_142 = arith.cmpi sge, %add3A_129, %ge3A_141 : i32
      %convert_element_type3A_143 = arith.extui %ge3A_142 : i1 to i32
      %cond3A_144 = arith.constant 0 : i32
      %cond3A_145 = arith.cmpi ne, %convert_element_type3A_143, %cond3A_144 : i32
      scf.if %cond3A_145 {
        %sub3A = arith.constant 1 : i32
        %sub3A_167 = arith.subi %add3A_129, %sub3A : i32
        %dma_wait3A_168 = arith.constant 0 : i32
        %dma_wait3A_169 = arith.constant 0 : i32
        %dma_wait3A_170 = arith.constant 0 : i32
        %dma_wait3A_171 = tpu.memref_slice %arg8[%dma_wait3A_168, %dma_wait3A_169, %dma_wait3A_170] : memref<2x125x128xf32, #tpu.memory_space<vmem>> -> memref<1x125x128xf32, #tpu.memory_space<vmem>>
        %dma_wait3A_172 = tpu.memref_squeeze %dma_wait3A_171 : memref<1x125x128xf32, #tpu.memory_space<vmem>> -> memref<125x128xf32, #tpu.memory_space<vmem>>
        %dma_wait3A_173 = arith.constant 0 : i32
        %dma_wait3A_174 = tpu.memref_slice %arg7[%sub3A_167, %dma_wait3A_173] : memref<40x125xi32, #tpu.memory_space<vmem>> -> memref<1x125xi32, #tpu.memory_space<vmem>>
        %dma_wait3A_175 = tpu.memref_squeeze %dma_wait3A_174 : memref<1x125xi32, #tpu.memory_space<vmem>> -> memref<125xi32, #tpu.memory_space<vmem>>
        %dma_wait3A_176 = arith.constant 0 : i32
        %dma_wait3A_177 = arith.constant 0 : i32
        %dma_wait3A_178 = tpu.memref_slice %arg10[%dma_wait3A_176, %dma_wait3A_177] : memref<10240x128xf32, #tpu.memory_space<vmem_shared>> -> memref<10240x128xf32, #tpu.memory_space<vmem_shared>>
        tpu.wait_indirect_dma semaphore(%arg13 : memref<!tpu.dma_semaphore, #tpu.memory_space<semaphore_mem>>) src(%dma_wait3A_172 : memref<125x128xf32, #tpu.memory_space<vmem>>) dst(%dma_wait3A_178 : memref<10240x128xf32, #tpu.memory_space<vmem_shared>>)
      } else {
      }
      %dma_start3A_146 = arith.constant 1 : i32
      %dma_start3A_147 = arith.constant 0 : i32
      %dma_start3A_148 = arith.constant 0 : i32
      %dma_start3A_149 = tpu.memref_slice %arg8[%dma_start3A_146, %dma_start3A_147, %dma_start3A_148] : memref<2x125x128xf32, #tpu.memory_space<vmem>> -> memref<1x125x128xf32, #tpu.memory_space<vmem>>
      %dma_start3A_150 = tpu.memref_squeeze %dma_start3A_149 : memref<1x125x128xf32, #tpu.memory_space<vmem>> -> memref<125x128xf32, #tpu.memory_space<vmem>>
      %dma_start3A_151 = arith.constant 0 : i32
      %dma_start3A_152 = tpu.memref_slice %arg7[%add3A_129, %dma_start3A_151] : memref<40x125xi32, #tpu.memory_space<vmem>> -> memref<1x125xi32, #tpu.memory_space<vmem>>
      %dma_start3A_153 = tpu.memref_squeeze %dma_start3A_152 : memref<1x125xi32, #tpu.memory_space<vmem>> -> memref<125xi32, #tpu.memory_space<vmem>>
      %dma_start3A_154 = arith.constant 0 : i32
      %dma_start3A_155 = arith.constant 0 : i32
      %dma_start3A_156 = tpu.memref_slice %arg10[%dma_start3A_154, %dma_start3A_155] : memref<10240x128xf32, #tpu.memory_space<vmem_shared>> -> memref<10240x128xf32, #tpu.memory_space<vmem_shared>>
      tpu.enqueue_indirect_dma source(%dma_start3A_150 : memref<125x128xf32, #tpu.memory_space<vmem>>) target(%dma_start3A_156 : memref<10240x128xf32, #tpu.memory_space<vmem_shared>>) offsets(%dma_start3A_153 : memref<125xi32, #tpu.memory_space<vmem>>) semaphore(%arg14 : memref<!tpu.dma_semaphore, #tpu.memory_space<semaphore_mem>>) {add = true}
      %ge3A_157 = arith.constant 1 : i32
      %ge3A_158 = arith.cmpi sge, %add3A_129, %ge3A_157 : i32
      %add3A_159 = arith.constant 1 : i32
      %add3A_160 = arith.addi %add3A_129, %add3A_159 : i32
      %lt3A_161 = arith.constant 40 : i32
      %lt3A_162 = arith.cmpi slt, %add3A_160, %lt3A_161 : i32
      %and3A_163 = arith.andi %ge3A_158, %lt3A_162 : i1
      %convert_element_type3A_164 = arith.extui %and3A_163 : i1 to i32
      %cond3A_165 = arith.constant 0 : i32
      %cond3A_166 = arith.cmpi ne, %convert_element_type3A_164, %cond3A_165 : i32
      scf.if %cond3A_166 {
        %add3A_167 = arith.constant 1 : i32
        %add3A_168 = arith.addi %add3A_129, %add3A_167 : i32
        %dma_start3A_169 = arith.constant 0 : i32
        %dma_start3A_170 = arith.constant 0 : i32
        %dma_start3A_171 = arith.constant 0 : i32
        %dma_start3A_172 = tpu.memref_slice %arg8[%dma_start3A_169, %dma_start3A_170, %dma_start3A_171] : memref<2x125x128xf32, #tpu.memory_space<vmem>> -> memref<1x125x128xf32, #tpu.memory_space<vmem>>
        %dma_start3A_173 = tpu.memref_squeeze %dma_start3A_172 : memref<1x125x128xf32, #tpu.memory_space<vmem>> -> memref<125x128xf32, #tpu.memory_space<vmem>>
        %dma_start3A_174 = arith.constant 0 : i32
        %dma_start3A_175 = tpu.memref_slice %arg6[%add3A_168, %dma_start3A_174] : memref<40x125xi32, #tpu.memory_space<vmem>> -> memref<1x125xi32, #tpu.memory_space<vmem>>
        %dma_start3A_176 = tpu.memref_squeeze %dma_start3A_175 : memref<1x125xi32, #tpu.memory_space<vmem>> -> memref<125xi32, #tpu.memory_space<vmem>>
        %dma_start3A_177 = arith.constant 0 : i32
        %dma_start3A_178 = arith.constant 0 : i32
        %dma_start3A_179 = tpu.memref_slice %arg2[%dma_start3A_177, %dma_start3A_178] : memref<10000x128xf32, #tpu.memory_space<hbm>> -> memref<10000x128xf32, #tpu.memory_space<hbm>>
        tpu.enqueue_indirect_dma source(%dma_start3A_179 : memref<10000x128xf32, #tpu.memory_space<hbm>>) target(%dma_start3A_173 : memref<125x128xf32, #tpu.memory_space<vmem>>) offsets(%dma_start3A_176 : memref<125xi32, #tpu.memory_space<vmem>>) semaphore(%arg11 : memref<!tpu.dma_semaphore, #tpu.memory_space<semaphore_mem>>)
      } else {
      }
    }
    %scan3A_76 = arith.constant 20 : i32
    %dma_wait3A = arith.constant 1 : i32
    %dma_wait3A_77 = arith.constant 39 : i32
    %dma_wait3A_78 = arith.constant 0 : i32
    %dma_wait3A_79 = arith.constant 0 : i32
    %dma_wait3A_80 = tpu.memref_slice %arg8[%dma_wait3A, %dma_wait3A_78, %dma_wait3A_79] : memref<2x125x128xf32, #tpu.memory_space<vmem>> -> memref<1x125x128xf32, #tpu.memory_space<vmem>>
    %dma_wait3A_81 = tpu.memref_squeeze %dma_wait3A_80 : memref<1x125x128xf32, #tpu.memory_space<vmem>> -> memref<125x128xf32, #tpu.memory_space<vmem>>
    %dma_wait3A_82 = arith.constant 0 : i32
    %dma_wait3A_83 = tpu.memref_slice %arg7[%dma_wait3A_77, %dma_wait3A_82] : memref<40x125xi32, #tpu.memory_space<vmem>> -> memref<1x125xi32, #tpu.memory_space<vmem>>
    %dma_wait3A_84 = tpu.memref_squeeze %dma_wait3A_83 : memref<1x125xi32, #tpu.memory_space<vmem>> -> memref<125xi32, #tpu.memory_space<vmem>>
    %dma_wait3A_85 = arith.constant 0 : i32
    %dma_wait3A_86 = arith.constant 0 : i32
    %dma_wait3A_87 = tpu.memref_slice %arg10[%dma_wait3A_85, %dma_wait3A_86] : memref<10240x128xf32, #tpu.memory_space<vmem_shared>> -> memref<10240x128xf32, #tpu.memory_space<vmem_shared>>
    tpu.wait_indirect_dma semaphore(%arg14 : memref<!tpu.dma_semaphore, #tpu.memory_space<semaphore_mem>>) src(%dma_wait3A_81 : memref<125x128xf32, #tpu.memory_space<vmem>>) dst(%dma_wait3A_87 : memref<10240x128xf32, #tpu.memory_space<vmem_shared>>)
    %barrier3A_88 = arith.constant 0 : index
    tpu.barrier barrier_id(%barrier3A_88)
    "tpu.region"() ({
      %run_scoped3A = tpu.sem_alloc : memref<!tpu.dma_semaphore, #tpu.memory_space<semaphore_mem>>
      %dma_start3A_89 = arith.constant 0 : i32
      %dma_start3A_90 = tpu.memref_slice %arg5[%arg0, %mul3A_2, %dma_start3A_89] : memref<2x10240x128xf32, #tpu.memory_space<hbm>> -> memref<1x640x128xf32, #tpu.memory_space<hbm>>
      %dma_start3A_91 = tpu.memref_squeeze %dma_start3A_90 : memref<1x640x128xf32, #tpu.memory_space<hbm>> -> memref<640x128xf32, #tpu.memory_space<hbm>>
      %dma_start3A_92 = arith.constant 0 : i32
      %dma_start3A_93 = tpu.memref_slice %arg10[%mul3A_2, %dma_start3A_92] : memref<10240x128xf32, #tpu.memory_space<vmem_shared>> -> memref<640x128xf32, #tpu.memory_space<vmem_shared>>
      tpu.enqueue_dma source(%dma_start3A_93 : memref<640x128xf32, #tpu.memory_space<vmem_shared>>) target(%dma_start3A_91 : memref<640x128xf32, #tpu.memory_space<hbm>>) target_semaphore(%run_scoped3A : memref<!tpu.dma_semaphore, #tpu.memory_space<semaphore_mem>>)
      %dma_wait3A_94 = arith.constant 0 : i32
      %dma_wait3A_95 = tpu.memref_slice %arg5[%arg0, %mul3A_2, %dma_wait3A_94] : memref<2x10240x128xf32, #tpu.memory_space<hbm>> -> memref<1x640x128xf32, #tpu.memory_space<hbm>>
      %dma_wait3A_96 = tpu.memref_squeeze %dma_wait3A_95 : memref<1x640x128xf32, #tpu.memory_space<hbm>> -> memref<640x128xf32, #tpu.memory_space<hbm>>
      %dma_wait3A_97 = arith.constant 0 : i32
      %dma_wait3A_98 = tpu.memref_slice %arg10[%mul3A_2, %dma_wait3A_97] : memref<10240x128xf32, #tpu.memory_space<vmem_shared>> -> memref<640x128xf32, #tpu.memory_space<vmem_shared>>
      tpu.wait_dma2 semaphore(%run_scoped3A : memref<!tpu.dma_semaphore, #tpu.memory_space<semaphore_mem>>) src(%dma_wait3A_98 : memref<640x128xf32, #tpu.memory_space<vmem_shared>>) dst(%dma_wait3A_96 : memref<640x128xf32, #tpu.memory_space<hbm>>)
      tpu.yield
    }) : () -> ()
    return
  }
}

module attributes {stable_mosaic.version = 14 : i64} {
  func.func @body(%arg0: memref<2x10240x128xf32, #tpu.memory_space<vmem>>, %arg1: memref<2x10240x128xf32, #tpu.memory_space<vmem>>, %arg2: memref<10000x128xf32, #tpu.memory_space<vmem>>, %arg3: memref<10000x128xf32, #tpu.memory_space<vmem>>, %arg4: memref<1x256xf32, #tpu.memory_space<vmem>>, %arg5: memref<1x256xf32, #tpu.memory_space<vmem>>, %arg6: memref<1x256xf32, #tpu.memory_space<vmem>>, %arg7: memref<10000x128xf32, #tpu.memory_space<vmem>>, %arg8: memref<10000x128xf32, #tpu.memory_space<vmem>>) attributes {dimension_semantics = [], scalar_prefetch = 0 : i64, scratch_operands = 0 : i64, tpu.core_type = #tpu.core_type<tc>} {
    %get3A = arith.constant 0 : index
    %get3A_0 = arith.constant 0 : index
    %get3A_1 = arith.constant 0 : index
    %get3A_2 = vector.load %arg0[%get3A, %get3A_0, %get3A_1] : memref<2x10240x128xf32, #tpu.memory_space<vmem>>, vector<1x10000x128xf32>
    %get3A_3 = vector.shape_cast %get3A_2 : vector<1x10000x128xf32> to vector<10000x128xf32>
    %get3A_4 = arith.constant 1 : index
    %get3A_5 = arith.constant 0 : index
    %get3A_6 = arith.constant 0 : index
    %get3A_7 = vector.load %arg0[%get3A_4, %get3A_5, %get3A_6] : memref<2x10240x128xf32, #tpu.memory_space<vmem>>, vector<1x10000x128xf32>
    %get3A_8 = vector.shape_cast %get3A_7 : vector<1x10000x128xf32> to vector<10000x128xf32>
    %add3A = arith.addf %get3A_3, %get3A_8 : vector<10000x128xf32>
    %get3A_9 = arith.constant 0 : index
    %get3A_10 = arith.constant 0 : index
    %get3A_11 = vector.load %arg2[%get3A_9, %get3A_10] : memref<10000x128xf32, #tpu.memory_space<vmem>>, vector<10000x128xf32>
    %add3A_12 = arith.addf %add3A, %get3A_11 : vector<10000x128xf32>
    %get3A_13 = arith.constant 0 : index
    %get3A_14 = arith.constant 0 : index
    %get3A_15 = vector.load %arg4[%get3A_13, %get3A_14] : memref<1x256xf32, #tpu.memory_space<vmem>>, vector<1x128xf32>
    %add3A_16 = vector.broadcast %get3A_15 : vector<1x128xf32> to vector<10000x128xf32>
    %add3A_17 = arith.addf %add3A_12, %add3A_16 : vector<10000x128xf32>
    %reduce_sum3A = arith.constant dense<0.000000e+00> : vector<128xf32>
    %reduce_sum3A_18 = vector.multi_reduction <add>, %add3A_17, %reduce_sum3A [0] : vector<10000x128xf32> to vector<128xf32>
    %broadcast_in_dim3A = vector.shape_cast %reduce_sum3A_18 : vector<128xf32> to vector<1x128xf32>
    %div3A = arith.constant 1.000000e+04 : f32
    %div3A_19 = vector.broadcast %div3A : f32 to vector<1x128xf32>
    %div3A_20 = arith.divf %broadcast_in_dim3A, %div3A_19 : vector<1x128xf32>
    %sub3A = vector.broadcast %div3A_20 : vector<1x128xf32> to vector<10000x128xf32>
    %sub3A_21 = arith.subf %add3A_17, %sub3A : vector<10000x128xf32>
    %mul3A = arith.mulf %sub3A_21, %sub3A_21 : vector<10000x128xf32>
    %reduce_sum3A_22 = arith.constant dense<0.000000e+00> : vector<128xf32>
    %reduce_sum3A_23 = vector.multi_reduction <add>, %mul3A, %reduce_sum3A_22 [0] : vector<10000x128xf32> to vector<128xf32>
    %broadcast_in_dim3A_24 = vector.shape_cast %reduce_sum3A_23 : vector<128xf32> to vector<1x128xf32>
    %div3A_25 = arith.constant 1.000000e+04 : f32
    %div3A_26 = vector.broadcast %div3A_25 : f32 to vector<1x128xf32>
    %div3A_27 = arith.divf %broadcast_in_dim3A_24, %div3A_26 : vector<1x128xf32>
    %get3A_28 = arith.constant 0 : index
    %get3A_29 = arith.constant 0 : index
    %get3A_30 = vector.load %arg5[%get3A_28, %get3A_29] : memref<1x256xf32, #tpu.memory_space<vmem>>, vector<1x128xf32>
    %mul3A_31 = vector.broadcast %get3A_30 : vector<1x128xf32> to vector<10000x128xf32>
    %mul3A_32 = arith.mulf %mul3A_31, %sub3A_21 : vector<10000x128xf32>
    %add3A_33 = arith.constant 9.99999974E-6 : f32
    %add3A_34 = vector.broadcast %add3A_33 : f32 to vector<1x128xf32>
    %add3A_35 = arith.addf %div3A_27, %add3A_34 : vector<1x128xf32>
    %rsqrt3A = math.rsqrt %add3A_35 : vector<1x128xf32>
    %mul3A_36 = vector.broadcast %rsqrt3A : vector<1x128xf32> to vector<10000x128xf32>
    %mul3A_37 = arith.mulf %mul3A_32, %mul3A_36 : vector<10000x128xf32>
    %get3A_38 = arith.constant 0 : index
    %get3A_39 = arith.constant 0 : index
    %get3A_40 = vector.load %arg6[%get3A_38, %get3A_39] : memref<1x256xf32, #tpu.memory_space<vmem>>, vector<1x128xf32>
    %add3A_41 = vector.broadcast %get3A_40 : vector<1x128xf32> to vector<10000x128xf32>
    %add3A_42 = arith.addf %mul3A_37, %add3A_41 : vector<10000x128xf32>
    %max3A = arith.constant 0.000000e+00 : f32
    %max3A_43 = vector.broadcast %max3A : f32 to vector<10000x128xf32>
    %max3A_44 = arith.maximumf %add3A_42, %max3A_43 : vector<10000x128xf32>
    %swap3A = arith.constant 0 : index
    %swap3A_45 = arith.constant 0 : index
    %swap3A_46 = vector.load %arg7[%swap3A, %swap3A_45] : memref<10000x128xf32, #tpu.memory_space<vmem>>, vector<10000x128xf32>
    tpu.vector_store %arg7[%swap3A, %swap3A_45], %max3A_44 {strides = array<i32>} : memref<10000x128xf32, #tpu.memory_space<vmem>>, vector<10000x128xf32>,
    %get3A_47 = arith.constant 0 : index
    %get3A_48 = arith.constant 0 : index
    %get3A_49 = arith.constant 0 : index
    %get3A_50 = vector.load %arg1[%get3A_47, %get3A_48, %get3A_49] : memref<2x10240x128xf32, #tpu.memory_space<vmem>>, vector<1x10000x128xf32>
    %get3A_51 = vector.shape_cast %get3A_50 : vector<1x10000x128xf32> to vector<10000x128xf32>
    %get3A_52 = arith.constant 1 : index
    %get3A_53 = arith.constant 0 : index
    %get3A_54 = arith.constant 0 : index
    %get3A_55 = vector.load %arg1[%get3A_52, %get3A_53, %get3A_54] : memref<2x10240x128xf32, #tpu.memory_space<vmem>>, vector<1x10000x128xf32>
    %get3A_56 = vector.shape_cast %get3A_55 : vector<1x10000x128xf32> to vector<10000x128xf32>
    %add3A_57 = arith.addf %get3A_51, %get3A_56 : vector<10000x128xf32>
    %get3A_58 = arith.constant 0 : index
    %get3A_59 = arith.constant 0 : index
    %get3A_60 = vector.load %arg3[%get3A_58, %get3A_59] : memref<10000x128xf32, #tpu.memory_space<vmem>>, vector<10000x128xf32>
    %add3A_61 = arith.addf %add3A_57, %get3A_60 : vector<10000x128xf32>
    %get3A_62 = arith.constant 0 : index
    %get3A_63 = arith.constant 128 : index
    %get3A_64 = vector.load %arg4[%get3A_62, %get3A_63] : memref<1x256xf32, #tpu.memory_space<vmem>>, vector<1x128xf32>
    %add3A_65 = vector.broadcast %get3A_64 : vector<1x128xf32> to vector<10000x128xf32>
    %add3A_66 = arith.addf %add3A_61, %add3A_65 : vector<10000x128xf32>
    %reduce_sum3A_67 = arith.constant dense<0.000000e+00> : vector<128xf32>
    %reduce_sum3A_68 = vector.multi_reduction <add>, %add3A_66, %reduce_sum3A_67 [0] : vector<10000x128xf32> to vector<128xf32>
    %broadcast_in_dim3A_69 = vector.shape_cast %reduce_sum3A_68 : vector<128xf32> to vector<1x128xf32>
    %div3A_70 = arith.constant 1.000000e+04 : f32
    %div3A_71 = vector.broadcast %div3A_70 : f32 to vector<1x128xf32>
    %div3A_72 = arith.divf %broadcast_in_dim3A_69, %div3A_71 : vector<1x128xf32>
    %sub3A_73 = vector.broadcast %div3A_72 : vector<1x128xf32> to vector<10000x128xf32>
    %sub3A_74 = arith.subf %add3A_66, %sub3A_73 : vector<10000x128xf32>
    %mul3A_75 = arith.mulf %sub3A_74, %sub3A_74 : vector<10000x128xf32>
    %reduce_sum3A_76 = arith.constant dense<0.000000e+00> : vector<128xf32>
    %reduce_sum3A_77 = vector.multi_reduction <add>, %mul3A_75, %reduce_sum3A_76 [0] : vector<10000x128xf32> to vector<128xf32>
    %broadcast_in_dim3A_78 = vector.shape_cast %reduce_sum3A_77 : vector<128xf32> to vector<1x128xf32>
    %div3A_79 = arith.constant 1.000000e+04 : f32
    %div3A_80 = vector.broadcast %div3A_79 : f32 to vector<1x128xf32>
    %div3A_81 = arith.divf %broadcast_in_dim3A_78, %div3A_80 : vector<1x128xf32>
    %get3A_82 = arith.constant 0 : index
    %get3A_83 = arith.constant 128 : index
    %get3A_84 = vector.load %arg5[%get3A_82, %get3A_83] : memref<1x256xf32, #tpu.memory_space<vmem>>, vector<1x128xf32>
    %mul3A_85 = vector.broadcast %get3A_84 : vector<1x128xf32> to vector<10000x128xf32>
    %mul3A_86 = arith.mulf %mul3A_85, %sub3A_74 : vector<10000x128xf32>
    %add3A_87 = arith.constant 9.99999974E-6 : f32
    %add3A_88 = vector.broadcast %add3A_87 : f32 to vector<1x128xf32>
    %add3A_89 = arith.addf %div3A_81, %add3A_88 : vector<1x128xf32>
    %rsqrt3A_90 = math.rsqrt %add3A_89 : vector<1x128xf32>
    %mul3A_91 = vector.broadcast %rsqrt3A_90 : vector<1x128xf32> to vector<10000x128xf32>
    %mul3A_92 = arith.mulf %mul3A_86, %mul3A_91 : vector<10000x128xf32>
    %get3A_93 = arith.constant 0 : index
    %get3A_94 = arith.constant 128 : index
    %get3A_95 = vector.load %arg6[%get3A_93, %get3A_94] : memref<1x256xf32, #tpu.memory_space<vmem>>, vector<1x128xf32>
    %add3A_96 = vector.broadcast %get3A_95 : vector<1x128xf32> to vector<10000x128xf32>
    %add3A_97 = arith.addf %mul3A_92, %add3A_96 : vector<10000x128xf32>
    %max3A_98 = arith.constant 0.000000e+00 : f32
    %max3A_99 = vector.broadcast %max3A_98 : f32 to vector<10000x128xf32>
    %max3A_100 = arith.maximumf %add3A_97, %max3A_99 : vector<10000x128xf32>
    %swap3A_101 = arith.constant 0 : index
    %swap3A_102 = arith.constant 0 : index
    %swap3A_103 = vector.load %arg8[%swap3A_101, %swap3A_102] : memref<10000x128xf32, #tpu.memory_space<vmem>>, vector<10000x128xf32>
    tpu.vector_store %arg8[%swap3A_101, %swap3A_102], %max3A_100 {strides = array<i32>} : memref<10000x128xf32, #tpu.memory_space<vmem>>, vector<10000x128xf32>,
    return
  }
}

module attributes {stable_mosaic.version = 14 : i64} {
  func.func @body(%arg0: i32, %arg1: memref<1000x256xf32, #tpu.memory_space<vmem>>, %arg2: memref<256x256xf32, #tpu.memory_space<vmem>>, %arg3: memref<1000x128xf32, #tpu.memory_space<vmem>>, %arg4: memref<1000x128xf32, #tpu.memory_space<vmem>>) attributes {dimension_semantics = [#tpu.dimension_semantics<arbitrary>], iteration_bounds = array<i64: 10>, scalar_prefetch = 0 : i64, scratch_operands = 0 : i64, tpu.core_type = #tpu.core_type<tc>, window_params = [{transform_indices = @transform_0, window_bounds = array<i64: 1000, 256>}, {pipeline_mode = #tpu.pipeline_mode<synchronous>, transform_indices = @transform_1, window_bounds = array<i64: 256, 256>}, {transform_indices = @transform_2, window_bounds = array<i64: 1000, 128>}, {transform_indices = @transform_3, window_bounds = array<i64: 1000, 128>}]} {
    %get3A = arith.constant 0 : index
    %get3A_0 = arith.constant 0 : index
    %get3A_1 = vector.load %arg1[%get3A, %get3A_0] : memref<1000x256xf32, #tpu.memory_space<vmem>>, vector<1000x256xf32>
    %get3A_2 = arith.constant 0 : index
    %get3A_3 = arith.constant 0 : index
    %get3A_4 = vector.load %arg2[%get3A_2, %get3A_3] : memref<256x256xf32, #tpu.memory_space<vmem>>, vector<256x256xf32>
    %dot_general3A = arith.constant dense<0.000000e+00> : vector<1000x256xf32>
    %dot_general3A_5 = tpu.matmul %get3A_1, %get3A_4, %dot_general3A {dimension_numbers = #tpu.dot_dimension_numbers<[1], [0], [0], [1], [0, 0, 1, 1], [], []>, transpose_lhs_hint = false} : vector<1000x256xf32>, vector<256x256xf32>, vector<1000x256xf32> -> vector<1000x256xf32>
    %slice3A = vector.extract_strided_slice %dot_general3A_5 {offsets = [0, 0], sizes = [1000, 128], strides = [1, 1]} : vector<1000x256xf32> to vector<1000x128xf32>
    %swap3A = arith.constant 0 : index
    %swap3A_6 = arith.constant 0 : index
    %swap3A_7 = vector.load %arg3[%swap3A, %swap3A_6] : memref<1000x128xf32, #tpu.memory_space<vmem>>, vector<1000x128xf32>
    tpu.vector_store %arg3[%swap3A, %swap3A_6], %slice3A {strides = array<i32>} : memref<1000x128xf32, #tpu.memory_space<vmem>>, vector<1000x128xf32>,
    %slice3A_8 = vector.extract_strided_slice %dot_general3A_5 {offsets = [0, 128], sizes = [1000, 128], strides = [1, 1]} : vector<1000x256xf32> to vector<1000x128xf32>
    %swap3A_9 = arith.constant 0 : index
    %swap3A_10 = arith.constant 0 : index
    %swap3A_11 = vector.load %arg4[%swap3A_9, %swap3A_10] : memref<1000x128xf32, #tpu.memory_space<vmem>>, vector<1000x128xf32>
    tpu.vector_store %arg4[%swap3A_9, %swap3A_10], %slice3A_8 {strides = array<i32>} : memref<1000x128xf32, #tpu.memory_space<vmem>>, vector<1000x128xf32>,
    return
  }
  func.func @transform_0(%arg0: i32) -> (i32, i32) {
    %c0_i32 = arith.constant 0 : i32
    %c0_i32_0 = arith.constant 0 : i32
    return %arg0, %c0_i32 : i32, i32
  }
  func.func @transform_1(%arg0: i32) -> (i32, i32) {
    %c0_i32 = arith.constant 0 : i32
    %c0_i32_0 = arith.constant 0 : i32
    %c0_i32_1 = arith.constant 0 : i32
    return %c0_i32, %c0_i32_0 : i32, i32
  }
  func.func @transform_2(%arg0: i32) -> (i32, i32) {
    %c0_i32 = arith.constant 0 : i32
    %c0_i32_0 = arith.constant 0 : i32
    return %arg0, %c0_i32 : i32, i32
  }
  func.func @transform_3(%arg0: i32) -> (i32, i32) {
    %c0_i32 = arith.constant 0 : i32
    %c0_i32_0 = arith.constant 0 : i32
    return %arg0, %c0_i32 : i32, i32
  }
}

module attributes {stable_mosaic.version = 14 : i64} {
  func.func @body(%arg0: i32, %arg1: memref<1000x128xf32, #tpu.memory_space<vmem>>, %arg2: memref<1000x128xf32, #tpu.memory_space<vmem>>, %arg3: memref<256x256xf32, #tpu.memory_space<vmem>>, %arg4: memref<1000x128xf32, #tpu.memory_space<vmem>>, %arg5: memref<1000x128xf32, #tpu.memory_space<vmem>>) attributes {dimension_semantics = [#tpu.dimension_semantics<arbitrary>], iteration_bounds = array<i64: 10>, scalar_prefetch = 0 : i64, scratch_operands = 0 : i64, tpu.core_type = #tpu.core_type<tc>, window_params = [{transform_indices = @transform_0, window_bounds = array<i64: 1000, 128>}, {transform_indices = @transform_1, window_bounds = array<i64: 1000, 128>}, {pipeline_mode = #tpu.pipeline_mode<synchronous>, transform_indices = @transform_2, window_bounds = array<i64: 256, 256>}, {transform_indices = @transform_3, window_bounds = array<i64: 1000, 128>}, {transform_indices = @transform_4, window_bounds = array<i64: 1000, 128>}]} {
    %get3A = arith.constant 0 : index
    %get3A_0 = arith.constant 0 : index
    %get3A_1 = vector.load %arg1[%get3A, %get3A_0] : memref<1000x128xf32, #tpu.memory_space<vmem>>, vector<1000x128xf32>
    %get3A_2 = arith.constant 0 : index
    %get3A_3 = arith.constant 0 : index
    %get3A_4 = vector.load %arg3[%get3A_2, %get3A_3] : memref<256x256xf32, #tpu.memory_space<vmem>>, vector<128x256xf32>
    %dot_general3A = arith.constant dense<0.000000e+00> : vector<1000x256xf32>
    %dot_general3A_5 = tpu.matmul %get3A_1, %get3A_4, %dot_general3A {dimension_numbers = #tpu.dot_dimension_numbers<[1], [0], [0], [1], [0, 0, 1, 1], [], []>, transpose_lhs_hint = false} : vector<1000x128xf32>, vector<128x256xf32>, vector<1000x256xf32> -> vector<1000x256xf32>
    %get3A_6 = arith.constant 0 : index
    %get3A_7 = arith.constant 0 : index
    %get3A_8 = vector.load %arg2[%get3A_6, %get3A_7] : memref<1000x128xf32, #tpu.memory_space<vmem>>, vector<1000x128xf32>
    %get3A_9 = arith.constant 128 : index
    %get3A_10 = arith.constant 0 : index
    %get3A_11 = vector.load %arg3[%get3A_9, %get3A_10] : memref<256x256xf32, #tpu.memory_space<vmem>>, vector<128x256xf32>
    %dot_general3A_12 = arith.constant dense<0.000000e+00> : vector<1000x256xf32>
    %dot_general3A_13 = tpu.matmul %get3A_8, %get3A_11, %dot_general3A_12 {dimension_numbers = #tpu.dot_dimension_numbers<[1], [0], [0], [1], [0, 0, 1, 1], [], []>, transpose_lhs_hint = false} : vector<1000x128xf32>, vector<128x256xf32>, vector<1000x256xf32> -> vector<1000x256xf32>
    %add3A = arith.addf %dot_general3A_5, %dot_general3A_13 : vector<1000x256xf32>
    %slice3A = vector.extract_strided_slice %add3A {offsets = [0, 0], sizes = [1000, 128], strides = [1, 1]} : vector<1000x256xf32> to vector<1000x128xf32>
    %swap3A = arith.constant 0 : index
    %swap3A_14 = arith.constant 0 : index
    %swap3A_15 = vector.load %arg4[%swap3A, %swap3A_14] : memref<1000x128xf32, #tpu.memory_space<vmem>>, vector<1000x128xf32>
    tpu.vector_store %arg4[%swap3A, %swap3A_14], %slice3A {strides = array<i32>} : memref<1000x128xf32, #tpu.memory_space<vmem>>, vector<1000x128xf32>,
    %slice3A_16 = vector.extract_strided_slice %add3A {offsets = [0, 128], sizes = [1000, 128], strides = [1, 1]} : vector<1000x256xf32> to vector<1000x128xf32>
    %swap3A_17 = arith.constant 0 : index
    %swap3A_18 = arith.constant 0 : index
    %swap3A_19 = vector.load %arg5[%swap3A_17, %swap3A_18] : memref<1000x128xf32, #tpu.memory_space<vmem>>, vector<1000x128xf32>
    tpu.vector_store %arg5[%swap3A_17, %swap3A_18], %slice3A_16 {strides = array<i32>} : memref<1000x128xf32, #tpu.memory_space<vmem>>, vector<1000x128xf32>,
    return
  }
  func.func @transform_0(%arg0: i32) -> (i32, i32) {
    %c0_i32 = arith.constant 0 : i32
    %c0_i32_0 = arith.constant 0 : i32
    return %arg0, %c0_i32 : i32, i32
  }
  func.func @transform_1(%arg0: i32) -> (i32, i32) {
    %c0_i32 = arith.constant 0 : i32
    %c0_i32_0 = arith.constant 0 : i32
    return %arg0, %c0_i32 : i32, i32
  }
  func.func @transform_2(%arg0: i32) -> (i32, i32) {
    %c0_i32 = arith.constant 0 : i32
    %c0_i32_0 = arith.constant 0 : i32
    %c0_i32_1 = arith.constant 0 : i32
    return %c0_i32, %c0_i32_0 : i32, i32
  }
  func.func @transform_3(%arg0: i32) -> (i32, i32) {
    %c0_i32 = arith.constant 0 : i32
    %c0_i32_0 = arith.constant 0 : i32
    return %arg0, %c0_i32 : i32, i32
  }
  func.func @transform_4(%arg0: i32) -> (i32, i32) {
    %c0_i32 = arith.constant 0 : i32
    %c0_i32_0 = arith.constant 0 : i32
    return %arg0, %c0_i32 : i32, i32
  }
}

module attributes {stable_mosaic.version = 14 : i64} {
  func.func @body(%arg0: i32, %arg1: memref<1000x128xf32, #tpu.memory_space<vmem>>, %arg2: memref<1000x128xf32, #tpu.memory_space<vmem>>, %arg3: memref<256x128xf32, #tpu.memory_space<vmem>>, %arg4: memref<1000x128xf32, #tpu.memory_space<vmem>>) attributes {dimension_semantics = [#tpu.dimension_semantics<arbitrary>], iteration_bounds = array<i64: 10>, scalar_prefetch = 0 : i64, scratch_operands = 0 : i64, tpu.core_type = #tpu.core_type<tc>, window_params = [{transform_indices = @transform_0, window_bounds = array<i64: 1000, 128>}, {transform_indices = @transform_1, window_bounds = array<i64: 1000, 128>}, {pipeline_mode = #tpu.pipeline_mode<synchronous>, transform_indices = @transform_2, window_bounds = array<i64: 256, 128>}, {transform_indices = @transform_3, window_bounds = array<i64: 1000, 128>}]} {
    %get3A = arith.constant 0 : index
    %get3A_0 = arith.constant 0 : index
    %get3A_1 = vector.load %arg1[%get3A, %get3A_0] : memref<1000x128xf32, #tpu.memory_space<vmem>>, vector<1000x128xf32>
    %get3A_2 = arith.constant 0 : index
    %get3A_3 = arith.constant 0 : index
    %get3A_4 = vector.load %arg3[%get3A_2, %get3A_3] : memref<256x128xf32, #tpu.memory_space<vmem>>, vector<128x128xf32>
    %dot_general3A = arith.constant dense<0.000000e+00> : vector<1000x128xf32>
    %dot_general3A_5 = tpu.matmul %get3A_1, %get3A_4, %dot_general3A {dimension_numbers = #tpu.dot_dimension_numbers<[1], [0], [0], [1], [0, 0, 1, 1], [], []>, transpose_lhs_hint = false} : vector<1000x128xf32>, vector<128x128xf32>, vector<1000x128xf32> -> vector<1000x128xf32>
    %get3A_6 = arith.constant 0 : index
    %get3A_7 = arith.constant 0 : index
    %get3A_8 = vector.load %arg2[%get3A_6, %get3A_7] : memref<1000x128xf32, #tpu.memory_space<vmem>>, vector<1000x128xf32>
    %get3A_9 = arith.constant 128 : index
    %get3A_10 = arith.constant 0 : index
    %get3A_11 = vector.load %arg3[%get3A_9, %get3A_10] : memref<256x128xf32, #tpu.memory_space<vmem>>, vector<128x128xf32>
    %dot_general3A_12 = arith.constant dense<0.000000e+00> : vector<1000x128xf32>
    %dot_general3A_13 = tpu.matmul %get3A_8, %get3A_11, %dot_general3A_12 {dimension_numbers = #tpu.dot_dimension_numbers<[1], [0], [0], [1], [0, 0, 1, 1], [], []>, transpose_lhs_hint = false} : vector<1000x128xf32>, vector<128x128xf32>, vector<1000x128xf32> -> vector<1000x128xf32>
    %add3A = arith.addf %dot_general3A_5, %dot_general3A_13 : vector<1000x128xf32>
    %swap3A = arith.constant 0 : index
    %swap3A_14 = arith.constant 0 : index
    %swap3A_15 = vector.load %arg4[%swap3A, %swap3A_14] : memref<1000x128xf32, #tpu.memory_space<vmem>>, vector<1000x128xf32>
    tpu.vector_store %arg4[%swap3A, %swap3A_14], %add3A {strides = array<i32>} : memref<1000x128xf32, #tpu.memory_space<vmem>>, vector<1000x128xf32>,
    return
  }
  func.func @transform_0(%arg0: i32) -> (i32, i32) {
    %c0_i32 = arith.constant 0 : i32
    %c0_i32_0 = arith.constant 0 : i32
    return %arg0, %c0_i32 : i32, i32
  }
  func.func @transform_1(%arg0: i32) -> (i32, i32) {
    %c0_i32 = arith.constant 0 : i32
    %c0_i32_0 = arith.constant 0 : i32
    return %arg0, %c0_i32 : i32, i32
  }
  func.func @transform_2(%arg0: i32) -> (i32, i32) {
    %c0_i32 = arith.constant 0 : i32
    %c0_i32_0 = arith.constant 0 : i32
    %c0_i32_1 = arith.constant 0 : i32
    return %c0_i32, %c0_i32_0 : i32, i32
  }
  func.func @transform_3(%arg0: i32) -> (i32, i32) {
    %c0_i32 = arith.constant 0 : i32
    %c0_i32_0 = arith.constant 0 : i32
    return %arg0, %c0_i32 : i32, i32
  }
}

module attributes {stable_mosaic.version = 14 : i64} {
  func.func @body(%arg0: memref<2x10240x128xf32, #tpu.memory_space<vmem>>, %arg1: memref<10000x128xf32, #tpu.memory_space<vmem>>, %arg2: memref<1x128xf32, #tpu.memory_space<vmem>>, %arg3: memref<10000x128xf32, #tpu.memory_space<vmem>>) attributes {dimension_semantics = [], scalar_prefetch = 0 : i64, scratch_operands = 0 : i64, tpu.core_type = #tpu.core_type<tc>} {
    %get3A = arith.constant 0 : index
    %get3A_0 = arith.constant 0 : index
    %get3A_1 = arith.constant 0 : index
    %get3A_2 = vector.load %arg0[%get3A, %get3A_0, %get3A_1] : memref<2x10240x128xf32, #tpu.memory_space<vmem>>, vector<1x10000x128xf32>
    %get3A_3 = vector.shape_cast %get3A_2 : vector<1x10000x128xf32> to vector<10000x128xf32>
    %get3A_4 = arith.constant 1 : index
    %get3A_5 = arith.constant 0 : index
    %get3A_6 = arith.constant 0 : index
    %get3A_7 = vector.load %arg0[%get3A_4, %get3A_5, %get3A_6] : memref<2x10240x128xf32, #tpu.memory_space<vmem>>, vector<1x10000x128xf32>
    %get3A_8 = vector.shape_cast %get3A_7 : vector<1x10000x128xf32> to vector<10000x128xf32>
    %add3A = arith.addf %get3A_3, %get3A_8 : vector<10000x128xf32>
    %get3A_9 = arith.constant 0 : index
    %get3A_10 = arith.constant 0 : index
    %get3A_11 = vector.load %arg1[%get3A_9, %get3A_10] : memref<10000x128xf32, #tpu.memory_space<vmem>>, vector<10000x128xf32>
    %add3A_12 = arith.addf %add3A, %get3A_11 : vector<10000x128xf32>
    %get3A_13 = arith.constant 0 : index
    %get3A_14 = arith.constant 0 : index
    %get3A_15 = vector.load %arg2[%get3A_13, %get3A_14] : memref<1x128xf32, #tpu.memory_space<vmem>>, vector<1x128xf32>
    %add3A_16 = vector.broadcast %get3A_15 : vector<1x128xf32> to vector<10000x128xf32>
    %add3A_17 = arith.addf %add3A_12, %add3A_16 : vector<10000x128xf32>
    %swap3A = arith.constant 0 : index
    %swap3A_18 = arith.constant 0 : index
    %swap3A_19 = vector.load %arg3[%swap3A, %swap3A_18] : memref<10000x128xf32, #tpu.memory_space<vmem>>, vector<10000x128xf32>
    tpu.vector_store %arg3[%swap3A, %swap3A_18], %add3A_17 {strides = array<i32>} : memref<10000x128xf32, #tpu.memory_space<vmem>>, vector<10000x128xf32>,
    return
  }
}

</mosaic_0001>

<sc_bundles>
// kernel: kernel.11.cloned.1.call-start
scs
__scs_entry_jumppad:
0x0: {  	(pc) =	sbr.rel $0x88, $3  }
0x1: {  	(tag) =	ssettag $0x0;
	lr =	simm.s32 $0x1  }
0x2: {  	[smem:$0x3F95] =	sst lr;
	_ =	strace $0xD0000000  }
0x3: {  	_ = 	snop  }
0x4: {  	_ = 	snop  }
0x5: {  	_ = 	snop  }
0x6: {  	_ = 	snop  }
0x7: {  	_ = 	snop  }
__scs_overlays_trampoline_lowered:
0x8: {  	[smem:$0x3FA4] =	sst s0  }
0x9: {  	[smem:$0x3FA5] =	sst s1  }
0xa: {  	[smem:$0x3FA6] =	sst s2  }
0xb: {  	[smem:$0x3FA7] =	sst s3  }
0xc: {  	[smem:$0x3FA8] =	sst s4  }
0xd: {  	[smem:$0x3FA9] =	sst s5  }
0xe: {  	[smem:$0x3FAA] =	sst s6  }
0xf: {  	[smem:$0x3FAB] =	sst s7  }
0x10: {  	[smem:$0x3FAC] =	sst s8  }
0x11: {  	[smem:$0x3FAD] =	sst s9;
	s0 =	simm.s32 @!p0 $0x0  }
0x12: {  	s1 =	sld [smem:$0x3F93];
	s0 =	simm.s32 @p0 $0x1  }
0x13: {  	[smem:$0x3FAE] =	sst s0;
	s0 =	simm.s32 @!p1 $0x0  }
0x14: {  	s2 =	sld [smem:$0x3F92];
	s0 =	simm.s32 @p1 $0x1  }
0x15: {  	[smem:$0x3FAF] =	sst s0;
	s0 =	simm.s32 @!p2 $0x0  }
0x16: {  	s3 =	sld [smem:$0x3FDB];
	s0 =	simm.s32 @p2 $0x1  }
0x17: {  	s4 =	simm.s32 $0x1BF5;
	[smem:$0x3FB1] =	sst s0  }
0x18: {  	s0 =	sld [smem:$0x3F94];
	_ =	swait.ge [sflag:s4], $0x0  }
0x19: {  	s7 =	sld [smem:$0x3F95]  }
0x1a: {  	s8 =	sadd.s32 $0xFFFFE003, lr  }
0x1b: {  	s9 =	sadd.s32 $0xFFFFFEF7, lr;
	s5 =	simm.s32 $0xFFFFFFFF;
	p2 =	slt.u32 s8, $0xFFFFF086  }
0x1c: {  	p1 =	slt.u32 s9, $0xF7A;
	s5 =	simm.s32 @!p2 $0x0  }
0x1d: {  	s5 =	simm.s32 @p1 $0x1;
	p0 =	seq.s32 s7, s2  }
0x1e: {  	s7 =	smul.u32 @!p0 $0xF7A, s2;
	p2 =	seq.s32 @!p0 s5, $0x0  }
0x1f: {  	s9 =	smul.u32 $0xF7A, s1;
	s8 =	simm.s32 @!p0 $0x1BF5;
	p2 =	por !p2, p0  }
0x20: {  	[sflag:s8] =	ssyncset.s32 @!p0 $0xFFFFF086;
	s6 =	sadd.s32 @!p0 s3, s7;
	s7 =	simm.s32 @!p0 $0x108  }
0x21: {  	s3 =	sadd.s32 s3, s9;
	s6 =	sadd.s32 @!p0 $0x88, s6;
	s7 =	simm.s32 @p2 $0x1082  }
0x22: {  	[simem:s7], [sflag:s8] =	dma.local @!p0 [hbm:s6], $0xF7A  }
0x23: {  	s9 =	sor.u32 $0xD0000000, s2;
	s6 =	simm.s32 $0x108;
	_ =	swait.ge @!p0 [sflag:s8], $0x0  }
0x24: {  	s3 =	sadd.s32 $0x88, s3;
	s6 =	simm.s32 @!p1 $0x1082;
	[sflag:s4] =	ssyncset.s32 $0xFFFFF086  }
0x25: {  	[simem:s6], [sflag:s4] =	dma.local [hbm:s3], $0xF7A  }
0x26: {  	[smem:$0x3F95] =	sst s1;
	(tag) =	ssettag s2;
	_ =	strace s9  }
0x27: {  	s1 =	sld [smem:$0x3FA5]  }
0x28: {  	s2 =	sld [smem:$0x3FA6]  }
0x29: {  	s4 =	sld [smem:$0x3FA8]  }
0x2a: {  	p0 =	seq.s32 s5, $0x0;
	s5 =	sld [smem:$0x3FA9]  }
0x2b: {  	s6 =	sld [smem:$0x3FAA]  }
0x2c: {  	s7 =	sld [smem:$0x3FAB]  }
0x2d: {  	s3 =	simm.s32 $0x108;
	s8 =	sld [smem:$0x3FAC]  }
0x2e: {  	s3 =	simm.s32 @!p0 $0x1082;
	s9 =	sld [smem:$0x3FAD]  }
0x2f: {  	lr =	sadd.s32 s0, s3;
	s0 =	sld [smem:$0x3FA4]  }
0x30: {  	s3 =	sld [smem:$0x3FA7]  }
0x31: {  	[smem:$0x3FB0] =	sst s10  }
0x32: {  	s10 =	sld [smem:$0x3FAE];
	_ =	sdelay $0x3  }
0x33: {  	p0 =	seq.s32 s10, $0x1;
	s10 =	sld [smem:$0x3FB0];
	_ =	sdelay $0x3  }
0x34: {  	[smem:$0x3FB0] =	sst s10  }
0x35: {  	s10 =	sld [smem:$0x3FAF];
	_ =	sdelay $0x3  }
0x36: {  	p1 =	seq.s32 s10, $0x1;
	s10 =	sld [smem:$0x3FB0];
	_ =	sdelay $0x3  }
0x37: {  	[smem:$0x3FB0] =	sst s10  }
0x38: {  	s10 =	sld [smem:$0x3FB1]  }
0x39: {  	_ = 	snop;
	(pc) =	sbr.ind lr, $3  }
0x3a: {  	_ = 	snop  }
0x3b: {  	_ = 	snop  }
0x3c: {  	p2 =	seq.s32 s10, $0x1;
	s10 =	sld [smem:$0x3FB0]  }
0x3d: {  	_ =	shalt  }
0x3e: {  	_ =	shalt  }
0x3f: {  	_ =	shalt  }
0x40: {  	_ =	shalt  }
0x41: {  	_ =	shalt  }
0x42: {  	_ =	shalt  }
0x43: {  	_ =	shalt  }
0x44: {  	_ =	shalt  }
0x45: {  	_ =	shalt  }
0x46: {  	_ =	shalt  }
0x47: {  	_ =	shalt  }
0x48: {  	_ =	shalt  }
0x49: {  	_ =	shalt  }
0x4a: {  	_ =	shalt  }
0x4b: {  	_ =	shalt  }
0x4c: {  	_ =	shalt  }
0x4d: {  	_ =	shalt  }
0x4e: {  	_ =	shalt  }
0x4f: {  	_ =	shalt  }
0x50: {  	_ =	shalt  }
0x51: {  	_ =	shalt  }
0x52: {  	_ =	shalt  }
0x53: {  	_ =	shalt  }
0x54: {  	_ =	shalt  }
0x55: {  	_ =	shalt  }
0x56: {  	_ =	shalt  }
0x57: {  	_ =	shalt  }
0x58: {  	_ =	shalt  }
0x59: {  	_ =	shalt  }
0x5a: {  	_ =	shalt  }
0x5b: {  	_ =	shalt  }
0x5c: {  	_ =	shalt  }
0x5d: {  	_ =	shalt  }
0x5e: {  	_ =	shalt  }
0x5f: {  	_ =	shalt  }
0x60: {  	_ =	shalt  }
0x61: {  	_ =	shalt  }
0x62: {  	_ =	shalt  }
0x63: {  	_ =	shalt  }
0x64: {  	_ =	shalt  }
0x65: {  	_ =	shalt  }
0x66: {  	_ =	shalt  }
0x67: {  	_ =	shalt  }
0x68: {  	_ =	shalt  }
0x69: {  	_ =	shalt  }
0x6a: {  	_ =	shalt  }
0x6b: {  	_ =	shalt  }
0x6c: {  	_ =	shalt  }
0x6d: {  	_ =	shalt  }
0x6e: {  	_ =	shalt  }
0x6f: {  	_ =	shalt  }
0x70: {  	_ =	shalt  }
0x71: {  	_ =	shalt  }
0x72: {  	_ =	shalt  }
0x73: {  	_ =	shalt  }
0x74: {  	_ =	shalt  }
0x75: {  	_ =	shalt  }
0x76: {  	_ =	shalt  }
0x77: {  	_ =	shalt  }
0x78: {  	_ =	shalt  }
0x79: {  	_ =	shalt  }
0x7a: {  	_ =	shalt  }
0x7b: {  	_ =	shalt  }
0x7c: {  	_ =	shalt  }
0x7d: {  	_ =	shalt  }
0x7e: {  	_ =	shalt  }
0x7f: {  	_ =	shalt  }
0x80: {  	_ =	shalt  }
0x81: {  	_ =	shalt  }
0x82: {  	_ =	shalt  }
0x83: {  	_ =	shalt  }
0x84: {  	_ =	shalt  }
0x85: {  	_ =	shalt  }
0x86: {  	_ =	shalt  }
0x87: {  	_ =	shalt  }
.Lfunc_end0:
.L_simem_size_0:
called_computation_lowered:
.L_overlay_start_0:
0x88: {  	s2 =	sld [smem:$0x3FD9]  }
0x89: {  	s3 =	sld [smem:$0x3FFE];
	_ =	sdelay $0x1  }
0x8a: {  	s1 =	srdreg.scid  }
0x8b: {  	s0 =	sand.u32 $0x1, s1  }
0x8c: {  	s17 =	sshll.u32 s0, $0xA;
	s2 =	sadd.s32 s3, s2  }
0x8d: {  	s2 =	sadd.s32 s2, s17  }
0x8e: {  	[smem:$0x3FBC] =	sst s2  }
0x8f: {  	_ = 	snop  }
0x90: {  	s2 =	sld [smem:$0x3FD0];
	(tm) =	ssettm $0x1  }
0x91: {  	s18 =	sld [smem:$0x3FFB];
	_ =	sdelay $0x3  }
0x92: {  	_ =	strace s18  }
0x93: {  	s3 =	sld [smem:$0x3FFC];
	_ =	sdelay $0x3  }
0x94: {  	_ =	strace s3  }
0x95: {  	s3 =	sld [smem:$0x3FFD];
	_ =	sdelay $0x3  }
0x96: {  	_ =	strace s3  }
0x97: {  	_ =	strace $0x8FFFFFFF  }
0x98: {  	s19 =	sld [smem:$0x3FDB];
	_ =	sdelay $0x1  }
0x99: {  	s4 =	simm.s32 $_scs_section_size  }
0x9a: {  	s5 =	simm.s32 $_size__tile_overlayer_lowered;
	s6 =	simm.s32 $_tile_overlayer_lowered  }
0x9b: {  	s22 =	simm.s32 $0x1BFF;
	s21 =	sshll.u32 s6, $0x1;
	s3 =	sadd.s32 s4, s19  }
0x9c: {  	s7 =	simm.s32 $0x0;
	s20 =	sshll.u32 s5, $0x1;
	s5 =	sadd.s32 s21, s3  }
0x9d: {  	[timem:s7], [sflag:s22] =	dma.local [hbm:s5], s20  }
0x9e: {  	_ =	swait.ge [sflag:s22], s20  }
0x9f: {  	s4 =	ssub.s32 $0x0, s20;
	[sflag:s22] =	ssyncset.done $0x0  }
0xa0: {  	[sflag:s22] =	ssyncadd.s32 s4;
	_ =	sdelay $0x1  }
0xa1: {  	s23 =	simm.s32 $0x1B8B  }
0xa2: {  	_ =	swait.ge [sflag:s23], $0x1  }
0xa3: {  	[sflag:s23] =	ssyncset.done $0x0  }
0xa4: {  	s25 =	simm.s32 $0x1B8E;
	s24 =	sld [smem:$0x3FFE];
	[sflag:s23] =	ssyncadd.s32 $0xFFFFFFFF  }
0xa5: {  	s26 =	simm.s32 $execute0_lowered;
	[smem:$0x3FD2] =	sst s25  }
0xa6: {  	s5 =	sshll.u32 s26, $0x1;
	_ =	strace $0x80000046;
	[dreg:$0x1] =	wrdreg $0xFFFFFFFF  }
0xa7: {  	s28 =	simm.s32 $_size_execute0_lowered;
	s3 =	sadd.s32 s3, s5;
	[dreg:$0x0] =	wrdreg $0x0  }
0xa8: {  	s5 =	sshll.u32 s28, $0x1;
	[dreg:$0x2] =	wrdreg s3  }
0xa9: {  	[dreg:$0x3] =	wrdreg s5  }
0xaa: {  	[dreg:$0x4] =	wrdreg $0xC0  }
0xab: {  	_ =	task [dreg:s7], $0x5FFFF  }
0xac: {  	[dreg:$0x1] =	wrdreg $0xFFFFFFFF  }
0xad: {  	[dreg:$0x0] =	wrdreg $0x60  }
0xae: {  	[dreg:$0x2] =	wrdreg s2  }
0xaf: {  	[dreg:$0x3] =	wrdreg s24  }
0xb0: {  	[dreg:$0x4] =	wrdreg $0xB8000  }
0xb1: {  	[dreg:$0x5] =	wrdreg $0x9  }
0xb2: {  	_ =	task.clear_ibuf [dreg:s7], $0x6FFFF;
	_ =	strace $0x90000046  }
0xb3: {  	s29 =	simm.s32 $0x9;
	_ =	strace $0x80000048  }
0xb4: {  	_ =	swait.ge [sflag:s29], $0x1  }
0xb5: {  	[sflag:s29] =	ssyncadd.s32 $0xFFFFFFFF  }
0xb6: {  	_ =	strace $0x90000048  }
0xb7: {  	_ =	sfence  }
0xb8: {  	s30 =	sld [smem:$0x0];
	_ =	sdelay $0x2  }
0xb9: {  	s31 =	sshll.u32 s1, $0xD;
	s1 =	sshrl.u32 s1, $0x2  }
0xba: {  	s3 =	sand.u32 $0x4000, s31;
	s1 =	sadd.s32 s1, s30  }
0xbb: {  	s0 =	sor.u32 s3, s0;
	s1 =	sshll.u32 s1, $0x11  }
0xbc: {  	s0 =	sor.u32 s1, s0  }
0xbd: {  	s0 =	sadd.s32 $0x8F2B, s0  }
0xbe: {  	[sflag:s0] =	ssyncadd.remote.s32 $0x1  }
0xbf: {  	_ =	sfence.sel $0xFFFF  }
0xc0: {  	[dreg:$0x0] =	wrdreg $0xFFFFFFFF;
	(pc) =	sbr.abs _section_cstart, $3  }
0xc1: {  	[dreg:$0x1] =	wrdreg $0xFFFFFFFF  }
0xc2: {  	_ =	task.clear_ibuf [dreg:s7], $0x2FFFF;
	_ =	strace $0x9FFFFFFF  }
0xc3: {  	(tm) =	ssettm $0x7FFFFFFF  }
tec
execute0_lowered:
.L_overlay_start_1:
0x0: {  	(tag) =	ssettag $0x1  }
0x1: {  	s1 =	rddreg [dreg:$0x0]  }
0x2: {  	s0 =	rddreg [dreg:$0x1]  }
0x3: {  	s2 =	rddreg [dreg:$0x2]  }
0x4: {  	s3 =	srdreg.scid;
	s14 =	simm.s32 $0x0;
	s8 =	stileid.u32  }
0x5: {  	s9 =	simm.s32 $0x4;
	s10 =	simm.s32 $0x0;
	s7 =	smul.u32 $0x14000, s8  }
0x6: {  	s3 =	sand.u32 $0x1, s3;
	[smem:$0x7FF] =	sst s14;
	s13 =	smul.u32 $0x50000, s8  }
0x7: {  	s5 =	sadd.s32 $0xE000, s0;
	s4 =	sshll.u32 s3, $0x4;
	s6 =	smul.u32 $0x140000, s3  }
0x8: {  	_ =	strace $0x80000047;
	s3 =	ssub.s32 $0x2, s3;
	s4 =	sor.u32 s8, s4  }
0x9: {  	s15 =	sshrl.u32 s3, $0x1;
	s16 =	sshrl.u32 s13, $0x2;
	s4 =	smul.u32 $0x280, s4  }
0xa: {  	s6 =	sadd.s32 s7, s6;
	s3 =	ssub.s32 s3, s15;
	s8 =	sadd.s32 s16, s2  }
0xb: {  	s7 =	simm.s32 $0x7D;
	s6 =	sshrl.u32 s6, $0x3;
	s15 =	sadd.s32 $0x1000, s8  }
0xc: {  	s18 =	sadd.s32 $0x2000, s8;
	s19 =	sadd.s32 $0x3000, s8;
	s20 =	sadd.s32 $0x4000, s8  }
0xd: {  	s21 =	sadd.s32 $0x5000, s8;
	s22 =	sadd.s32 $0x6000, s8;
	[dreg:$0x6] =	wrdreg s18  }
0xe: {  	s23 =	sadd.s32 $0x7000, s8;
	s24 =	sadd.s32 $0x8000, s8;
	[dreg:$0x7] =	wrdreg s19  }
0xf: {  	s26 =	smax.u32 s3, $0x1;
	s28 =	sadd.s32 $0x10000, s8;
	[dreg:$0x8] =	wrdreg s20  }
0x10: {  	s29 =	sadd.s32 $0x11000, s8;
	s30 =	sadd.s32 $0x12000, s8;
	[dreg:$0x9] =	wrdreg s21  }
0x11: {  	s31 =	sadd.s32 $0x13000, s8;
	s3 =	simm.s32 $0x2;
	[dreg:$0xa] =	wrdreg s22  }
0x12: {  	s4 =	sadd.s32 s4, s0;
	s0 =	sadd.s32 s6, s0;
	[dreg:$0xb] =	wrdreg s23  }
0x13: {  	[dreg:$0xc] =	wrdreg s24;
	s18 =	sadd.s32 $0xA000, s8;
	s19 =	sadd.s32 $0xB000, s8  }
0x14: {  	s20 =	sadd.s32 $0xC000, s8;
	s21 =	sadd.s32 $0xD000, s8;
	s22 =	sadd.s32 $0xE000, s8  }
0x15: {  	[dreg:$0xf] =	wrdreg s26;
	s26 =	sadd.s32 $0xF000, s8;
	s17 =	sadd.s32 $0x9000, s4  }
.Ltmp0:
0x16: {  	s4 =	sadd.s32 $0x4000, s4;
	[dreg:$0x4] =	wrdreg s17;
	(pc) =	sbr.rel .LBB2_1-.Ltmp0, $4  }
0x17: {  	s6 =	simm.s32 $0xA800;
	s25 =	sadd.s32 $0x35200, s0;
	[dreg:$0x5] =	wrdreg s4  }
0x18: {  	s23 =	simm.s32 $0x2800;
	s0 =	sadd.s32 $0x85200, s0;
	[dreg:$0xd] =	wrdreg s25  }
0x19: {  	s24 =	simm.s32 $0x1;
	s17 =	sadd.s32 $0x9000, s8;
	[dreg:$0xe] =	wrdreg s0  }
0x1a: {  	v0 =	vimm.f32 $0.0e+00;
	s0 =	simm.s32 $0x5;
	s25 =	simm.s32 $0x6800;
	s4 =	simm.s32 $0x3  }
.LBB2_9:
0x1b: {  	_ =	swait.ge [sflag:s9], $0x3E80  }
0x1c: {  	[sflag:s9] =	ssyncset.done $0x0  }
0x1d: {  	[sflag:s9] =	ssyncadd.s32 $0xFFFFC180  }
0x1e: {  	[bflag:$0x0] =	sbarrier.arrive $0xFFFF  }
0x1f: {  	s13 =	rddreg [dreg:$0xe]  }
0x20: {  	[hbm:s13], [sflag:s11] =	dma.local [spmem:s12], $0x2800  }
0x21: {  	_ =	swait.ge [sflag:s0], $0x2800  }
0x22: {  	s10 =	sadd.s32 $0x1, s10;
	s15 =	rddreg [dreg:$0xf]  }
0x23: {  	p0 =	sne.s32 s10, s15  }
.Ltmp1:
0x24: {  	_ = 	snop;
	(pc) =	sbr.rel @!p0 .LBB2_10-.Ltmp1, $3  }
0x25: {  	_ =	sdelay $0x1  }
0x26: {  	[sflag:s0] =	ssyncset.done $0x0  }
0x27: {  	s14 =	simm.s32 $0x0;
	[sflag:s0] =	ssyncadd.s32 $0xFFFFD800;
	s15 =	smov.u32 s16  }
.LBB2_1:
0x28: {  	s11 =	rddreg [dreg:$0x4]  }
0x29: {  	[tilespmem:s14], [sflag:$0x5] =	stream.linear.gather [hbm4b:s11+s14], $0x1400, $0x38;
	[tilespmem:$0x1F800] =	vst v63  }
0x2a: {  	_ =	swait.ge [sflag:s0], $0x1400  }
0x2b: {  	[sflag:s0] =	ssyncset.done $0x0  }
0x2c: {  	s12 =	simm.s32 $0x1400;
	s16 =	rddreg [dreg:$0x5];
	[sflag:s0] =	ssyncadd.s32 $0xFFFFEC00  }
0x2d: {  	[tilespmem:s12], [sflag:$0x5] =	stream.linear.gather [hbm4b:s16+s14], $0x1400, $0x38;
	[tilespmem:$0x1F800] =	vst v63  }
0x2e: {  	_ =	swait.ge [sflag:s0], $0x1400  }
0x2f: {  	[sflag:s0] =	ssyncset.done $0x0  }
0x30: {  	s11 =	simm.s32 $0x0;
	s12 =	simm.s32 $0x200;
	[sflag:s0] =	ssyncadd.s32 $0xFFFFEC00  }
.LBB2_2:
0x31: {  	p0 =	sne.s32 s12, $0x3E00;
	[tilespmem:s11+$0xA870] =	vst v0  }
0x32: {  	[tilespmem:s11+$0xA800] =	vst v0  }
0x33: {  	[tilespmem:s11+$0xA810] =	vst v0  }
.Ltmp2:
0x34: {  	[tilespmem:s11+$0xA820] =	vst v0;
	(pc) =	sbr.rel @p0 .LBB2_2-.Ltmp2, $4  }
0x35: {  	[tilespmem:s11+$0xA830] =	vst v0  }
0x36: {  	[tilespmem:s11+$0xA840] =	vst v0  }
0x37: {  	[tilespmem:s11+$0xA850] =	vst v0  }
0x38: {  	[tilespmem:s11+$0xA860] =	vst v0;
	s11 =	sshra.s32 s12, $0x2;
	s12 =	sadd.s32 $0x200, s12  }
0x39: {  	[tilespmem:s11+$0xA870] =	vst v0  }
0x3a: {  	[tilespmem:s11+$0xA800] =	vst v0  }
0x3b: {  	[tilespmem:s11+$0xA810] =	vst v0  }
0x3c: {  	[tilespmem:s11+$0xA820] =	vst v0  }
0x3d: {  	[tilespmem:s11+$0xA830] =	vst v0  }
0x3e: {  	[tilespmem:s11+$0xA840] =	vst v0  }
0x3f: {  	[tilespmem:s11+$0xA850] =	vst v0  }
0x40: {  	[tilespmem:s11+$0xA860] =	vst v0  }
0x41: {  	[spmem:s8] =	stream.linear.scatter [tilespmem:s6], [sflag:$0x5], $0x1000, $0x38;
	[tilespmem:$0x1F800] =	vst v63  }
0x42: {  	_ =	swait.ge [sflag:s0], $0x1000  }
0x43: {  	[sflag:s0] =	ssyncset.done $0x0  }
0x44: {  	[sflag:s0] =	ssyncadd.s32 $0xFFFFF000  }
0x45: {  	[spmem:s15] =	stream.linear.scatter [tilespmem:s6], [sflag:$0x5], $0x1000, $0x38;
	[tilespmem:$0x1F800] =	vst v63  }
0x46: {  	_ =	swait.ge [sflag:s0], $0x1000  }
0x47: {  	[sflag:s0] =	ssyncset.done $0x0  }
0x48: {  	s13 =	rddreg [dreg:$0x6];
	[sflag:s0] =	ssyncadd.s32 $0xFFFFF000  }
0x49: {  	[spmem:s13] =	stream.linear.scatter [tilespmem:s6], [sflag:$0x5], $0x1000, $0x38;
	[tilespmem:$0x1F800] =	vst v63  }
0x4a: {  	_ =	swait.ge [sflag:s0], $0x1000  }
0x4b: {  	[sflag:s0] =	ssyncset.done $0x0  }
0x4c: {  	s16 =	rddreg [dreg:$0x7];
	[sflag:s0] =	ssyncadd.s32 $0xFFFFF000  }
0x4d: {  	[spmem:s16] =	stream.linear.scatter [tilespmem:s6], [sflag:$0x5], $0x1000, $0x38;
	[tilespmem:$0x1F800] =	vst v63  }
0x4e: {  	_ =	swait.ge [sflag:s0], $0x1000  }
0x4f: {  	[sflag:s0] =	ssyncset.done $0x0  }
0x50: {  	s12 =	rddreg [dreg:$0x8];
	[sflag:s0] =	ssyncadd.s32 $0xFFFFF000  }
0x51: {  	[spmem:s12] =	stream.linear.scatter [tilespmem:s6], [sflag:$0x5], $0x1000, $0x38;
	[tilespmem:$0x1F800] =	vst v63  }
0x52: {  	_ =	swait.ge [sflag:s0], $0x1000  }
0x53: {  	[sflag:s0] =	ssyncset.done $0x0  }
0x54: {  	s13 =	rddreg [dreg:$0x9];
	[sflag:s0] =	ssyncadd.s32 $0xFFFFF000  }
0x55: {  	[spmem:s13] =	stream.linear.scatter [tilespmem:s6], [sflag:$0x5], $0x1000, $0x38;
	[tilespmem:$0x1F800] =	vst v63  }
0x56: {  	_ =	swait.ge [sflag:s0], $0x1000  }
0x57: {  	[sflag:s0] =	ssyncset.done $0x0  }
0x58: {  	s16 =	rddreg [dreg:$0xa];
	[sflag:s0] =	ssyncadd.s32 $0xFFFFF000  }
0x59: {  	[spmem:s16] =	stream.linear.scatter [tilespmem:s6], [sflag:$0x5], $0x1000, $0x38;
	[tilespmem:$0x1F800] =	vst v63  }
0x5a: {  	_ =	swait.ge [sflag:s0], $0x1000  }
0x5b: {  	[sflag:s0] =	ssyncset.done $0x0  }
0x5c: {  	s12 =	rddreg [dreg:$0xb];
	[sflag:s0] =	ssyncadd.s32 $0xFFFFF000  }
0x5d: {  	[spmem:s12] =	stream.linear.scatter [tilespmem:s6], [sflag:$0x5], $0x1000, $0x38;
	[tilespmem:$0x1F800] =	vst v63  }
0x5e: {  	_ =	swait.ge [sflag:s0], $0x1000  }
0x5f: {  	[sflag:s0] =	ssyncset.done $0x0  }
0x60: {  	s13 =	rddreg [dreg:$0xc];
	[sflag:s0] =	ssyncadd.s32 $0xFFFFF000  }
0x61: {  	[spmem:s13] =	stream.linear.scatter [tilespmem:s6], [sflag:$0x5], $0x1000, $0x38;
	[tilespmem:$0x1F800] =	vst v63  }
0x62: {  	_ =	swait.ge [sflag:s0], $0x1000  }
0x63: {  	[sflag:s0] =	ssyncset.done $0x0  }
0x64: {  	[sflag:s0] =	ssyncadd.s32 $0xFFFFF000  }
0x65: {  	[spmem:s17] =	stream.linear.scatter [tilespmem:s6], [sflag:$0x5], $0x1000, $0x38;
	[tilespmem:$0x1F800] =	vst v63  }
0x66: {  	_ =	swait.ge [sflag:s0], $0x1000  }
0x67: {  	[sflag:s0] =	ssyncset.done $0x0  }
0x68: {  	[sflag:s0] =	ssyncadd.s32 $0xFFFFF000  }
0x69: {  	[spmem:s18] =	stream.linear.scatter [tilespmem:s6], [sflag:$0x5], $0x1000, $0x38;
	[tilespmem:$0x1F800] =	vst v63  }
0x6a: {  	_ =	swait.ge [sflag:s0], $0x1000  }
0x6b: {  	[sflag:s0] =	ssyncset.done $0x0  }
0x6c: {  	[sflag:s0] =	ssyncadd.s32 $0xFFFFF000  }
0x6d: {  	[spmem:s19] =	stream.linear.scatter [tilespmem:s6], [sflag:$0x5], $0x1000, $0x38;
	[tilespmem:$0x1F800] =	vst v63  }
0x6e: {  	_ =	swait.ge [sflag:s0], $0x1000  }
0x6f: {  	[sflag:s0] =	ssyncset.done $0x0  }
0x70: {  	[sflag:s0] =	ssyncadd.s32 $0xFFFFF000  }
0x71: {  	[spmem:s20] =	stream.linear.scatter [tilespmem:s6], [sflag:$0x5], $0x1000, $0x38;
	[tilespmem:$0x1F800] =	vst v63  }
0x72: {  	_ =	swait.ge [sflag:s0], $0x1000  }
0x73: {  	[sflag:s0] =	ssyncset.done $0x0  }
0x74: {  	[sflag:s0] =	ssyncadd.s32 $0xFFFFF000  }
0x75: {  	[spmem:s21] =	stream.linear.scatter [tilespmem:s6], [sflag:$0x5], $0x1000, $0x38;
	[tilespmem:$0x1F800] =	vst v63  }
0x76: {  	_ =	swait.ge [sflag:s0], $0x1000  }
0x77: {  	[sflag:s0] =	ssyncset.done $0x0  }
0x78: {  	[sflag:s0] =	ssyncadd.s32 $0xFFFFF000  }
0x79: {  	[spmem:s22] =	stream.linear.scatter [tilespmem:s6], [sflag:$0x5], $0x1000, $0x38;
	[tilespmem:$0x1F800] =	vst v63  }
0x7a: {  	_ =	swait.ge [sflag:s0], $0x1000  }
0x7b: {  	[sflag:s0] =	ssyncset.done $0x0  }
0x7c: {  	[sflag:s0] =	ssyncadd.s32 $0xFFFFF000  }
0x7d: {  	[spmem:s26] =	stream.linear.scatter [tilespmem:s6], [sflag:$0x5], $0x1000, $0x38;
	[tilespmem:$0x1F800] =	vst v63  }
0x7e: {  	_ =	swait.ge [sflag:s0], $0x1000  }
0x7f: {  	[sflag:s0] =	ssyncset.done $0x0  }
0x80: {  	[sflag:s0] =	ssyncadd.s32 $0xFFFFF000  }
0x81: {  	[spmem:s28] =	stream.linear.scatter [tilespmem:s6], [sflag:$0x5], $0x1000, $0x38;
	[tilespmem:$0x1F800] =	vst v63  }
0x82: {  	_ =	swait.ge [sflag:s0], $0x1000  }
0x83: {  	[sflag:s0] =	ssyncset.done $0x0  }
0x84: {  	[sflag:s0] =	ssyncadd.s32 $0xFFFFF000  }
0x85: {  	[spmem:s29] =	stream.linear.scatter [tilespmem:s6], [sflag:$0x5], $0x1000, $0x38;
	[tilespmem:$0x1F800] =	vst v63  }
0x86: {  	_ =	swait.ge [sflag:s0], $0x1000  }
0x87: {  	[sflag:s0] =	ssyncset.done $0x0  }
0x88: {  	[sflag:s0] =	ssyncadd.s32 $0xFFFFF000  }
0x89: {  	[spmem:s30] =	stream.linear.scatter [tilespmem:s6], [sflag:$0x5], $0x1000, $0x38;
	[tilespmem:$0x1F800] =	vst v63  }
0x8a: {  	_ =	swait.ge [sflag:s0], $0x1000  }
0x8b: {  	[sflag:s0] =	ssyncset.done $0x0  }
0x8c: {  	[sflag:s0] =	ssyncadd.s32 $0xFFFFF000  }
0x8d: {  	[spmem:s31] =	stream.linear.scatter [tilespmem:s6], [sflag:$0x5], $0x1000, $0x38;
	[tilespmem:$0x1F800] =	vst v63  }
0x8e: {  	_ =	swait.ge [sflag:s0], $0x1000  }
0x8f: {  	[sflag:s0] =	ssyncset.done $0x0  }
0x90: {  	[sflag:s0] =	ssyncadd.s32 $0xFFFFF000  }
0x91: {  	[bflag:$0x0] =	sbarrier.arrive $0xFFFF  }
0x92: {  	[tilespmem:s23], [sflag:$0x1] =	stream.indirect.gather [hbm4b:s1+s7], $0x80, s14, s7, $0xb8;
	[tilespmem:$0x1F800] =	vst v63  }
0x93: {  	s16 =	simm.s32 $0x80  }
0x94: {  	[tilespmem:s25], [sflag:$0x2] =	stream.indirect.gather [hbm4b:s1+s7], $0x80, s16, s7, $0xb8;
	[tilespmem:$0x1F800] =	vst v63  }
0x95: {  	_ =	swait.ge [sflag:s24], $0x3E80  }
0x96: {  	[sflag:s24] =	ssyncset.done $0x0  }
0x97: {  	s12 =	simm.s32 $0x1400;
	[sflag:s24] =	ssyncadd.s32 $0xFFFFC180  }
0x98: {  	[spmem:s2] =	stream.indirect.scatter.add.f32 [tilespmem:s23], [sflag:$0x3], $0x80, s12, s7, $0xb8;
	[tilespmem:$0x1F800] =	vst v63  }
0x99: {  	_ =	swait.ge [sflag:s3], $0x3E80  }
0x9a: {  	[sflag:s3] =	ssyncset.done $0x0  }
0x9b: {  	[sflag:s3] =	ssyncadd.s32 $0xFFFFC180  }
0x9c: {  	_ =	swait.ge [sflag:s4], $0x3E80  }
0x9d: {  	[sflag:s4] =	ssyncset.done $0x0  }
0x9e: {  	s13 =	simm.s32 $0x1480;
	[sflag:s4] =	ssyncadd.s32 $0xFFFFC180  }
0x9f: {  	[spmem:s2] =	stream.indirect.scatter.add.f32 [tilespmem:s25], [sflag:$0x4], $0x80, s13, s7, $0xb8;
	[tilespmem:$0x1F800] =	vst v63  }
0xa0: {  	s11 =	simm.s32 $0xFFFFB800;
	s16 =	simm.s32 $0x100  }
0xa1: {  	[tilespmem:s23], [sflag:$0x1] =	stream.indirect.gather [hbm4b:s1+s7], $0x80, s16, s7, $0xb8;
	[tilespmem:$0x1F800] =	vst v63  }
.LBB2_4:
0xa2: {  	_ =	swait.ge [sflag:s24], $0x3E80  }
0xa3: {  	[sflag:s24] =	ssyncset.done $0x0  }
0xa4: {  	[sflag:s24] =	ssyncadd.s32 $0xFFFFC180  }
0xa5: {  	_ =	swait.ge [sflag:s9], $0x3E80  }
0xa6: {  	s12 =	sshra.s32 s11, $0x2;
	[sflag:s9] =	ssyncset.done $0x0  }
0xa7: {  	s13 =	sadd.s32 $0x2700, s12;
	[sflag:s9] =	ssyncadd.s32 $0xFFFFC180  }
0xa8: {  	[spmem:s2] =	stream.indirect.scatter.add.f32 [tilespmem:s23], [sflag:$0x3], $0x80, s13, s7, $0xb8;
	[tilespmem:$0x1F800] =	vst v63  }
0xa9: {  	s16 =	sadd.s32 $0x1380, s12  }
0xaa: {  	[tilespmem:s25], [sflag:$0x2] =	stream.indirect.gather [hbm4b:s1+s7], $0x80, s16, s7, $0xb8;
	[tilespmem:$0x1F800] =	vst v63  }
0xab: {  	_ =	swait.ge [sflag:s3], $0x3E80  }
0xac: {  	p0 =	seq.s32 s11, $0x0;
	[sflag:s3] =	ssyncset.done $0x0  }
.Ltmp3:
0xad: {  	[sflag:s3] =	ssyncadd.s32 $0xFFFFC180;
	(pc) =	sbr.rel @p0 .LBB2_6-.Ltmp3, $4  }
0xae: {  	_ =	swait.ge [sflag:s4], $0x3E80  }
0xaf: {  	[sflag:s4] =	ssyncset.done $0x0  }
0xb0: {  	s16 =	sadd.s32 $0x2780, s12;
	[sflag:s4] =	ssyncadd.s32 $0xFFFFC180  }
0xb1: {  	[spmem:s2] =	stream.indirect.scatter.add.f32 [tilespmem:s25], [sflag:$0x4], $0x80, s16, s7, $0xb8;
	[tilespmem:$0x1F800] =	vst v63  }
.Ltmp4:
0xb2: {  	(pc) =	sbr.rel .LBB2_4-.Ltmp4, $3  }
0xb3: {  	_ =	sdelay $0x1  }
0xb4: {  	s12 =	sadd.s32 $0x1400, s12;
	s11 =	sadd.s32 $0x400, s11  }
0xb5: {  	[tilespmem:s23], [sflag:$0x1] =	stream.indirect.gather [hbm4b:s1+s7], $0x80, s12, s7, $0xb8;
	[tilespmem:$0x1F800] =	vst v63  }
.LBB2_6:
0xb6: {  	_ =	swait.ge [sflag:s9], $0x3E80  }
0xb7: {  	[sflag:s9] =	ssyncset.done $0x0  }
0xb8: {  	s11 =	stileid.u32;
	[sflag:s9] =	ssyncadd.s32 $0xFFFFC180  }
0xb9: {  	s11 =	sshll.u32 s11, $0x6;
	[bflag:$0x0] =	sbarrier.arrive $0xFFFF  }
0xba: {  	s12 =	sshrl.u32 s8, $0x3;
	s11 =	sor.u32 $0x1C05, s11;
	s13 =	rddreg [dreg:$0xd]  }
0xbb: {  	[hbm:s13], [sflag:s11] =	dma.local [spmem:s12], $0x2800  }
0xbc: {  	_ =	swait.ge [sflag:s0], $0x2800  }
0xbd: {  	[sflag:s0] =	ssyncset.done $0x0  }
0xbe: {  	[sflag:s0] =	ssyncadd.s32 $0xFFFFD800  }
0xbf: {  	[spmem:s8] =	stream.linear.scatter [tilespmem:s6], [sflag:$0x5], $0x1000, $0x38;
	[tilespmem:$0x1F800] =	vst v63  }
0xc0: {  	_ =	swait.ge [sflag:s0], $0x1000  }
0xc1: {  	[sflag:s0] =	ssyncset.done $0x0  }
0xc2: {  	[sflag:s0] =	ssyncadd.s32 $0xFFFFF000  }
0xc3: {  	[spmem:s15] =	stream.linear.scatter [tilespmem:s6], [sflag:$0x5], $0x1000, $0x38;
	[tilespmem:$0x1F800] =	vst v63  }
0xc4: {  	_ =	swait.ge [sflag:s0], $0x1000  }
0xc5: {  	[sflag:s0] =	ssyncset.done $0x0  }
0xc6: {  	s16 =	smov.u32 s15;
	s15 =	rddreg [dreg:$0x6];
	[sflag:s0] =	ssyncadd.s32 $0xFFFFF000  }
0xc7: {  	[spmem:s15] =	stream.linear.scatter [tilespmem:s6], [sflag:$0x5], $0x1000, $0x38;
	[tilespmem:$0x1F800] =	vst v63  }
0xc8: {  	_ =	swait.ge [sflag:s0], $0x1000  }
0xc9: {  	[sflag:s0] =	ssyncset.done $0x0  }
0xca: {  	s15 =	rddreg [dreg:$0x7];
	[sflag:s0] =	ssyncadd.s32 $0xFFFFF000  }
0xcb: {  	[spmem:s15] =	stream.linear.scatter [tilespmem:s6], [sflag:$0x5], $0x1000, $0x38;
	[tilespmem:$0x1F800] =	vst v63  }
0xcc: {  	_ =	swait.ge [sflag:s0], $0x1000  }
0xcd: {  	[sflag:s0] =	ssyncset.done $0x0  }
0xce: {  	s15 =	rddreg [dreg:$0x8];
	[sflag:s0] =	ssyncadd.s32 $0xFFFFF000  }
0xcf: {  	[spmem:s15] =	stream.linear.scatter [tilespmem:s6], [sflag:$0x5], $0x1000, $0x38;
	[tilespmem:$0x1F800] =	vst v63  }
0xd0: {  	_ =	swait.ge [sflag:s0], $0x1000  }
0xd1: {  	[sflag:s0] =	ssyncset.done $0x0  }
0xd2: {  	s15 =	rddreg [dreg:$0x9];
	[sflag:s0] =	ssyncadd.s32 $0xFFFFF000  }
0xd3: {  	[spmem:s15] =	stream.linear.scatter [tilespmem:s6], [sflag:$0x5], $0x1000, $0x38;
	[tilespmem:$0x1F800] =	vst v63  }
0xd4: {  	_ =	swait.ge [sflag:s0], $0x1000  }
0xd5: {  	[sflag:s0] =	ssyncset.done $0x0  }
0xd6: {  	s15 =	rddreg [dreg:$0xa];
	[sflag:s0] =	ssyncadd.s32 $0xFFFFF000  }
0xd7: {  	[spmem:s15] =	stream.linear.scatter [tilespmem:s6], [sflag:$0x5], $0x1000, $0x38;
	[tilespmem:$0x1F800] =	vst v63  }
0xd8: {  	_ =	swait.ge [sflag:s0], $0x1000  }
0xd9: {  	[sflag:s0] =	ssyncset.done $0x0  }
0xda: {  	s15 =	rddreg [dreg:$0xb];
	[sflag:s0] =	ssyncadd.s32 $0xFFFFF000  }
0xdb: {  	[spmem:s15] =	stream.linear.scatter [tilespmem:s6], [sflag:$0x5], $0x1000, $0x38;
	[tilespmem:$0x1F800] =	vst v63  }
0xdc: {  	_ =	swait.ge [sflag:s0], $0x1000  }
0xdd: {  	[sflag:s0] =	ssyncset.done $0x0  }
0xde: {  	s15 =	rddreg [dreg:$0xc];
	[sflag:s0] =	ssyncadd.s32 $0xFFFFF000  }
0xdf: {  	[spmem:s15] =	stream.linear.scatter [tilespmem:s6], [sflag:$0x5], $0x1000, $0x38;
	[tilespmem:$0x1F800] =	vst v63  }
0xe0: {  	_ =	swait.ge [sflag:s0], $0x1000  }
0xe1: {  	[sflag:s0] =	ssyncset.done $0x0  }
0xe2: {  	[sflag:s0] =	ssyncadd.s32 $0xFFFFF000  }
0xe3: {  	[spmem:s17] =	stream.linear.scatter [tilespmem:s6], [sflag:$0x5], $0x1000, $0x38;
	[tilespmem:$0x1F800] =	vst v63  }
0xe4: {  	_ =	swait.ge [sflag:s0], $0x1000  }
0xe5: {  	[sflag:s0] =	ssyncset.done $0x0  }
0xe6: {  	[sflag:s0] =	ssyncadd.s32 $0xFFFFF000  }
0xe7: {  	[spmem:s18] =	stream.linear.scatter [tilespmem:s6], [sflag:$0x5], $0x1000, $0x38;
	[tilespmem:$0x1F800] =	vst v63  }
0xe8: {  	_ =	swait.ge [sflag:s0], $0x1000  }
0xe9: {  	[sflag:s0] =	ssyncset.done $0x0  }
0xea: {  	[sflag:s0] =	ssyncadd.s32 $0xFFFFF000  }
0xeb: {  	[spmem:s19] =	stream.linear.scatter [tilespmem:s6], [sflag:$0x5], $0x1000, $0x38;
	[tilespmem:$0x1F800] =	vst v63  }
0xec: {  	_ =	swait.ge [sflag:s0], $0x1000  }
0xed: {  	[sflag:s0] =	ssyncset.done $0x0  }
0xee: {  	[sflag:s0] =	ssyncadd.s32 $0xFFFFF000  }
0xef: {  	[spmem:s20] =	stream.linear.scatter [tilespmem:s6], [sflag:$0x5], $0x1000, $0x38;
	[tilespmem:$0x1F800] =	vst v63  }
0xf0: {  	_ =	swait.ge [sflag:s0], $0x1000  }
0xf1: {  	[sflag:s0] =	ssyncset.done $0x0  }
0xf2: {  	[sflag:s0] =	ssyncadd.s32 $0xFFFFF000  }
0xf3: {  	[spmem:s21] =	stream.linear.scatter [tilespmem:s6], [sflag:$0x5], $0x1000, $0x38;
	[tilespmem:$0x1F800] =	vst v63  }
0xf4: {  	_ =	swait.ge [sflag:s0], $0x1000  }
0xf5: {  	[sflag:s0] =	ssyncset.done $0x0  }
0xf6: {  	[sflag:s0] =	ssyncadd.s32 $0xFFFFF000  }
0xf7: {  	[spmem:s22] =	stream.linear.scatter [tilespmem:s6], [sflag:$0x5], $0x1000, $0x38;
	[tilespmem:$0x1F800] =	vst v63  }
0xf8: {  	_ =	swait.ge [sflag:s0], $0x1000  }
0xf9: {  	[sflag:s0] =	ssyncset.done $0x0  }
0xfa: {  	[sflag:s0] =	ssyncadd.s32 $0xFFFFF000  }
0xfb: {  	[spmem:s26] =	stream.linear.scatter [tilespmem:s6], [sflag:$0x5], $0x1000, $0x38;
	[tilespmem:$0x1F800] =	vst v63  }
0xfc: {  	_ =	swait.ge [sflag:s0], $0x1000  }
0xfd: {  	[sflag:s0] =	ssyncset.done $0x0  }
0xfe: {  	[sflag:s0] =	ssyncadd.s32 $0xFFFFF000  }
0xff: {  	[spmem:s28] =	stream.linear.scatter [tilespmem:s6], [sflag:$0x5], $0x1000, $0x38;
	[tilespmem:$0x1F800] =	vst v63  }
0x100: {  	_ =	swait.ge [sflag:s0], $0x1000  }
0x101: {  	[sflag:s0] =	ssyncset.done $0x0  }
0x102: {  	[sflag:s0] =	ssyncadd.s32 $0xFFFFF000  }
0x103: {  	[spmem:s29] =	stream.linear.scatter [tilespmem:s6], [sflag:$0x5], $0x1000, $0x38;
	[tilespmem:$0x1F800] =	vst v63  }
0x104: {  	_ =	swait.ge [sflag:s0], $0x1000  }
0x105: {  	[sflag:s0] =	ssyncset.done $0x0  }
0x106: {  	[sflag:s0] =	ssyncadd.s32 $0xFFFFF000  }
0x107: {  	[spmem:s30] =	stream.linear.scatter [tilespmem:s6], [sflag:$0x5], $0x1000, $0x38;
	[tilespmem:$0x1F800] =	vst v63  }
0x108: {  	_ =	swait.ge [sflag:s0], $0x1000  }
0x109: {  	[sflag:s0] =	ssyncset.done $0x0  }
0x10a: {  	[sflag:s0] =	ssyncadd.s32 $0xFFFFF000  }
0x10b: {  	[spmem:s31] =	stream.linear.scatter [tilespmem:s6], [sflag:$0x5], $0x1000, $0x38;
	[tilespmem:$0x1F800] =	vst v63  }
0x10c: {  	_ =	swait.ge [sflag:s0], $0x1000  }
0x10d: {  	[sflag:s0] =	ssyncset.done $0x0  }
0x10e: {  	[sflag:s0] =	ssyncadd.s32 $0xFFFFF000  }
0x10f: {  	[bflag:$0x0] =	sbarrier.arrive $0xFFFF  }
0x110: {  	[tilespmem:s23], [sflag:$0x1] =	stream.indirect.gather [hbm4b:s5+s7], $0x80, s14, s7, $0xb8;
	[tilespmem:$0x1F800] =	vst v63  }
0x111: {  	s14 =	simm.s32 $0x80  }
0x112: {  	[tilespmem:s25], [sflag:$0x2] =	stream.indirect.gather [hbm4b:s5+s7], $0x80, s14, s7, $0xb8;
	[tilespmem:$0x1F800] =	vst v63  }
0x113: {  	_ =	swait.ge [sflag:s24], $0x3E80  }
0x114: {  	[sflag:s24] =	ssyncset.done $0x0  }
0x115: {  	s15 =	simm.s32 $0x1400;
	[sflag:s24] =	ssyncadd.s32 $0xFFFFC180  }
0x116: {  	[spmem:s2] =	stream.indirect.scatter.add.f32 [tilespmem:s23], [sflag:$0x3], $0x80, s15, s7, $0xb8;
	[tilespmem:$0x1F800] =	vst v63  }
0x117: {  	_ =	swait.ge [sflag:s3], $0x3E80  }
0x118: {  	[sflag:s3] =	ssyncset.done $0x0  }
0x119: {  	[sflag:s3] =	ssyncadd.s32 $0xFFFFC180  }
0x11a: {  	_ =	swait.ge [sflag:s4], $0x3E80  }
0x11b: {  	[sflag:s4] =	ssyncset.done $0x0  }
0x11c: {  	s14 =	simm.s32 $0x1480;
	[sflag:s4] =	ssyncadd.s32 $0xFFFFC180  }
0x11d: {  	[spmem:s2] =	stream.indirect.scatter.add.f32 [tilespmem:s25], [sflag:$0x4], $0x80, s14, s7, $0xb8;
	[tilespmem:$0x1F800] =	vst v63  }
0x11e: {  	s13 =	simm.s32 $0xFFFFB800;
	s15 =	simm.s32 $0x100  }
0x11f: {  	[tilespmem:s23], [sflag:$0x1] =	stream.indirect.gather [hbm4b:s5+s7], $0x80, s15, s7, $0xb8;
	[tilespmem:$0x1F800] =	vst v63  }
.LBB2_7:
0x120: {  	_ =	swait.ge [sflag:s24], $0x3E80  }
0x121: {  	[sflag:s24] =	ssyncset.done $0x0  }
0x122: {  	[sflag:s24] =	ssyncadd.s32 $0xFFFFC180  }
0x123: {  	_ =	swait.ge [sflag:s9], $0x3E80  }
0x124: {  	s14 =	sshra.s32 s13, $0x2;
	[sflag:s9] =	ssyncset.done $0x0  }
0x125: {  	s15 =	sadd.s32 $0x2700, s14;
	[sflag:s9] =	ssyncadd.s32 $0xFFFFC180  }
0x126: {  	[spmem:s2] =	stream.indirect.scatter.add.f32 [tilespmem:s23], [sflag:$0x3], $0x80, s15, s7, $0xb8;
	[tilespmem:$0x1F800] =	vst v63  }
0x127: {  	s15 =	sadd.s32 $0x1380, s14  }
0x128: {  	[tilespmem:s25], [sflag:$0x2] =	stream.indirect.gather [hbm4b:s5+s7], $0x80, s15, s7, $0xb8;
	[tilespmem:$0x1F800] =	vst v63  }
0x129: {  	_ =	swait.ge [sflag:s3], $0x3E80  }
0x12a: {  	p0 =	seq.s32 s13, $0x0;
	[sflag:s3] =	ssyncset.done $0x0  }
.Ltmp5:
0x12b: {  	[sflag:s3] =	ssyncadd.s32 $0xFFFFC180;
	(pc) =	sbr.rel @p0 .LBB2_9-.Ltmp5, $4  }
0x12c: {  	_ =	swait.ge [sflag:s4], $0x3E80  }
0x12d: {  	[sflag:s4] =	ssyncset.done $0x0  }
0x12e: {  	s15 =	sadd.s32 $0x2780, s14;
	[sflag:s4] =	ssyncadd.s32 $0xFFFFC180  }
0x12f: {  	[spmem:s2] =	stream.indirect.scatter.add.f32 [tilespmem:s25], [sflag:$0x4], $0x80, s15, s7, $0xb8;
	[tilespmem:$0x1F800] =	vst v63  }
.Ltmp6:
0x130: {  	(pc) =	sbr.rel .LBB2_7-.Ltmp6, $3  }
0x131: {  	_ =	sdelay $0x1  }
0x132: {  	s14 =	sadd.s32 $0x1400, s14;
	s13 =	sadd.s32 $0x400, s13  }
0x133: {  	[tilespmem:s23], [sflag:$0x1] =	stream.indirect.gather [hbm4b:s5+s7], $0x80, s14, s7, $0xb8;
	[tilespmem:$0x1F800] =	vst v63  }
.LBB2_10:
0x134: {  	_ =	sfence.sel $0x180000  }
0x135: {  	[bflag:$0x0] =	sbarrier.arrive $0xFFFF  }
0x136: {  	_ =	strace $0x90000047  }
0x137: {  	s0 =	stileid.u32;
	[bflag:$0x2] =	sbarrier.arrive $0xFFFF  }
0x138: {  	p0 =	sne.s32 s0, $0x0;
	s0 =	rddreg [dreg:$0x3]  }
0x139: {  	s0 =	sadd.s32 @!p0 $0x100000, s0  }
0x13a: {  	[sflag:s0] =	ssyncadd.tile.s32 @!p0 $0x1;
	_ =	shalt  }
.Lfunc_end2:
_tile_overlayer_lowered:
.L_overlay_start_2:
0x13b: {  	(tag) =	ssettag $0x2  }
0x13c: {  	s0 =	rddreg [dreg:$0x0];
	s2 =	stileid.u32  }
0x13d: {  	s1 =	rddreg [dreg:$0x1];
	p0 =	sne.s32 s2, $0x0  }
0x13e: {  	s3 =	rddreg [dreg:$0x2];
	[bflag:$0x3] =	sbarrier.arrive $0xFFFF;
	s2 =	simm.s32 @!p0 $0x1C05  }
0x13f: {  	[timem:s3], [sflag:s2] =	dma.local @!p0 [hbm:s0], s1  }
0x140: {  	s0 =	simm.s32 @!p0 $0x5  }
0x141: {  	_ =	swait.ge @!p0 [sflag:s0], s1  }
0x142: {  	s1 =	ssub.s32 @!p0 $0x0, s1;
	[sflag:s0] =	ssyncset.done @!p0 $0x0  }
0x143: {  	[sflag:s0] =	ssyncadd.s32 @!p0 s1  }
0x144: {  	[bflag:$0x3] =	sbarrier.arrive $0xFFFF  }
0x145: {  	_ =	shalt  }

// kernel: kernel.14.cloned.1.call-start
scs
__scs_entry_jumppad:
0x0: {  	(pc) =	sbr.rel $0x88, $3  }
0x1: {  	(tag) =	ssettag $0x0;
	lr =	simm.s32 $0x1  }
0x2: {  	[smem:$0x3F95] =	sst lr;
	_ =	strace $0xD0000000  }
0x3: {  	_ = 	snop  }
0x4: {  	_ = 	snop  }
0x5: {  	_ = 	snop  }
0x6: {  	_ = 	snop  }
0x7: {  	_ = 	snop  }
__scs_overlays_trampoline_lowered:
0x8: {  	[smem:$0x3FA4] =	sst s0  }
0x9: {  	[smem:$0x3FA5] =	sst s1  }
0xa: {  	[smem:$0x3FA6] =	sst s2  }
0xb: {  	[smem:$0x3FA7] =	sst s3  }
0xc: {  	[smem:$0x3FA8] =	sst s4  }
0xd: {  	[smem:$0x3FA9] =	sst s5  }
0xe: {  	[smem:$0x3FAA] =	sst s6  }
0xf: {  	[smem:$0x3FAB] =	sst s7  }
0x10: {  	[smem:$0x3FAC] =	sst s8  }
0x11: {  	[smem:$0x3FAD] =	sst s9;
	s0 =	simm.s32 @!p0 $0x0  }
0x12: {  	s1 =	sld [smem:$0x3F93];
	s0 =	simm.s32 @p0 $0x1  }
0x13: {  	[smem:$0x3FAE] =	sst s0;
	s0 =	simm.s32 @!p1 $0x0  }
0x14: {  	s2 =	sld [smem:$0x3F92];
	s0 =	simm.s32 @p1 $0x1  }
0x15: {  	[smem:$0x3FAF] =	sst s0;
	s0 =	simm.s32 @!p2 $0x0  }
0x16: {  	s3 =	sld [smem:$0x3FDB];
	s0 =	simm.s32 @p2 $0x1  }
0x17: {  	s4 =	simm.s32 $0x1BF5;
	[smem:$0x3FB1] =	sst s0  }
0x18: {  	s0 =	sld [smem:$0x3F94];
	_ =	swait.ge [sflag:s4], $0x0  }
0x19: {  	s7 =	sld [smem:$0x3F95]  }
0x1a: {  	s8 =	sadd.s32 $0xFFFFE003, lr  }
0x1b: {  	s9 =	sadd.s32 $0xFFFFFEF7, lr;
	s5 =	simm.s32 $0xFFFFFFFF;
	p2 =	slt.u32 s8, $0xFFFFF086  }
0x1c: {  	p1 =	slt.u32 s9, $0xF7A;
	s5 =	simm.s32 @!p2 $0x0  }
0x1d: {  	s5 =	simm.s32 @p1 $0x1;
	p0 =	seq.s32 s7, s2  }
0x1e: {  	s7 =	smul.u32 @!p0 $0xF7A, s2;
	p2 =	seq.s32 @!p0 s5, $0x0  }
0x1f: {  	s9 =	smul.u32 $0xF7A, s1;
	s8 =	simm.s32 @!p0 $0x1BF5;
	p2 =	por !p2, p0  }
0x20: {  	[sflag:s8] =	ssyncset.s32 @!p0 $0xFFFFF086;
	s6 =	sadd.s32 @!p0 s3, s7;
	s7 =	simm.s32 @!p0 $0x108  }
0x21: {  	s3 =	sadd.s32 s3, s9;
	s6 =	sadd.s32 @!p0 $0x88, s6;
	s7 =	simm.s32 @p2 $0x1082  }
0x22: {  	[simem:s7], [sflag:s8] =	dma.local @!p0 [hbm:s6], $0xF7A  }
0x23: {  	s9 =	sor.u32 $0xD0000000, s2;
	s6 =	simm.s32 $0x108;
	_ =	swait.ge @!p0 [sflag:s8], $0x0  }
0x24: {  	s3 =	sadd.s32 $0x88, s3;
	s6 =	simm.s32 @!p1 $0x1082;
	[sflag:s4] =	ssyncset.s32 $0xFFFFF086  }
0x25: {  	[simem:s6], [sflag:s4] =	dma.local [hbm:s3], $0xF7A  }
0x26: {  	[smem:$0x3F95] =	sst s1;
	(tag) =	ssettag s2;
	_ =	strace s9  }
0x27: {  	s1 =	sld [smem:$0x3FA5]  }
0x28: {  	s2 =	sld [smem:$0x3FA6]  }
0x29: {  	s4 =	sld [smem:$0x3FA8]  }
0x2a: {  	p0 =	seq.s32 s5, $0x0;
	s5 =	sld [smem:$0x3FA9]  }
0x2b: {  	s6 =	sld [smem:$0x3FAA]  }
0x2c: {  	s7 =	sld [smem:$0x3FAB]  }
0x2d: {  	s3 =	simm.s32 $0x108;
	s8 =	sld [smem:$0x3FAC]  }
0x2e: {  	s3 =	simm.s32 @!p0 $0x1082;
	s9 =	sld [smem:$0x3FAD]  }
0x2f: {  	lr =	sadd.s32 s0, s3;
	s0 =	sld [smem:$0x3FA4]  }
0x30: {  	s3 =	sld [smem:$0x3FA7]  }
0x31: {  	[smem:$0x3FB0] =	sst s10  }
0x32: {  	s10 =	sld [smem:$0x3FAE];
	_ =	sdelay $0x3  }
0x33: {  	p0 =	seq.s32 s10, $0x1;
	s10 =	sld [smem:$0x3FB0];
	_ =	sdelay $0x3  }
0x34: {  	[smem:$0x3FB0] =	sst s10  }
0x35: {  	s10 =	sld [smem:$0x3FAF];
	_ =	sdelay $0x3  }
0x36: {  	p1 =	seq.s32 s10, $0x1;
	s10 =	sld [smem:$0x3FB0];
	_ =	sdelay $0x3  }
0x37: {  	[smem:$0x3FB0] =	sst s10  }
0x38: {  	s10 =	sld [smem:$0x3FB1]  }
0x39: {  	_ = 	snop;
	(pc) =	sbr.ind lr, $3  }
0x3a: {  	_ = 	snop  }
0x3b: {  	_ = 	snop  }
0x3c: {  	p2 =	seq.s32 s10, $0x1;
	s10 =	sld [smem:$0x3FB0]  }
0x3d: {  	_ =	shalt  }
0x3e: {  	_ =	shalt  }
0x3f: {  	_ =	shalt  }
0x40: {  	_ =	shalt  }
0x41: {  	_ =	shalt  }
0x42: {  	_ =	shalt  }
0x43: {  	_ =	shalt  }
0x44: {  	_ =	shalt  }
0x45: {  	_ =	shalt  }
0x46: {  	_ =	shalt  }
0x47: {  	_ =	shalt  }
0x48: {  	_ =	shalt  }
0x49: {  	_ =	shalt  }
0x4a: {  	_ =	shalt  }
0x4b: {  	_ =	shalt  }
0x4c: {  	_ =	shalt  }
0x4d: {  	_ =	shalt  }
0x4e: {  	_ =	shalt  }
0x4f: {  	_ =	shalt  }
0x50: {  	_ =	shalt  }
0x51: {  	_ =	shalt  }
0x52: {  	_ =	shalt  }
0x53: {  	_ =	shalt  }
0x54: {  	_ =	shalt  }
0x55: {  	_ =	shalt  }
0x56: {  	_ =	shalt  }
0x57: {  	_ =	shalt  }
0x58: {  	_ =	shalt  }
0x59: {  	_ =	shalt  }
0x5a: {  	_ =	shalt  }
0x5b: {  	_ =	shalt  }
0x5c: {  	_ =	shalt  }
0x5d: {  	_ =	shalt  }
0x5e: {  	_ =	shalt  }
0x5f: {  	_ =	shalt  }
0x60: {  	_ =	shalt  }
0x61: {  	_ =	shalt  }
0x62: {  	_ =	shalt  }
0x63: {  	_ =	shalt  }
0x64: {  	_ =	shalt  }
0x65: {  	_ =	shalt  }
0x66: {  	_ =	shalt  }
0x67: {  	_ =	shalt  }
0x68: {  	_ =	shalt  }
0x69: {  	_ =	shalt  }
0x6a: {  	_ =	shalt  }
0x6b: {  	_ =	shalt  }
0x6c: {  	_ =	shalt  }
0x6d: {  	_ =	shalt  }
0x6e: {  	_ =	shalt  }
0x6f: {  	_ =	shalt  }
0x70: {  	_ =	shalt  }
0x71: {  	_ =	shalt  }
0x72: {  	_ =	shalt  }
0x73: {  	_ =	shalt  }
0x74: {  	_ =	shalt  }
0x75: {  	_ =	shalt  }
0x76: {  	_ =	shalt  }
0x77: {  	_ =	shalt  }
0x78: {  	_ =	shalt  }
0x79: {  	_ =	shalt  }
0x7a: {  	_ =	shalt  }
0x7b: {  	_ =	shalt  }
0x7c: {  	_ =	shalt  }
0x7d: {  	_ =	shalt  }
0x7e: {  	_ =	shalt  }
0x7f: {  	_ =	shalt  }
0x80: {  	_ =	shalt  }
0x81: {  	_ =	shalt  }
0x82: {  	_ =	shalt  }
0x83: {  	_ =	shalt  }
0x84: {  	_ =	shalt  }
0x85: {  	_ =	shalt  }
0x86: {  	_ =	shalt  }
0x87: {  	_ =	shalt  }
.Lfunc_end0:
.L_simem_size_0:
called_computation.1_lowered:
.L_overlay_start_0:
0x88: {  	s2 =	sld [smem:$0x3FD9]  }
0x89: {  	s3 =	sld [smem:$0x3FFE];
	_ =	sdelay $0x1  }
0x8a: {  	s1 =	srdreg.scid  }
0x8b: {  	s0 =	sand.u32 $0x1, s1  }
0x8c: {  	s17 =	sshll.u32 s0, $0xA;
	s2 =	sadd.s32 s3, s2  }
0x8d: {  	s2 =	sadd.s32 s2, s17  }
0x8e: {  	[smem:$0x3FBC] =	sst s2  }
0x8f: {  	_ = 	snop  }
0x90: {  	s2 =	sld [smem:$0x3FD0];
	(tm) =	ssettm $0x1  }
0x91: {  	s18 =	sld [smem:$0x3FFB];
	_ =	sdelay $0x3  }
0x92: {  	_ =	strace s18  }
0x93: {  	s3 =	sld [smem:$0x3FFC];
	_ =	sdelay $0x3  }
0x94: {  	_ =	strace s3  }
0x95: {  	s3 =	sld [smem:$0x3FFD];
	_ =	sdelay $0x3  }
0x96: {  	_ =	strace s3  }
0x97: {  	_ =	strace $0x8FFFFFFF  }
0x98: {  	s19 =	sld [smem:$0x3FDB];
	_ =	sdelay $0x1  }
0x99: {  	s4 =	simm.s32 $_scs_section_size  }
0x9a: {  	s5 =	simm.s32 $_size__tile_overlayer_lowered;
	s6 =	simm.s32 $_tile_overlayer_lowered  }
0x9b: {  	s22 =	simm.s32 $0x1BFF;
	s21 =	sshll.u32 s6, $0x1;
	s3 =	sadd.s32 s4, s19  }
0x9c: {  	s7 =	simm.s32 $0x0;
	s20 =	sshll.u32 s5, $0x1;
	s5 =	sadd.s32 s21, s3  }
0x9d: {  	[timem:s7], [sflag:s22] =	dma.local [hbm:s5], s20  }
0x9e: {  	_ =	swait.ge [sflag:s22], s20  }
0x9f: {  	s4 =	ssub.s32 $0x0, s20;
	[sflag:s22] =	ssyncset.done $0x0  }
0xa0: {  	[sflag:s22] =	ssyncadd.s32 s4;
	_ =	sdelay $0x1  }
0xa1: {  	s23 =	simm.s32 $0x1B8B  }
0xa2: {  	_ =	swait.ge [sflag:s23], $0x1  }
0xa3: {  	[sflag:s23] =	ssyncset.done $0x0  }
0xa4: {  	s25 =	simm.s32 $0x1B8E;
	s24 =	sld [smem:$0x3FFE];
	[sflag:s23] =	ssyncadd.s32 $0xFFFFFFFF  }
0xa5: {  	s26 =	simm.s32 $execute0_lowered;
	[smem:$0x3FD2] =	sst s25  }
0xa6: {  	s5 =	sshll.u32 s26, $0x1;
	_ =	strace $0x80000049;
	[dreg:$0x1] =	wrdreg $0xFFFFFFFF  }
0xa7: {  	s28 =	simm.s32 $_size_execute0_lowered;
	s3 =	sadd.s32 s3, s5;
	[dreg:$0x0] =	wrdreg $0x0  }
0xa8: {  	s5 =	sshll.u32 s28, $0x1;
	[dreg:$0x2] =	wrdreg s3  }
0xa9: {  	[dreg:$0x3] =	wrdreg s5  }
0xaa: {  	[dreg:$0x4] =	wrdreg $0xC0  }
0xab: {  	_ =	task [dreg:s7], $0x5FFFF  }
0xac: {  	[dreg:$0x1] =	wrdreg $0xFFFFFFFF  }
0xad: {  	[dreg:$0x0] =	wrdreg $0x60  }
0xae: {  	[dreg:$0x2] =	wrdreg s2  }
0xaf: {  	[dreg:$0x3] =	wrdreg s24  }
0xb0: {  	[dreg:$0x4] =	wrdreg $0xB8000  }
0xb1: {  	[dreg:$0x5] =	wrdreg $0x9  }
0xb2: {  	_ =	task.clear_ibuf [dreg:s7], $0x6FFFF;
	_ =	strace $0x90000049  }
0xb3: {  	s29 =	simm.s32 $0x9;
	_ =	strace $0x8000004B  }
0xb4: {  	_ =	swait.ge [sflag:s29], $0x1  }
0xb5: {  	[sflag:s29] =	ssyncadd.s32 $0xFFFFFFFF  }
0xb6: {  	_ =	strace $0x9000004B  }
0xb7: {  	_ =	sfence  }
0xb8: {  	s30 =	sld [smem:$0x0];
	_ =	sdelay $0x2  }
0xb9: {  	s31 =	sshll.u32 s1, $0xD;
	s1 =	sshrl.u32 s1, $0x2  }
0xba: {  	s3 =	sand.u32 $0x4000, s31;
	s1 =	sadd.s32 s1, s30  }
0xbb: {  	s0 =	sor.u32 s3, s0;
	s1 =	sshll.u32 s1, $0x11  }
0xbc: {  	s0 =	sor.u32 s1, s0  }
0xbd: {  	s0 =	sadd.s32 $0x8F2B, s0  }
0xbe: {  	[sflag:s0] =	ssyncadd.remote.s32 $0x1  }
0xbf: {  	_ =	sfence.sel $0xFFFF  }
0xc0: {  	[dreg:$0x0] =	wrdreg $0xFFFFFFFF;
	(pc) =	sbr.abs _section_cstart, $3  }
0xc1: {  	[dreg:$0x1] =	wrdreg $0xFFFFFFFF  }
0xc2: {  	_ =	task.clear_ibuf [dreg:s7], $0x2FFFF;
	_ =	strace $0x9FFFFFFF  }
0xc3: {  	(tm) =	ssettm $0x7FFFFFFF  }
tec
execute0_lowered:
.L_overlay_start_1:
0x0: {  	(tag) =	ssettag $0x1  }
0x1: {  	s1 =	rddreg [dreg:$0x0]  }
0x2: {  	s0 =	rddreg [dreg:$0x1]  }
0x3: {  	s2 =	rddreg [dreg:$0x2]  }
0x4: {  	s3 =	srdreg.scid;
	s14 =	simm.s32 $0x0;
	s8 =	stileid.u32  }
0x5: {  	s9 =	simm.s32 $0x4;
	s10 =	simm.s32 $0x0;
	s7 =	smul.u32 $0x14000, s8  }
0x6: {  	s3 =	sand.u32 $0x1, s3;
	[smem:$0x7FF] =	sst s14;
	s13 =	smul.u32 $0x50000, s8  }
0x7: {  	s5 =	sadd.s32 $0xE000, s0;
	s4 =	sshll.u32 s3, $0x4;
	s6 =	smul.u32 $0x140000, s3  }
0x8: {  	_ =	strace $0x8000004A;
	s3 =	ssub.s32 $0x2, s3;
	s4 =	sor.u32 s8, s4  }
0x9: {  	s15 =	sshrl.u32 s3, $0x1;
	s16 =	sshrl.u32 s13, $0x2;
	s4 =	smul.u32 $0x280, s4  }
0xa: {  	s6 =	sadd.s32 s7, s6;
	s3 =	ssub.s32 s3, s15;
	s8 =	sadd.s32 s16, s2  }
0xb: {  	s7 =	simm.s32 $0x7D;
	s6 =	sshrl.u32 s6, $0x3;
	s15 =	sadd.s32 $0x1000, s8  }
0xc: {  	s18 =	sadd.s32 $0x2000, s8;
	s19 =	sadd.s32 $0x3000, s8;
	s20 =	sadd.s32 $0x4000, s8  }
0xd: {  	s21 =	sadd.s32 $0x5000, s8;
	s22 =	sadd.s32 $0x6000, s8;
	[dreg:$0x6] =	wrdreg s18  }
0xe: {  	s23 =	sadd.s32 $0x7000, s8;
	s24 =	sadd.s32 $0x8000, s8;
	[dreg:$0x7] =	wrdreg s19  }
0xf: {  	s26 =	smax.u32 s3, $0x1;
	s28 =	sadd.s32 $0x10000, s8;
	[dreg:$0x8] =	wrdreg s20  }
0x10: {  	s29 =	sadd.s32 $0x11000, s8;
	s30 =	sadd.s32 $0x12000, s8;
	[dreg:$0x9] =	wrdreg s21  }
0x11: {  	s31 =	sadd.s32 $0x13000, s8;
	s3 =	simm.s32 $0x2;
	[dreg:$0xa] =	wrdreg s22  }
0x12: {  	s4 =	sadd.s32 s4, s0;
	s0 =	sadd.s32 s6, s0;
	[dreg:$0xb] =	wrdreg s23  }
0x13: {  	[dreg:$0xc] =	wrdreg s24;
	s18 =	sadd.s32 $0xA000, s8;
	s19 =	sadd.s32 $0xB000, s8  }
0x14: {  	s20 =	sadd.s32 $0xC000, s8;
	s21 =	sadd.s32 $0xD000, s8;
	s22 =	sadd.s32 $0xE000, s8  }
0x15: {  	[dreg:$0xf] =	wrdreg s26;
	s26 =	sadd.s32 $0xF000, s8;
	s17 =	sadd.s32 $0x9000, s4  }
.Ltmp0:
0x16: {  	s4 =	sadd.s32 $0x4000, s4;
	[dreg:$0x4] =	wrdreg s17;
	(pc) =	sbr.rel .LBB2_1-.Ltmp0, $4  }
0x17: {  	s6 =	simm.s32 $0xA800;
	s25 =	sadd.s32 $0x35200, s0;
	[dreg:$0x5] =	wrdreg s4  }
0x18: {  	s23 =	simm.s32 $0x2800;
	s0 =	sadd.s32 $0x85200, s0;
	[dreg:$0xd] =	wrdreg s25  }
0x19: {  	s24 =	simm.s32 $0x1;
	s17 =	sadd.s32 $0x9000, s8;
	[dreg:$0xe] =	wrdreg s0  }
0x1a: {  	v0 =	vimm.f32 $0.0e+00;
	s0 =	simm.s32 $0x5;
	s25 =	simm.s32 $0x6800;
	s4 =	simm.s32 $0x3  }
.LBB2_9:
0x1b: {  	_ =	swait.ge [sflag:s9], $0x3E80  }
0x1c: {  	[sflag:s9] =	ssyncset.done $0x0  }
0x1d: {  	[sflag:s9] =	ssyncadd.s32 $0xFFFFC180  }
0x1e: {  	[bflag:$0x0] =	sbarrier.arrive $0xFFFF  }
0x1f: {  	s13 =	rddreg [dreg:$0xe]  }
0x20: {  	[hbm:s13], [sflag:s11] =	dma.local [spmem:s12], $0x2800  }
0x21: {  	_ =	swait.ge [sflag:s0], $0x2800  }
0x22: {  	s10 =	sadd.s32 $0x1, s10;
	s15 =	rddreg [dreg:$0xf]  }
0x23: {  	p0 =	sne.s32 s10, s15  }
.Ltmp1:
0x24: {  	_ = 	snop;
	(pc) =	sbr.rel @!p0 .LBB2_10-.Ltmp1, $3  }
0x25: {  	_ =	sdelay $0x1  }
0x26: {  	[sflag:s0] =	ssyncset.done $0x0  }
0x27: {  	s14 =	simm.s32 $0x0;
	[sflag:s0] =	ssyncadd.s32 $0xFFFFD800;
	s15 =	smov.u32 s16  }
.LBB2_1:
0x28: {  	s11 =	rddreg [dreg:$0x4]  }
0x29: {  	[tilespmem:s14], [sflag:$0x5] =	stream.linear.gather [hbm4b:s11+s14], $0x1400, $0x38;
	[tilespmem:$0x1F800] =	vst v63  }
0x2a: {  	_ =	swait.ge [sflag:s0], $0x1400  }
0x2b: {  	[sflag:s0] =	ssyncset.done $0x0  }
0x2c: {  	s12 =	simm.s32 $0x1400;
	s16 =	rddreg [dreg:$0x5];
	[sflag:s0] =	ssyncadd.s32 $0xFFFFEC00  }
0x2d: {  	[tilespmem:s12], [sflag:$0x5] =	stream.linear.gather [hbm4b:s16+s14], $0x1400, $0x38;
	[tilespmem:$0x1F800] =	vst v63  }
0x2e: {  	_ =	swait.ge [sflag:s0], $0x1400  }
0x2f: {  	[sflag:s0] =	ssyncset.done $0x0  }
0x30: {  	s11 =	simm.s32 $0x0;
	s12 =	simm.s32 $0x200;
	[sflag:s0] =	ssyncadd.s32 $0xFFFFEC00  }
.LBB2_2:
0x31: {  	p0 =	sne.s32 s12, $0x3E00;
	[tilespmem:s11+$0xA870] =	vst v0  }
0x32: {  	[tilespmem:s11+$0xA800] =	vst v0  }
0x33: {  	[tilespmem:s11+$0xA810] =	vst v0  }
.Ltmp2:
0x34: {  	[tilespmem:s11+$0xA820] =	vst v0;
	(pc) =	sbr.rel @p0 .LBB2_2-.Ltmp2, $4  }
0x35: {  	[tilespmem:s11+$0xA830] =	vst v0  }
0x36: {  	[tilespmem:s11+$0xA840] =	vst v0  }
0x37: {  	[tilespmem:s11+$0xA850] =	vst v0  }
0x38: {  	[tilespmem:s11+$0xA860] =	vst v0;
	s11 =	sshra.s32 s12, $0x2;
	s12 =	sadd.s32 $0x200, s12  }
0x39: {  	[tilespmem:s11+$0xA870] =	vst v0  }
0x3a: {  	[tilespmem:s11+$0xA800] =	vst v0  }
0x3b: {  	[tilespmem:s11+$0xA810] =	vst v0  }
0x3c: {  	[tilespmem:s11+$0xA820] =	vst v0  }
0x3d: {  	[tilespmem:s11+$0xA830] =	vst v0  }
0x3e: {  	[tilespmem:s11+$0xA840] =	vst v0  }
0x3f: {  	[tilespmem:s11+$0xA850] =	vst v0  }
0x40: {  	[tilespmem:s11+$0xA860] =	vst v0  }
0x41: {  	[spmem:s8] =	stream.linear.scatter [tilespmem:s6], [sflag:$0x5], $0x1000, $0x38;
	[tilespmem:$0x1F800] =	vst v63  }
0x42: {  	_ =	swait.ge [sflag:s0], $0x1000  }
0x43: {  	[sflag:s0] =	ssyncset.done $0x0  }
0x44: {  	[sflag:s0] =	ssyncadd.s32 $0xFFFFF000  }
0x45: {  	[spmem:s15] =	stream.linear.scatter [tilespmem:s6], [sflag:$0x5], $0x1000, $0x38;
	[tilespmem:$0x1F800] =	vst v63  }
0x46: {  	_ =	swait.ge [sflag:s0], $0x1000  }
0x47: {  	[sflag:s0] =	ssyncset.done $0x0  }
0x48: {  	s13 =	rddreg [dreg:$0x6];
	[sflag:s0] =	ssyncadd.s32 $0xFFFFF000  }
0x49: {  	[spmem:s13] =	stream.linear.scatter [tilespmem:s6], [sflag:$0x5], $0x1000, $0x38;
	[tilespmem:$0x1F800] =	vst v63  }
0x4a: {  	_ =	swait.ge [sflag:s0], $0x1000  }
0x4b: {  	[sflag:s0] =	ssyncset.done $0x0  }
0x4c: {  	s16 =	rddreg [dreg:$0x7];
	[sflag:s0] =	ssyncadd.s32 $0xFFFFF000  }
0x4d: {  	[spmem:s16] =	stream.linear.scatter [tilespmem:s6], [sflag:$0x5], $0x1000, $0x38;
	[tilespmem:$0x1F800] =	vst v63  }
0x4e: {  	_ =	swait.ge [sflag:s0], $0x1000  }
0x4f: {  	[sflag:s0] =	ssyncset.done $0x0  }
0x50: {  	s12 =	rddreg [dreg:$0x8];
	[sflag:s0] =	ssyncadd.s32 $0xFFFFF000  }
0x51: {  	[spmem:s12] =	stream.linear.scatter [tilespmem:s6], [sflag:$0x5], $0x1000, $0x38;
	[tilespmem:$0x1F800] =	vst v63  }
0x52: {  	_ =	swait.ge [sflag:s0], $0x1000  }
0x53: {  	[sflag:s0] =	ssyncset.done $0x0  }
0x54: {  	s13 =	rddreg [dreg:$0x9];
	[sflag:s0] =	ssyncadd.s32 $0xFFFFF000  }
0x55: {  	[spmem:s13] =	stream.linear.scatter [tilespmem:s6], [sflag:$0x5], $0x1000, $0x38;
	[tilespmem:$0x1F800] =	vst v63  }
0x56: {  	_ =	swait.ge [sflag:s0], $0x1000  }
0x57: {  	[sflag:s0] =	ssyncset.done $0x0  }
0x58: {  	s16 =	rddreg [dreg:$0xa];
	[sflag:s0] =	ssyncadd.s32 $0xFFFFF000  }
0x59: {  	[spmem:s16] =	stream.linear.scatter [tilespmem:s6], [sflag:$0x5], $0x1000, $0x38;
	[tilespmem:$0x1F800] =	vst v63  }
0x5a: {  	_ =	swait.ge [sflag:s0], $0x1000  }
0x5b: {  	[sflag:s0] =	ssyncset.done $0x0  }
0x5c: {  	s12 =	rddreg [dreg:$0xb];
	[sflag:s0] =	ssyncadd.s32 $0xFFFFF000  }
0x5d: {  	[spmem:s12] =	stream.linear.scatter [tilespmem:s6], [sflag:$0x5], $0x1000, $0x38;
	[tilespmem:$0x1F800] =	vst v63  }
0x5e: {  	_ =	swait.ge [sflag:s0], $0x1000  }
0x5f: {  	[sflag:s0] =	ssyncset.done $0x0  }
0x60: {  	s13 =	rddreg [dreg:$0xc];
	[sflag:s0] =	ssyncadd.s32 $0xFFFFF000  }
0x61: {  	[spmem:s13] =	stream.linear.scatter [tilespmem:s6], [sflag:$0x5], $0x1000, $0x38;
	[tilespmem:$0x1F800] =	vst v63  }
0x62: {  	_ =	swait.ge [sflag:s0], $0x1000  }
0x63: {  	[sflag:s0] =	ssyncset.done $0x0  }
0x64: {  	[sflag:s0] =	ssyncadd.s32 $0xFFFFF000  }
0x65: {  	[spmem:s17] =	stream.linear.scatter [tilespmem:s6], [sflag:$0x5], $0x1000, $0x38;
	[tilespmem:$0x1F800] =	vst v63  }
0x66: {  	_ =	swait.ge [sflag:s0], $0x1000  }
0x67: {  	[sflag:s0] =	ssyncset.done $0x0  }
0x68: {  	[sflag:s0] =	ssyncadd.s32 $0xFFFFF000  }
0x69: {  	[spmem:s18] =	stream.linear.scatter [tilespmem:s6], [sflag:$0x5], $0x1000, $0x38;
	[tilespmem:$0x1F800] =	vst v63  }
0x6a: {  	_ =	swait.ge [sflag:s0], $0x1000  }
0x6b: {  	[sflag:s0] =	ssyncset.done $0x0  }
0x6c: {  	[sflag:s0] =	ssyncadd.s32 $0xFFFFF000  }
0x6d: {  	[spmem:s19] =	stream.linear.scatter [tilespmem:s6], [sflag:$0x5], $0x1000, $0x38;
	[tilespmem:$0x1F800] =	vst v63  }
0x6e: {  	_ =	swait.ge [sflag:s0], $0x1000  }
0x6f: {  	[sflag:s0] =	ssyncset.done $0x0  }
0x70: {  	[sflag:s0] =	ssyncadd.s32 $0xFFFFF000  }
0x71: {  	[spmem:s20] =	stream.linear.scatter [tilespmem:s6], [sflag:$0x5], $0x1000, $0x38;
	[tilespmem:$0x1F800] =	vst v63  }
0x72: {  	_ =	swait.ge [sflag:s0], $0x1000  }
0x73: {  	[sflag:s0] =	ssyncset.done $0x0  }
0x74: {  	[sflag:s0] =	ssyncadd.s32 $0xFFFFF000  }
0x75: {  	[spmem:s21] =	stream.linear.scatter [tilespmem:s6], [sflag:$0x5], $0x1000, $0x38;
	[tilespmem:$0x1F800] =	vst v63  }
0x76: {  	_ =	swait.ge [sflag:s0], $0x1000  }
0x77: {  	[sflag:s0] =	ssyncset.done $0x0  }
0x78: {  	[sflag:s0] =	ssyncadd.s32 $0xFFFFF000  }
0x79: {  	[spmem:s22] =	stream.linear.scatter [tilespmem:s6], [sflag:$0x5], $0x1000, $0x38;
	[tilespmem:$0x1F800] =	vst v63  }
0x7a: {  	_ =	swait.ge [sflag:s0], $0x1000  }
0x7b: {  	[sflag:s0] =	ssyncset.done $0x0  }
0x7c: {  	[sflag:s0] =	ssyncadd.s32 $0xFFFFF000  }
0x7d: {  	[spmem:s26] =	stream.linear.scatter [tilespmem:s6], [sflag:$0x5], $0x1000, $0x38;
	[tilespmem:$0x1F800] =	vst v63  }
0x7e: {  	_ =	swait.ge [sflag:s0], $0x1000  }
0x7f: {  	[sflag:s0] =	ssyncset.done $0x0  }
0x80: {  	[sflag:s0] =	ssyncadd.s32 $0xFFFFF000  }
0x81: {  	[spmem:s28] =	stream.linear.scatter [tilespmem:s6], [sflag:$0x5], $0x1000, $0x38;
	[tilespmem:$0x1F800] =	vst v63  }
0x82: {  	_ =	swait.ge [sflag:s0], $0x1000  }
0x83: {  	[sflag:s0] =	ssyncset.done $0x0  }
0x84: {  	[sflag:s0] =	ssyncadd.s32 $0xFFFFF000  }
0x85: {  	[spmem:s29] =	stream.linear.scatter [tilespmem:s6], [sflag:$0x5], $0x1000, $0x38;
	[tilespmem:$0x1F800] =	vst v63  }
0x86: {  	_ =	swait.ge [sflag:s0], $0x1000  }
0x87: {  	[sflag:s0] =	ssyncset.done $0x0  }
0x88: {  	[sflag:s0] =	ssyncadd.s32 $0xFFFFF000  }
0x89: {  	[spmem:s30] =	stream.linear.scatter [tilespmem:s6], [sflag:$0x5], $0x1000, $0x38;
	[tilespmem:$0x1F800] =	vst v63  }
0x8a: {  	_ =	swait.ge [sflag:s0], $0x1000  }
0x8b: {  	[sflag:s0] =	ssyncset.done $0x0  }
0x8c: {  	[sflag:s0] =	ssyncadd.s32 $0xFFFFF000  }
0x8d: {  	[spmem:s31] =	stream.linear.scatter [tilespmem:s6], [sflag:$0x5], $0x1000, $0x38;
	[tilespmem:$0x1F800] =	vst v63  }
0x8e: {  	_ =	swait.ge [sflag:s0], $0x1000  }
0x8f: {  	[sflag:s0] =	ssyncset.done $0x0  }
0x90: {  	[sflag:s0] =	ssyncadd.s32 $0xFFFFF000  }
0x91: {  	[bflag:$0x0] =	sbarrier.arrive $0xFFFF  }
0x92: {  	[tilespmem:s23], [sflag:$0x1] =	stream.indirect.gather [hbm4b:s1+s7], $0x80, s14, s7, $0xb8;
	[tilespmem:$0x1F800] =	vst v63  }
0x93: {  	s16 =	simm.s32 $0x80  }
0x94: {  	[tilespmem:s25], [sflag:$0x2] =	stream.indirect.gather [hbm4b:s1+s7], $0x80, s16, s7, $0xb8;
	[tilespmem:$0x1F800] =	vst v63  }
0x95: {  	_ =	swait.ge [sflag:s24], $0x3E80  }
0x96: {  	[sflag:s24] =	ssyncset.done $0x0  }
0x97: {  	s12 =	simm.s32 $0x1400;
	[sflag:s24] =	ssyncadd.s32 $0xFFFFC180  }
0x98: {  	[spmem:s2] =	stream.indirect.scatter.add.f32 [tilespmem:s23], [sflag:$0x3], $0x80, s12, s7, $0xb8;
	[tilespmem:$0x1F800] =	vst v63  }
0x99: {  	_ =	swait.ge [sflag:s3], $0x3E80  }
0x9a: {  	[sflag:s3] =	ssyncset.done $0x0  }
0x9b: {  	[sflag:s3] =	ssyncadd.s32 $0xFFFFC180  }
0x9c: {  	_ =	swait.ge [sflag:s4], $0x3E80  }
0x9d: {  	[sflag:s4] =	ssyncset.done $0x0  }
0x9e: {  	s13 =	simm.s32 $0x1480;
	[sflag:s4] =	ssyncadd.s32 $0xFFFFC180  }
0x9f: {  	[spmem:s2] =	stream.indirect.scatter.add.f32 [tilespmem:s25], [sflag:$0x4], $0x80, s13, s7, $0xb8;
	[tilespmem:$0x1F800] =	vst v63  }
0xa0: {  	s11 =	simm.s32 $0xFFFFB800;
	s16 =	simm.s32 $0x100  }
0xa1: {  	[tilespmem:s23], [sflag:$0x1] =	stream.indirect.gather [hbm4b:s1+s7], $0x80, s16, s7, $0xb8;
	[tilespmem:$0x1F800] =	vst v63  }
.LBB2_4:
0xa2: {  	_ =	swait.ge [sflag:s24], $0x3E80  }
0xa3: {  	[sflag:s24] =	ssyncset.done $0x0  }
0xa4: {  	[sflag:s24] =	ssyncadd.s32 $0xFFFFC180  }
0xa5: {  	_ =	swait.ge [sflag:s9], $0x3E80  }
0xa6: {  	s12 =	sshra.s32 s11, $0x2;
	[sflag:s9] =	ssyncset.done $0x0  }
0xa7: {  	s13 =	sadd.s32 $0x2700, s12;
	[sflag:s9] =	ssyncadd.s32 $0xFFFFC180  }
0xa8: {  	[spmem:s2] =	stream.indirect.scatter.add.f32 [tilespmem:s23], [sflag:$0x3], $0x80, s13, s7, $0xb8;
	[tilespmem:$0x1F800] =	vst v63  }
0xa9: {  	s16 =	sadd.s32 $0x1380, s12  }
0xaa: {  	[tilespmem:s25], [sflag:$0x2] =	stream.indirect.gather [hbm4b:s1+s7], $0x80, s16, s7, $0xb8;
	[tilespmem:$0x1F800] =	vst v63  }
0xab: {  	_ =	swait.ge [sflag:s3], $0x3E80  }
0xac: {  	p0 =	seq.s32 s11, $0x0;
	[sflag:s3] =	ssyncset.done $0x0  }
.Ltmp3:
0xad: {  	[sflag:s3] =	ssyncadd.s32 $0xFFFFC180;
	(pc) =	sbr.rel @p0 .LBB2_6-.Ltmp3, $4  }
0xae: {  	_ =	swait.ge [sflag:s4], $0x3E80  }
0xaf: {  	[sflag:s4] =	ssyncset.done $0x0  }
0xb0: {  	s16 =	sadd.s32 $0x2780, s12;
	[sflag:s4] =	ssyncadd.s32 $0xFFFFC180  }
0xb1: {  	[spmem:s2] =	stream.indirect.scatter.add.f32 [tilespmem:s25], [sflag:$0x4], $0x80, s16, s7, $0xb8;
	[tilespmem:$0x1F800] =	vst v63  }
.Ltmp4:
0xb2: {  	(pc) =	sbr.rel .LBB2_4-.Ltmp4, $3  }
0xb3: {  	_ =	sdelay $0x1  }
0xb4: {  	s12 =	sadd.s32 $0x1400, s12;
	s11 =	sadd.s32 $0x400, s11  }
0xb5: {  	[tilespmem:s23], [sflag:$0x1] =	stream.indirect.gather [hbm4b:s1+s7], $0x80, s12, s7, $0xb8;
	[tilespmem:$0x1F800] =	vst v63  }
.LBB2_6:
0xb6: {  	_ =	swait.ge [sflag:s9], $0x3E80  }
0xb7: {  	[sflag:s9] =	ssyncset.done $0x0  }
0xb8: {  	s11 =	stileid.u32;
	[sflag:s9] =	ssyncadd.s32 $0xFFFFC180  }
0xb9: {  	s11 =	sshll.u32 s11, $0x6;
	[bflag:$0x0] =	sbarrier.arrive $0xFFFF  }
0xba: {  	s12 =	sshrl.u32 s8, $0x3;
	s11 =	sor.u32 $0x1C05, s11;
	s13 =	rddreg [dreg:$0xd]  }
0xbb: {  	[hbm:s13], [sflag:s11] =	dma.local [spmem:s12], $0x2800  }
0xbc: {  	_ =	swait.ge [sflag:s0], $0x2800  }
0xbd: {  	[sflag:s0] =	ssyncset.done $0x0  }
0xbe: {  	[sflag:s0] =	ssyncadd.s32 $0xFFFFD800  }
0xbf: {  	[spmem:s8] =	stream.linear.scatter [tilespmem:s6], [sflag:$0x5], $0x1000, $0x38;
	[tilespmem:$0x1F800] =	vst v63  }
0xc0: {  	_ =	swait.ge [sflag:s0], $0x1000  }
0xc1: {  	[sflag:s0] =	ssyncset.done $0x0  }
0xc2: {  	[sflag:s0] =	ssyncadd.s32 $0xFFFFF000  }
0xc3: {  	[spmem:s15] =	stream.linear.scatter [tilespmem:s6], [sflag:$0x5], $0x1000, $0x38;
	[tilespmem:$0x1F800] =	vst v63  }
0xc4: {  	_ =	swait.ge [sflag:s0], $0x1000  }
0xc5: {  	[sflag:s0] =	ssyncset.done $0x0  }
0xc6: {  	s16 =	smov.u32 s15;
	s15 =	rddreg [dreg:$0x6];
	[sflag:s0] =	ssyncadd.s32 $0xFFFFF000  }
0xc7: {  	[spmem:s15] =	stream.linear.scatter [tilespmem:s6], [sflag:$0x5], $0x1000, $0x38;
	[tilespmem:$0x1F800] =	vst v63  }
0xc8: {  	_ =	swait.ge [sflag:s0], $0x1000  }
0xc9: {  	[sflag:s0] =	ssyncset.done $0x0  }
0xca: {  	s15 =	rddreg [dreg:$0x7];
	[sflag:s0] =	ssyncadd.s32 $0xFFFFF000  }
0xcb: {  	[spmem:s15] =	stream.linear.scatter [tilespmem:s6], [sflag:$0x5], $0x1000, $0x38;
	[tilespmem:$0x1F800] =	vst v63  }
0xcc: {  	_ =	swait.ge [sflag:s0], $0x1000  }
0xcd: {  	[sflag:s0] =	ssyncset.done $0x0  }
0xce: {  	s15 =	rddreg [dreg:$0x8];
	[sflag:s0] =	ssyncadd.s32 $0xFFFFF000  }
0xcf: {  	[spmem:s15] =	stream.linear.scatter [tilespmem:s6], [sflag:$0x5], $0x1000, $0x38;
	[tilespmem:$0x1F800] =	vst v63  }
0xd0: {  	_ =	swait.ge [sflag:s0], $0x1000  }
0xd1: {  	[sflag:s0] =	ssyncset.done $0x0  }
0xd2: {  	s15 =	rddreg [dreg:$0x9];
	[sflag:s0] =	ssyncadd.s32 $0xFFFFF000  }
0xd3: {  	[spmem:s15] =	stream.linear.scatter [tilespmem:s6], [sflag:$0x5], $0x1000, $0x38;
	[tilespmem:$0x1F800] =	vst v63  }
0xd4: {  	_ =	swait.ge [sflag:s0], $0x1000  }
0xd5: {  	[sflag:s0] =	ssyncset.done $0x0  }
0xd6: {  	s15 =	rddreg [dreg:$0xa];
	[sflag:s0] =	ssyncadd.s32 $0xFFFFF000  }
0xd7: {  	[spmem:s15] =	stream.linear.scatter [tilespmem:s6], [sflag:$0x5], $0x1000, $0x38;
	[tilespmem:$0x1F800] =	vst v63  }
0xd8: {  	_ =	swait.ge [sflag:s0], $0x1000  }
0xd9: {  	[sflag:s0] =	ssyncset.done $0x0  }
0xda: {  	s15 =	rddreg [dreg:$0xb];
	[sflag:s0] =	ssyncadd.s32 $0xFFFFF000  }
0xdb: {  	[spmem:s15] =	stream.linear.scatter [tilespmem:s6], [sflag:$0x5], $0x1000, $0x38;
	[tilespmem:$0x1F800] =	vst v63  }
0xdc: {  	_ =	swait.ge [sflag:s0], $0x1000  }
0xdd: {  	[sflag:s0] =	ssyncset.done $0x0  }
0xde: {  	s15 =	rddreg [dreg:$0xc];
	[sflag:s0] =	ssyncadd.s32 $0xFFFFF000  }
0xdf: {  	[spmem:s15] =	stream.linear.scatter [tilespmem:s6], [sflag:$0x5], $0x1000, $0x38;
	[tilespmem:$0x1F800] =	vst v63  }
0xe0: {  	_ =	swait.ge [sflag:s0], $0x1000  }
0xe1: {  	[sflag:s0] =	ssyncset.done $0x0  }
0xe2: {  	[sflag:s0] =	ssyncadd.s32 $0xFFFFF000  }
0xe3: {  	[spmem:s17] =	stream.linear.scatter [tilespmem:s6], [sflag:$0x5], $0x1000, $0x38;
	[tilespmem:$0x1F800] =	vst v63  }
0xe4: {  	_ =	swait.ge [sflag:s0], $0x1000  }
0xe5: {  	[sflag:s0] =	ssyncset.done $0x0  }
0xe6: {  	[sflag:s0] =	ssyncadd.s32 $0xFFFFF000  }
0xe7: {  	[spmem:s18] =	stream.linear.scatter [tilespmem:s6], [sflag:$0x5], $0x1000, $0x38;
	[tilespmem:$0x1F800] =	vst v63  }
0xe8: {  	_ =	swait.ge [sflag:s0], $0x1000  }
0xe9: {  	[sflag:s0] =	ssyncset.done $0x0  }
0xea: {  	[sflag:s0] =	ssyncadd.s32 $0xFFFFF000  }
0xeb: {  	[spmem:s19] =	stream.linear.scatter [tilespmem:s6], [sflag:$0x5], $0x1000, $0x38;
	[tilespmem:$0x1F800] =	vst v63  }
0xec: {  	_ =	swait.ge [sflag:s0], $0x1000  }
0xed: {  	[sflag:s0] =	ssyncset.done $0x0  }
0xee: {  	[sflag:s0] =	ssyncadd.s32 $0xFFFFF000  }
0xef: {  	[spmem:s20] =	stream.linear.scatter [tilespmem:s6], [sflag:$0x5], $0x1000, $0x38;
	[tilespmem:$0x1F800] =	vst v63  }
0xf0: {  	_ =	swait.ge [sflag:s0], $0x1000  }
0xf1: {  	[sflag:s0] =	ssyncset.done $0x0  }
0xf2: {  	[sflag:s0] =	ssyncadd.s32 $0xFFFFF000  }
0xf3: {  	[spmem:s21] =	stream.linear.scatter [tilespmem:s6], [sflag:$0x5], $0x1000, $0x38;
	[tilespmem:$0x1F800] =	vst v63  }
0xf4: {  	_ =	swait.ge [sflag:s0], $0x1000  }
0xf5: {  	[sflag:s0] =	ssyncset.done $0x0  }
0xf6: {  	[sflag:s0] =	ssyncadd.s32 $0xFFFFF000  }
0xf7: {  	[spmem:s22] =	stream.linear.scatter [tilespmem:s6], [sflag:$0x5], $0x1000, $0x38;
	[tilespmem:$0x1F800] =	vst v63  }
0xf8: {  	_ =	swait.ge [sflag:s0], $0x1000  }
0xf9: {  	[sflag:s0] =	ssyncset.done $0x0  }
0xfa: {  	[sflag:s0] =	ssyncadd.s32 $0xFFFFF000  }
0xfb: {  	[spmem:s26] =	stream.linear.scatter [tilespmem:s6], [sflag:$0x5], $0x1000, $0x38;
	[tilespmem:$0x1F800] =	vst v63  }
0xfc: {  	_ =	swait.ge [sflag:s0], $0x1000  }
0xfd: {  	[sflag:s0] =	ssyncset.done $0x0  }
0xfe: {  	[sflag:s0] =	ssyncadd.s32 $0xFFFFF000  }
0xff: {  	[spmem:s28] =	stream.linear.scatter [tilespmem:s6], [sflag:$0x5], $0x1000, $0x38;
	[tilespmem:$0x1F800] =	vst v63  }
0x100: {  	_ =	swait.ge [sflag:s0], $0x1000  }
0x101: {  	[sflag:s0] =	ssyncset.done $0x0  }
0x102: {  	[sflag:s0] =	ssyncadd.s32 $0xFFFFF000  }
0x103: {  	[spmem:s29] =	stream.linear.scatter [tilespmem:s6], [sflag:$0x5], $0x1000, $0x38;
	[tilespmem:$0x1F800] =	vst v63  }
0x104: {  	_ =	swait.ge [sflag:s0], $0x1000  }
0x105: {  	[sflag:s0] =	ssyncset.done $0x0  }
0x106: {  	[sflag:s0] =	ssyncadd.s32 $0xFFFFF000  }
0x107: {  	[spmem:s30] =	stream.linear.scatter [tilespmem:s6], [sflag:$0x5], $0x1000, $0x38;
	[tilespmem:$0x1F800] =	vst v63  }
0x108: {  	_ =	swait.ge [sflag:s0], $0x1000  }
0x109: {  	[sflag:s0] =	ssyncset.done $0x0  }
0x10a: {  	[sflag:s0] =	ssyncadd.s32 $0xFFFFF000  }
0x10b: {  	[spmem:s31] =	stream.linear.scatter [tilespmem:s6], [sflag:$0x5], $0x1000, $0x38;
	[tilespmem:$0x1F800] =	vst v63  }
0x10c: {  	_ =	swait.ge [sflag:s0], $0x1000  }
0x10d: {  	[sflag:s0] =	ssyncset.done $0x0  }
0x10e: {  	[sflag:s0] =	ssyncadd.s32 $0xFFFFF000  }
0x10f: {  	[bflag:$0x0] =	sbarrier.arrive $0xFFFF  }
0x110: {  	[tilespmem:s23], [sflag:$0x1] =	stream.indirect.gather [hbm4b:s5+s7], $0x80, s14, s7, $0xb8;
	[tilespmem:$0x1F800] =	vst v63  }
0x111: {  	s14 =	simm.s32 $0x80  }
0x112: {  	[tilespmem:s25], [sflag:$0x2] =	stream.indirect.gather [hbm4b:s5+s7], $0x80, s14, s7, $0xb8;
	[tilespmem:$0x1F800] =	vst v63  }
0x113: {  	_ =	swait.ge [sflag:s24], $0x3E80  }
0x114: {  	[sflag:s24] =	ssyncset.done $0x0  }
0x115: {  	s15 =	simm.s32 $0x1400;
	[sflag:s24] =	ssyncadd.s32 $0xFFFFC180  }
0x116: {  	[spmem:s2] =	stream.indirect.scatter.add.f32 [tilespmem:s23], [sflag:$0x3], $0x80, s15, s7, $0xb8;
	[tilespmem:$0x1F800] =	vst v63  }
0x117: {  	_ =	swait.ge [sflag:s3], $0x3E80  }
0x118: {  	[sflag:s3] =	ssyncset.done $0x0  }
0x119: {  	[sflag:s3] =	ssyncadd.s32 $0xFFFFC180  }
0x11a: {  	_ =	swait.ge [sflag:s4], $0x3E80  }
0x11b: {  	[sflag:s4] =	ssyncset.done $0x0  }
0x11c: {  	s14 =	simm.s32 $0x1480;
	[sflag:s4] =	ssyncadd.s32 $0xFFFFC180  }
0x11d: {  	[spmem:s2] =	stream.indirect.scatter.add.f32 [tilespmem:s25], [sflag:$0x4], $0x80, s14, s7, $0xb8;
	[tilespmem:$0x1F800] =	vst v63  }
0x11e: {  	s13 =	simm.s32 $0xFFFFB800;
	s15 =	simm.s32 $0x100  }
0x11f: {  	[tilespmem:s23], [sflag:$0x1] =	stream.indirect.gather [hbm4b:s5+s7], $0x80, s15, s7, $0xb8;
	[tilespmem:$0x1F800] =	vst v63  }
.LBB2_7:
0x120: {  	_ =	swait.ge [sflag:s24], $0x3E80  }
0x121: {  	[sflag:s24] =	ssyncset.done $0x0  }
0x122: {  	[sflag:s24] =	ssyncadd.s32 $0xFFFFC180  }
0x123: {  	_ =	swait.ge [sflag:s9], $0x3E80  }
0x124: {  	s14 =	sshra.s32 s13, $0x2;
	[sflag:s9] =	ssyncset.done $0x0  }
0x125: {  	s15 =	sadd.s32 $0x2700, s14;
	[sflag:s9] =	ssyncadd.s32 $0xFFFFC180  }
0x126: {  	[spmem:s2] =	stream.indirect.scatter.add.f32 [tilespmem:s23], [sflag:$0x3], $0x80, s15, s7, $0xb8;
	[tilespmem:$0x1F800] =	vst v63  }
0x127: {  	s15 =	sadd.s32 $0x1380, s14  }
0x128: {  	[tilespmem:s25], [sflag:$0x2] =	stream.indirect.gather [hbm4b:s5+s7], $0x80, s15, s7, $0xb8;
	[tilespmem:$0x1F800] =	vst v63  }
0x129: {  	_ =	swait.ge [sflag:s3], $0x3E80  }
0x12a: {  	p0 =	seq.s32 s13, $0x0;
	[sflag:s3] =	ssyncset.done $0x0  }
.Ltmp5:
0x12b: {  	[sflag:s3] =	ssyncadd.s32 $0xFFFFC180;
	(pc) =	sbr.rel @p0 .LBB2_9-.Ltmp5, $4  }
0x12c: {  	_ =	swait.ge [sflag:s4], $0x3E80  }
0x12d: {  	[sflag:s4] =	ssyncset.done $0x0  }
0x12e: {  	s15 =	sadd.s32 $0x2780, s14;
	[sflag:s4] =	ssyncadd.s32 $0xFFFFC180  }
0x12f: {  	[spmem:s2] =	stream.indirect.scatter.add.f32 [tilespmem:s25], [sflag:$0x4], $0x80, s15, s7, $0xb8;
	[tilespmem:$0x1F800] =	vst v63  }
.Ltmp6:
0x130: {  	(pc) =	sbr.rel .LBB2_7-.Ltmp6, $3  }
0x131: {  	_ =	sdelay $0x1  }
0x132: {  	s14 =	sadd.s32 $0x1400, s14;
	s13 =	sadd.s32 $0x400, s13  }
0x133: {  	[tilespmem:s23], [sflag:$0x1] =	stream.indirect.gather [hbm4b:s5+s7], $0x80, s14, s7, $0xb8;
	[tilespmem:$0x1F800] =	vst v63  }
.LBB2_10:
0x134: {  	_ =	sfence.sel $0x180000  }
0x135: {  	[bflag:$0x0] =	sbarrier.arrive $0xFFFF  }
0x136: {  	_ =	strace $0x9000004A  }
0x137: {  	s0 =	stileid.u32;
	[bflag:$0x2] =	sbarrier.arrive $0xFFFF  }
0x138: {  	p0 =	sne.s32 s0, $0x0;
	s0 =	rddreg [dreg:$0x3]  }
0x139: {  	s0 =	sadd.s32 @!p0 $0x100000, s0  }
0x13a: {  	[sflag:s0] =	ssyncadd.tile.s32 @!p0 $0x1;
	_ =	shalt  }
.Lfunc_end2:
_tile_overlayer_lowered:
.L_overlay_start_2:
0x13b: {  	(tag) =	ssettag $0x2  }
0x13c: {  	s0 =	rddreg [dreg:$0x0];
	s2 =	stileid.u32  }
0x13d: {  	s1 =	rddreg [dreg:$0x1];
	p0 =	sne.s32 s2, $0x0  }
0x13e: {  	s3 =	rddreg [dreg:$0x2];
	[bflag:$0x3] =	sbarrier.arrive $0xFFFF;
	s2 =	simm.s32 @!p0 $0x1C05  }
0x13f: {  	[timem:s3], [sflag:s2] =	dma.local @!p0 [hbm:s0], s1  }
0x140: {  	s0 =	simm.s32 @!p0 $0x5  }
0x141: {  	_ =	swait.ge @!p0 [sflag:s0], s1  }
0x142: {  	s1 =	ssub.s32 @!p0 $0x0, s1;
	[sflag:s0] =	ssyncset.done @!p0 $0x0  }
0x143: {  	[sflag:s0] =	ssyncadd.s32 @!p0 s1  }
0x144: {  	[bflag:$0x3] =	sbarrier.arrive $0xFFFF  }
0x145: {  	_ =	shalt  }

// kernel: kernel.17.cloned.1.call-start
scs
__scs_entry_jumppad:
0x0: {  	(pc) =	sbr.rel $0x88, $3  }
0x1: {  	(tag) =	ssettag $0x0;
	lr =	simm.s32 $0x1  }
0x2: {  	[smem:$0x3F95] =	sst lr;
	_ =	strace $0xD0000000  }
0x3: {  	_ = 	snop  }
0x4: {  	_ = 	snop  }
0x5: {  	_ = 	snop  }
0x6: {  	_ = 	snop  }
0x7: {  	_ = 	snop  }
__scs_overlays_trampoline_lowered:
0x8: {  	[smem:$0x3FA4] =	sst s0  }
0x9: {  	[smem:$0x3FA5] =	sst s1  }
0xa: {  	[smem:$0x3FA6] =	sst s2  }
0xb: {  	[smem:$0x3FA7] =	sst s3  }
0xc: {  	[smem:$0x3FA8] =	sst s4  }
0xd: {  	[smem:$0x3FA9] =	sst s5  }
0xe: {  	[smem:$0x3FAA] =	sst s6  }
0xf: {  	[smem:$0x3FAB] =	sst s7  }
0x10: {  	[smem:$0x3FAC] =	sst s8  }
0x11: {  	[smem:$0x3FAD] =	sst s9;
	s0 =	simm.s32 @!p0 $0x0  }
0x12: {  	s1 =	sld [smem:$0x3F93];
	s0 =	simm.s32 @p0 $0x1  }
0x13: {  	[smem:$0x3FAE] =	sst s0;
	s0 =	simm.s32 @!p1 $0x0  }
0x14: {  	s2 =	sld [smem:$0x3F92];
	s0 =	simm.s32 @p1 $0x1  }
0x15: {  	[smem:$0x3FAF] =	sst s0;
	s0 =	simm.s32 @!p2 $0x0  }
0x16: {  	s3 =	sld [smem:$0x3FDB];
	s0 =	simm.s32 @p2 $0x1  }
0x17: {  	s4 =	simm.s32 $0x1BF5;
	[smem:$0x3FB1] =	sst s0  }
0x18: {  	s0 =	sld [smem:$0x3F94];
	_ =	swait.ge [sflag:s4], $0x0  }
0x19: {  	s7 =	sld [smem:$0x3F95]  }
0x1a: {  	s8 =	sadd.s32 $0xFFFFE003, lr  }
0x1b: {  	s9 =	sadd.s32 $0xFFFFFEF7, lr;
	s5 =	simm.s32 $0xFFFFFFFF;
	p2 =	slt.u32 s8, $0xFFFFF086  }
0x1c: {  	p1 =	slt.u32 s9, $0xF7A;
	s5 =	simm.s32 @!p2 $0x0  }
0x1d: {  	s5 =	simm.s32 @p1 $0x1;
	p0 =	seq.s32 s7, s2  }
0x1e: {  	s7 =	smul.u32 @!p0 $0xF7A, s2;
	p2 =	seq.s32 @!p0 s5, $0x0  }
0x1f: {  	s9 =	smul.u32 $0xF7A, s1;
	s8 =	simm.s32 @!p0 $0x1BF5;
	p2 =	por !p2, p0  }
0x20: {  	[sflag:s8] =	ssyncset.s32 @!p0 $0xFFFFF086;
	s6 =	sadd.s32 @!p0 s3, s7;
	s7 =	simm.s32 @!p0 $0x108  }
0x21: {  	s3 =	sadd.s32 s3, s9;
	s6 =	sadd.s32 @!p0 $0x88, s6;
	s7 =	simm.s32 @p2 $0x1082  }
0x22: {  	[simem:s7], [sflag:s8] =	dma.local @!p0 [hbm:s6], $0xF7A  }
0x23: {  	s9 =	sor.u32 $0xD0000000, s2;
	s6 =	simm.s32 $0x108;
	_ =	swait.ge @!p0 [sflag:s8], $0x0  }
0x24: {  	s3 =	sadd.s32 $0x88, s3;
	s6 =	simm.s32 @!p1 $0x1082;
	[sflag:s4] =	ssyncset.s32 $0xFFFFF086  }
0x25: {  	[simem:s6], [sflag:s4] =	dma.local [hbm:s3], $0xF7A  }
0x26: {  	[smem:$0x3F95] =	sst s1;
	(tag) =	ssettag s2;
	_ =	strace s9  }
0x27: {  	s1 =	sld [smem:$0x3FA5]  }
0x28: {  	s2 =	sld [smem:$0x3FA6]  }
0x29: {  	s4 =	sld [smem:$0x3FA8]  }
0x2a: {  	p0 =	seq.s32 s5, $0x0;
	s5 =	sld [smem:$0x3FA9]  }
0x2b: {  	s6 =	sld [smem:$0x3FAA]  }
0x2c: {  	s7 =	sld [smem:$0x3FAB]  }
0x2d: {  	s3 =	simm.s32 $0x108;
	s8 =	sld [smem:$0x3FAC]  }
0x2e: {  	s3 =	simm.s32 @!p0 $0x1082;
	s9 =	sld [smem:$0x3FAD]  }
0x2f: {  	lr =	sadd.s32 s0, s3;
	s0 =	sld [smem:$0x3FA4]  }
0x30: {  	s3 =	sld [smem:$0x3FA7]  }
0x31: {  	[smem:$0x3FB0] =	sst s10  }
0x32: {  	s10 =	sld [smem:$0x3FAE];
	_ =	sdelay $0x3  }
0x33: {  	p0 =	seq.s32 s10, $0x1;
	s10 =	sld [smem:$0x3FB0];
	_ =	sdelay $0x3  }
0x34: {  	[smem:$0x3FB0] =	sst s10  }
0x35: {  	s10 =	sld [smem:$0x3FAF];
	_ =	sdelay $0x3  }
0x36: {  	p1 =	seq.s32 s10, $0x1;
	s10 =	sld [smem:$0x3FB0];
	_ =	sdelay $0x3  }
0x37: {  	[smem:$0x3FB0] =	sst s10  }
0x38: {  	s10 =	sld [smem:$0x3FB1]  }
0x39: {  	_ = 	snop;
	(pc) =	sbr.ind lr, $3  }
0x3a: {  	_ = 	snop  }
0x3b: {  	_ = 	snop  }
0x3c: {  	p2 =	seq.s32 s10, $0x1;
	s10 =	sld [smem:$0x3FB0]  }
0x3d: {  	_ =	shalt  }
0x3e: {  	_ =	shalt  }
0x3f: {  	_ =	shalt  }
0x40: {  	_ =	shalt  }
0x41: {  	_ =	shalt  }
0x42: {  	_ =	shalt  }
0x43: {  	_ =	shalt  }
0x44: {  	_ =	shalt  }
0x45: {  	_ =	shalt  }
0x46: {  	_ =	shalt  }
0x47: {  	_ =	shalt  }
0x48: {  	_ =	shalt  }
0x49: {  	_ =	shalt  }
0x4a: {  	_ =	shalt  }
0x4b: {  	_ =	shalt  }
0x4c: {  	_ =	shalt  }
0x4d: {  	_ =	shalt  }
0x4e: {  	_ =	shalt  }
0x4f: {  	_ =	shalt  }
0x50: {  	_ =	shalt  }
0x51: {  	_ =	shalt  }
0x52: {  	_ =	shalt  }
0x53: {  	_ =	shalt  }
0x54: {  	_ =	shalt  }
0x55: {  	_ =	shalt  }
0x56: {  	_ =	shalt  }
0x57: {  	_ =	shalt  }
0x58: {  	_ =	shalt  }
0x59: {  	_ =	shalt  }
0x5a: {  	_ =	shalt  }
0x5b: {  	_ =	shalt  }
0x5c: {  	_ =	shalt  }
0x5d: {  	_ =	shalt  }
0x5e: {  	_ =	shalt  }
0x5f: {  	_ =	shalt  }
0x60: {  	_ =	shalt  }
0x61: {  	_ =	shalt  }
0x62: {  	_ =	shalt  }
0x63: {  	_ =	shalt  }
0x64: {  	_ =	shalt  }
0x65: {  	_ =	shalt  }
0x66: {  	_ =	shalt  }
0x67: {  	_ =	shalt  }
0x68: {  	_ =	shalt  }
0x69: {  	_ =	shalt  }
0x6a: {  	_ =	shalt  }
0x6b: {  	_ =	shalt  }
0x6c: {  	_ =	shalt  }
0x6d: {  	_ =	shalt  }
0x6e: {  	_ =	shalt  }
0x6f: {  	_ =	shalt  }
0x70: {  	_ =	shalt  }
0x71: {  	_ =	shalt  }
0x72: {  	_ =	shalt  }
0x73: {  	_ =	shalt  }
0x74: {  	_ =	shalt  }
0x75: {  	_ =	shalt  }
0x76: {  	_ =	shalt  }
0x77: {  	_ =	shalt  }
0x78: {  	_ =	shalt  }
0x79: {  	_ =	shalt  }
0x7a: {  	_ =	shalt  }
0x7b: {  	_ =	shalt  }
0x7c: {  	_ =	shalt  }
0x7d: {  	_ =	shalt  }
0x7e: {  	_ =	shalt  }
0x7f: {  	_ =	shalt  }
0x80: {  	_ =	shalt  }
0x81: {  	_ =	shalt  }
0x82: {  	_ =	shalt  }
0x83: {  	_ =	shalt  }
0x84: {  	_ =	shalt  }
0x85: {  	_ =	shalt  }
0x86: {  	_ =	shalt  }
0x87: {  	_ =	shalt  }
.Lfunc_end0:
.L_simem_size_0:
called_computation.2_lowered:
.L_overlay_start_0:
0x88: {  	s2 =	sld [smem:$0x3FD9]  }
0x89: {  	s3 =	sld [smem:$0x3FFE];
	_ =	sdelay $0x1  }
0x8a: {  	s1 =	srdreg.scid  }
0x8b: {  	s0 =	sand.u32 $0x1, s1  }
0x8c: {  	s17 =	sshll.u32 s0, $0xA;
	s2 =	sadd.s32 s3, s2  }
0x8d: {  	s2 =	sadd.s32 s2, s17  }
0x8e: {  	[smem:$0x3FBC] =	sst s2  }
0x8f: {  	_ = 	snop  }
0x90: {  	s2 =	sld [smem:$0x3FD0];
	(tm) =	ssettm $0x1  }
0x91: {  	s18 =	sld [smem:$0x3FFB];
	_ =	sdelay $0x3  }
0x92: {  	_ =	strace s18  }
0x93: {  	s3 =	sld [smem:$0x3FFC];
	_ =	sdelay $0x3  }
0x94: {  	_ =	strace s3  }
0x95: {  	s3 =	sld [smem:$0x3FFD];
	_ =	sdelay $0x3  }
0x96: {  	_ =	strace s3  }
0x97: {  	_ =	strace $0x8FFFFFFF  }
0x98: {  	s19 =	sld [smem:$0x3FDB];
	_ =	sdelay $0x1  }
0x99: {  	s4 =	simm.s32 $_scs_section_size  }
0x9a: {  	s5 =	simm.s32 $_size__tile_overlayer_lowered;
	s6 =	simm.s32 $_tile_overlayer_lowered  }
0x9b: {  	s22 =	simm.s32 $0x1BFF;
	s21 =	sshll.u32 s6, $0x1;
	s3 =	sadd.s32 s4, s19  }
0x9c: {  	s7 =	simm.s32 $0x0;
	s20 =	sshll.u32 s5, $0x1;
	s5 =	sadd.s32 s21, s3  }
0x9d: {  	[timem:s7], [sflag:s22] =	dma.local [hbm:s5], s20  }
0x9e: {  	_ =	swait.ge [sflag:s22], s20  }
0x9f: {  	s4 =	ssub.s32 $0x0, s20;
	[sflag:s22] =	ssyncset.done $0x0  }
0xa0: {  	[sflag:s22] =	ssyncadd.s32 s4;
	_ =	sdelay $0x1  }
0xa1: {  	s23 =	simm.s32 $0x1B8B  }
0xa2: {  	_ =	swait.ge [sflag:s23], $0x1  }
0xa3: {  	[sflag:s23] =	ssyncset.done $0x0  }
0xa4: {  	s25 =	simm.s32 $0x1B8E;
	s24 =	sld [smem:$0x3FFE];
	[sflag:s23] =	ssyncadd.s32 $0xFFFFFFFF  }
0xa5: {  	s26 =	simm.s32 $execute0_lowered;
	[smem:$0x3FD2] =	sst s25  }
0xa6: {  	s5 =	sshll.u32 s26, $0x1;
	_ =	strace $0x8000004C;
	[dreg:$0x1] =	wrdreg $0xFFFFFFFF  }
0xa7: {  	s28 =	simm.s32 $_size_execute0_lowered;
	s3 =	sadd.s32 s3, s5;
	[dreg:$0x0] =	wrdreg $0x0  }
0xa8: {  	s5 =	sshll.u32 s28, $0x1;
	[dreg:$0x2] =	wrdreg s3  }
0xa9: {  	[dreg:$0x3] =	wrdreg s5  }
0xaa: {  	[dreg:$0x4] =	wrdreg $0xC0  }
0xab: {  	_ =	task [dreg:s7], $0x5FFFF  }
0xac: {  	[dreg:$0x1] =	wrdreg $0xFFFFFFFF  }
0xad: {  	[dreg:$0x0] =	wrdreg $0x60  }
0xae: {  	[dreg:$0x2] =	wrdreg s2  }
0xaf: {  	[dreg:$0x3] =	wrdreg s24  }
0xb0: {  	[dreg:$0x4] =	wrdreg $0xB8000  }
0xb1: {  	[dreg:$0x5] =	wrdreg $0x9  }
0xb2: {  	_ =	task.clear_ibuf [dreg:s7], $0x6FFFF;
	_ =	strace $0x9000004C  }
0xb3: {  	s29 =	simm.s32 $0x9;
	_ =	strace $0x8000004E  }
0xb4: {  	_ =	swait.ge [sflag:s29], $0x1  }
0xb5: {  	[sflag:s29] =	ssyncadd.s32 $0xFFFFFFFF  }
0xb6: {  	_ =	strace $0x9000004E  }
0xb7: {  	_ =	sfence  }
0xb8: {  	s30 =	sld [smem:$0x0];
	_ =	sdelay $0x2  }
0xb9: {  	s31 =	sshll.u32 s1, $0xD;
	s1 =	sshrl.u32 s1, $0x2  }
0xba: {  	s3 =	sand.u32 $0x4000, s31;
	s1 =	sadd.s32 s1, s30  }
0xbb: {  	s0 =	sor.u32 s3, s0;
	s1 =	sshll.u32 s1, $0x11  }
0xbc: {  	s0 =	sor.u32 s1, s0  }
0xbd: {  	s0 =	sadd.s32 $0x8F2B, s0  }
0xbe: {  	[sflag:s0] =	ssyncadd.remote.s32 $0x1  }
0xbf: {  	_ =	sfence.sel $0xFFFF  }
0xc0: {  	[dreg:$0x0] =	wrdreg $0xFFFFFFFF;
	(pc) =	sbr.abs _section_cstart, $3  }
0xc1: {  	[dreg:$0x1] =	wrdreg $0xFFFFFFFF  }
0xc2: {  	_ =	task.clear_ibuf [dreg:s7], $0x2FFFF;
	_ =	strace $0x9FFFFFFF  }
0xc3: {  	(tm) =	ssettm $0x7FFFFFFF  }
tec
execute0_lowered:
.L_overlay_start_1:
0x0: {  	(tag) =	ssettag $0x1  }
0x1: {  	s1 =	rddreg [dreg:$0x0]  }
0x2: {  	s0 =	rddreg [dreg:$0x1]  }
0x3: {  	s3 =	rddreg [dreg:$0x2]  }
0x4: {  	s2 =	srdreg.scid;
	s8 =	stileid.u32;
	s4 =	simm.s32 $0x0  }
0x5: {  	s30 =	simm.s32 $0x5;
	s31 =	simm.s32 $0x1400;
	s2 =	sand.u32 $0x1, s2  }
0x6: {  	s9 =	simm.s32 $0x2;
	s7 =	smul.u32 $0x14000, s8;
	s5 =	sshll.u32 s2, $0x4  }
0x7: {  	s10 =	simm.s32 $0x3;
	s6 =	smul.u32 $0x140000, s2;
	s5 =	sor.u32 s8, s5  }
0x8: {  	s11 =	simm.s32 $0x4;
	s12 =	simm.s32 $0x0;
	s5 =	smul.u32 $0x280, s5  }
0x9: {  	[smem:$0x7FF] =	sst s4;
	s16 =	smul.u32 $0x50000, s8;
	s6 =	sadd.s32 s7, s6  }
0xa: {  	_ =	strace $0x8000004D;
	s6 =	sshrl.u32 s6, $0x3;
	s5 =	sadd.s32 s5, s0  }
0xb: {  	s7 =	sshrl.u32 s16, $0x2;
	s0 =	sadd.s32 s6, s0;
	s18 =	sadd.s32 $0x9000, s5  }
0xc: {  	s6 =	sadd.s32 s7, s3;
	s5 =	sadd.s32 $0x4000, s5;
	[dreg:$0x4] =	wrdreg s18  }
0xd: {  	s2 =	ssub.s32 $0x2, s2;
	s19 =	sadd.s32 $0x1000, s6;
	[dreg:$0x5] =	wrdreg s5  }
0xe: {  	s17 =	sshrl.u32 s2, $0x1;
	s20 =	sadd.s32 $0x2000, s6;
	[dreg:$0x6] =	wrdreg s19  }
0xf: {  	s8 =	simm.s32 $0x1;
	s21 =	sadd.s32 $0x3000, s6;
	[dreg:$0x7] =	wrdreg s20  }
0x10: {  	s2 =	ssub.s32 s2, s17;
	s22 =	sadd.s32 $0x4000, s6;
	[dreg:$0x8] =	wrdreg s21  }
0x11: {  	s7 =	simm.s32 $0x6800;
	s23 =	sadd.s32 $0x5000, s6;
	[dreg:$0x9] =	wrdreg s22  }
0x12: {  	s24 =	sadd.s32 $0x6000, s6;
	s25 =	sadd.s32 $0x7000, s6;
	[dreg:$0xa] =	wrdreg s23  }
0x13: {  	s26 =	sadd.s32 $0x8000, s6;
	s16 =	sadd.s32 $0x9000, s6;
	[dreg:$0xb] =	wrdreg s24  }
0x14: {  	s17 =	sadd.s32 $0xA000, s6;
	s28 =	sadd.s32 $0x12000, s6;
	[dreg:$0xc] =	wrdreg s25  }
.Ltmp0:
0x15: {  	s29 =	sadd.s32 $0x13000, s6;
	[dreg:$0xd] =	wrdreg s26;
	(pc) =	sbr.rel .LBB2_1-.Ltmp0, $4  }
0x16: {  	s18 =	sadd.s32 $0xB000, s6;
	s19 =	sadd.s32 $0xC000, s6;
	s20 =	sadd.s32 $0xD000, s6  }
0x17: {  	s21 =	sadd.s32 $0xE000, s6;
	s22 =	sadd.s32 $0xF000, s6;
	s23 =	sadd.s32 $0x10000, s6  }
0x18: {  	s24 =	sadd.s32 $0xE000, s0;
	s25 =	smax.u32 s2, $0x1;
	s26 =	sadd.s32 $0x11000, s6  }
0x19: {  	v0 =	vimm.f32 $0.0e+00;
	s0 =	simm.s32 $0xA800;
	s2 =	simm.s32 $0x7D;
	s5 =	simm.s32 $0x2800  }
.LBB2_6:
0x1a: {  	_ =	swait.ge [sflag:s11], $0x3E80;
	s13 =	stileid.u32  }
0x1b: {  	s14 =	sshrl.u32 s6, $0x3;
	s12 =	sadd.s32 $0x1, s12;
	[sflag:s11] =	ssyncset.done $0x0  }
0x1c: {  	s13 =	sshll.u32 s13, $0x6;
	p0 =	sne.s32 s12, s25;
	[sflag:s11] =	ssyncadd.s32 $0xFFFFC180  }
.Ltmp1:
0x1d: {  	s13 =	sor.u32 $0x1C05, s13;
	[bflag:$0x0] =	sbarrier.arrive $0xFFFF;
	(pc) =	sbr.rel @!p0 .LBB2_7-.Ltmp1, $4  }
0x1e: {  	[hbm:s24], [sflag:s13] =	dma.local [spmem:s14], $0x2800  }
0x1f: {  	_ =	swait.ge [sflag:s30], $0x2800  }
0x20: {  	[sflag:s30] =	ssyncset.done $0x0  }
0x21: {  	[sflag:s30] =	ssyncadd.s32 $0xFFFFD800  }
.LBB2_1:
0x22: {  	s13 =	rddreg [dreg:$0x4]  }
0x23: {  	[tilespmem:s4], [sflag:$0x5] =	stream.linear.gather [hbm4b:s13+s4], $0x1400, $0x38;
	[tilespmem:$0x1F800] =	vst v63  }
0x24: {  	_ =	swait.ge [sflag:s30], $0x1400  }
0x25: {  	[sflag:s30] =	ssyncset.done $0x0  }
0x26: {  	s15 =	rddreg [dreg:$0x5];
	[sflag:s30] =	ssyncadd.s32 $0xFFFFEC00  }
0x27: {  	[tilespmem:s31], [sflag:$0x5] =	stream.linear.gather [hbm4b:s15+s4], $0x1400, $0x38;
	[tilespmem:$0x1F800] =	vst v63  }
0x28: {  	_ =	swait.ge [sflag:s30], $0x1400  }
0x29: {  	[sflag:s30] =	ssyncset.done $0x0  }
0x2a: {  	s14 =	simm.s32 $0x200;
	s13 =	simm.s32 $0x0;
	[sflag:s30] =	ssyncadd.s32 $0xFFFFEC00  }
.LBB2_2:
0x2b: {  	p0 =	sne.s32 s14, $0x3E00;
	[tilespmem:s13+$0xA870] =	vst v0  }
0x2c: {  	[tilespmem:s13+$0xA800] =	vst v0  }
0x2d: {  	[tilespmem:s13+$0xA810] =	vst v0  }
.Ltmp2:
0x2e: {  	[tilespmem:s13+$0xA820] =	vst v0;
	(pc) =	sbr.rel @p0 .LBB2_2-.Ltmp2, $4  }
0x2f: {  	[tilespmem:s13+$0xA830] =	vst v0  }
0x30: {  	[tilespmem:s13+$0xA840] =	vst v0  }
0x31: {  	[tilespmem:s13+$0xA850] =	vst v0  }
0x32: {  	[tilespmem:s13+$0xA860] =	vst v0;
	s13 =	sshra.s32 s14, $0x2;
	s14 =	sadd.s32 $0x200, s14  }
0x33: {  	[tilespmem:s13+$0xA870] =	vst v0  }
0x34: {  	[tilespmem:s13+$0xA800] =	vst v0  }
0x35: {  	[tilespmem:s13+$0xA810] =	vst v0  }
0x36: {  	[tilespmem:s13+$0xA820] =	vst v0  }
0x37: {  	[tilespmem:s13+$0xA830] =	vst v0  }
0x38: {  	[tilespmem:s13+$0xA840] =	vst v0  }
0x39: {  	[tilespmem:s13+$0xA850] =	vst v0  }
0x3a: {  	[tilespmem:s13+$0xA860] =	vst v0  }
0x3b: {  	[spmem:s6] =	stream.linear.scatter [tilespmem:s0], [sflag:$0x5], $0x1000, $0x38;
	[tilespmem:$0x1F800] =	vst v63  }
0x3c: {  	_ =	swait.ge [sflag:s30], $0x1000  }
0x3d: {  	[sflag:s30] =	ssyncset.done $0x0  }
0x3e: {  	s15 =	rddreg [dreg:$0x6];
	[sflag:s30] =	ssyncadd.s32 $0xFFFFF000  }
0x3f: {  	[spmem:s15] =	stream.linear.scatter [tilespmem:s0], [sflag:$0x5], $0x1000, $0x38;
	[tilespmem:$0x1F800] =	vst v63  }
0x40: {  	_ =	swait.ge [sflag:s30], $0x1000  }
0x41: {  	[sflag:s30] =	ssyncset.done $0x0  }
0x42: {  	s14 =	rddreg [dreg:$0x7];
	[sflag:s30] =	ssyncadd.s32 $0xFFFFF000  }
0x43: {  	[spmem:s14] =	stream.linear.scatter [tilespmem:s0], [sflag:$0x5], $0x1000, $0x38;
	[tilespmem:$0x1F800] =	vst v63  }
0x44: {  	_ =	swait.ge [sflag:s30], $0x1000  }
0x45: {  	[sflag:s30] =	ssyncset.done $0x0  }
0x46: {  	s15 =	rddreg [dreg:$0x8];
	[sflag:s30] =	ssyncadd.s32 $0xFFFFF000  }
0x47: {  	[spmem:s15] =	stream.linear.scatter [tilespmem:s0], [sflag:$0x5], $0x1000, $0x38;
	[tilespmem:$0x1F800] =	vst v63  }
0x48: {  	_ =	swait.ge [sflag:s30], $0x1000  }
0x49: {  	[sflag:s30] =	ssyncset.done $0x0  }
0x4a: {  	s14 =	rddreg [dreg:$0x9];
	[sflag:s30] =	ssyncadd.s32 $0xFFFFF000  }
0x4b: {  	[spmem:s14] =	stream.linear.scatter [tilespmem:s0], [sflag:$0x5], $0x1000, $0x38;
	[tilespmem:$0x1F800] =	vst v63  }
0x4c: {  	_ =	swait.ge [sflag:s30], $0x1000  }
0x4d: {  	[sflag:s30] =	ssyncset.done $0x0  }
0x4e: {  	s15 =	rddreg [dreg:$0xa];
	[sflag:s30] =	ssyncadd.s32 $0xFFFFF000  }
0x4f: {  	[spmem:s15] =	stream.linear.scatter [tilespmem:s0], [sflag:$0x5], $0x1000, $0x38;
	[tilespmem:$0x1F800] =	vst v63  }
0x50: {  	_ =	swait.ge [sflag:s30], $0x1000  }
0x51: {  	[sflag:s30] =	ssyncset.done $0x0  }
0x52: {  	s14 =	rddreg [dreg:$0xb];
	[sflag:s30] =	ssyncadd.s32 $0xFFFFF000  }
0x53: {  	[spmem:s14] =	stream.linear.scatter [tilespmem:s0], [sflag:$0x5], $0x1000, $0x38;
	[tilespmem:$0x1F800] =	vst v63  }
0x54: {  	_ =	swait.ge [sflag:s30], $0x1000  }
0x55: {  	[sflag:s30] =	ssyncset.done $0x0  }
0x56: {  	s15 =	rddreg [dreg:$0xc];
	[sflag:s30] =	ssyncadd.s32 $0xFFFFF000  }
0x57: {  	[spmem:s15] =	stream.linear.scatter [tilespmem:s0], [sflag:$0x5], $0x1000, $0x38;
	[tilespmem:$0x1F800] =	vst v63  }
0x58: {  	_ =	swait.ge [sflag:s30], $0x1000  }
0x59: {  	[sflag:s30] =	ssyncset.done $0x0  }
0x5a: {  	s14 =	rddreg [dreg:$0xd];
	[sflag:s30] =	ssyncadd.s32 $0xFFFFF000  }
0x5b: {  	[spmem:s14] =	stream.linear.scatter [tilespmem:s0], [sflag:$0x5], $0x1000, $0x38;
	[tilespmem:$0x1F800] =	vst v63  }
0x5c: {  	_ =	swait.ge [sflag:s30], $0x1000  }
0x5d: {  	[sflag:s30] =	ssyncset.done $0x0  }
0x5e: {  	[sflag:s30] =	ssyncadd.s32 $0xFFFFF000  }
0x5f: {  	[spmem:s16] =	stream.linear.scatter [tilespmem:s0], [sflag:$0x5], $0x1000, $0x38;
	[tilespmem:$0x1F800] =	vst v63  }
0x60: {  	_ =	swait.ge [sflag:s30], $0x1000  }
0x61: {  	[sflag:s30] =	ssyncset.done $0x0  }
0x62: {  	[sflag:s30] =	ssyncadd.s32 $0xFFFFF000  }
0x63: {  	[spmem:s17] =	stream.linear.scatter [tilespmem:s0], [sflag:$0x5], $0x1000, $0x38;
	[tilespmem:$0x1F800] =	vst v63  }
0x64: {  	_ =	swait.ge [sflag:s30], $0x1000  }
0x65: {  	[sflag:s30] =	ssyncset.done $0x0  }
0x66: {  	[sflag:s30] =	ssyncadd.s32 $0xFFFFF000  }
0x67: {  	[spmem:s18] =	stream.linear.scatter [tilespmem:s0], [sflag:$0x5], $0x1000, $0x38;
	[tilespmem:$0x1F800] =	vst v63  }
0x68: {  	_ =	swait.ge [sflag:s30], $0x1000  }
0x69: {  	[sflag:s30] =	ssyncset.done $0x0  }
0x6a: {  	[sflag:s30] =	ssyncadd.s32 $0xFFFFF000  }
0x6b: {  	[spmem:s19] =	stream.linear.scatter [tilespmem:s0], [sflag:$0x5], $0x1000, $0x38;
	[tilespmem:$0x1F800] =	vst v63  }
0x6c: {  	_ =	swait.ge [sflag:s30], $0x1000  }
0x6d: {  	[sflag:s30] =	ssyncset.done $0x0  }
0x6e: {  	[sflag:s30] =	ssyncadd.s32 $0xFFFFF000  }
0x6f: {  	[spmem:s20] =	stream.linear.scatter [tilespmem:s0], [sflag:$0x5], $0x1000, $0x38;
	[tilespmem:$0x1F800] =	vst v63  }
0x70: {  	_ =	swait.ge [sflag:s30], $0x1000  }
0x71: {  	[sflag:s30] =	ssyncset.done $0x0  }
0x72: {  	[sflag:s30] =	ssyncadd.s32 $0xFFFFF000  }
0x73: {  	[spmem:s21] =	stream.linear.scatter [tilespmem:s0], [sflag:$0x5], $0x1000, $0x38;
	[tilespmem:$0x1F800] =	vst v63  }
0x74: {  	_ =	swait.ge [sflag:s30], $0x1000  }
0x75: {  	[sflag:s30] =	ssyncset.done $0x0  }
0x76: {  	[sflag:s30] =	ssyncadd.s32 $0xFFFFF000  }
0x77: {  	[spmem:s22] =	stream.linear.scatter [tilespmem:s0], [sflag:$0x5], $0x1000, $0x38;
	[tilespmem:$0x1F800] =	vst v63  }
0x78: {  	_ =	swait.ge [sflag:s30], $0x1000  }
0x79: {  	[sflag:s30] =	ssyncset.done $0x0  }
0x7a: {  	[sflag:s30] =	ssyncadd.s32 $0xFFFFF000  }
0x7b: {  	[spmem:s23] =	stream.linear.scatter [tilespmem:s0], [sflag:$0x5], $0x1000, $0x38;
	[tilespmem:$0x1F800] =	vst v63  }
0x7c: {  	_ =	swait.ge [sflag:s30], $0x1000  }
0x7d: {  	[sflag:s30] =	ssyncset.done $0x0  }
0x7e: {  	[sflag:s30] =	ssyncadd.s32 $0xFFFFF000  }
0x7f: {  	[spmem:s26] =	stream.linear.scatter [tilespmem:s0], [sflag:$0x5], $0x1000, $0x38;
	[tilespmem:$0x1F800] =	vst v63  }
0x80: {  	_ =	swait.ge [sflag:s30], $0x1000  }
0x81: {  	[sflag:s30] =	ssyncset.done $0x0  }
0x82: {  	[sflag:s30] =	ssyncadd.s32 $0xFFFFF000  }
0x83: {  	[spmem:s28] =	stream.linear.scatter [tilespmem:s0], [sflag:$0x5], $0x1000, $0x38;
	[tilespmem:$0x1F800] =	vst v63  }
0x84: {  	_ =	swait.ge [sflag:s30], $0x1000  }
0x85: {  	[sflag:s30] =	ssyncset.done $0x0  }
0x86: {  	[sflag:s30] =	ssyncadd.s32 $0xFFFFF000  }
0x87: {  	[spmem:s29] =	stream.linear.scatter [tilespmem:s0], [sflag:$0x5], $0x1000, $0x38;
	[tilespmem:$0x1F800] =	vst v63  }
0x88: {  	_ =	swait.ge [sflag:s30], $0x1000  }
0x89: {  	[sflag:s30] =	ssyncset.done $0x0  }
0x8a: {  	[sflag:s30] =	ssyncadd.s32 $0xFFFFF000  }
0x8b: {  	[bflag:$0x0] =	sbarrier.arrive $0xFFFF  }
0x8c: {  	[tilespmem:s5], [sflag:$0x1] =	stream.indirect.gather [hbm4b:s1+s2], $0x80, s4, s2, $0xb8;
	[tilespmem:$0x1F800] =	vst v63  }
0x8d: {  	s15 =	simm.s32 $0x80  }
0x8e: {  	[tilespmem:s7], [sflag:$0x2] =	stream.indirect.gather [hbm4b:s1+s2], $0x80, s15, s2, $0xb8;
	[tilespmem:$0x1F800] =	vst v63  }
0x8f: {  	_ =	swait.ge [sflag:s8], $0x3E80  }
0x90: {  	[sflag:s8] =	ssyncset.done $0x0  }
0x91: {  	[sflag:s8] =	ssyncadd.s32 $0xFFFFC180  }
0x92: {  	[spmem:s3] =	stream.indirect.scatter.add.f32 [tilespmem:s5], [sflag:$0x3], $0x80, s31, s2, $0xb8;
	[tilespmem:$0x1F800] =	vst v63  }
0x93: {  	_ =	swait.ge [sflag:s9], $0x3E80  }
0x94: {  	[sflag:s9] =	ssyncset.done $0x0  }
0x95: {  	[sflag:s9] =	ssyncadd.s32 $0xFFFFC180  }
0x96: {  	_ =	swait.ge [sflag:s10], $0x3E80  }
0x97: {  	[sflag:s10] =	ssyncset.done $0x0  }
0x98: {  	s14 =	simm.s32 $0x1480;
	[sflag:s10] =	ssyncadd.s32 $0xFFFFC180  }
0x99: {  	[spmem:s3] =	stream.indirect.scatter.add.f32 [tilespmem:s7], [sflag:$0x4], $0x80, s14, s2, $0xb8;
	[tilespmem:$0x1F800] =	vst v63  }
0x9a: {  	s13 =	simm.s32 $0xFFFFB800;
	s15 =	simm.s32 $0x100  }
0x9b: {  	[tilespmem:s5], [sflag:$0x1] =	stream.indirect.gather [hbm4b:s1+s2], $0x80, s15, s2, $0xb8;
	[tilespmem:$0x1F800] =	vst v63  }
.LBB2_4:
0x9c: {  	_ =	swait.ge [sflag:s8], $0x3E80  }
0x9d: {  	[sflag:s8] =	ssyncset.done $0x0  }
0x9e: {  	[sflag:s8] =	ssyncadd.s32 $0xFFFFC180  }
0x9f: {  	_ =	swait.ge [sflag:s11], $0x3E80  }
0xa0: {  	s14 =	sshra.s32 s13, $0x2;
	[sflag:s11] =	ssyncset.done $0x0  }
0xa1: {  	s15 =	sadd.s32 $0x2700, s14;
	[sflag:s11] =	ssyncadd.s32 $0xFFFFC180  }
0xa2: {  	[spmem:s3] =	stream.indirect.scatter.add.f32 [tilespmem:s5], [sflag:$0x3], $0x80, s15, s2, $0xb8;
	[tilespmem:$0x1F800] =	vst v63  }
0xa3: {  	s15 =	sadd.s32 $0x1380, s14  }
0xa4: {  	[tilespmem:s7], [sflag:$0x2] =	stream.indirect.gather [hbm4b:s1+s2], $0x80, s15, s2, $0xb8;
	[tilespmem:$0x1F800] =	vst v63  }
0xa5: {  	_ =	swait.ge [sflag:s9], $0x3E80  }
0xa6: {  	p0 =	seq.s32 s13, $0x0;
	[sflag:s9] =	ssyncset.done $0x0  }
.Ltmp3:
0xa7: {  	[sflag:s9] =	ssyncadd.s32 $0xFFFFC180;
	(pc) =	sbr.rel @p0 .LBB2_6-.Ltmp3, $4  }
0xa8: {  	_ =	swait.ge [sflag:s10], $0x3E80  }
0xa9: {  	[sflag:s10] =	ssyncset.done $0x0  }
0xaa: {  	s15 =	sadd.s32 $0x2780, s14;
	[sflag:s10] =	ssyncadd.s32 $0xFFFFC180  }
0xab: {  	[spmem:s3] =	stream.indirect.scatter.add.f32 [tilespmem:s7], [sflag:$0x4], $0x80, s15, s2, $0xb8;
	[tilespmem:$0x1F800] =	vst v63  }
.Ltmp4:
0xac: {  	(pc) =	sbr.rel .LBB2_4-.Ltmp4, $3  }
0xad: {  	_ =	sdelay $0x1  }
0xae: {  	s14 =	sadd.s32 $0x1400, s14;
	s13 =	sadd.s32 $0x400, s13  }
0xaf: {  	[tilespmem:s5], [sflag:$0x1] =	stream.indirect.gather [hbm4b:s1+s2], $0x80, s14, s2, $0xb8;
	[tilespmem:$0x1F800] =	vst v63  }
.LBB2_7:
0xb0: {  	_ =	sfence.sel $0x180000  }
0xb1: {  	[bflag:$0x0] =	sbarrier.arrive $0xFFFF  }
0xb2: {  	_ =	strace $0x9000004D  }
0xb3: {  	s0 =	stileid.u32;
	[bflag:$0x2] =	sbarrier.arrive $0xFFFF  }
0xb4: {  	p0 =	sne.s32 s0, $0x0;
	s0 =	rddreg [dreg:$0x3]  }
0xb5: {  	s0 =	sadd.s32 @!p0 $0x100000, s0  }
0xb6: {  	[sflag:s0] =	ssyncadd.tile.s32 @!p0 $0x1;
	_ =	shalt  }
.Lfunc_end2:
_tile_overlayer_lowered:
.L_overlay_start_2:
0xb7: {  	(tag) =	ssettag $0x2  }
0xb8: {  	s0 =	rddreg [dreg:$0x0];
	s2 =	stileid.u32  }
0xb9: {  	s1 =	rddreg [dreg:$0x1];
	p0 =	sne.s32 s2, $0x0  }
0xba: {  	s3 =	rddreg [dreg:$0x2];
	[bflag:$0x3] =	sbarrier.arrive $0xFFFF;
	s2 =	simm.s32 @!p0 $0x1C05  }
0xbb: {  	[timem:s3], [sflag:s2] =	dma.local @!p0 [hbm:s0], s1  }
0xbc: {  	s0 =	simm.s32 @!p0 $0x5  }
0xbd: {  	_ =	swait.ge @!p0 [sflag:s0], s1  }
0xbe: {  	s1 =	ssub.s32 @!p0 $0x0, s1;
	[sflag:s0] =	ssyncset.done @!p0 $0x0  }
0xbf: {  	[sflag:s0] =	ssyncadd.s32 @!p0 s1  }
0xc0: {  	[bflag:$0x3] =	sbarrier.arrive $0xFFFF  }
0xc1: {  	_ =	shalt  }

</sc_bundles>
